<compile_context>
chip_gen: v7x
topology: tpu7x:2x2x1
jax: 0.10.2.dev20260603
libtpu: 0.0.44.dev20260713+nightly
codegen_flags: <defaults>
</compile_context>

<pallas_src>
import jax
import jax.numpy as jnp
from jax import lax
from jax.experimental import pallas as pl
from jax.experimental.pallas import tpu as pltpu
from jax.experimental.pallas import tpu_sc as plsc

N = 10000
NP = 10240
_NC, _NS = 2, 16
_NW = _NC * _NS

_mesh = plsc.VectorSubcoreMesh(core_axis_name="c", subcore_axis_name="s")
_sc_params = pltpu.CompilerParams(use_tc_tiling_on_sc=False,
                                  needs_layout_passes=False)

_CHUNK1 = 1000
_CHUNK = 2000



def _mm_body(x_ref, wl_ref, wr_ref, y_ref, r_ref):
    xv = x_ref[...]
    dims = (((1,), (1,)), ((), ()))
    y_ref[0:N, :] = lax.dot_general(xv, wl_ref[...], dims,
                                    preferred_element_type=jnp.float32)
    r_ref[0:N, :] = lax.dot_general(xv, wr_ref[...], dims,
                                    preferred_element_type=jnp.float32)
    pad = jnp.zeros((NP - N, wl_ref.shape[0]), jnp.float32)
    y_ref[N:NP, :] = pad
    r_ref[N:NP, :] = pad



def _fill(ref, n16, value):
    def body(g, _):
        ref[pl.ds(g * 16, 16)] = jnp.full((16,), value, jnp.float32)
        return 0
    lax.fori_loop(0, n16, body, 0)


def _fill2(ref, nrows, ncols, value):
    def body(r, _):
        for j in range(ncols // 16):
            ref[r, pl.ds(j * 16, 16)] = jnp.full((16,), value, jnp.float32)
        return 0
    lax.fori_loop(0, nrows, body, 0)



def _edge1_body(y1, ei, agg_p, cnt_p,
                agg_sh, cnt_sh,
                src0, src1, src2, src3, dst0, dst1, dst2, dst3,
                rows0, rows1, rows2, ones_v,
                ss0, ss1, ss2, ss3, sd0, sd1, sd2, sd3,
                sg0, sg1, sg2, sc0, sc1, sc2, sn0, sn1, sn2):
    c = lax.axis_index("c")
    s = lax.axis_index("s")
    rps = NP // _NS

    srcs, dsts = [src0, src1, src2, src3], [dst0, dst1, dst2, dst3]
    rows = [rows0, rows1, rows2]
    ssem, dsem = [ss0, ss1, ss2, ss3], [sd0, sd1, sd2, sd3]
    gsem, csem, nsem = [sg0, sg1, sg2], [sc0, sc1, sc2], [sn0, sn1, sn2]

    _fill2(rows0, rps, 32, 0.0)
    pltpu.sync_copy(rows0.at[pl.ds(0, rps)], agg_sh.at[pl.ds(s * rps, rps)])
    _fill(ones_v, rps // 16, 0.0)
    pltpu.sync_copy(ones_v.at[pl.ds(0, rps)], cnt_sh.at[pl.ds(s * rps, rps)])
    _fill(ones_v, ones_v.shape[0] // 16, 1.0)
    plsc.subcore_barrier()

    w = s * _NC + c
    e_per_w = ei.shape[1] // _NW
    base_w = w * e_per_w
    nch = e_per_w // _CHUNK1

    hs, hd, hg = [None] * nch, [None] * nch, [None] * nch
    hsc, hcn = [None] * nch, [None] * nch

    def start_idx(i):
        b4 = i % 4
        base = pl.multiple_of(base_w + i * _CHUNK1, 8)
        hs[i] = pltpu.async_copy(ei.at[0, pl.ds(base, _CHUNK1)],
                                 srcs[b4], ssem[b4])
        hd[i] = pltpu.async_copy(ei.at[1, pl.ds(base, _CHUNK1)],
                                 dsts[b4], dsem[b4])

    start_idx(0)
    start_idx(1)
    hs[0].wait()
    hg[0] = pltpu.async_copy(y1.at[srcs[0]], rows[0], gsem[0])
    for i in range(nch):
        b3, b4 = i % 3, i % 4
        if i + 1 < nch:
            n3 = (i + 1) % 3
            if i >= 2:
                hsc[i - 2].wait()
                hcn[i - 2].wait()
            if i + 2 < nch:
                start_idx(i + 2)
            hs[i + 1].wait()
            hg[i + 1] = pltpu.async_copy(y1.at[srcs[(i + 1) % 4]],
                                         rows[n3], gsem[n3])
        hg[i].wait()
        hd[i].wait()
        hsc[i] = pltpu.async_copy(rows[b3], agg_sh.at[dsts[b4]],
                                  csem[b3], add=True)
        hcn[i] = pltpu.async_copy(ones_v.at[pl.ds(0, _CHUNK1)],
                                  cnt_sh.at[dsts[b4]], nsem[b3], add=True)
    for i in (nch - 2, nch - 1):
        hsc[i].wait()
        hcn[i].wait()

    plsc.subcore_barrier()
    pltpu.sync_copy(agg_sh.at[pl.ds(s * rps, rps)],
                    agg_p.at[c, pl.ds(s * rps, rps)])
    pltpu.sync_copy(cnt_sh.at[pl.ds(s * rps, rps)],
                    cnt_p.at[c, pl.ds(s * rps, rps)])



def _mid_edge2_body(agg_p, cnt_p, r1, b1, w2l, w2r, ei,
                    agg2_p, r2_out,
                    z_sh, agg2_sh,
                    a0_v, a1_v, c0_v, c1_v, r1_v, b1_v, w2l_v, w2r_v,
                    zloc_v, r2loc_v, z_v,
                    src0, src1, src2, src3, dst0, dst1, dst2, dst3,
                    gat0, gat1, zero1_v,
                    ps0, ps1, ps2, ps3, pd0, pd1, pd2, pd3, pc0, pc1):
    c = lax.axis_index("c")
    s = lax.axis_index("s")
    rps = NP // _NS
    r0 = s * rps

    pltpu.sync_copy(agg_p.at[0, pl.ds(r0, rps)], a0_v)
    pltpu.sync_copy(agg_p.at[1, pl.ds(r0, rps)], a1_v)
    pltpu.sync_copy(cnt_p.at[0, pl.ds(r0, rps)], c0_v)
    pltpu.sync_copy(cnt_p.at[1, pl.ds(r0, rps)], c1_v)
    pltpu.sync_copy(r1.at[pl.ds(r0, rps)], r1_v)
    pltpu.sync_copy(b1, b1_v)
    pltpu.sync_copy(w2l, w2l_v)
    pltpu.sync_copy(w2r, w2r_v)
    _fill(zero1_v, rps // 16, 0.0)

    bl0, bl1 = b1_v[pl.ds(0, 16)], b1_v[pl.ds(16, 16)]
    wl0, wl1 = w2l_v[pl.ds(0, 16)], w2l_v[pl.ds(16, 16)]
    wr0, wr1 = w2r_v[pl.ds(0, 16)], w2r_v[pl.ds(16, 16)]
    lanes = lax.broadcasted_iota(jnp.int32, (16,), 0)

    @plsc.parallel_loop(0, rps // 16)
    def _grp(g):
        row0 = g * 16
        rcp16 = 1.0 / jnp.maximum(c0_v[pl.ds(row0, 16)] +
                                  c1_v[pl.ds(row0, 16)], 1.0)
        z16 = jnp.zeros((16,), jnp.float32)
        r216 = jnp.zeros((16,), jnp.float32)
        for j in range(16):
            n = row0 + j
            rcp = rcp16[j]
            h0 = jnp.maximum((a0_v[n, pl.ds(0, 16)] + a1_v[n, pl.ds(0, 16)])
                             * rcp + bl0 + r1_v[n, pl.ds(0, 16)], 0.0)
            h1 = jnp.maximum((a0_v[n, pl.ds(16, 16)] + a1_v[n, pl.ds(16, 16)])
                             * rcp + bl1 + r1_v[n, pl.ds(16, 16)], 0.0)
            sel = lanes == j
            z16 = z16 + jnp.where(sel, jnp.sum(h0 * wl0 + h1 * wl1), 0.0)
            r216 = r216 + jnp.where(sel, jnp.sum(h0 * wr0 + h1 * wr1), 0.0)
        zloc_v[pl.ds(row0, 16)] = z16
        r2loc_v[pl.ds(row0, 16)] = r216

    pltpu.sync_copy(zloc_v, z_sh.at[pl.ds(r0, rps)])
    pltpu.sync_copy(zero1_v, agg2_sh.at[pl.ds(r0, rps)])

    @pl.when(c == 0)
    def _():
        pltpu.sync_copy(r2loc_v, r2_out.at[pl.ds(r0, rps)])

    plsc.subcore_barrier()

    pltpu.sync_copy(z_sh, z_v)

    w = s * _NC + c
    e_per_w = ei.shape[1] // _NW
    base_w = w * e_per_w
    nch = e_per_w // _CHUNK

    srcs, dsts, gats = [src0, src1, src2, src3], [dst0, dst1, dst2, dst3], \
        [gat0, gat1]
    ssem, dsem, csem = [ps0, ps1, ps2, ps3], [pd0, pd1, pd2, pd3], [pc0, pc1]
    hs, hd, hsc = [None] * nch, [None] * nch, [None] * nch

    def start_idx(i):
        b4 = i % 4
        base = pl.multiple_of(base_w + i * _CHUNK, 8)
        hs[i] = pltpu.async_copy(ei.at[0, pl.ds(base, _CHUNK)],
                                 srcs[b4], ssem[b4])
        hd[i] = pltpu.async_copy(ei.at[1, pl.ds(base, _CHUNK)],
                                 dsts[b4], dsem[b4])

    start_idx(0)
    start_idx(1)
    for i in range(nch):
        b2, b4 = i % 2, i % 4
        if i >= 2:
            hsc[i - 2].wait()
        if i + 2 < nch:
            start_idx(i + 2)
        hs[i].wait()
        src_v, gath_v = srcs[b4], gats[b2]

        @plsc.parallel_loop(0, _CHUNK // 16)
        def _g(g):
            idx = src_v[pl.ds(g * 16, 16)]
            gath_v[pl.ds(g * 16, 16)] = plsc.load_gather(z_v, [idx])

        hd[i].wait()
        hsc[i] = pltpu.async_copy(gath_v, agg2_sh.at[dsts[b4]],
                                  csem[b2], add=True)
    for i in (nch - 2, nch - 1):
        if i >= 0:
            hsc[i].wait()

    plsc.subcore_barrier()
    pltpu.sync_copy(agg2_sh.at[pl.ds(r0, rps)],
                    agg2_p.at[c, pl.ds(r0, rps)])



def _out_body(agg2_p, cnt_p, r2, b2,
              o_hbm,
              g0_v, g1_v, c0_v, c1_v, r2_v, b2_v, o_v, sem):
    c = lax.axis_index("c")
    s = lax.axis_index("s")
    rps = NP // _NW
    t = s * _NC + c
    r0 = t * rps

    pltpu.sync_copy(agg2_p.at[0, pl.ds(r0, rps)], g0_v)
    pltpu.sync_copy(agg2_p.at[1, pl.ds(r0, rps)], g1_v)
    pltpu.sync_copy(cnt_p.at[0, pl.ds(r0, rps)], c0_v)
    pltpu.sync_copy(cnt_p.at[1, pl.ds(r0, rps)], c1_v)
    pltpu.sync_copy(r2.at[pl.ds(r0, rps)], r2_v)
    pltpu.sync_copy(b2, b2_v)

    b2 = b2_v[...]

    def _grp(g, _):
        d = pl.ds(g * 16, 16)
        cnt = jnp.maximum(c0_v[d] + c1_v[d], 1.0)
        t16 = (g0_v[d] + g1_v[d]) / cnt + b2 + r2_v[d]
        o_v[d] = 1.0 / (1.0 + jnp.exp(-t16))
        return 0
    lax.fori_loop(0, rps // 16, _grp, 0)

    pltpu.sync_copy(o_v, o_hbm.at[pl.ds(r0, rps)])



def kernel(x, edge_index, W1l, b1l, W1r, W2l, b2l, W2r):
    d_hid = W1l.shape[0]
    ei = edge_index.astype(jnp.int32)

    y1, r1 = pl.pallas_call(
        _mm_body,
        out_shape=(jax.ShapeDtypeStruct((NP, d_hid), jnp.float32),
                   jax.ShapeDtypeStruct((NP, d_hid), jnp.float32)),
    )(x, W1l, W1r)

    agg_p, cnt_p = pl.kernel(
        _edge1_body,
        out_type=(jax.ShapeDtypeStruct((_NC, NP, d_hid), jnp.float32),
                  jax.ShapeDtypeStruct((_NC, NP), jnp.float32)),
        mesh=_mesh,
        compiler_params=_sc_params,
        scratch_types=(
            [pltpu.VMEM_SHARED((NP, d_hid), jnp.float32),
             pltpu.VMEM_SHARED((NP,), jnp.float32)]
            + [pltpu.VMEM((_CHUNK1,), jnp.int32)] * 8
            + [pltpu.VMEM((_CHUNK1, d_hid), jnp.float32)] * 3
            + [pltpu.VMEM((_CHUNK1 + 8,), jnp.float32)]
            + [pltpu.SemaphoreType.DMA] * 17
        ),
    )(y1, ei)

    agg2_p, r2 = pl.kernel(
        _mid_edge2_body,
        out_type=(jax.ShapeDtypeStruct((_NC, NP), jnp.float32),
                  jax.ShapeDtypeStruct((NP,), jnp.float32)),
        mesh=_mesh,
        compiler_params=_sc_params,
        scratch_types=(
            [pltpu.VMEM_SHARED((NP,), jnp.float32)] * 2
            + [pltpu.VMEM((NP // _NS, d_hid), jnp.float32)] * 2
            + [pltpu.VMEM((NP // _NS,), jnp.float32)] * 2
            + [pltpu.VMEM((NP // _NS, d_hid), jnp.float32)]
            + [pltpu.VMEM((d_hid,), jnp.float32)] * 3
            + [pltpu.VMEM((NP // _NS,), jnp.float32)] * 2
            + [pltpu.VMEM((NP,), jnp.float32)]
            + [pltpu.VMEM((_CHUNK,), jnp.int32)] * 8
            + [pltpu.VMEM((_CHUNK,), jnp.float32)] * 2
            + [pltpu.VMEM((NP // _NS,), jnp.float32)]
            + [pltpu.SemaphoreType.DMA] * 10
        ),
    )(agg_p, cnt_p, r1, b1l, W2l[0], W2r[0], ei)

    o = pl.kernel(
        _out_body,
        out_type=jax.ShapeDtypeStruct((NP,), jnp.float32),
        mesh=_mesh,
        compiler_params=_sc_params,
        scratch_types=[
            pltpu.VMEM((NP // _NW,), jnp.float32),
            pltpu.VMEM((NP // _NW,), jnp.float32),
            pltpu.VMEM((NP // _NW,), jnp.float32),
            pltpu.VMEM((NP // _NW,), jnp.float32),
            pltpu.VMEM((NP // _NW,), jnp.float32),
            pltpu.VMEM((16,), jnp.float32),
            pltpu.VMEM((NP // _NW,), jnp.float32),
            pltpu.SemaphoreType.DMA,
        ],
    )(agg2_p, cnt_p, r2, jnp.broadcast_to(b2l, (16,)))

    return o[:N]

# --- scband reference (transcript-rebuilt; emitter-appended) ---
"""Pipeline reference for scband-graph-sage-90563680403608 (READ-ONLY COPY).

The authoritative reference and input builder live on the scoring server;
editing this copy changes nothing except your own understanding.
"""

import jax, jax.numpy as jnp
import numpy as np

N_NODES = 10000
N_EDGES = 320000
D_IN = 128
D_HID = 32
D_OUT = 1


def setup_inputs(seed: int = 0) -> dict:
    key = jax.random.key(seed)
    ks = jax.random.split(key, 8)
    x = jax.random.normal(ks[0], (N_NODES, D_IN), dtype=jnp.float32)
    edge_index = jax.random.randint(ks[1], (2, N_EDGES), 0, N_NODES, dtype=jnp.int64)
    s1 = 1.0 / np.sqrt(D_IN)
    W1l = jax.random.uniform(ks[2], (D_HID, D_IN), minval=-s1, maxval=s1, dtype=jnp.float32)
    b1l = jax.random.uniform(ks[3], (D_HID,), minval=-s1, maxval=s1, dtype=jnp.float32)
    W1r = jax.random.uniform(ks[4], (D_HID, D_IN), minval=-s1, maxval=s1, dtype=jnp.float32)
    s2 = 1.0 / np.sqrt(D_HID)
    W2l = jax.random.uniform(ks[5], (D_OUT, D_HID), minval=-s2, maxval=s2, dtype=jnp.float32)
    b2l = jax.random.uniform(ks[6], (D_OUT,), minval=-s2, maxval=s2, dtype=jnp.float32)
    W2r = jax.random.uniform(ks[7], (D_OUT, D_HID), minval=-s2, maxval=s2, dtype=jnp.float32)
    return {"x": x, "edge_index": edge_index, "W1l": W1l, "b1l": b1l, "W1r": W1r,
            "W2l": W2l, "b2l": b2l, "W2r": W2r}


def _sage_conv(x, src, dst, Wl, bl, Wr, num_nodes):
    # PyG SAGEConv (mean aggregation): out = lin_l(mean_{j in N(i)} x_j) + lin_r(x_i)
    msg = jnp.take(x, src, axis=0)                      # gather [E, d]
    agg = jax.ops.segment_sum(msg, dst, num_segments=num_nodes)  # scatter-add
    cnt = jax.ops.segment_sum(jnp.ones((src.shape[0],), dtype=x.dtype), dst,
                              num_segments=num_nodes)
    mean = agg / jnp.clip(cnt, 1.0, None)[:, None]
    return mean @ Wl.T + bl + x @ Wr.T


def reference(x, edge_index, W1l, b1l, W1r, W2l, b2l, W2r):
    src = edge_index[0]
    dst = edge_index[1]
    n = x.shape[0]
    h = _sage_conv(x, src, dst, W1l, b1l, W1r, n)
    h = jax.nn.relu(h)
    # dropout is identity in eval mode
    out = _sage_conv(h, src, dst, W2l, b2l, W2r, n)
    out = jax.nn.sigmoid(out)
    return jnp.squeeze(out)

if __name__ == "__main__":
    import jax
    _d = setup_inputs()
    print(jax.jit(kernel)(*tuple(_d.values())))

</pallas_src>

<mosaic_0001>
#map = affine_map<(d0, d1) -> (0, 0, 0)>
#map1 = affine_map<(d0, d1) -> (0, 0)>
#map2 = affine_map<(d0, d1) -> (0)>
module attributes {stable_mosaic.version = 14 : i64} {
  func.func @_mid_edge2_body(%arg0: i32, %arg1: i32, %arg2: memref<2x10240x32xf32, #tpu.memory_space<hbm>>, %arg3: memref<2x10240xf32, #tpu.memory_space<hbm>>, %arg4: memref<10240x32xf32, #tpu.memory_space<hbm>>, %arg5: memref<32xf32, #tpu.memory_space<hbm>>, %arg6: memref<32xf32, #tpu.memory_space<hbm>>, %arg7: memref<32xf32, #tpu.memory_space<hbm>>, %arg8: memref<2x320000xi32, #tpu.memory_space<hbm>>, %arg9: memref<2x10240xf32, #tpu.memory_space<hbm>>, %arg10: memref<10240xf32, #tpu.memory_space<hbm>>, %arg11: memref<10240xf32, #tpu.memory_space<vmem_shared>>, %arg12: memref<10240xf32, #tpu.memory_space<vmem_shared>>, %arg13: memref<640x32xf32, #tpu.memory_space<vmem>>, %arg14: memref<640x32xf32, #tpu.memory_space<vmem>>, %arg15: memref<640xf32, #tpu.memory_space<vmem>>, %arg16: memref<640xf32, #tpu.memory_space<vmem>>, %arg17: memref<640x32xf32, #tpu.memory_space<vmem>>, %arg18: memref<32xf32, #tpu.memory_space<vmem>>, %arg19: memref<32xf32, #tpu.memory_space<vmem>>, %arg20: memref<32xf32, #tpu.memory_space<vmem>>, %arg21: memref<640xf32, #tpu.memory_space<vmem>>, %arg22: memref<640xf32, #tpu.memory_space<vmem>>, %arg23: memref<10240xf32, #tpu.memory_space<vmem>>, %arg24: memref<2000xi32, #tpu.memory_space<vmem>>, %arg25: memref<2000xi32, #tpu.memory_space<vmem>>, %arg26: memref<2000xi32, #tpu.memory_space<vmem>>, %arg27: memref<2000xi32, #tpu.memory_space<vmem>>, %arg28: memref<2000xi32, #tpu.memory_space<vmem>>, %arg29: memref<2000xi32, #tpu.memory_space<vmem>>, %arg30: memref<2000xi32, #tpu.memory_space<vmem>>, %arg31: memref<2000xi32, #tpu.memory_space<vmem>>, %arg32: memref<2000xf32, #tpu.memory_space<vmem>>, %arg33: memref<2000xf32, #tpu.memory_space<vmem>>, %arg34: memref<640xf32, #tpu.memory_space<vmem>>, %arg35: memref<!tpu.dma_semaphore, #tpu.memory_space<semaphore_mem>>, %arg36: memref<!tpu.dma_semaphore, #tpu.memory_space<semaphore_mem>>, %arg37: memref<!tpu.dma_semaphore, #tpu.memory_space<semaphore_mem>>, %arg38: memref<!tpu.dma_semaphore, #tpu.memory_space<semaphore_mem>>, %arg39: memref<!tpu.dma_semaphore, #tpu.memory_space<semaphore_mem>>, %arg40: memref<!tpu.dma_semaphore, #tpu.memory_space<semaphore_mem>>, %arg41: memref<!tpu.dma_semaphore, #tpu.memory_space<semaphore_mem>>, %arg42: memref<!tpu.dma_semaphore, #tpu.memory_space<semaphore_mem>>, %arg43: memref<!tpu.dma_semaphore, #tpu.memory_space<semaphore_mem>>, %arg44: memref<!tpu.dma_semaphore, #tpu.memory_space<semaphore_mem>>) attributes {dimension_semantics = [#tpu.dimension_semantics<core_parallel>, #tpu.dimension_semantics<subcore_parallel>], iteration_bounds = array<i64: 2, 16>, scalar_prefetch = 0 : i64, scratch_operands = 34 : i64, tpu.core_type = #tpu.core_type<sc_vector_subcore>, window_params = [{transform_indices = #map}, {transform_indices = #map1}, {transform_indices = #map1}, {transform_indices = #map2}, {transform_indices = #map2}, {transform_indices = #map2}, {transform_indices = #map1}, {transform_indices = #map1}, {transform_indices = #map2}]} {
    %mul3A = arith.constant 640 : i32
    %mul3A_0 = arith.muli %arg1, %mul3A : i32
    %run_scoped3A = arith.constant 0 : i32
    "tpu.region"() ({
      %run_scoped3A_177 = tpu.sem_alloc : memref<!tpu.dma_semaphore, #tpu.memory_space<semaphore_mem>>
      %dma_start3A_178 = arith.constant 0 : i32
      %dma_start3A_179 = tpu.memref_slice %arg2[%run_scoped3A, %mul3A_0, %dma_start3A_178] : memref<2x10240x32xf32, #tpu.memory_space<hbm>> -> memref<1x640x32xf32, #tpu.memory_space<hbm>>
      %dma_start3A_180 = tpu.memref_squeeze %dma_start3A_179 : memref<1x640x32xf32, #tpu.memory_space<hbm>> -> memref<640x32xf32, #tpu.memory_space<hbm>>
      %dma_start3A_181 = arith.constant 0 : i32
      %dma_start3A_182 = tpu.memref_slice %arg2[%run_scoped3A, %mul3A_0, %dma_start3A_181] : memref<2x10240x32xf32, #tpu.memory_space<hbm>> -> memref<1x640x32xf32, #tpu.memory_space<hbm>>
      %dma_start3A_183 = tpu.memref_squeeze %dma_start3A_182 : memref<1x640x32xf32, #tpu.memory_space<hbm>> -> memref<640x32xf32, #tpu.memory_space<hbm>>
      tpu.enqueue_dma source(%dma_start3A_183 : memref<640x32xf32, #tpu.memory_space<hbm>>) target(%arg13 : memref<640x32xf32, #tpu.memory_space<vmem>>) target_semaphore(%run_scoped3A_177 : memref<!tpu.dma_semaphore, #tpu.memory_space<semaphore_mem>>)
      %dma_wait3A_184 = arith.constant 0 : i32
      %dma_wait3A_185 = tpu.memref_slice %arg2[%run_scoped3A, %mul3A_0, %dma_wait3A_184] : memref<2x10240x32xf32, #tpu.memory_space<hbm>> -> memref<1x640x32xf32, #tpu.memory_space<hbm>>
      %dma_wait3A_186 = tpu.memref_squeeze %dma_wait3A_185 : memref<1x640x32xf32, #tpu.memory_space<hbm>> -> memref<640x32xf32, #tpu.memory_space<hbm>>
      %dma_wait3A_187 = arith.constant 0 : i32
      %dma_wait3A_188 = tpu.memref_slice %arg2[%run_scoped3A, %mul3A_0, %dma_wait3A_187] : memref<2x10240x32xf32, #tpu.memory_space<hbm>> -> memref<1x640x32xf32, #tpu.memory_space<hbm>>
      %dma_wait3A_189 = tpu.memref_squeeze %dma_wait3A_188 : memref<1x640x32xf32, #tpu.memory_space<hbm>> -> memref<640x32xf32, #tpu.memory_space<hbm>>
      tpu.wait_dma2 semaphore(%run_scoped3A_177 : memref<!tpu.dma_semaphore, #tpu.memory_space<semaphore_mem>>) src(%dma_wait3A_189 : memref<640x32xf32, #tpu.memory_space<hbm>>) dst(%arg13 : memref<640x32xf32, #tpu.memory_space<vmem>>)
      tpu.yield
    }) : () -> ()
    %run_scoped3A_1 = arith.constant 1 : i32
    "tpu.region"() ({
      %run_scoped3A_177 = tpu.sem_alloc : memref<!tpu.dma_semaphore, #tpu.memory_space<semaphore_mem>>
      %dma_start3A_178 = arith.constant 0 : i32
      %dma_start3A_179 = tpu.memref_slice %arg2[%run_scoped3A_1, %mul3A_0, %dma_start3A_178] : memref<2x10240x32xf32, #tpu.memory_space<hbm>> -> memref<1x640x32xf32, #tpu.memory_space<hbm>>
      %dma_start3A_180 = tpu.memref_squeeze %dma_start3A_179 : memref<1x640x32xf32, #tpu.memory_space<hbm>> -> memref<640x32xf32, #tpu.memory_space<hbm>>
      %dma_start3A_181 = arith.constant 0 : i32
      %dma_start3A_182 = tpu.memref_slice %arg2[%run_scoped3A_1, %mul3A_0, %dma_start3A_181] : memref<2x10240x32xf32, #tpu.memory_space<hbm>> -> memref<1x640x32xf32, #tpu.memory_space<hbm>>
      %dma_start3A_183 = tpu.memref_squeeze %dma_start3A_182 : memref<1x640x32xf32, #tpu.memory_space<hbm>> -> memref<640x32xf32, #tpu.memory_space<hbm>>
      tpu.enqueue_dma source(%dma_start3A_183 : memref<640x32xf32, #tpu.memory_space<hbm>>) target(%arg14 : memref<640x32xf32, #tpu.memory_space<vmem>>) target_semaphore(%run_scoped3A_177 : memref<!tpu.dma_semaphore, #tpu.memory_space<semaphore_mem>>)
      %dma_wait3A_184 = arith.constant 0 : i32
      %dma_wait3A_185 = tpu.memref_slice %arg2[%run_scoped3A_1, %mul3A_0, %dma_wait3A_184] : memref<2x10240x32xf32, #tpu.memory_space<hbm>> -> memref<1x640x32xf32, #tpu.memory_space<hbm>>
      %dma_wait3A_186 = tpu.memref_squeeze %dma_wait3A_185 : memref<1x640x32xf32, #tpu.memory_space<hbm>> -> memref<640x32xf32, #tpu.memory_space<hbm>>
      %dma_wait3A_187 = arith.constant 0 : i32
      %dma_wait3A_188 = tpu.memref_slice %arg2[%run_scoped3A_1, %mul3A_0, %dma_wait3A_187] : memref<2x10240x32xf32, #tpu.memory_space<hbm>> -> memref<1x640x32xf32, #tpu.memory_space<hbm>>
      %dma_wait3A_189 = tpu.memref_squeeze %dma_wait3A_188 : memref<1x640x32xf32, #tpu.memory_space<hbm>> -> memref<640x32xf32, #tpu.memory_space<hbm>>
      tpu.wait_dma2 semaphore(%run_scoped3A_177 : memref<!tpu.dma_semaphore, #tpu.memory_space<semaphore_mem>>) src(%dma_wait3A_189 : memref<640x32xf32, #tpu.memory_space<hbm>>) dst(%arg14 : memref<640x32xf32, #tpu.memory_space<vmem>>)
      tpu.yield
    }) : () -> ()
    %run_scoped3A_2 = arith.constant 0 : i32
    "tpu.region"() ({
      %run_scoped3A_177 = tpu.sem_alloc : memref<!tpu.dma_semaphore, #tpu.memory_space<semaphore_mem>>
      %dma_start3A_178 = tpu.memref_slice %arg3[%run_scoped3A_2, %mul3A_0] : memref<2x10240xf32, #tpu.memory_space<hbm>> -> memref<1x640xf32, #tpu.memory_space<hbm>>
      %dma_start3A_179 = tpu.memref_squeeze %dma_start3A_178 : memref<1x640xf32, #tpu.memory_space<hbm>> -> memref<640xf32, #tpu.memory_space<hbm>>
      %dma_start3A_180 = tpu.memref_slice %arg3[%run_scoped3A_2, %mul3A_0] : memref<2x10240xf32, #tpu.memory_space<hbm>> -> memref<1x640xf32, #tpu.memory_space<hbm>>
      %dma_start3A_181 = tpu.memref_squeeze %dma_start3A_180 : memref<1x640xf32, #tpu.memory_space<hbm>> -> memref<640xf32, #tpu.memory_space<hbm>>
      tpu.enqueue_dma source(%dma_start3A_181 : memref<640xf32, #tpu.memory_space<hbm>>) target(%arg15 : memref<640xf32, #tpu.memory_space<vmem>>) target_semaphore(%run_scoped3A_177 : memref<!tpu.dma_semaphore, #tpu.memory_space<semaphore_mem>>)
      %dma_wait3A_182 = tpu.memref_slice %arg3[%run_scoped3A_2, %mul3A_0] : memref<2x10240xf32, #tpu.memory_space<hbm>> -> memref<1x640xf32, #tpu.memory_space<hbm>>
      %dma_wait3A_183 = tpu.memref_squeeze %dma_wait3A_182 : memref<1x640xf32, #tpu.memory_space<hbm>> -> memref<640xf32, #tpu.memory_space<hbm>>
      %dma_wait3A_184 = tpu.memref_slice %arg3[%run_scoped3A_2, %mul3A_0] : memref<2x10240xf32, #tpu.memory_space<hbm>> -> memref<1x640xf32, #tpu.memory_space<hbm>>
      %dma_wait3A_185 = tpu.memref_squeeze %dma_wait3A_184 : memref<1x640xf32, #tpu.memory_space<hbm>> -> memref<640xf32, #tpu.memory_space<hbm>>
      tpu.wait_dma2 semaphore(%run_scoped3A_177 : memref<!tpu.dma_semaphore, #tpu.memory_space<semaphore_mem>>) src(%dma_wait3A_185 : memref<640xf32, #tpu.memory_space<hbm>>) dst(%arg15 : memref<640xf32, #tpu.memory_space<vmem>>)
      tpu.yield
    }) : () -> ()
    %run_scoped3A_3 = arith.constant 1 : i32
    "tpu.region"() ({
      %run_scoped3A_177 = tpu.sem_alloc : memref<!tpu.dma_semaphore, #tpu.memory_space<semaphore_mem>>
      %dma_start3A_178 = tpu.memref_slice %arg3[%run_scoped3A_3, %mul3A_0] : memref<2x10240xf32, #tpu.memory_space<hbm>> -> memref<1x640xf32, #tpu.memory_space<hbm>>
      %dma_start3A_179 = tpu.memref_squeeze %dma_start3A_178 : memref<1x640xf32, #tpu.memory_space<hbm>> -> memref<640xf32, #tpu.memory_space<hbm>>
      %dma_start3A_180 = tpu.memref_slice %arg3[%run_scoped3A_3, %mul3A_0] : memref<2x10240xf32, #tpu.memory_space<hbm>> -> memref<1x640xf32, #tpu.memory_space<hbm>>
      %dma_start3A_181 = tpu.memref_squeeze %dma_start3A_180 : memref<1x640xf32, #tpu.memory_space<hbm>> -> memref<640xf32, #tpu.memory_space<hbm>>
      tpu.enqueue_dma source(%dma_start3A_181 : memref<640xf32, #tpu.memory_space<hbm>>) target(%arg16 : memref<640xf32, #tpu.memory_space<vmem>>) target_semaphore(%run_scoped3A_177 : memref<!tpu.dma_semaphore, #tpu.memory_space<semaphore_mem>>)
      %dma_wait3A_182 = tpu.memref_slice %arg3[%run_scoped3A_3, %mul3A_0] : memref<2x10240xf32, #tpu.memory_space<hbm>> -> memref<1x640xf32, #tpu.memory_space<hbm>>
      %dma_wait3A_183 = tpu.memref_squeeze %dma_wait3A_182 : memref<1x640xf32, #tpu.memory_space<hbm>> -> memref<640xf32, #tpu.memory_space<hbm>>
      %dma_wait3A_184 = tpu.memref_slice %arg3[%run_scoped3A_3, %mul3A_0] : memref<2x10240xf32, #tpu.memory_space<hbm>> -> memref<1x640xf32, #tpu.memory_space<hbm>>
      %dma_wait3A_185 = tpu.memref_squeeze %dma_wait3A_184 : memref<1x640xf32, #tpu.memory_space<hbm>> -> memref<640xf32, #tpu.memory_space<hbm>>
      tpu.wait_dma2 semaphore(%run_scoped3A_177 : memref<!tpu.dma_semaphore, #tpu.memory_space<semaphore_mem>>) src(%dma_wait3A_185 : memref<640xf32, #tpu.memory_space<hbm>>) dst(%arg16 : memref<640xf32, #tpu.memory_space<vmem>>)
      tpu.yield
    }) : () -> ()
    "tpu.region"() ({
      %run_scoped3A_177 = tpu.sem_alloc : memref<!tpu.dma_semaphore, #tpu.memory_space<semaphore_mem>>
      %dma_start3A_178 = arith.constant 0 : i32
      %dma_start3A_179 = tpu.memref_slice %arg4[%mul3A_0, %dma_start3A_178] : memref<10240x32xf32, #tpu.memory_space<hbm>> -> memref<640x32xf32, #tpu.memory_space<hbm>>
      %dma_start3A_180 = arith.constant 0 : i32
      %dma_start3A_181 = tpu.memref_slice %arg4[%mul3A_0, %dma_start3A_180] : memref<10240x32xf32, #tpu.memory_space<hbm>> -> memref<640x32xf32, #tpu.memory_space<hbm>>
      tpu.enqueue_dma source(%dma_start3A_181 : memref<640x32xf32, #tpu.memory_space<hbm>>) target(%arg17 : memref<640x32xf32, #tpu.memory_space<vmem>>) target_semaphore(%run_scoped3A_177 : memref<!tpu.dma_semaphore, #tpu.memory_space<semaphore_mem>>)
      %dma_wait3A_182 = arith.constant 0 : i32
      %dma_wait3A_183 = tpu.memref_slice %arg4[%mul3A_0, %dma_wait3A_182] : memref<10240x32xf32, #tpu.memory_space<hbm>> -> memref<640x32xf32, #tpu.memory_space<hbm>>
      %dma_wait3A_184 = arith.constant 0 : i32
      %dma_wait3A_185 = tpu.memref_slice %arg4[%mul3A_0, %dma_wait3A_184] : memref<10240x32xf32, #tpu.memory_space<hbm>> -> memref<640x32xf32, #tpu.memory_space<hbm>>
      tpu.wait_dma2 semaphore(%run_scoped3A_177 : memref<!tpu.dma_semaphore, #tpu.memory_space<semaphore_mem>>) src(%dma_wait3A_185 : memref<640x32xf32, #tpu.memory_space<hbm>>) dst(%arg17 : memref<640x32xf32, #tpu.memory_space<vmem>>)
      tpu.yield
    }) : () -> ()
    "tpu.region"() ({
      %run_scoped3A_177 = tpu.sem_alloc : memref<!tpu.dma_semaphore, #tpu.memory_space<semaphore_mem>>
      tpu.enqueue_dma source(%arg5 : memref<32xf32, #tpu.memory_space<hbm>>) target(%arg18 : memref<32xf32, #tpu.memory_space<vmem>>) target_semaphore(%run_scoped3A_177 : memref<!tpu.dma_semaphore, #tpu.memory_space<semaphore_mem>>)
      tpu.wait_dma2 semaphore(%run_scoped3A_177 : memref<!tpu.dma_semaphore, #tpu.memory_space<semaphore_mem>>) src(%arg5 : memref<32xf32, #tpu.memory_space<hbm>>) dst(%arg18 : memref<32xf32, #tpu.memory_space<vmem>>)
      tpu.yield
    }) : () -> ()
    "tpu.region"() ({
      %run_scoped3A_177 = tpu.sem_alloc : memref<!tpu.dma_semaphore, #tpu.memory_space<semaphore_mem>>
      tpu.enqueue_dma source(%arg6 : memref<32xf32, #tpu.memory_space<hbm>>) target(%arg19 : memref<32xf32, #tpu.memory_space<vmem>>) target_semaphore(%run_scoped3A_177 : memref<!tpu.dma_semaphore, #tpu.memory_space<semaphore_mem>>)
      tpu.wait_dma2 semaphore(%run_scoped3A_177 : memref<!tpu.dma_semaphore, #tpu.memory_space<semaphore_mem>>) src(%arg6 : memref<32xf32, #tpu.memory_space<hbm>>) dst(%arg19 : memref<32xf32, #tpu.memory_space<vmem>>)
      tpu.yield
    }) : () -> ()
    "tpu.region"() ({
      %run_scoped3A_177 = tpu.sem_alloc : memref<!tpu.dma_semaphore, #tpu.memory_space<semaphore_mem>>
      tpu.enqueue_dma source(%arg7 : memref<32xf32, #tpu.memory_space<hbm>>) target(%arg20 : memref<32xf32, #tpu.memory_space<vmem>>) target_semaphore(%run_scoped3A_177 : memref<!tpu.dma_semaphore, #tpu.memory_space<semaphore_mem>>)
      tpu.wait_dma2 semaphore(%run_scoped3A_177 : memref<!tpu.dma_semaphore, #tpu.memory_space<semaphore_mem>>) src(%arg7 : memref<32xf32, #tpu.memory_space<hbm>>) dst(%arg20 : memref<32xf32, #tpu.memory_space<vmem>>)
      tpu.yield
    }) : () -> ()
    %scan3A = arith.constant 0 : i32
    %scan3A_4 = arith.constant 0 : i32
    %scan3A_5 = arith.constant 40 : i32
    %scan3A_6 = arith.addi %scan3A_4, %scan3A_5 : i32
    %scan3A_7 = arith.constant 1 : i32
    %scan3A_8 = scf.for %scan3A_177 = %scan3A_4 to %scan3A_6 step %scan3A_7 iter_args(%scan3A_178 = %scan3A) -> (i32)  : i32 {
      %broadcast_in_dim3A = arith.constant 0.000000e+00 : f32
      %broadcast_in_dim3A_179 = vector.broadcast %broadcast_in_dim3A : f32 to vector<16xf32>
      %mul3A_180 = arith.constant 16 : i32
      %mul3A_181 = arith.muli %scan3A_177, %mul3A_180 : i32
      %swap3A = arith.index_cast %mul3A_181 : i32 to index
      %swap3A_182 = tpu.vector_load %arg34[%swap3A] {strides = array<i32>} : memref<640xf32, #tpu.memory_space<vmem>>, vector<16xf32>,
      tpu.vector_store %arg34[%swap3A], %broadcast_in_dim3A_179 {strides = array<i32>} : memref<640xf32, #tpu.memory_space<vmem>>, vector<16xf32>,
      %scan3A_183 = arith.constant 0 : i32
      scf.yield %scan3A_183 : i32
    }
    %scan3A_9 = arith.constant 40 : i32
    %get3A = arith.constant 0 : index
    %get3A_10 = tpu.vector_load %arg18[%get3A] {strides = array<i32>} : memref<32xf32, #tpu.memory_space<vmem>>, vector<16xf32>,
    %get3A_11 = arith.constant 16 : index
    %get3A_12 = tpu.vector_load %arg18[%get3A_11] {strides = array<i32>} : memref<32xf32, #tpu.memory_space<vmem>>, vector<16xf32>,
    %get3A_13 = arith.constant 0 : index
    %get3A_14 = tpu.vector_load %arg19[%get3A_13] {strides = array<i32>} : memref<32xf32, #tpu.memory_space<vmem>>, vector<16xf32>,
    %get3A_15 = arith.constant 16 : index
    %get3A_16 = tpu.vector_load %arg19[%get3A_15] {strides = array<i32>} : memref<32xf32, #tpu.memory_space<vmem>>, vector<16xf32>,
    %get3A_17 = arith.constant 0 : index
    %get3A_18 = tpu.vector_load %arg20[%get3A_17] {strides = array<i32>} : memref<32xf32, #tpu.memory_space<vmem>>, vector<16xf32>,
    %get3A_19 = arith.constant 16 : index
    %get3A_20 = tpu.vector_load %arg20[%get3A_19] {strides = array<i32>} : memref<32xf32, #tpu.memory_space<vmem>>, vector<16xf32>,
    %iota3A = tpu.iota {dimensions = array<i32: 0>} : vector<16xi32>
    %parallel_loop3A = arith.constant 0 : i32
    %parallel_loop3A_21 = arith.constant 40 : i32
    %parallel_loop3A_22 = arith.constant 1 : i32
    scf.for %parallel_loop3A_177 = %parallel_loop3A to %parallel_loop3A_21 step %parallel_loop3A_22  : i32 {
      %parallel_loop3A_178 = arith.constant 16 : i32
      %parallel_loop3A_179 = arith.muli %parallel_loop3A_177, %parallel_loop3A_178 : i32
      %parallel_loop3A_180 = arith.index_cast %parallel_loop3A_179 : i32 to index
      %parallel_loop3A_181 = tpu.vector_load %arg15[%parallel_loop3A_180] {strides = array<i32>} : memref<640xf32, #tpu.memory_space<vmem>>, vector<16xf32>,
      %parallel_loop3A_182 = arith.index_cast %parallel_loop3A_179 : i32 to index
      %parallel_loop3A_183 = tpu.vector_load %arg16[%parallel_loop3A_182] {strides = array<i32>} : memref<640xf32, #tpu.memory_space<vmem>>, vector<16xf32>,
      %parallel_loop3A_184 = arith.addf %parallel_loop3A_181, %parallel_loop3A_183 : vector<16xf32>
      %parallel_loop3A_185 = arith.constant 1.000000e+00 : f32
      %parallel_loop3A_186 = vector.broadcast %parallel_loop3A_185 : f32 to vector<16xf32>
      %parallel_loop3A_187 = arith.maximumf %parallel_loop3A_184, %parallel_loop3A_186 : vector<16xf32>
      %parallel_loop3A_188 = arith.constant 1.000000e+00 : f32
      %parallel_loop3A_189 = vector.broadcast %parallel_loop3A_188 : f32 to vector<16xf32>
      %parallel_loop3A_190 = arith.divf %parallel_loop3A_189, %parallel_loop3A_187 : vector<16xf32>
      %parallel_loop3A_191 = arith.constant 0.000000e+00 : f32
      %parallel_loop3A_192 = vector.broadcast %parallel_loop3A_191 : f32 to vector<16xf32>
      %parallel_loop3A_193 = arith.constant 0.000000e+00 : f32
      %parallel_loop3A_194 = vector.broadcast %parallel_loop3A_193 : f32 to vector<16xf32>
      %parallel_loop3A_195 = arith.constant 0 : i32
      %parallel_loop3A_196 = arith.addi %parallel_loop3A_179, %parallel_loop3A_195 : i32
      %parallel_loop3A_197 = vector.extract_strided_slice %parallel_loop3A_190 {offsets = [0], sizes = [1], strides = [1]} : vector<16xf32> to vector<1xf32>
      %parallel_loop3A_198 = vector.extract %parallel_loop3A_197[0] : f32 from vector<1xf32>
      %parallel_loop3A_199 = arith.index_cast %parallel_loop3A_196 : i32 to index
      %parallel_loop3A_200 = arith.constant 0 : index
      %parallel_loop3A_201 = tpu.vector_load %arg13[%parallel_loop3A_199, %parallel_loop3A_200] {strides = array<i32>} : memref<640x32xf32, #tpu.memory_space<vmem>>, vector<16xf32>,
      %parallel_loop3A_202 = arith.index_cast %parallel_loop3A_196 : i32 to index
      %parallel_loop3A_203 = arith.constant 0 : index
      %parallel_loop3A_204 = tpu.vector_load %arg14[%parallel_loop3A_202, %parallel_loop3A_203] {strides = array<i32>} : memref<640x32xf32, #tpu.memory_space<vmem>>, vector<16xf32>,
      %parallel_loop3A_205 = arith.addf %parallel_loop3A_201, %parallel_loop3A_204 : vector<16xf32>
      %parallel_loop3A_206 = vector.broadcast %parallel_loop3A_198 : f32 to vector<16xf32>
      %parallel_loop3A_207 = arith.mulf %parallel_loop3A_205, %parallel_loop3A_206 : vector<16xf32>
      %parallel_loop3A_208 = arith.addf %parallel_loop3A_207, %get3A_10 : vector<16xf32>
      %parallel_loop3A_209 = arith.index_cast %parallel_loop3A_196 : i32 to index
      %parallel_loop3A_210 = arith.constant 0 : index
      %parallel_loop3A_211 = tpu.vector_load %arg17[%parallel_loop3A_209, %parallel_loop3A_210] {strides = array<i32>} : memref<640x32xf32, #tpu.memory_space<vmem>>, vector<16xf32>,
      %parallel_loop3A_212 = arith.addf %parallel_loop3A_208, %parallel_loop3A_211 : vector<16xf32>
      %parallel_loop3A_213 = arith.constant 0.000000e+00 : f32
      %parallel_loop3A_214 = vector.broadcast %parallel_loop3A_213 : f32 to vector<16xf32>
      %parallel_loop3A_215 = arith.maximumf %parallel_loop3A_212, %parallel_loop3A_214 : vector<16xf32>
      %parallel_loop3A_216 = arith.index_cast %parallel_loop3A_196 : i32 to index
      %parallel_loop3A_217 = arith.constant 16 : index
      %parallel_loop3A_218 = tpu.vector_load %arg13[%parallel_loop3A_216, %parallel_loop3A_217] {strides = array<i32>} : memref<640x32xf32, #tpu.memory_space<vmem>>, vector<16xf32>,
      %parallel_loop3A_219 = arith.index_cast %parallel_loop3A_196 : i32 to index
      %parallel_loop3A_220 = arith.constant 16 : index
      %parallel_loop3A_221 = tpu.vector_load %arg14[%parallel_loop3A_219, %parallel_loop3A_220] {strides = array<i32>} : memref<640x32xf32, #tpu.memory_space<vmem>>, vector<16xf32>,
      %parallel_loop3A_222 = arith.addf %parallel_loop3A_218, %parallel_loop3A_221 : vector<16xf32>
      %parallel_loop3A_223 = vector.broadcast %parallel_loop3A_198 : f32 to vector<16xf32>
      %parallel_loop3A_224 = arith.mulf %parallel_loop3A_222, %parallel_loop3A_223 : vector<16xf32>
      %parallel_loop3A_225 = arith.addf %parallel_loop3A_224, %get3A_12 : vector<16xf32>
      %parallel_loop3A_226 = arith.index_cast %parallel_loop3A_196 : i32 to index
      %parallel_loop3A_227 = arith.constant 16 : index
      %parallel_loop3A_228 = tpu.vector_load %arg17[%parallel_loop3A_226, %parallel_loop3A_227] {strides = array<i32>} : memref<640x32xf32, #tpu.memory_space<vmem>>, vector<16xf32>,
      %parallel_loop3A_229 = arith.addf %parallel_loop3A_225, %parallel_loop3A_228 : vector<16xf32>
      %parallel_loop3A_230 = arith.constant 0.000000e+00 : f32
      %parallel_loop3A_231 = vector.broadcast %parallel_loop3A_230 : f32 to vector<16xf32>
      %parallel_loop3A_232 = arith.maximumf %parallel_loop3A_229, %parallel_loop3A_231 : vector<16xf32>
      %parallel_loop3A_233 = arith.constant 0 : i32
      %parallel_loop3A_234 = vector.broadcast %parallel_loop3A_233 : i32 to vector<16xi32>
      %parallel_loop3A_235 = arith.cmpi eq, %iota3A, %parallel_loop3A_234 : vector<16xi32>
      %parallel_loop3A_236 = arith.mulf %parallel_loop3A_215, %get3A_14 : vector<16xf32>
      %parallel_loop3A_237 = arith.mulf %parallel_loop3A_232, %get3A_16 : vector<16xf32>
      %parallel_loop3A_238 = arith.addf %parallel_loop3A_236, %parallel_loop3A_237 : vector<16xf32>
      %parallel_loop3A_239 = arith.constant true
      %parallel_loop3A_240 = vector.broadcast %parallel_loop3A_239 : i1 to vector<16xi1>
      %parallel_loop3A_241 = tpu.scan <sum>, %parallel_loop3A_238 masked %parallel_loop3A_240 : vector<16xf32>, vector<16xi1> -> vector<16xf32>
      %parallel_loop3A_242 = vector.extract %parallel_loop3A_241[15] : f32 from vector<16xf32>
      %parallel_loop3A_243 = arith.constant 0.000000e+00 : f32
      %parallel_loop3A_244 = vector.broadcast %parallel_loop3A_242 : f32 to vector<16xf32>
      %parallel_loop3A_245 = vector.broadcast %parallel_loop3A_243 : f32 to vector<16xf32>
      %parallel_loop3A_246 = arith.select %parallel_loop3A_235, %parallel_loop3A_244, %parallel_loop3A_245 : vector<16xi1>, vector<16xf32>
      %parallel_loop3A_247 = arith.addf %parallel_loop3A_192, %parallel_loop3A_246 : vector<16xf32>
      %parallel_loop3A_248 = arith.mulf %parallel_loop3A_215, %get3A_18 : vector<16xf32>
      %parallel_loop3A_249 = arith.mulf %parallel_loop3A_232, %get3A_20 : vector<16xf32>
      %parallel_loop3A_250 = arith.addf %parallel_loop3A_248, %parallel_loop3A_249 : vector<16xf32>
      %parallel_loop3A_251 = arith.constant true
      %parallel_loop3A_252 = vector.broadcast %parallel_loop3A_251 : i1 to vector<16xi1>
      %parallel_loop3A_253 = tpu.scan <sum>, %parallel_loop3A_250 masked %parallel_loop3A_252 : vector<16xf32>, vector<16xi1> -> vector<16xf32>
      %parallel_loop3A_254 = vector.extract %parallel_loop3A_253[15] : f32 from vector<16xf32>
      %parallel_loop3A_255 = arith.constant 0.000000e+00 : f32
      %parallel_loop3A_256 = vector.broadcast %parallel_loop3A_254 : f32 to vector<16xf32>
      %parallel_loop3A_257 = vector.broadcast %parallel_loop3A_255 : f32 to vector<16xf32>
      %parallel_loop3A_258 = arith.select %parallel_loop3A_235, %parallel_loop3A_256, %parallel_loop3A_257 : vector<16xi1>, vector<16xf32>
      %parallel_loop3A_259 = arith.addf %parallel_loop3A_194, %parallel_loop3A_258 : vector<16xf32>
      %parallel_loop3A_260 = arith.constant 1 : i32
      %parallel_loop3A_261 = arith.addi %parallel_loop3A_179, %parallel_loop3A_260 : i32
      %parallel_loop3A_262 = vector.extract_strided_slice %parallel_loop3A_190 {offsets = [1], sizes = [1], strides = [1]} : vector<16xf32> to vector<1xf32>
      %parallel_loop3A_263 = vector.extract %parallel_loop3A_262[0] : f32 from vector<1xf32>
      %parallel_loop3A_264 = arith.index_cast %parallel_loop3A_261 : i32 to index
      %parallel_loop3A_265 = arith.constant 0 : index
      %parallel_loop3A_266 = tpu.vector_load %arg13[%parallel_loop3A_264, %parallel_loop3A_265] {strides = array<i32>} : memref<640x32xf32, #tpu.memory_space<vmem>>, vector<16xf32>,
      %parallel_loop3A_267 = arith.index_cast %parallel_loop3A_261 : i32 to index
      %parallel_loop3A_268 = arith.constant 0 : index
      %parallel_loop3A_269 = tpu.vector_load %arg14[%parallel_loop3A_267, %parallel_loop3A_268] {strides = array<i32>} : memref<640x32xf32, #tpu.memory_space<vmem>>, vector<16xf32>,
      %parallel_loop3A_270 = arith.addf %parallel_loop3A_266, %parallel_loop3A_269 : vector<16xf32>
      %parallel_loop3A_271 = vector.broadcast %parallel_loop3A_263 : f32 to vector<16xf32>
      %parallel_loop3A_272 = arith.mulf %parallel_loop3A_270, %parallel_loop3A_271 : vector<16xf32>
      %parallel_loop3A_273 = arith.addf %parallel_loop3A_272, %get3A_10 : vector<16xf32>
      %parallel_loop3A_274 = arith.index_cast %parallel_loop3A_261 : i32 to index
      %parallel_loop3A_275 = arith.constant 0 : index
      %parallel_loop3A_276 = tpu.vector_load %arg17[%parallel_loop3A_274, %parallel_loop3A_275] {strides = array<i32>} : memref<640x32xf32, #tpu.memory_space<vmem>>, vector<16xf32>,
      %parallel_loop3A_277 = arith.addf %parallel_loop3A_273, %parallel_loop3A_276 : vector<16xf32>
      %parallel_loop3A_278 = arith.constant 0.000000e+00 : f32
      %parallel_loop3A_279 = vector.broadcast %parallel_loop3A_278 : f32 to vector<16xf32>
      %parallel_loop3A_280 = arith.maximumf %parallel_loop3A_277, %parallel_loop3A_279 : vector<16xf32>
      %parallel_loop3A_281 = arith.index_cast %parallel_loop3A_261 : i32 to index
      %parallel_loop3A_282 = arith.constant 16 : index
      %parallel_loop3A_283 = tpu.vector_load %arg13[%parallel_loop3A_281, %parallel_loop3A_282] {strides = array<i32>} : memref<640x32xf32, #tpu.memory_space<vmem>>, vector<16xf32>,
      %parallel_loop3A_284 = arith.index_cast %parallel_loop3A_261 : i32 to index
      %parallel_loop3A_285 = arith.constant 16 : index
      %parallel_loop3A_286 = tpu.vector_load %arg14[%parallel_loop3A_284, %parallel_loop3A_285] {strides = array<i32>} : memref<640x32xf32, #tpu.memory_space<vmem>>, vector<16xf32>,
      %parallel_loop3A_287 = arith.addf %parallel_loop3A_283, %parallel_loop3A_286 : vector<16xf32>
      %parallel_loop3A_288 = vector.broadcast %parallel_loop3A_263 : f32 to vector<16xf32>
      %parallel_loop3A_289 = arith.mulf %parallel_loop3A_287, %parallel_loop3A_288 : vector<16xf32>
      %parallel_loop3A_290 = arith.addf %parallel_loop3A_289, %get3A_12 : vector<16xf32>
      %parallel_loop3A_291 = arith.index_cast %parallel_loop3A_261 : i32 to index
      %parallel_loop3A_292 = arith.constant 16 : index
      %parallel_loop3A_293 = tpu.vector_load %arg17[%parallel_loop3A_291, %parallel_loop3A_292] {strides = array<i32>} : memref<640x32xf32, #tpu.memory_space<vmem>>, vector<16xf32>,
      %parallel_loop3A_294 = arith.addf %parallel_loop3A_290, %parallel_loop3A_293 : vector<16xf32>
      %parallel_loop3A_295 = arith.constant 0.000000e+00 : f32
      %parallel_loop3A_296 = vector.broadcast %parallel_loop3A_295 : f32 to vector<16xf32>
      %parallel_loop3A_297 = arith.maximumf %parallel_loop3A_294, %parallel_loop3A_296 : vector<16xf32>
      %parallel_loop3A_298 = arith.constant 1 : i32
      %parallel_loop3A_299 = vector.broadcast %parallel_loop3A_298 : i32 to vector<16xi32>
      %parallel_loop3A_300 = arith.cmpi eq, %iota3A, %parallel_loop3A_299 : vector<16xi32>
      %parallel_loop3A_301 = arith.mulf %parallel_loop3A_280, %get3A_14 : vector<16xf32>
      %parallel_loop3A_302 = arith.mulf %parallel_loop3A_297, %get3A_16 : vector<16xf32>
      %parallel_loop3A_303 = arith.addf %parallel_loop3A_301, %parallel_loop3A_302 : vector<16xf32>
      %parallel_loop3A_304 = arith.constant true
      %parallel_loop3A_305 = vector.broadcast %parallel_loop3A_304 : i1 to vector<16xi1>
      %parallel_loop3A_306 = tpu.scan <sum>, %parallel_loop3A_303 masked %parallel_loop3A_305 : vector<16xf32>, vector<16xi1> -> vector<16xf32>
      %parallel_loop3A_307 = vector.extract %parallel_loop3A_306[15] : f32 from vector<16xf32>
      %parallel_loop3A_308 = arith.constant 0.000000e+00 : f32
      %parallel_loop3A_309 = vector.broadcast %parallel_loop3A_307 : f32 to vector<16xf32>
      %parallel_loop3A_310 = vector.broadcast %parallel_loop3A_308 : f32 to vector<16xf32>
      %parallel_loop3A_311 = arith.select %parallel_loop3A_300, %parallel_loop3A_309, %parallel_loop3A_310 : vector<16xi1>, vector<16xf32>
      %parallel_loop3A_312 = arith.addf %parallel_loop3A_247, %parallel_loop3A_311 : vector<16xf32>
      %parallel_loop3A_313 = arith.mulf %parallel_loop3A_280, %get3A_18 : vector<16xf32>
      %parallel_loop3A_314 = arith.mulf %parallel_loop3A_297, %get3A_20 : vector<16xf32>
      %parallel_loop3A_315 = arith.addf %parallel_loop3A_313, %parallel_loop3A_314 : vector<16xf32>
      %parallel_loop3A_316 = arith.constant true
      %parallel_loop3A_317 = vector.broadcast %parallel_loop3A_316 : i1 to vector<16xi1>
      %parallel_loop3A_318 = tpu.scan <sum>, %parallel_loop3A_315 masked %parallel_loop3A_317 : vector<16xf32>, vector<16xi1> -> vector<16xf32>
      %parallel_loop3A_319 = vector.extract %parallel_loop3A_318[15] : f32 from vector<16xf32>
      %parallel_loop3A_320 = arith.constant 0.000000e+00 : f32
      %parallel_loop3A_321 = vector.broadcast %parallel_loop3A_319 : f32 to vector<16xf32>
      %parallel_loop3A_322 = vector.broadcast %parallel_loop3A_320 : f32 to vector<16xf32>
      %parallel_loop3A_323 = arith.select %parallel_loop3A_300, %parallel_loop3A_321, %parallel_loop3A_322 : vector<16xi1>, vector<16xf32>
      %parallel_loop3A_324 = arith.addf %parallel_loop3A_259, %parallel_loop3A_323 : vector<16xf32>
      %parallel_loop3A_325 = arith.constant 2 : i32
      %parallel_loop3A_326 = arith.addi %parallel_loop3A_179, %parallel_loop3A_325 : i32
      %parallel_loop3A_327 = vector.extract_strided_slice %parallel_loop3A_190 {offsets = [2], sizes = [1], strides = [1]} : vector<16xf32> to vector<1xf32>
      %parallel_loop3A_328 = vector.extract %parallel_loop3A_327[0] : f32 from vector<1xf32>
      %parallel_loop3A_329 = arith.index_cast %parallel_loop3A_326 : i32 to index
      %parallel_loop3A_330 = arith.constant 0 : index
      %parallel_loop3A_331 = tpu.vector_load %arg13[%parallel_loop3A_329, %parallel_loop3A_330] {strides = array<i32>} : memref<640x32xf32, #tpu.memory_space<vmem>>, vector<16xf32>,
      %parallel_loop3A_332 = arith.index_cast %parallel_loop3A_326 : i32 to index
      %parallel_loop3A_333 = arith.constant 0 : index
      %parallel_loop3A_334 = tpu.vector_load %arg14[%parallel_loop3A_332, %parallel_loop3A_333] {strides = array<i32>} : memref<640x32xf32, #tpu.memory_space<vmem>>, vector<16xf32>,
      %parallel_loop3A_335 = arith.addf %parallel_loop3A_331, %parallel_loop3A_334 : vector<16xf32>
      %parallel_loop3A_336 = vector.broadcast %parallel_loop3A_328 : f32 to vector<16xf32>
      %parallel_loop3A_337 = arith.mulf %parallel_loop3A_335, %parallel_loop3A_336 : vector<16xf32>
      %parallel_loop3A_338 = arith.addf %parallel_loop3A_337, %get3A_10 : vector<16xf32>
      %parallel_loop3A_339 = arith.index_cast %parallel_loop3A_326 : i32 to index
      %parallel_loop3A_340 = arith.constant 0 : index
      %parallel_loop3A_341 = tpu.vector_load %arg17[%parallel_loop3A_339, %parallel_loop3A_340] {strides = array<i32>} : memref<640x32xf32, #tpu.memory_space<vmem>>, vector<16xf32>,
      %parallel_loop3A_342 = arith.addf %parallel_loop3A_338, %parallel_loop3A_341 : vector<16xf32>
      %parallel_loop3A_343 = arith.constant 0.000000e+00 : f32
      %parallel_loop3A_344 = vector.broadcast %parallel_loop3A_343 : f32 to vector<16xf32>
      %parallel_loop3A_345 = arith.maximumf %parallel_loop3A_342, %parallel_loop3A_344 : vector<16xf32>
      %parallel_loop3A_346 = arith.index_cast %parallel_loop3A_326 : i32 to index
      %parallel_loop3A_347 = arith.constant 16 : index
      %parallel_loop3A_348 = tpu.vector_load %arg13[%parallel_loop3A_346, %parallel_loop3A_347] {strides = array<i32>} : memref<640x32xf32, #tpu.memory_space<vmem>>, vector<16xf32>,
      %parallel_loop3A_349 = arith.index_cast %parallel_loop3A_326 : i32 to index
      %parallel_loop3A_350 = arith.constant 16 : index
      %parallel_loop3A_351 = tpu.vector_load %arg14[%parallel_loop3A_349, %parallel_loop3A_350] {strides = array<i32>} : memref<640x32xf32, #tpu.memory_space<vmem>>, vector<16xf32>,
      %parallel_loop3A_352 = arith.addf %parallel_loop3A_348, %parallel_loop3A_351 : vector<16xf32>
      %parallel_loop3A_353 = vector.broadcast %parallel_loop3A_328 : f32 to vector<16xf32>
      %parallel_loop3A_354 = arith.mulf %parallel_loop3A_352, %parallel_loop3A_353 : vector<16xf32>
      %parallel_loop3A_355 = arith.addf %parallel_loop3A_354, %get3A_12 : vector<16xf32>
      %parallel_loop3A_356 = arith.index_cast %parallel_loop3A_326 : i32 to index
      %parallel_loop3A_357 = arith.constant 16 : index
      %parallel_loop3A_358 = tpu.vector_load %arg17[%parallel_loop3A_356, %parallel_loop3A_357] {strides = array<i32>} : memref<640x32xf32, #tpu.memory_space<vmem>>, vector<16xf32>,
      %parallel_loop3A_359 = arith.addf %parallel_loop3A_355, %parallel_loop3A_358 : vector<16xf32>
      %parallel_loop3A_360 = arith.constant 0.000000e+00 : f32
      %parallel_loop3A_361 = vector.broadcast %parallel_loop3A_360 : f32 to vector<16xf32>
      %parallel_loop3A_362 = arith.maximumf %parallel_loop3A_359, %parallel_loop3A_361 : vector<16xf32>
      %parallel_loop3A_363 = arith.constant 2 : i32
      %parallel_loop3A_364 = vector.broadcast %parallel_loop3A_363 : i32 to vector<16xi32>
      %parallel_loop3A_365 = arith.cmpi eq, %iota3A, %parallel_loop3A_364 : vector<16xi32>
      %parallel_loop3A_366 = arith.mulf %parallel_loop3A_345, %get3A_14 : vector<16xf32>
      %parallel_loop3A_367 = arith.mulf %parallel_loop3A_362, %get3A_16 : vector<16xf32>
      %parallel_loop3A_368 = arith.addf %parallel_loop3A_366, %parallel_loop3A_367 : vector<16xf32>
      %parallel_loop3A_369 = arith.constant true
      %parallel_loop3A_370 = vector.broadcast %parallel_loop3A_369 : i1 to vector<16xi1>
      %parallel_loop3A_371 = tpu.scan <sum>, %parallel_loop3A_368 masked %parallel_loop3A_370 : vector<16xf32>, vector<16xi1> -> vector<16xf32>
      %parallel_loop3A_372 = vector.extract %parallel_loop3A_371[15] : f32 from vector<16xf32>
      %parallel_loop3A_373 = arith.constant 0.000000e+00 : f32
      %parallel_loop3A_374 = vector.broadcast %parallel_loop3A_372 : f32 to vector<16xf32>
      %parallel_loop3A_375 = vector.broadcast %parallel_loop3A_373 : f32 to vector<16xf32>
      %parallel_loop3A_376 = arith.select %parallel_loop3A_365, %parallel_loop3A_374, %parallel_loop3A_375 : vector<16xi1>, vector<16xf32>
      %parallel_loop3A_377 = arith.addf %parallel_loop3A_312, %parallel_loop3A_376 : vector<16xf32>
      %parallel_loop3A_378 = arith.mulf %parallel_loop3A_345, %get3A_18 : vector<16xf32>
      %parallel_loop3A_379 = arith.mulf %parallel_loop3A_362, %get3A_20 : vector<16xf32>
      %parallel_loop3A_380 = arith.addf %parallel_loop3A_378, %parallel_loop3A_379 : vector<16xf32>
      %parallel_loop3A_381 = arith.constant true
      %parallel_loop3A_382 = vector.broadcast %parallel_loop3A_381 : i1 to vector<16xi1>
      %parallel_loop3A_383 = tpu.scan <sum>, %parallel_loop3A_380 masked %parallel_loop3A_382 : vector<16xf32>, vector<16xi1> -> vector<16xf32>
      %parallel_loop3A_384 = vector.extract %parallel_loop3A_383[15] : f32 from vector<16xf32>
      %parallel_loop3A_385 = arith.constant 0.000000e+00 : f32
      %parallel_loop3A_386 = vector.broadcast %parallel_loop3A_384 : f32 to vector<16xf32>
      %parallel_loop3A_387 = vector.broadcast %parallel_loop3A_385 : f32 to vector<16xf32>
      %parallel_loop3A_388 = arith.select %parallel_loop3A_365, %parallel_loop3A_386, %parallel_loop3A_387 : vector<16xi1>, vector<16xf32>
      %parallel_loop3A_389 = arith.addf %parallel_loop3A_324, %parallel_loop3A_388 : vector<16xf32>
      %parallel_loop3A_390 = arith.constant 3 : i32
      %parallel_loop3A_391 = arith.addi %parallel_loop3A_179, %parallel_loop3A_390 : i32
      %parallel_loop3A_392 = vector.extract_strided_slice %parallel_loop3A_190 {offsets = [3], sizes = [1], strides = [1]} : vector<16xf32> to vector<1xf32>
      %parallel_loop3A_393 = vector.extract %parallel_loop3A_392[0] : f32 from vector<1xf32>
      %parallel_loop3A_394 = arith.index_cast %parallel_loop3A_391 : i32 to index
      %parallel_loop3A_395 = arith.constant 0 : index
      %parallel_loop3A_396 = tpu.vector_load %arg13[%parallel_loop3A_394, %parallel_loop3A_395] {strides = array<i32>} : memref<640x32xf32, #tpu.memory_space<vmem>>, vector<16xf32>,
      %parallel_loop3A_397 = arith.index_cast %parallel_loop3A_391 : i32 to index
      %parallel_loop3A_398 = arith.constant 0 : index
      %parallel_loop3A_399 = tpu.vector_load %arg14[%parallel_loop3A_397, %parallel_loop3A_398] {strides = array<i32>} : memref<640x32xf32, #tpu.memory_space<vmem>>, vector<16xf32>,
      %parallel_loop3A_400 = arith.addf %parallel_loop3A_396, %parallel_loop3A_399 : vector<16xf32>
      %parallel_loop3A_401 = vector.broadcast %parallel_loop3A_393 : f32 to vector<16xf32>
      %parallel_loop3A_402 = arith.mulf %parallel_loop3A_400, %parallel_loop3A_401 : vector<16xf32>
      %parallel_loop3A_403 = arith.addf %parallel_loop3A_402, %get3A_10 : vector<16xf32>
      %parallel_loop3A_404 = arith.index_cast %parallel_loop3A_391 : i32 to index
      %parallel_loop3A_405 = arith.constant 0 : index
      %parallel_loop3A_406 = tpu.vector_load %arg17[%parallel_loop3A_404, %parallel_loop3A_405] {strides = array<i32>} : memref<640x32xf32, #tpu.memory_space<vmem>>, vector<16xf32>,
      %parallel_loop3A_407 = arith.addf %parallel_loop3A_403, %parallel_loop3A_406 : vector<16xf32>
      %parallel_loop3A_408 = arith.constant 0.000000e+00 : f32
      %parallel_loop3A_409 = vector.broadcast %parallel_loop3A_408 : f32 to vector<16xf32>
      %parallel_loop3A_410 = arith.maximumf %parallel_loop3A_407, %parallel_loop3A_409 : vector<16xf32>
      %parallel_loop3A_411 = arith.index_cast %parallel_loop3A_391 : i32 to index
      %parallel_loop3A_412 = arith.constant 16 : index
      %parallel_loop3A_413 = tpu.vector_load %arg13[%parallel_loop3A_411, %parallel_loop3A_412] {strides = array<i32>} : memref<640x32xf32, #tpu.memory_space<vmem>>, vector<16xf32>,
      %parallel_loop3A_414 = arith.index_cast %parallel_loop3A_391 : i32 to index
      %parallel_loop3A_415 = arith.constant 16 : index
      %parallel_loop3A_416 = tpu.vector_load %arg14[%parallel_loop3A_414, %parallel_loop3A_415] {strides = array<i32>} : memref<640x32xf32, #tpu.memory_space<vmem>>, vector<16xf32>,
      %parallel_loop3A_417 = arith.addf %parallel_loop3A_413, %parallel_loop3A_416 : vector<16xf32>
      %parallel_loop3A_418 = vector.broadcast %parallel_loop3A_393 : f32 to vector<16xf32>
      %parallel_loop3A_419 = arith.mulf %parallel_loop3A_417, %parallel_loop3A_418 : vector<16xf32>
      %parallel_loop3A_420 = arith.addf %parallel_loop3A_419, %get3A_12 : vector<16xf32>
      %parallel_loop3A_421 = arith.index_cast %parallel_loop3A_391 : i32 to index
      %parallel_loop3A_422 = arith.constant 16 : index
      %parallel_loop3A_423 = tpu.vector_load %arg17[%parallel_loop3A_421, %parallel_loop3A_422] {strides = array<i32>} : memref<640x32xf32, #tpu.memory_space<vmem>>, vector<16xf32>,
      %parallel_loop3A_424 = arith.addf %parallel_loop3A_420, %parallel_loop3A_423 : vector<16xf32>
      %parallel_loop3A_425 = arith.constant 0.000000e+00 : f32
      %parallel_loop3A_426 = vector.broadcast %parallel_loop3A_425 : f32 to vector<16xf32>
      %parallel_loop3A_427 = arith.maximumf %parallel_loop3A_424, %parallel_loop3A_426 : vector<16xf32>
      %parallel_loop3A_428 = arith.constant 3 : i32
      %parallel_loop3A_429 = vector.broadcast %parallel_loop3A_428 : i32 to vector<16xi32>
      %parallel_loop3A_430 = arith.cmpi eq, %iota3A, %parallel_loop3A_429 : vector<16xi32>
      %parallel_loop3A_431 = arith.mulf %parallel_loop3A_410, %get3A_14 : vector<16xf32>
      %parallel_loop3A_432 = arith.mulf %parallel_loop3A_427, %get3A_16 : vector<16xf32>
      %parallel_loop3A_433 = arith.addf %parallel_loop3A_431, %parallel_loop3A_432 : vector<16xf32>
      %parallel_loop3A_434 = arith.constant true
      %parallel_loop3A_435 = vector.broadcast %parallel_loop3A_434 : i1 to vector<16xi1>
      %parallel_loop3A_436 = tpu.scan <sum>, %parallel_loop3A_433 masked %parallel_loop3A_435 : vector<16xf32>, vector<16xi1> -> vector<16xf32>
      %parallel_loop3A_437 = vector.extract %parallel_loop3A_436[15] : f32 from vector<16xf32>
      %parallel_loop3A_438 = arith.constant 0.000000e+00 : f32
      %parallel_loop3A_439 = vector.broadcast %parallel_loop3A_437 : f32 to vector<16xf32>
      %parallel_loop3A_440 = vector.broadcast %parallel_loop3A_438 : f32 to vector<16xf32>
      %parallel_loop3A_441 = arith.select %parallel_loop3A_430, %parallel_loop3A_439, %parallel_loop3A_440 : vector<16xi1>, vector<16xf32>
      %parallel_loop3A_442 = arith.addf %parallel_loop3A_377, %parallel_loop3A_441 : vector<16xf32>
      %parallel_loop3A_443 = arith.mulf %parallel_loop3A_410, %get3A_18 : vector<16xf32>
      %parallel_loop3A_444 = arith.mulf %parallel_loop3A_427, %get3A_20 : vector<16xf32>
      %parallel_loop3A_445 = arith.addf %parallel_loop3A_443, %parallel_loop3A_444 : vector<16xf32>
      %parallel_loop3A_446 = arith.constant true
      %parallel_loop3A_447 = vector.broadcast %parallel_loop3A_446 : i1 to vector<16xi1>
      %parallel_loop3A_448 = tpu.scan <sum>, %parallel_loop3A_445 masked %parallel_loop3A_447 : vector<16xf32>, vector<16xi1> -> vector<16xf32>
      %parallel_loop3A_449 = vector.extract %parallel_loop3A_448[15] : f32 from vector<16xf32>
      %parallel_loop3A_450 = arith.constant 0.000000e+00 : f32
      %parallel_loop3A_451 = vector.broadcast %parallel_loop3A_449 : f32 to vector<16xf32>
      %parallel_loop3A_452 = vector.broadcast %parallel_loop3A_450 : f32 to vector<16xf32>
      %parallel_loop3A_453 = arith.select %parallel_loop3A_430, %parallel_loop3A_451, %parallel_loop3A_452 : vector<16xi1>, vector<16xf32>
      %parallel_loop3A_454 = arith.addf %parallel_loop3A_389, %parallel_loop3A_453 : vector<16xf32>
      %parallel_loop3A_455 = arith.constant 4 : i32
      %parallel_loop3A_456 = arith.addi %parallel_loop3A_179, %parallel_loop3A_455 : i32
      %parallel_loop3A_457 = vector.extract_strided_slice %parallel_loop3A_190 {offsets = [4], sizes = [1], strides = [1]} : vector<16xf32> to vector<1xf32>
      %parallel_loop3A_458 = vector.extract %parallel_loop3A_457[0] : f32 from vector<1xf32>
      %parallel_loop3A_459 = arith.index_cast %parallel_loop3A_456 : i32 to index
      %parallel_loop3A_460 = arith.constant 0 : index
      %parallel_loop3A_461 = tpu.vector_load %arg13[%parallel_loop3A_459, %parallel_loop3A_460] {strides = array<i32>} : memref<640x32xf32, #tpu.memory_space<vmem>>, vector<16xf32>,
      %parallel_loop3A_462 = arith.index_cast %parallel_loop3A_456 : i32 to index
      %parallel_loop3A_463 = arith.constant 0 : index
      %parallel_loop3A_464 = tpu.vector_load %arg14[%parallel_loop3A_462, %parallel_loop3A_463] {strides = array<i32>} : memref<640x32xf32, #tpu.memory_space<vmem>>, vector<16xf32>,
      %parallel_loop3A_465 = arith.addf %parallel_loop3A_461, %parallel_loop3A_464 : vector<16xf32>
      %parallel_loop3A_466 = vector.broadcast %parallel_loop3A_458 : f32 to vector<16xf32>
      %parallel_loop3A_467 = arith.mulf %parallel_loop3A_465, %parallel_loop3A_466 : vector<16xf32>
      %parallel_loop3A_468 = arith.addf %parallel_loop3A_467, %get3A_10 : vector<16xf32>
      %parallel_loop3A_469 = arith.index_cast %parallel_loop3A_456 : i32 to index
      %parallel_loop3A_470 = arith.constant 0 : index
      %parallel_loop3A_471 = tpu.vector_load %arg17[%parallel_loop3A_469, %parallel_loop3A_470] {strides = array<i32>} : memref<640x32xf32, #tpu.memory_space<vmem>>, vector<16xf32>,
      %parallel_loop3A_472 = arith.addf %parallel_loop3A_468, %parallel_loop3A_471 : vector<16xf32>
      %parallel_loop3A_473 = arith.constant 0.000000e+00 : f32
      %parallel_loop3A_474 = vector.broadcast %parallel_loop3A_473 : f32 to vector<16xf32>
      %parallel_loop3A_475 = arith.maximumf %parallel_loop3A_472, %parallel_loop3A_474 : vector<16xf32>
      %parallel_loop3A_476 = arith.index_cast %parallel_loop3A_456 : i32 to index
      %parallel_loop3A_477 = arith.constant 16 : index
      %parallel_loop3A_478 = tpu.vector_load %arg13[%parallel_loop3A_476, %parallel_loop3A_477] {strides = array<i32>} : memref<640x32xf32, #tpu.memory_space<vmem>>, vector<16xf32>,
      %parallel_loop3A_479 = arith.index_cast %parallel_loop3A_456 : i32 to index
      %parallel_loop3A_480 = arith.constant 16 : index
      %parallel_loop3A_481 = tpu.vector_load %arg14[%parallel_loop3A_479, %parallel_loop3A_480] {strides = array<i32>} : memref<640x32xf32, #tpu.memory_space<vmem>>, vector<16xf32>,
      %parallel_loop3A_482 = arith.addf %parallel_loop3A_478, %parallel_loop3A_481 : vector<16xf32>
      %parallel_loop3A_483 = vector.broadcast %parallel_loop3A_458 : f32 to vector<16xf32>
      %parallel_loop3A_484 = arith.mulf %parallel_loop3A_482, %parallel_loop3A_483 : vector<16xf32>
      %parallel_loop3A_485 = arith.addf %parallel_loop3A_484, %get3A_12 : vector<16xf32>
      %parallel_loop3A_486 = arith.index_cast %parallel_loop3A_456 : i32 to index
      %parallel_loop3A_487 = arith.constant 16 : index
      %parallel_loop3A_488 = tpu.vector_load %arg17[%parallel_loop3A_486, %parallel_loop3A_487] {strides = array<i32>} : memref<640x32xf32, #tpu.memory_space<vmem>>, vector<16xf32>,
      %parallel_loop3A_489 = arith.addf %parallel_loop3A_485, %parallel_loop3A_488 : vector<16xf32>
      %parallel_loop3A_490 = arith.constant 0.000000e+00 : f32
      %parallel_loop3A_491 = vector.broadcast %parallel_loop3A_490 : f32 to vector<16xf32>
      %parallel_loop3A_492 = arith.maximumf %parallel_loop3A_489, %parallel_loop3A_491 : vector<16xf32>
      %parallel_loop3A_493 = arith.constant 4 : i32
      %parallel_loop3A_494 = vector.broadcast %parallel_loop3A_493 : i32 to vector<16xi32>
      %parallel_loop3A_495 = arith.cmpi eq, %iota3A, %parallel_loop3A_494 : vector<16xi32>
      %parallel_loop3A_496 = arith.mulf %parallel_loop3A_475, %get3A_14 : vector<16xf32>
      %parallel_loop3A_497 = arith.mulf %parallel_loop3A_492, %get3A_16 : vector<16xf32>
      %parallel_loop3A_498 = arith.addf %parallel_loop3A_496, %parallel_loop3A_497 : vector<16xf32>
      %parallel_loop3A_499 = arith.constant true
      %parallel_loop3A_500 = vector.broadcast %parallel_loop3A_499 : i1 to vector<16xi1>
      %parallel_loop3A_501 = tpu.scan <sum>, %parallel_loop3A_498 masked %parallel_loop3A_500 : vector<16xf32>, vector<16xi1> -> vector<16xf32>
      %parallel_loop3A_502 = vector.extract %parallel_loop3A_501[15] : f32 from vector<16xf32>
      %parallel_loop3A_503 = arith.constant 0.000000e+00 : f32
      %parallel_loop3A_504 = vector.broadcast %parallel_loop3A_502 : f32 to vector<16xf32>
      %parallel_loop3A_505 = vector.broadcast %parallel_loop3A_503 : f32 to vector<16xf32>
      %parallel_loop3A_506 = arith.select %parallel_loop3A_495, %parallel_loop3A_504, %parallel_loop3A_505 : vector<16xi1>, vector<16xf32>
      %parallel_loop3A_507 = arith.addf %parallel_loop3A_442, %parallel_loop3A_506 : vector<16xf32>
      %parallel_loop3A_508 = arith.mulf %parallel_loop3A_475, %get3A_18 : vector<16xf32>
      %parallel_loop3A_509 = arith.mulf %parallel_loop3A_492, %get3A_20 : vector<16xf32>
      %parallel_loop3A_510 = arith.addf %parallel_loop3A_508, %parallel_loop3A_509 : vector<16xf32>
      %parallel_loop3A_511 = arith.constant true
      %parallel_loop3A_512 = vector.broadcast %parallel_loop3A_511 : i1 to vector<16xi1>
      %parallel_loop3A_513 = tpu.scan <sum>, %parallel_loop3A_510 masked %parallel_loop3A_512 : vector<16xf32>, vector<16xi1> -> vector<16xf32>
      %parallel_loop3A_514 = vector.extract %parallel_loop3A_513[15] : f32 from vector<16xf32>
      %parallel_loop3A_515 = arith.constant 0.000000e+00 : f32
      %parallel_loop3A_516 = vector.broadcast %parallel_loop3A_514 : f32 to vector<16xf32>
      %parallel_loop3A_517 = vector.broadcast %parallel_loop3A_515 : f32 to vector<16xf32>
      %parallel_loop3A_518 = arith.select %parallel_loop3A_495, %parallel_loop3A_516, %parallel_loop3A_517 : vector<16xi1>, vector<16xf32>
      %parallel_loop3A_519 = arith.addf %parallel_loop3A_454, %parallel_loop3A_518 : vector<16xf32>
      %parallel_loop3A_520 = arith.constant 5 : i32
      %parallel_loop3A_521 = arith.addi %parallel_loop3A_179, %parallel_loop3A_520 : i32
      %parallel_loop3A_522 = vector.extract_strided_slice %parallel_loop3A_190 {offsets = [5], sizes = [1], strides = [1]} : vector<16xf32> to vector<1xf32>
      %parallel_loop3A_523 = vector.extract %parallel_loop3A_522[0] : f32 from vector<1xf32>
      %parallel_loop3A_524 = arith.index_cast %parallel_loop3A_521 : i32 to index
      %parallel_loop3A_525 = arith.constant 0 : index
      %parallel_loop3A_526 = tpu.vector_load %arg13[%parallel_loop3A_524, %parallel_loop3A_525] {strides = array<i32>} : memref<640x32xf32, #tpu.memory_space<vmem>>, vector<16xf32>,
      %parallel_loop3A_527 = arith.index_cast %parallel_loop3A_521 : i32 to index
      %parallel_loop3A_528 = arith.constant 0 : index
      %parallel_loop3A_529 = tpu.vector_load %arg14[%parallel_loop3A_527, %parallel_loop3A_528] {strides = array<i32>} : memref<640x32xf32, #tpu.memory_space<vmem>>, vector<16xf32>,
      %parallel_loop3A_530 = arith.addf %parallel_loop3A_526, %parallel_loop3A_529 : vector<16xf32>
      %parallel_loop3A_531 = vector.broadcast %parallel_loop3A_523 : f32 to vector<16xf32>
      %parallel_loop3A_532 = arith.mulf %parallel_loop3A_530, %parallel_loop3A_531 : vector<16xf32>
      %parallel_loop3A_533 = arith.addf %parallel_loop3A_532, %get3A_10 : vector<16xf32>
      %parallel_loop3A_534 = arith.index_cast %parallel_loop3A_521 : i32 to index
      %parallel_loop3A_535 = arith.constant 0 : index
      %parallel_loop3A_536 = tpu.vector_load %arg17[%parallel_loop3A_534, %parallel_loop3A_535] {strides = array<i32>} : memref<640x32xf32, #tpu.memory_space<vmem>>, vector<16xf32>,
      %parallel_loop3A_537 = arith.addf %parallel_loop3A_533, %parallel_loop3A_536 : vector<16xf32>
      %parallel_loop3A_538 = arith.constant 0.000000e+00 : f32
      %parallel_loop3A_539 = vector.broadcast %parallel_loop3A_538 : f32 to vector<16xf32>
      %parallel_loop3A_540 = arith.maximumf %parallel_loop3A_537, %parallel_loop3A_539 : vector<16xf32>
      %parallel_loop3A_541 = arith.index_cast %parallel_loop3A_521 : i32 to index
      %parallel_loop3A_542 = arith.constant 16 : index
      %parallel_loop3A_543 = tpu.vector_load %arg13[%parallel_loop3A_541, %parallel_loop3A_542] {strides = array<i32>} : memref<640x32xf32, #tpu.memory_space<vmem>>, vector<16xf32>,
      %parallel_loop3A_544 = arith.index_cast %parallel_loop3A_521 : i32 to index
      %parallel_loop3A_545 = arith.constant 16 : index
      %parallel_loop3A_546 = tpu.vector_load %arg14[%parallel_loop3A_544, %parallel_loop3A_545] {strides = array<i32>} : memref<640x32xf32, #tpu.memory_space<vmem>>, vector<16xf32>,
      %parallel_loop3A_547 = arith.addf %parallel_loop3A_543, %parallel_loop3A_546 : vector<16xf32>
      %parallel_loop3A_548 = vector.broadcast %parallel_loop3A_523 : f32 to vector<16xf32>
      %parallel_loop3A_549 = arith.mulf %parallel_loop3A_547, %parallel_loop3A_548 : vector<16xf32>
      %parallel_loop3A_550 = arith.addf %parallel_loop3A_549, %get3A_12 : vector<16xf32>
      %parallel_loop3A_551 = arith.index_cast %parallel_loop3A_521 : i32 to index
      %parallel_loop3A_552 = arith.constant 16 : index
      %parallel_loop3A_553 = tpu.vector_load %arg17[%parallel_loop3A_551, %parallel_loop3A_552] {strides = array<i32>} : memref<640x32xf32, #tpu.memory_space<vmem>>, vector<16xf32>,
      %parallel_loop3A_554 = arith.addf %parallel_loop3A_550, %parallel_loop3A_553 : vector<16xf32>
      %parallel_loop3A_555 = arith.constant 0.000000e+00 : f32
      %parallel_loop3A_556 = vector.broadcast %parallel_loop3A_555 : f32 to vector<16xf32>
      %parallel_loop3A_557 = arith.maximumf %parallel_loop3A_554, %parallel_loop3A_556 : vector<16xf32>
      %parallel_loop3A_558 = arith.constant 5 : i32
      %parallel_loop3A_559 = vector.broadcast %parallel_loop3A_558 : i32 to vector<16xi32>
      %parallel_loop3A_560 = arith.cmpi eq, %iota3A, %parallel_loop3A_559 : vector<16xi32>
      %parallel_loop3A_561 = arith.mulf %parallel_loop3A_540, %get3A_14 : vector<16xf32>
      %parallel_loop3A_562 = arith.mulf %parallel_loop3A_557, %get3A_16 : vector<16xf32>
      %parallel_loop3A_563 = arith.addf %parallel_loop3A_561, %parallel_loop3A_562 : vector<16xf32>
      %parallel_loop3A_564 = arith.constant true
      %parallel_loop3A_565 = vector.broadcast %parallel_loop3A_564 : i1 to vector<16xi1>
      %parallel_loop3A_566 = tpu.scan <sum>, %parallel_loop3A_563 masked %parallel_loop3A_565 : vector<16xf32>, vector<16xi1> -> vector<16xf32>
      %parallel_loop3A_567 = vector.extract %parallel_loop3A_566[15] : f32 from vector<16xf32>
      %parallel_loop3A_568 = arith.constant 0.000000e+00 : f32
      %parallel_loop3A_569 = vector.broadcast %parallel_loop3A_567 : f32 to vector<16xf32>
      %parallel_loop3A_570 = vector.broadcast %parallel_loop3A_568 : f32 to vector<16xf32>
      %parallel_loop3A_571 = arith.select %parallel_loop3A_560, %parallel_loop3A_569, %parallel_loop3A_570 : vector<16xi1>, vector<16xf32>
      %parallel_loop3A_572 = arith.addf %parallel_loop3A_507, %parallel_loop3A_571 : vector<16xf32>
      %parallel_loop3A_573 = arith.mulf %parallel_loop3A_540, %get3A_18 : vector<16xf32>
      %parallel_loop3A_574 = arith.mulf %parallel_loop3A_557, %get3A_20 : vector<16xf32>
      %parallel_loop3A_575 = arith.addf %parallel_loop3A_573, %parallel_loop3A_574 : vector<16xf32>
      %parallel_loop3A_576 = arith.constant true
      %parallel_loop3A_577 = vector.broadcast %parallel_loop3A_576 : i1 to vector<16xi1>
      %parallel_loop3A_578 = tpu.scan <sum>, %parallel_loop3A_575 masked %parallel_loop3A_577 : vector<16xf32>, vector<16xi1> -> vector<16xf32>
      %parallel_loop3A_579 = vector.extract %parallel_loop3A_578[15] : f32 from vector<16xf32>
      %parallel_loop3A_580 = arith.constant 0.000000e+00 : f32
      %parallel_loop3A_581 = vector.broadcast %parallel_loop3A_579 : f32 to vector<16xf32>
      %parallel_loop3A_582 = vector.broadcast %parallel_loop3A_580 : f32 to vector<16xf32>
      %parallel_loop3A_583 = arith.select %parallel_loop3A_560, %parallel_loop3A_581, %parallel_loop3A_582 : vector<16xi1>, vector<16xf32>
      %parallel_loop3A_584 = arith.addf %parallel_loop3A_519, %parallel_loop3A_583 : vector<16xf32>
      %parallel_loop3A_585 = arith.constant 6 : i32
      %parallel_loop3A_586 = arith.addi %parallel_loop3A_179, %parallel_loop3A_585 : i32
      %parallel_loop3A_587 = vector.extract_strided_slice %parallel_loop3A_190 {offsets = [6], sizes = [1], strides = [1]} : vector<16xf32> to vector<1xf32>
      %parallel_loop3A_588 = vector.extract %parallel_loop3A_587[0] : f32 from vector<1xf32>
      %parallel_loop3A_589 = arith.index_cast %parallel_loop3A_586 : i32 to index
      %parallel_loop3A_590 = arith.constant 0 : index
      %parallel_loop3A_591 = tpu.vector_load %arg13[%parallel_loop3A_589, %parallel_loop3A_590] {strides = array<i32>} : memref<640x32xf32, #tpu.memory_space<vmem>>, vector<16xf32>,
      %parallel_loop3A_592 = arith.index_cast %parallel_loop3A_586 : i32 to index
      %parallel_loop3A_593 = arith.constant 0 : index
      %parallel_loop3A_594 = tpu.vector_load %arg14[%parallel_loop3A_592, %parallel_loop3A_593] {strides = array<i32>} : memref<640x32xf32, #tpu.memory_space<vmem>>, vector<16xf32>,
      %parallel_loop3A_595 = arith.addf %parallel_loop3A_591, %parallel_loop3A_594 : vector<16xf32>
      %parallel_loop3A_596 = vector.broadcast %parallel_loop3A_588 : f32 to vector<16xf32>
      %parallel_loop3A_597 = arith.mulf %parallel_loop3A_595, %parallel_loop3A_596 : vector<16xf32>
      %parallel_loop3A_598 = arith.addf %parallel_loop3A_597, %get3A_10 : vector<16xf32>
      %parallel_loop3A_599 = arith.index_cast %parallel_loop3A_586 : i32 to index
      %parallel_loop3A_600 = arith.constant 0 : index
      %parallel_loop3A_601 = tpu.vector_load %arg17[%parallel_loop3A_599, %parallel_loop3A_600] {strides = array<i32>} : memref<640x32xf32, #tpu.memory_space<vmem>>, vector<16xf32>,
      %parallel_loop3A_602 = arith.addf %parallel_loop3A_598, %parallel_loop3A_601 : vector<16xf32>
      %parallel_loop3A_603 = arith.constant 0.000000e+00 : f32
      %parallel_loop3A_604 = vector.broadcast %parallel_loop3A_603 : f32 to vector<16xf32>
      %parallel_loop3A_605 = arith.maximumf %parallel_loop3A_602, %parallel_loop3A_604 : vector<16xf32>
      %parallel_loop3A_606 = arith.index_cast %parallel_loop3A_586 : i32 to index
      %parallel_loop3A_607 = arith.constant 16 : index
      %parallel_loop3A_608 = tpu.vector_load %arg13[%parallel_loop3A_606, %parallel_loop3A_607] {strides = array<i32>} : memref<640x32xf32, #tpu.memory_space<vmem>>, vector<16xf32>,
      %parallel_loop3A_609 = arith.index_cast %parallel_loop3A_586 : i32 to index
      %parallel_loop3A_610 = arith.constant 16 : index
      %parallel_loop3A_611 = tpu.vector_load %arg14[%parallel_loop3A_609, %parallel_loop3A_610] {strides = array<i32>} : memref<640x32xf32, #tpu.memory_space<vmem>>, vector<16xf32>,
      %parallel_loop3A_612 = arith.addf %parallel_loop3A_608, %parallel_loop3A_611 : vector<16xf32>
      %parallel_loop3A_613 = vector.broadcast %parallel_loop3A_588 : f32 to vector<16xf32>
      %parallel_loop3A_614 = arith.mulf %parallel_loop3A_612, %parallel_loop3A_613 : vector<16xf32>
      %parallel_loop3A_615 = arith.addf %parallel_loop3A_614, %get3A_12 : vector<16xf32>
      %parallel_loop3A_616 = arith.index_cast %parallel_loop3A_586 : i32 to index
      %parallel_loop3A_617 = arith.constant 16 : index
      %parallel_loop3A_618 = tpu.vector_load %arg17[%parallel_loop3A_616, %parallel_loop3A_617] {strides = array<i32>} : memref<640x32xf32, #tpu.memory_space<vmem>>, vector<16xf32>,
      %parallel_loop3A_619 = arith.addf %parallel_loop3A_615, %parallel_loop3A_618 : vector<16xf32>
      %parallel_loop3A_620 = arith.constant 0.000000e+00 : f32
      %parallel_loop3A_621 = vector.broadcast %parallel_loop3A_620 : f32 to vector<16xf32>
      %parallel_loop3A_622 = arith.maximumf %parallel_loop3A_619, %parallel_loop3A_621 : vector<16xf32>
      %parallel_loop3A_623 = arith.constant 6 : i32
      %parallel_loop3A_624 = vector.broadcast %parallel_loop3A_623 : i32 to vector<16xi32>
      %parallel_loop3A_625 = arith.cmpi eq, %iota3A, %parallel_loop3A_624 : vector<16xi32>
      %parallel_loop3A_626 = arith.mulf %parallel_loop3A_605, %get3A_14 : vector<16xf32>
      %parallel_loop3A_627 = arith.mulf %parallel_loop3A_622, %get3A_16 : vector<16xf32>
      %parallel_loop3A_628 = arith.addf %parallel_loop3A_626, %parallel_loop3A_627 : vector<16xf32>
      %parallel_loop3A_629 = arith.constant true
      %parallel_loop3A_630 = vector.broadcast %parallel_loop3A_629 : i1 to vector<16xi1>
      %parallel_loop3A_631 = tpu.scan <sum>, %parallel_loop3A_628 masked %parallel_loop3A_630 : vector<16xf32>, vector<16xi1> -> vector<16xf32>
      %parallel_loop3A_632 = vector.extract %parallel_loop3A_631[15] : f32 from vector<16xf32>
      %parallel_loop3A_633 = arith.constant 0.000000e+00 : f32
      %parallel_loop3A_634 = vector.broadcast %parallel_loop3A_632 : f32 to vector<16xf32>
      %parallel_loop3A_635 = vector.broadcast %parallel_loop3A_633 : f32 to vector<16xf32>
      %parallel_loop3A_636 = arith.select %parallel_loop3A_625, %parallel_loop3A_634, %parallel_loop3A_635 : vector<16xi1>, vector<16xf32>
      %parallel_loop3A_637 = arith.addf %parallel_loop3A_572, %parallel_loop3A_636 : vector<16xf32>
      %parallel_loop3A_638 = arith.mulf %parallel_loop3A_605, %get3A_18 : vector<16xf32>
      %parallel_loop3A_639 = arith.mulf %parallel_loop3A_622, %get3A_20 : vector<16xf32>
      %parallel_loop3A_640 = arith.addf %parallel_loop3A_638, %parallel_loop3A_639 : vector<16xf32>
      %parallel_loop3A_641 = arith.constant true
      %parallel_loop3A_642 = vector.broadcast %parallel_loop3A_641 : i1 to vector<16xi1>
      %parallel_loop3A_643 = tpu.scan <sum>, %parallel_loop3A_640 masked %parallel_loop3A_642 : vector<16xf32>, vector<16xi1> -> vector<16xf32>
      %parallel_loop3A_644 = vector.extract %parallel_loop3A_643[15] : f32 from vector<16xf32>
      %parallel_loop3A_645 = arith.constant 0.000000e+00 : f32
      %parallel_loop3A_646 = vector.broadcast %parallel_loop3A_644 : f32 to vector<16xf32>
      %parallel_loop3A_647 = vector.broadcast %parallel_loop3A_645 : f32 to vector<16xf32>
      %parallel_loop3A_648 = arith.select %parallel_loop3A_625, %parallel_loop3A_646, %parallel_loop3A_647 : vector<16xi1>, vector<16xf32>
      %parallel_loop3A_649 = arith.addf %parallel_loop3A_584, %parallel_loop3A_648 : vector<16xf32>
      %parallel_loop3A_650 = arith.constant 7 : i32
      %parallel_loop3A_651 = arith.addi %parallel_loop3A_179, %parallel_loop3A_650 : i32
      %parallel_loop3A_652 = vector.extract_strided_slice %parallel_loop3A_190 {offsets = [7], sizes = [1], strides = [1]} : vector<16xf32> to vector<1xf32>
      %parallel_loop3A_653 = vector.extract %parallel_loop3A_652[0] : f32 from vector<1xf32>
      %parallel_loop3A_654 = arith.index_cast %parallel_loop3A_651 : i32 to index
      %parallel_loop3A_655 = arith.constant 0 : index
      %parallel_loop3A_656 = tpu.vector_load %arg13[%parallel_loop3A_654, %parallel_loop3A_655] {strides = array<i32>} : memref<640x32xf32, #tpu.memory_space<vmem>>, vector<16xf32>,
      %parallel_loop3A_657 = arith.index_cast %parallel_loop3A_651 : i32 to index
      %parallel_loop3A_658 = arith.constant 0 : index
      %parallel_loop3A_659 = tpu.vector_load %arg14[%parallel_loop3A_657, %parallel_loop3A_658] {strides = array<i32>} : memref<640x32xf32, #tpu.memory_space<vmem>>, vector<16xf32>,
      %parallel_loop3A_660 = arith.addf %parallel_loop3A_656, %parallel_loop3A_659 : vector<16xf32>
      %parallel_loop3A_661 = vector.broadcast %parallel_loop3A_653 : f32 to vector<16xf32>
      %parallel_loop3A_662 = arith.mulf %parallel_loop3A_660, %parallel_loop3A_661 : vector<16xf32>
      %parallel_loop3A_663 = arith.addf %parallel_loop3A_662, %get3A_10 : vector<16xf32>
      %parallel_loop3A_664 = arith.index_cast %parallel_loop3A_651 : i32 to index
      %parallel_loop3A_665 = arith.constant 0 : index
      %parallel_loop3A_666 = tpu.vector_load %arg17[%parallel_loop3A_664, %parallel_loop3A_665] {strides = array<i32>} : memref<640x32xf32, #tpu.memory_space<vmem>>, vector<16xf32>,
      %parallel_loop3A_667 = arith.addf %parallel_loop3A_663, %parallel_loop3A_666 : vector<16xf32>
      %parallel_loop3A_668 = arith.constant 0.000000e+00 : f32
      %parallel_loop3A_669 = vector.broadcast %parallel_loop3A_668 : f32 to vector<16xf32>
      %parallel_loop3A_670 = arith.maximumf %parallel_loop3A_667, %parallel_loop3A_669 : vector<16xf32>
      %parallel_loop3A_671 = arith.index_cast %parallel_loop3A_651 : i32 to index
      %parallel_loop3A_672 = arith.constant 16 : index
      %parallel_loop3A_673 = tpu.vector_load %arg13[%parallel_loop3A_671, %parallel_loop3A_672] {strides = array<i32>} : memref<640x32xf32, #tpu.memory_space<vmem>>, vector<16xf32>,
      %parallel_loop3A_674 = arith.index_cast %parallel_loop3A_651 : i32 to index
      %parallel_loop3A_675 = arith.constant 16 : index
      %parallel_loop3A_676 = tpu.vector_load %arg14[%parallel_loop3A_674, %parallel_loop3A_675] {strides = array<i32>} : memref<640x32xf32, #tpu.memory_space<vmem>>, vector<16xf32>,
      %parallel_loop3A_677 = arith.addf %parallel_loop3A_673, %parallel_loop3A_676 : vector<16xf32>
      %parallel_loop3A_678 = vector.broadcast %parallel_loop3A_653 : f32 to vector<16xf32>
      %parallel_loop3A_679 = arith.mulf %parallel_loop3A_677, %parallel_loop3A_678 : vector<16xf32>
      %parallel_loop3A_680 = arith.addf %parallel_loop3A_679, %get3A_12 : vector<16xf32>
      %parallel_loop3A_681 = arith.index_cast %parallel_loop3A_651 : i32 to index
      %parallel_loop3A_682 = arith.constant 16 : index
      %parallel_loop3A_683 = tpu.vector_load %arg17[%parallel_loop3A_681, %parallel_loop3A_682] {strides = array<i32>} : memref<640x32xf32, #tpu.memory_space<vmem>>, vector<16xf32>,
      %parallel_loop3A_684 = arith.addf %parallel_loop3A_680, %parallel_loop3A_683 : vector<16xf32>
      %parallel_loop3A_685 = arith.constant 0.000000e+00 : f32
      %parallel_loop3A_686 = vector.broadcast %parallel_loop3A_685 : f32 to vector<16xf32>
      %parallel_loop3A_687 = arith.maximumf %parallel_loop3A_684, %parallel_loop3A_686 : vector<16xf32>
      %parallel_loop3A_688 = arith.constant 7 : i32
      %parallel_loop3A_689 = vector.broadcast %parallel_loop3A_688 : i32 to vector<16xi32>
      %parallel_loop3A_690 = arith.cmpi eq, %iota3A, %parallel_loop3A_689 : vector<16xi32>
      %parallel_loop3A_691 = arith.mulf %parallel_loop3A_670, %get3A_14 : vector<16xf32>
      %parallel_loop3A_692 = arith.mulf %parallel_loop3A_687, %get3A_16 : vector<16xf32>
      %parallel_loop3A_693 = arith.addf %parallel_loop3A_691, %parallel_loop3A_692 : vector<16xf32>
      %parallel_loop3A_694 = arith.constant true
      %parallel_loop3A_695 = vector.broadcast %parallel_loop3A_694 : i1 to vector<16xi1>
      %parallel_loop3A_696 = tpu.scan <sum>, %parallel_loop3A_693 masked %parallel_loop3A_695 : vector<16xf32>, vector<16xi1> -> vector<16xf32>
      %parallel_loop3A_697 = vector.extract %parallel_loop3A_696[15] : f32 from vector<16xf32>
      %parallel_loop3A_698 = arith.constant 0.000000e+00 : f32
      %parallel_loop3A_699 = vector.broadcast %parallel_loop3A_697 : f32 to vector<16xf32>
      %parallel_loop3A_700 = vector.broadcast %parallel_loop3A_698 : f32 to vector<16xf32>
      %parallel_loop3A_701 = arith.select %parallel_loop3A_690, %parallel_loop3A_699, %parallel_loop3A_700 : vector<16xi1>, vector<16xf32>
      %parallel_loop3A_702 = arith.addf %parallel_loop3A_637, %parallel_loop3A_701 : vector<16xf32>
      %parallel_loop3A_703 = arith.mulf %parallel_loop3A_670, %get3A_18 : vector<16xf32>
      %parallel_loop3A_704 = arith.mulf %parallel_loop3A_687, %get3A_20 : vector<16xf32>
      %parallel_loop3A_705 = arith.addf %parallel_loop3A_703, %parallel_loop3A_704 : vector<16xf32>
      %parallel_loop3A_706 = arith.constant true
      %parallel_loop3A_707 = vector.broadcast %parallel_loop3A_706 : i1 to vector<16xi1>
      %parallel_loop3A_708 = tpu.scan <sum>, %parallel_loop3A_705 masked %parallel_loop3A_707 : vector<16xf32>, vector<16xi1> -> vector<16xf32>
      %parallel_loop3A_709 = vector.extract %parallel_loop3A_708[15] : f32 from vector<16xf32>
      %parallel_loop3A_710 = arith.constant 0.000000e+00 : f32
      %parallel_loop3A_711 = vector.broadcast %parallel_loop3A_709 : f32 to vector<16xf32>
      %parallel_loop3A_712 = vector.broadcast %parallel_loop3A_710 : f32 to vector<16xf32>
      %parallel_loop3A_713 = arith.select %parallel_loop3A_690, %parallel_loop3A_711, %parallel_loop3A_712 : vector<16xi1>, vector<16xf32>
      %parallel_loop3A_714 = arith.addf %parallel_loop3A_649, %parallel_loop3A_713 : vector<16xf32>
      %parallel_loop3A_715 = arith.constant 8 : i32
      %parallel_loop3A_716 = arith.addi %parallel_loop3A_179, %parallel_loop3A_715 : i32
      %parallel_loop3A_717 = vector.extract_strided_slice %parallel_loop3A_190 {offsets = [8], sizes = [1], strides = [1]} : vector<16xf32> to vector<1xf32>
      %parallel_loop3A_718 = vector.extract %parallel_loop3A_717[0] : f32 from vector<1xf32>
      %parallel_loop3A_719 = arith.index_cast %parallel_loop3A_716 : i32 to index
      %parallel_loop3A_720 = arith.constant 0 : index
      %parallel_loop3A_721 = tpu.vector_load %arg13[%parallel_loop3A_719, %parallel_loop3A_720] {strides = array<i32>} : memref<640x32xf32, #tpu.memory_space<vmem>>, vector<16xf32>,
      %parallel_loop3A_722 = arith.index_cast %parallel_loop3A_716 : i32 to index
      %parallel_loop3A_723 = arith.constant 0 : index
      %parallel_loop3A_724 = tpu.vector_load %arg14[%parallel_loop3A_722, %parallel_loop3A_723] {strides = array<i32>} : memref<640x32xf32, #tpu.memory_space<vmem>>, vector<16xf32>,
      %parallel_loop3A_725 = arith.addf %parallel_loop3A_721, %parallel_loop3A_724 : vector<16xf32>
      %parallel_loop3A_726 = vector.broadcast %parallel_loop3A_718 : f32 to vector<16xf32>
      %parallel_loop3A_727 = arith.mulf %parallel_loop3A_725, %parallel_loop3A_726 : vector<16xf32>
      %parallel_loop3A_728 = arith.addf %parallel_loop3A_727, %get3A_10 : vector<16xf32>
      %parallel_loop3A_729 = arith.index_cast %parallel_loop3A_716 : i32 to index
      %parallel_loop3A_730 = arith.constant 0 : index
      %parallel_loop3A_731 = tpu.vector_load %arg17[%parallel_loop3A_729, %parallel_loop3A_730] {strides = array<i32>} : memref<640x32xf32, #tpu.memory_space<vmem>>, vector<16xf32>,
      %parallel_loop3A_732 = arith.addf %parallel_loop3A_728, %parallel_loop3A_731 : vector<16xf32>
      %parallel_loop3A_733 = arith.constant 0.000000e+00 : f32
      %parallel_loop3A_734 = vector.broadcast %parallel_loop3A_733 : f32 to vector<16xf32>
      %parallel_loop3A_735 = arith.maximumf %parallel_loop3A_732, %parallel_loop3A_734 : vector<16xf32>
      %parallel_loop3A_736 = arith.index_cast %parallel_loop3A_716 : i32 to index
      %parallel_loop3A_737 = arith.constant 16 : index
      %parallel_loop3A_738 = tpu.vector_load %arg13[%parallel_loop3A_736, %parallel_loop3A_737] {strides = array<i32>} : memref<640x32xf32, #tpu.memory_space<vmem>>, vector<16xf32>,
      %parallel_loop3A_739 = arith.index_cast %parallel_loop3A_716 : i32 to index
      %parallel_loop3A_740 = arith.constant 16 : index
      %parallel_loop3A_741 = tpu.vector_load %arg14[%parallel_loop3A_739, %parallel_loop3A_740] {strides = array<i32>} : memref<640x32xf32, #tpu.memory_space<vmem>>, vector<16xf32>,
      %parallel_loop3A_742 = arith.addf %parallel_loop3A_738, %parallel_loop3A_741 : vector<16xf32>
      %parallel_loop3A_743 = vector.broadcast %parallel_loop3A_718 : f32 to vector<16xf32>
      %parallel_loop3A_744 = arith.mulf %parallel_loop3A_742, %parallel_loop3A_743 : vector<16xf32>
      %parallel_loop3A_745 = arith.addf %parallel_loop3A_744, %get3A_12 : vector<16xf32>
      %parallel_loop3A_746 = arith.index_cast %parallel_loop3A_716 : i32 to index
      %parallel_loop3A_747 = arith.constant 16 : index
      %parallel_loop3A_748 = tpu.vector_load %arg17[%parallel_loop3A_746, %parallel_loop3A_747] {strides = array<i32>} : memref<640x32xf32, #tpu.memory_space<vmem>>, vector<16xf32>,
      %parallel_loop3A_749 = arith.addf %parallel_loop3A_745, %parallel_loop3A_748 : vector<16xf32>
      %parallel_loop3A_750 = arith.constant 0.000000e+00 : f32
      %parallel_loop3A_751 = vector.broadcast %parallel_loop3A_750 : f32 to vector<16xf32>
      %parallel_loop3A_752 = arith.maximumf %parallel_loop3A_749, %parallel_loop3A_751 : vector<16xf32>
      %parallel_loop3A_753 = arith.constant 8 : i32
      %parallel_loop3A_754 = vector.broadcast %parallel_loop3A_753 : i32 to vector<16xi32>
      %parallel_loop3A_755 = arith.cmpi eq, %iota3A, %parallel_loop3A_754 : vector<16xi32>
      %parallel_loop3A_756 = arith.mulf %parallel_loop3A_735, %get3A_14 : vector<16xf32>
      %parallel_loop3A_757 = arith.mulf %parallel_loop3A_752, %get3A_16 : vector<16xf32>
      %parallel_loop3A_758 = arith.addf %parallel_loop3A_756, %parallel_loop3A_757 : vector<16xf32>
      %parallel_loop3A_759 = arith.constant true
      %parallel_loop3A_760 = vector.broadcast %parallel_loop3A_759 : i1 to vector<16xi1>
      %parallel_loop3A_761 = tpu.scan <sum>, %parallel_loop3A_758 masked %parallel_loop3A_760 : vector<16xf32>, vector<16xi1> -> vector<16xf32>
      %parallel_loop3A_762 = vector.extract %parallel_loop3A_761[15] : f32 from vector<16xf32>
      %parallel_loop3A_763 = arith.constant 0.000000e+00 : f32
      %parallel_loop3A_764 = vector.broadcast %parallel_loop3A_762 : f32 to vector<16xf32>
      %parallel_loop3A_765 = vector.broadcast %parallel_loop3A_763 : f32 to vector<16xf32>
      %parallel_loop3A_766 = arith.select %parallel_loop3A_755, %parallel_loop3A_764, %parallel_loop3A_765 : vector<16xi1>, vector<16xf32>
      %parallel_loop3A_767 = arith.addf %parallel_loop3A_702, %parallel_loop3A_766 : vector<16xf32>
      %parallel_loop3A_768 = arith.mulf %parallel_loop3A_735, %get3A_18 : vector<16xf32>
      %parallel_loop3A_769 = arith.mulf %parallel_loop3A_752, %get3A_20 : vector<16xf32>
      %parallel_loop3A_770 = arith.addf %parallel_loop3A_768, %parallel_loop3A_769 : vector<16xf32>
      %parallel_loop3A_771 = arith.constant true
      %parallel_loop3A_772 = vector.broadcast %parallel_loop3A_771 : i1 to vector<16xi1>
      %parallel_loop3A_773 = tpu.scan <sum>, %parallel_loop3A_770 masked %parallel_loop3A_772 : vector<16xf32>, vector<16xi1> -> vector<16xf32>
      %parallel_loop3A_774 = vector.extract %parallel_loop3A_773[15] : f32 from vector<16xf32>
      %parallel_loop3A_775 = arith.constant 0.000000e+00 : f32
      %parallel_loop3A_776 = vector.broadcast %parallel_loop3A_774 : f32 to vector<16xf32>
      %parallel_loop3A_777 = vector.broadcast %parallel_loop3A_775 : f32 to vector<16xf32>
      %parallel_loop3A_778 = arith.select %parallel_loop3A_755, %parallel_loop3A_776, %parallel_loop3A_777 : vector<16xi1>, vector<16xf32>
      %parallel_loop3A_779 = arith.addf %parallel_loop3A_714, %parallel_loop3A_778 : vector<16xf32>
      %parallel_loop3A_780 = arith.constant 9 : i32
      %parallel_loop3A_781 = arith.addi %parallel_loop3A_179, %parallel_loop3A_780 : i32
      %parallel_loop3A_782 = vector.extract_strided_slice %parallel_loop3A_190 {offsets = [9], sizes = [1], strides = [1]} : vector<16xf32> to vector<1xf32>
      %parallel_loop3A_783 = vector.extract %parallel_loop3A_782[0] : f32 from vector<1xf32>
      %parallel_loop3A_784 = arith.index_cast %parallel_loop3A_781 : i32 to index
      %parallel_loop3A_785 = arith.constant 0 : index
      %parallel_loop3A_786 = tpu.vector_load %arg13[%parallel_loop3A_784, %parallel_loop3A_785] {strides = array<i32>} : memref<640x32xf32, #tpu.memory_space<vmem>>, vector<16xf32>,
      %parallel_loop3A_787 = arith.index_cast %parallel_loop3A_781 : i32 to index
      %parallel_loop3A_788 = arith.constant 0 : index
      %parallel_loop3A_789 = tpu.vector_load %arg14[%parallel_loop3A_787, %parallel_loop3A_788] {strides = array<i32>} : memref<640x32xf32, #tpu.memory_space<vmem>>, vector<16xf32>,
      %parallel_loop3A_790 = arith.addf %parallel_loop3A_786, %parallel_loop3A_789 : vector<16xf32>
      %parallel_loop3A_791 = vector.broadcast %parallel_loop3A_783 : f32 to vector<16xf32>
      %parallel_loop3A_792 = arith.mulf %parallel_loop3A_790, %parallel_loop3A_791 : vector<16xf32>
      %parallel_loop3A_793 = arith.addf %parallel_loop3A_792, %get3A_10 : vector<16xf32>
      %parallel_loop3A_794 = arith.index_cast %parallel_loop3A_781 : i32 to index
      %parallel_loop3A_795 = arith.constant 0 : index
      %parallel_loop3A_796 = tpu.vector_load %arg17[%parallel_loop3A_794, %parallel_loop3A_795] {strides = array<i32>} : memref<640x32xf32, #tpu.memory_space<vmem>>, vector<16xf32>,
      %parallel_loop3A_797 = arith.addf %parallel_loop3A_793, %parallel_loop3A_796 : vector<16xf32>
      %parallel_loop3A_798 = arith.constant 0.000000e+00 : f32
      %parallel_loop3A_799 = vector.broadcast %parallel_loop3A_798 : f32 to vector<16xf32>
      %parallel_loop3A_800 = arith.maximumf %parallel_loop3A_797, %parallel_loop3A_799 : vector<16xf32>
      %parallel_loop3A_801 = arith.index_cast %parallel_loop3A_781 : i32 to index
      %parallel_loop3A_802 = arith.constant 16 : index
      %parallel_loop3A_803 = tpu.vector_load %arg13[%parallel_loop3A_801, %parallel_loop3A_802] {strides = array<i32>} : memref<640x32xf32, #tpu.memory_space<vmem>>, vector<16xf32>,
      %parallel_loop3A_804 = arith.index_cast %parallel_loop3A_781 : i32 to index
      %parallel_loop3A_805 = arith.constant 16 : index
      %parallel_loop3A_806 = tpu.vector_load %arg14[%parallel_loop3A_804, %parallel_loop3A_805] {strides = array<i32>} : memref<640x32xf32, #tpu.memory_space<vmem>>, vector<16xf32>,
      %parallel_loop3A_807 = arith.addf %parallel_loop3A_803, %parallel_loop3A_806 : vector<16xf32>
      %parallel_loop3A_808 = vector.broadcast %parallel_loop3A_783 : f32 to vector<16xf32>
      %parallel_loop3A_809 = arith.mulf %parallel_loop3A_807, %parallel_loop3A_808 : vector<16xf32>
      %parallel_loop3A_810 = arith.addf %parallel_loop3A_809, %get3A_12 : vector<16xf32>
      %parallel_loop3A_811 = arith.index_cast %parallel_loop3A_781 : i32 to index
      %parallel_loop3A_812 = arith.constant 16 : index
      %parallel_loop3A_813 = tpu.vector_load %arg17[%parallel_loop3A_811, %parallel_loop3A_812] {strides = array<i32>} : memref<640x32xf32, #tpu.memory_space<vmem>>, vector<16xf32>,
      %parallel_loop3A_814 = arith.addf %parallel_loop3A_810, %parallel_loop3A_813 : vector<16xf32>
      %parallel_loop3A_815 = arith.constant 0.000000e+00 : f32
      %parallel_loop3A_816 = vector.broadcast %parallel_loop3A_815 : f32 to vector<16xf32>
      %parallel_loop3A_817 = arith.maximumf %parallel_loop3A_814, %parallel_loop3A_816 : vector<16xf32>
      %parallel_loop3A_818 = arith.constant 9 : i32
      %parallel_loop3A_819 = vector.broadcast %parallel_loop3A_818 : i32 to vector<16xi32>
      %parallel_loop3A_820 = arith.cmpi eq, %iota3A, %parallel_loop3A_819 : vector<16xi32>
      %parallel_loop3A_821 = arith.mulf %parallel_loop3A_800, %get3A_14 : vector<16xf32>
      %parallel_loop3A_822 = arith.mulf %parallel_loop3A_817, %get3A_16 : vector<16xf32>
      %parallel_loop3A_823 = arith.addf %parallel_loop3A_821, %parallel_loop3A_822 : vector<16xf32>
      %parallel_loop3A_824 = arith.constant true
      %parallel_loop3A_825 = vector.broadcast %parallel_loop3A_824 : i1 to vector<16xi1>
      %parallel_loop3A_826 = tpu.scan <sum>, %parallel_loop3A_823 masked %parallel_loop3A_825 : vector<16xf32>, vector<16xi1> -> vector<16xf32>
      %parallel_loop3A_827 = vector.extract %parallel_loop3A_826[15] : f32 from vector<16xf32>
      %parallel_loop3A_828 = arith.constant 0.000000e+00 : f32
      %parallel_loop3A_829 = vector.broadcast %parallel_loop3A_827 : f32 to vector<16xf32>
      %parallel_loop3A_830 = vector.broadcast %parallel_loop3A_828 : f32 to vector<16xf32>
      %parallel_loop3A_831 = arith.select %parallel_loop3A_820, %parallel_loop3A_829, %parallel_loop3A_830 : vector<16xi1>, vector<16xf32>
      %parallel_loop3A_832 = arith.addf %parallel_loop3A_767, %parallel_loop3A_831 : vector<16xf32>
      %parallel_loop3A_833 = arith.mulf %parallel_loop3A_800, %get3A_18 : vector<16xf32>
      %parallel_loop3A_834 = arith.mulf %parallel_loop3A_817, %get3A_20 : vector<16xf32>
      %parallel_loop3A_835 = arith.addf %parallel_loop3A_833, %parallel_loop3A_834 : vector<16xf32>
      %parallel_loop3A_836 = arith.constant true
      %parallel_loop3A_837 = vector.broadcast %parallel_loop3A_836 : i1 to vector<16xi1>
      %parallel_loop3A_838 = tpu.scan <sum>, %parallel_loop3A_835 masked %parallel_loop3A_837 : vector<16xf32>, vector<16xi1> -> vector<16xf32>
      %parallel_loop3A_839 = vector.extract %parallel_loop3A_838[15] : f32 from vector<16xf32>
      %parallel_loop3A_840 = arith.constant 0.000000e+00 : f32
      %parallel_loop3A_841 = vector.broadcast %parallel_loop3A_839 : f32 to vector<16xf32>
      %parallel_loop3A_842 = vector.broadcast %parallel_loop3A_840 : f32 to vector<16xf32>
      %parallel_loop3A_843 = arith.select %parallel_loop3A_820, %parallel_loop3A_841, %parallel_loop3A_842 : vector<16xi1>, vector<16xf32>
      %parallel_loop3A_844 = arith.addf %parallel_loop3A_779, %parallel_loop3A_843 : vector<16xf32>
      %parallel_loop3A_845 = arith.constant 10 : i32
      %parallel_loop3A_846 = arith.addi %parallel_loop3A_179, %parallel_loop3A_845 : i32
      %parallel_loop3A_847 = vector.extract_strided_slice %parallel_loop3A_190 {offsets = [10], sizes = [1], strides = [1]} : vector<16xf32> to vector<1xf32>
      %parallel_loop3A_848 = vector.extract %parallel_loop3A_847[0] : f32 from vector<1xf32>
      %parallel_loop3A_849 = arith.index_cast %parallel_loop3A_846 : i32 to index
      %parallel_loop3A_850 = arith.constant 0 : index
      %parallel_loop3A_851 = tpu.vector_load %arg13[%parallel_loop3A_849, %parallel_loop3A_850] {strides = array<i32>} : memref<640x32xf32, #tpu.memory_space<vmem>>, vector<16xf32>,
      %parallel_loop3A_852 = arith.index_cast %parallel_loop3A_846 : i32 to index
      %parallel_loop3A_853 = arith.constant 0 : index
      %parallel_loop3A_854 = tpu.vector_load %arg14[%parallel_loop3A_852, %parallel_loop3A_853] {strides = array<i32>} : memref<640x32xf32, #tpu.memory_space<vmem>>, vector<16xf32>,
      %parallel_loop3A_855 = arith.addf %parallel_loop3A_851, %parallel_loop3A_854 : vector<16xf32>
      %parallel_loop3A_856 = vector.broadcast %parallel_loop3A_848 : f32 to vector<16xf32>
      %parallel_loop3A_857 = arith.mulf %parallel_loop3A_855, %parallel_loop3A_856 : vector<16xf32>
      %parallel_loop3A_858 = arith.addf %parallel_loop3A_857, %get3A_10 : vector<16xf32>
      %parallel_loop3A_859 = arith.index_cast %parallel_loop3A_846 : i32 to index
      %parallel_loop3A_860 = arith.constant 0 : index
      %parallel_loop3A_861 = tpu.vector_load %arg17[%parallel_loop3A_859, %parallel_loop3A_860] {strides = array<i32>} : memref<640x32xf32, #tpu.memory_space<vmem>>, vector<16xf32>,
      %parallel_loop3A_862 = arith.addf %parallel_loop3A_858, %parallel_loop3A_861 : vector<16xf32>
      %parallel_loop3A_863 = arith.constant 0.000000e+00 : f32
      %parallel_loop3A_864 = vector.broadcast %parallel_loop3A_863 : f32 to vector<16xf32>
      %parallel_loop3A_865 = arith.maximumf %parallel_loop3A_862, %parallel_loop3A_864 : vector<16xf32>
      %parallel_loop3A_866 = arith.index_cast %parallel_loop3A_846 : i32 to index
      %parallel_loop3A_867 = arith.constant 16 : index
      %parallel_loop3A_868 = tpu.vector_load %arg13[%parallel_loop3A_866, %parallel_loop3A_867] {strides = array<i32>} : memref<640x32xf32, #tpu.memory_space<vmem>>, vector<16xf32>,
      %parallel_loop3A_869 = arith.index_cast %parallel_loop3A_846 : i32 to index
      %parallel_loop3A_870 = arith.constant 16 : index
      %parallel_loop3A_871 = tpu.vector_load %arg14[%parallel_loop3A_869, %parallel_loop3A_870] {strides = array<i32>} : memref<640x32xf32, #tpu.memory_space<vmem>>, vector<16xf32>,
      %parallel_loop3A_872 = arith.addf %parallel_loop3A_868, %parallel_loop3A_871 : vector<16xf32>
      %parallel_loop3A_873 = vector.broadcast %parallel_loop3A_848 : f32 to vector<16xf32>
      %parallel_loop3A_874 = arith.mulf %parallel_loop3A_872, %parallel_loop3A_873 : vector<16xf32>
      %parallel_loop3A_875 = arith.addf %parallel_loop3A_874, %get3A_12 : vector<16xf32>
      %parallel_loop3A_876 = arith.index_cast %parallel_loop3A_846 : i32 to index
      %parallel_loop3A_877 = arith.constant 16 : index
      %parallel_loop3A_878 = tpu.vector_load %arg17[%parallel_loop3A_876, %parallel_loop3A_877] {strides = array<i32>} : memref<640x32xf32, #tpu.memory_space<vmem>>, vector<16xf32>,
      %parallel_loop3A_879 = arith.addf %parallel_loop3A_875, %parallel_loop3A_878 : vector<16xf32>
      %parallel_loop3A_880 = arith.constant 0.000000e+00 : f32
      %parallel_loop3A_881 = vector.broadcast %parallel_loop3A_880 : f32 to vector<16xf32>
      %parallel_loop3A_882 = arith.maximumf %parallel_loop3A_879, %parallel_loop3A_881 : vector<16xf32>
      %parallel_loop3A_883 = arith.constant 10 : i32
      %parallel_loop3A_884 = vector.broadcast %parallel_loop3A_883 : i32 to vector<16xi32>
      %parallel_loop3A_885 = arith.cmpi eq, %iota3A, %parallel_loop3A_884 : vector<16xi32>
      %parallel_loop3A_886 = arith.mulf %parallel_loop3A_865, %get3A_14 : vector<16xf32>
      %parallel_loop3A_887 = arith.mulf %parallel_loop3A_882, %get3A_16 : vector<16xf32>
      %parallel_loop3A_888 = arith.addf %parallel_loop3A_886, %parallel_loop3A_887 : vector<16xf32>
      %parallel_loop3A_889 = arith.constant true
      %parallel_loop3A_890 = vector.broadcast %parallel_loop3A_889 : i1 to vector<16xi1>
      %parallel_loop3A_891 = tpu.scan <sum>, %parallel_loop3A_888 masked %parallel_loop3A_890 : vector<16xf32>, vector<16xi1> -> vector<16xf32>
      %parallel_loop3A_892 = vector.extract %parallel_loop3A_891[15] : f32 from vector<16xf32>
      %parallel_loop3A_893 = arith.constant 0.000000e+00 : f32
      %parallel_loop3A_894 = vector.broadcast %parallel_loop3A_892 : f32 to vector<16xf32>
      %parallel_loop3A_895 = vector.broadcast %parallel_loop3A_893 : f32 to vector<16xf32>
      %parallel_loop3A_896 = arith.select %parallel_loop3A_885, %parallel_loop3A_894, %parallel_loop3A_895 : vector<16xi1>, vector<16xf32>
      %parallel_loop3A_897 = arith.addf %parallel_loop3A_832, %parallel_loop3A_896 : vector<16xf32>
      %parallel_loop3A_898 = arith.mulf %parallel_loop3A_865, %get3A_18 : vector<16xf32>
      %parallel_loop3A_899 = arith.mulf %parallel_loop3A_882, %get3A_20 : vector<16xf32>
      %parallel_loop3A_900 = arith.addf %parallel_loop3A_898, %parallel_loop3A_899 : vector<16xf32>
      %parallel_loop3A_901 = arith.constant true
      %parallel_loop3A_902 = vector.broadcast %parallel_loop3A_901 : i1 to vector<16xi1>
      %parallel_loop3A_903 = tpu.scan <sum>, %parallel_loop3A_900 masked %parallel_loop3A_902 : vector<16xf32>, vector<16xi1> -> vector<16xf32>
      %parallel_loop3A_904 = vector.extract %parallel_loop3A_903[15] : f32 from vector<16xf32>
      %parallel_loop3A_905 = arith.constant 0.000000e+00 : f32
      %parallel_loop3A_906 = vector.broadcast %parallel_loop3A_904 : f32 to vector<16xf32>
      %parallel_loop3A_907 = vector.broadcast %parallel_loop3A_905 : f32 to vector<16xf32>
      %parallel_loop3A_908 = arith.select %parallel_loop3A_885, %parallel_loop3A_906, %parallel_loop3A_907 : vector<16xi1>, vector<16xf32>
      %parallel_loop3A_909 = arith.addf %parallel_loop3A_844, %parallel_loop3A_908 : vector<16xf32>
      %parallel_loop3A_910 = arith.constant 11 : i32
      %parallel_loop3A_911 = arith.addi %parallel_loop3A_179, %parallel_loop3A_910 : i32
      %parallel_loop3A_912 = vector.extract_strided_slice %parallel_loop3A_190 {offsets = [11], sizes = [1], strides = [1]} : vector<16xf32> to vector<1xf32>
      %parallel_loop3A_913 = vector.extract %parallel_loop3A_912[0] : f32 from vector<1xf32>
      %parallel_loop3A_914 = arith.index_cast %parallel_loop3A_911 : i32 to index
      %parallel_loop3A_915 = arith.constant 0 : index
      %parallel_loop3A_916 = tpu.vector_load %arg13[%parallel_loop3A_914, %parallel_loop3A_915] {strides = array<i32>} : memref<640x32xf32, #tpu.memory_space<vmem>>, vector<16xf32>,
      %parallel_loop3A_917 = arith.index_cast %parallel_loop3A_911 : i32 to index
      %parallel_loop3A_918 = arith.constant 0 : index
      %parallel_loop3A_919 = tpu.vector_load %arg14[%parallel_loop3A_917, %parallel_loop3A_918] {strides = array<i32>} : memref<640x32xf32, #tpu.memory_space<vmem>>, vector<16xf32>,
      %parallel_loop3A_920 = arith.addf %parallel_loop3A_916, %parallel_loop3A_919 : vector<16xf32>
      %parallel_loop3A_921 = vector.broadcast %parallel_loop3A_913 : f32 to vector<16xf32>
      %parallel_loop3A_922 = arith.mulf %parallel_loop3A_920, %parallel_loop3A_921 : vector<16xf32>
      %parallel_loop3A_923 = arith.addf %parallel_loop3A_922, %get3A_10 : vector<16xf32>
      %parallel_loop3A_924 = arith.index_cast %parallel_loop3A_911 : i32 to index
      %parallel_loop3A_925 = arith.constant 0 : index
      %parallel_loop3A_926 = tpu.vector_load %arg17[%parallel_loop3A_924, %parallel_loop3A_925] {strides = array<i32>} : memref<640x32xf32, #tpu.memory_space<vmem>>, vector<16xf32>,
      %parallel_loop3A_927 = arith.addf %parallel_loop3A_923, %parallel_loop3A_926 : vector<16xf32>
      %parallel_loop3A_928 = arith.constant 0.000000e+00 : f32
      %parallel_loop3A_929 = vector.broadcast %parallel_loop3A_928 : f32 to vector<16xf32>
      %parallel_loop3A_930 = arith.maximumf %parallel_loop3A_927, %parallel_loop3A_929 : vector<16xf32>
      %parallel_loop3A_931 = arith.index_cast %parallel_loop3A_911 : i32 to index
      %parallel_loop3A_932 = arith.constant 16 : index
      %parallel_loop3A_933 = tpu.vector_load %arg13[%parallel_loop3A_931, %parallel_loop3A_932] {strides = array<i32>} : memref<640x32xf32, #tpu.memory_space<vmem>>, vector<16xf32>,
      %parallel_loop3A_934 = arith.index_cast %parallel_loop3A_911 : i32 to index
      %parallel_loop3A_935 = arith.constant 16 : index
      %parallel_loop3A_936 = tpu.vector_load %arg14[%parallel_loop3A_934, %parallel_loop3A_935] {strides = array<i32>} : memref<640x32xf32, #tpu.memory_space<vmem>>, vector<16xf32>,
      %parallel_loop3A_937 = arith.addf %parallel_loop3A_933, %parallel_loop3A_936 : vector<16xf32>
      %parallel_loop3A_938 = vector.broadcast %parallel_loop3A_913 : f32 to vector<16xf32>
      %parallel_loop3A_939 = arith.mulf %parallel_loop3A_937, %parallel_loop3A_938 : vector<16xf32>
      %parallel_loop3A_940 = arith.addf %parallel_loop3A_939, %get3A_12 : vector<16xf32>
      %parallel_loop3A_941 = arith.index_cast %parallel_loop3A_911 : i32 to index
      %parallel_loop3A_942 = arith.constant 16 : index
      %parallel_loop3A_943 = tpu.vector_load %arg17[%parallel_loop3A_941, %parallel_loop3A_942] {strides = array<i32>} : memref<640x32xf32, #tpu.memory_space<vmem>>, vector<16xf32>,
      %parallel_loop3A_944 = arith.addf %parallel_loop3A_940, %parallel_loop3A_943 : vector<16xf32>
      %parallel_loop3A_945 = arith.constant 0.000000e+00 : f32
      %parallel_loop3A_946 = vector.broadcast %parallel_loop3A_945 : f32 to vector<16xf32>
      %parallel_loop3A_947 = arith.maximumf %parallel_loop3A_944, %parallel_loop3A_946 : vector<16xf32>
      %parallel_loop3A_948 = arith.constant 11 : i32
      %parallel_loop3A_949 = vector.broadcast %parallel_loop3A_948 : i32 to vector<16xi32>
      %parallel_loop3A_950 = arith.cmpi eq, %iota3A, %parallel_loop3A_949 : vector<16xi32>
      %parallel_loop3A_951 = arith.mulf %parallel_loop3A_930, %get3A_14 : vector<16xf32>
      %parallel_loop3A_952 = arith.mulf %parallel_loop3A_947, %get3A_16 : vector<16xf32>
      %parallel_loop3A_953 = arith.addf %parallel_loop3A_951, %parallel_loop3A_952 : vector<16xf32>
      %parallel_loop3A_954 = arith.constant true
      %parallel_loop3A_955 = vector.broadcast %parallel_loop3A_954 : i1 to vector<16xi1>
      %parallel_loop3A_956 = tpu.scan <sum>, %parallel_loop3A_953 masked %parallel_loop3A_955 : vector<16xf32>, vector<16xi1> -> vector<16xf32>
      %parallel_loop3A_957 = vector.extract %parallel_loop3A_956[15] : f32 from vector<16xf32>
      %parallel_loop3A_958 = arith.constant 0.000000e+00 : f32
      %parallel_loop3A_959 = vector.broadcast %parallel_loop3A_957 : f32 to vector<16xf32>
      %parallel_loop3A_960 = vector.broadcast %parallel_loop3A_958 : f32 to vector<16xf32>
      %parallel_loop3A_961 = arith.select %parallel_loop3A_950, %parallel_loop3A_959, %parallel_loop3A_960 : vector<16xi1>, vector<16xf32>
      %parallel_loop3A_962 = arith.addf %parallel_loop3A_897, %parallel_loop3A_961 : vector<16xf32>
      %parallel_loop3A_963 = arith.mulf %parallel_loop3A_930, %get3A_18 : vector<16xf32>
      %parallel_loop3A_964 = arith.mulf %parallel_loop3A_947, %get3A_20 : vector<16xf32>
      %parallel_loop3A_965 = arith.addf %parallel_loop3A_963, %parallel_loop3A_964 : vector<16xf32>
      %parallel_loop3A_966 = arith.constant true
      %parallel_loop3A_967 = vector.broadcast %parallel_loop3A_966 : i1 to vector<16xi1>
      %parallel_loop3A_968 = tpu.scan <sum>, %parallel_loop3A_965 masked %parallel_loop3A_967 : vector<16xf32>, vector<16xi1> -> vector<16xf32>
      %parallel_loop3A_969 = vector.extract %parallel_loop3A_968[15] : f32 from vector<16xf32>
      %parallel_loop3A_970 = arith.constant 0.000000e+00 : f32
      %parallel_loop3A_971 = vector.broadcast %parallel_loop3A_969 : f32 to vector<16xf32>
      %parallel_loop3A_972 = vector.broadcast %parallel_loop3A_970 : f32 to vector<16xf32>
      %parallel_loop3A_973 = arith.select %parallel_loop3A_950, %parallel_loop3A_971, %parallel_loop3A_972 : vector<16xi1>, vector<16xf32>
      %parallel_loop3A_974 = arith.addf %parallel_loop3A_909, %parallel_loop3A_973 : vector<16xf32>
      %parallel_loop3A_975 = arith.constant 12 : i32
      %parallel_loop3A_976 = arith.addi %parallel_loop3A_179, %parallel_loop3A_975 : i32
      %parallel_loop3A_977 = vector.extract_strided_slice %parallel_loop3A_190 {offsets = [12], sizes = [1], strides = [1]} : vector<16xf32> to vector<1xf32>
      %parallel_loop3A_978 = vector.extract %parallel_loop3A_977[0] : f32 from vector<1xf32>
      %parallel_loop3A_979 = arith.index_cast %parallel_loop3A_976 : i32 to index
      %parallel_loop3A_980 = arith.constant 0 : index
      %parallel_loop3A_981 = tpu.vector_load %arg13[%parallel_loop3A_979, %parallel_loop3A_980] {strides = array<i32>} : memref<640x32xf32, #tpu.memory_space<vmem>>, vector<16xf32>,
      %parallel_loop3A_982 = arith.index_cast %parallel_loop3A_976 : i32 to index
      %parallel_loop3A_983 = arith.constant 0 : index
      %parallel_loop3A_984 = tpu.vector_load %arg14[%parallel_loop3A_982, %parallel_loop3A_983] {strides = array<i32>} : memref<640x32xf32, #tpu.memory_space<vmem>>, vector<16xf32>,
      %parallel_loop3A_985 = arith.addf %parallel_loop3A_981, %parallel_loop3A_984 : vector<16xf32>
      %parallel_loop3A_986 = vector.broadcast %parallel_loop3A_978 : f32 to vector<16xf32>
      %parallel_loop3A_987 = arith.mulf %parallel_loop3A_985, %parallel_loop3A_986 : vector<16xf32>
      %parallel_loop3A_988 = arith.addf %parallel_loop3A_987, %get3A_10 : vector<16xf32>
      %parallel_loop3A_989 = arith.index_cast %parallel_loop3A_976 : i32 to index
      %parallel_loop3A_990 = arith.constant 0 : index
      %parallel_loop3A_991 = tpu.vector_load %arg17[%parallel_loop3A_989, %parallel_loop3A_990] {strides = array<i32>} : memref<640x32xf32, #tpu.memory_space<vmem>>, vector<16xf32>,
      %parallel_loop3A_992 = arith.addf %parallel_loop3A_988, %parallel_loop3A_991 : vector<16xf32>
      %parallel_loop3A_993 = arith.constant 0.000000e+00 : f32
      %parallel_loop3A_994 = vector.broadcast %parallel_loop3A_993 : f32 to vector<16xf32>
      %parallel_loop3A_995 = arith.maximumf %parallel_loop3A_992, %parallel_loop3A_994 : vector<16xf32>
      %parallel_loop3A_996 = arith.index_cast %parallel_loop3A_976 : i32 to index
      %parallel_loop3A_997 = arith.constant 16 : index
      %parallel_loop3A_998 = tpu.vector_load %arg13[%parallel_loop3A_996, %parallel_loop3A_997] {strides = array<i32>} : memref<640x32xf32, #tpu.memory_space<vmem>>, vector<16xf32>,
      %parallel_loop3A_999 = arith.index_cast %parallel_loop3A_976 : i32 to index
      %parallel_loop3A_1000 = arith.constant 16 : index
      %parallel_loop3A_1001 = tpu.vector_load %arg14[%parallel_loop3A_999, %parallel_loop3A_1000] {strides = array<i32>} : memref<640x32xf32, #tpu.memory_space<vmem>>, vector<16xf32>,
      %parallel_loop3A_1002 = arith.addf %parallel_loop3A_998, %parallel_loop3A_1001 : vector<16xf32>
      %parallel_loop3A_1003 = vector.broadcast %parallel_loop3A_978 : f32 to vector<16xf32>
      %parallel_loop3A_1004 = arith.mulf %parallel_loop3A_1002, %parallel_loop3A_1003 : vector<16xf32>
      %parallel_loop3A_1005 = arith.addf %parallel_loop3A_1004, %get3A_12 : vector<16xf32>
      %parallel_loop3A_1006 = arith.index_cast %parallel_loop3A_976 : i32 to index
      %parallel_loop3A_1007 = arith.constant 16 : index
      %parallel_loop3A_1008 = tpu.vector_load %arg17[%parallel_loop3A_1006, %parallel_loop3A_1007] {strides = array<i32>} : memref<640x32xf32, #tpu.memory_space<vmem>>, vector<16xf32>,
      %parallel_loop3A_1009 = arith.addf %parallel_loop3A_1005, %parallel_loop3A_1008 : vector<16xf32>
      %parallel_loop3A_1010 = arith.constant 0.000000e+00 : f32
      %parallel_loop3A_1011 = vector.broadcast %parallel_loop3A_1010 : f32 to vector<16xf32>
      %parallel_loop3A_1012 = arith.maximumf %parallel_loop3A_1009, %parallel_loop3A_1011 : vector<16xf32>
      %parallel_loop3A_1013 = arith.constant 12 : i32
      %parallel_loop3A_1014 = vector.broadcast %parallel_loop3A_1013 : i32 to vector<16xi32>
      %parallel_loop3A_1015 = arith.cmpi eq, %iota3A, %parallel_loop3A_1014 : vector<16xi32>
      %parallel_loop3A_1016 = arith.mulf %parallel_loop3A_995, %get3A_14 : vector<16xf32>
      %parallel_loop3A_1017 = arith.mulf %parallel_loop3A_1012, %get3A_16 : vector<16xf32>
      %parallel_loop3A_1018 = arith.addf %parallel_loop3A_1016, %parallel_loop3A_1017 : vector<16xf32>
      %parallel_loop3A_1019 = arith.constant true
      %parallel_loop3A_1020 = vector.broadcast %parallel_loop3A_1019 : i1 to vector<16xi1>
      %parallel_loop3A_1021 = tpu.scan <sum>, %parallel_loop3A_1018 masked %parallel_loop3A_1020 : vector<16xf32>, vector<16xi1> -> vector<16xf32>
      %parallel_loop3A_1022 = vector.extract %parallel_loop3A_1021[15] : f32 from vector<16xf32>
      %parallel_loop3A_1023 = arith.constant 0.000000e+00 : f32
      %parallel_loop3A_1024 = vector.broadcast %parallel_loop3A_1022 : f32 to vector<16xf32>
      %parallel_loop3A_1025 = vector.broadcast %parallel_loop3A_1023 : f32 to vector<16xf32>
      %parallel_loop3A_1026 = arith.select %parallel_loop3A_1015, %parallel_loop3A_1024, %parallel_loop3A_1025 : vector<16xi1>, vector<16xf32>
      %parallel_loop3A_1027 = arith.addf %parallel_loop3A_962, %parallel_loop3A_1026 : vector<16xf32>
      %parallel_loop3A_1028 = arith.mulf %parallel_loop3A_995, %get3A_18 : vector<16xf32>
      %parallel_loop3A_1029 = arith.mulf %parallel_loop3A_1012, %get3A_20 : vector<16xf32>
      %parallel_loop3A_1030 = arith.addf %parallel_loop3A_1028, %parallel_loop3A_1029 : vector<16xf32>
      %parallel_loop3A_1031 = arith.constant true
      %parallel_loop3A_1032 = vector.broadcast %parallel_loop3A_1031 : i1 to vector<16xi1>
      %parallel_loop3A_1033 = tpu.scan <sum>, %parallel_loop3A_1030 masked %parallel_loop3A_1032 : vector<16xf32>, vector<16xi1> -> vector<16xf32>
      %parallel_loop3A_1034 = vector.extract %parallel_loop3A_1033[15] : f32 from vector<16xf32>
      %parallel_loop3A_1035 = arith.constant 0.000000e+00 : f32
      %parallel_loop3A_1036 = vector.broadcast %parallel_loop3A_1034 : f32 to vector<16xf32>
      %parallel_loop3A_1037 = vector.broadcast %parallel_loop3A_1035 : f32 to vector<16xf32>
      %parallel_loop3A_1038 = arith.select %parallel_loop3A_1015, %parallel_loop3A_1036, %parallel_loop3A_1037 : vector<16xi1>, vector<16xf32>
      %parallel_loop3A_1039 = arith.addf %parallel_loop3A_974, %parallel_loop3A_1038 : vector<16xf32>
      %parallel_loop3A_1040 = arith.constant 13 : i32
      %parallel_loop3A_1041 = arith.addi %parallel_loop3A_179, %parallel_loop3A_1040 : i32
      %parallel_loop3A_1042 = vector.extract_strided_slice %parallel_loop3A_190 {offsets = [13], sizes = [1], strides = [1]} : vector<16xf32> to vector<1xf32>
      %parallel_loop3A_1043 = vector.extract %parallel_loop3A_1042[0] : f32 from vector<1xf32>
      %parallel_loop3A_1044 = arith.index_cast %parallel_loop3A_1041 : i32 to index
      %parallel_loop3A_1045 = arith.constant 0 : index
      %parallel_loop3A_1046 = tpu.vector_load %arg13[%parallel_loop3A_1044, %parallel_loop3A_1045] {strides = array<i32>} : memref<640x32xf32, #tpu.memory_space<vmem>>, vector<16xf32>,
      %parallel_loop3A_1047 = arith.index_cast %parallel_loop3A_1041 : i32 to index
      %parallel_loop3A_1048 = arith.constant 0 : index
      %parallel_loop3A_1049 = tpu.vector_load %arg14[%parallel_loop3A_1047, %parallel_loop3A_1048] {strides = array<i32>} : memref<640x32xf32, #tpu.memory_space<vmem>>, vector<16xf32>,
      %parallel_loop3A_1050 = arith.addf %parallel_loop3A_1046, %parallel_loop3A_1049 : vector<16xf32>
      %parallel_loop3A_1051 = vector.broadcast %parallel_loop3A_1043 : f32 to vector<16xf32>
      %parallel_loop3A_1052 = arith.mulf %parallel_loop3A_1050, %parallel_loop3A_1051 : vector<16xf32>
      %parallel_loop3A_1053 = arith.addf %parallel_loop3A_1052, %get3A_10 : vector<16xf32>
      %parallel_loop3A_1054 = arith.index_cast %parallel_loop3A_1041 : i32 to index
      %parallel_loop3A_1055 = arith.constant 0 : index
      %parallel_loop3A_1056 = tpu.vector_load %arg17[%parallel_loop3A_1054, %parallel_loop3A_1055] {strides = array<i32>} : memref<640x32xf32, #tpu.memory_space<vmem>>, vector<16xf32>,
      %parallel_loop3A_1057 = arith.addf %parallel_loop3A_1053, %parallel_loop3A_1056 : vector<16xf32>
      %parallel_loop3A_1058 = arith.constant 0.000000e+00 : f32
      %parallel_loop3A_1059 = vector.broadcast %parallel_loop3A_1058 : f32 to vector<16xf32>
      %parallel_loop3A_1060 = arith.maximumf %parallel_loop3A_1057, %parallel_loop3A_1059 : vector<16xf32>
      %parallel_loop3A_1061 = arith.index_cast %parallel_loop3A_1041 : i32 to index
      %parallel_loop3A_1062 = arith.constant 16 : index
      %parallel_loop3A_1063 = tpu.vector_load %arg13[%parallel_loop3A_1061, %parallel_loop3A_1062] {strides = array<i32>} : memref<640x32xf32, #tpu.memory_space<vmem>>, vector<16xf32>,
      %parallel_loop3A_1064 = arith.index_cast %parallel_loop3A_1041 : i32 to index
      %parallel_loop3A_1065 = arith.constant 16 : index
      %parallel_loop3A_1066 = tpu.vector_load %arg14[%parallel_loop3A_1064, %parallel_loop3A_1065] {strides = array<i32>} : memref<640x32xf32, #tpu.memory_space<vmem>>, vector<16xf32>,
      %parallel_loop3A_1067 = arith.addf %parallel_loop3A_1063, %parallel_loop3A_1066 : vector<16xf32>
      %parallel_loop3A_1068 = vector.broadcast %parallel_loop3A_1043 : f32 to vector<16xf32>
      %parallel_loop3A_1069 = arith.mulf %parallel_loop3A_1067, %parallel_loop3A_1068 : vector<16xf32>
      %parallel_loop3A_1070 = arith.addf %parallel_loop3A_1069, %get3A_12 : vector<16xf32>
      %parallel_loop3A_1071 = arith.index_cast %parallel_loop3A_1041 : i32 to index
      %parallel_loop3A_1072 = arith.constant 16 : index
      %parallel_loop3A_1073 = tpu.vector_load %arg17[%parallel_loop3A_1071, %parallel_loop3A_1072] {strides = array<i32>} : memref<640x32xf32, #tpu.memory_space<vmem>>, vector<16xf32>,
      %parallel_loop3A_1074 = arith.addf %parallel_loop3A_1070, %parallel_loop3A_1073 : vector<16xf32>
      %parallel_loop3A_1075 = arith.constant 0.000000e+00 : f32
      %parallel_loop3A_1076 = vector.broadcast %parallel_loop3A_1075 : f32 to vector<16xf32>
      %parallel_loop3A_1077 = arith.maximumf %parallel_loop3A_1074, %parallel_loop3A_1076 : vector<16xf32>
      %parallel_loop3A_1078 = arith.constant 13 : i32
      %parallel_loop3A_1079 = vector.broadcast %parallel_loop3A_1078 : i32 to vector<16xi32>
      %parallel_loop3A_1080 = arith.cmpi eq, %iota3A, %parallel_loop3A_1079 : vector<16xi32>
      %parallel_loop3A_1081 = arith.mulf %parallel_loop3A_1060, %get3A_14 : vector<16xf32>
      %parallel_loop3A_1082 = arith.mulf %parallel_loop3A_1077, %get3A_16 : vector<16xf32>
      %parallel_loop3A_1083 = arith.addf %parallel_loop3A_1081, %parallel_loop3A_1082 : vector<16xf32>
      %parallel_loop3A_1084 = arith.constant true
      %parallel_loop3A_1085 = vector.broadcast %parallel_loop3A_1084 : i1 to vector<16xi1>
      %parallel_loop3A_1086 = tpu.scan <sum>, %parallel_loop3A_1083 masked %parallel_loop3A_1085 : vector<16xf32>, vector<16xi1> -> vector<16xf32>
      %parallel_loop3A_1087 = vector.extract %parallel_loop3A_1086[15] : f32 from vector<16xf32>
      %parallel_loop3A_1088 = arith.constant 0.000000e+00 : f32
      %parallel_loop3A_1089 = vector.broadcast %parallel_loop3A_1087 : f32 to vector<16xf32>
      %parallel_loop3A_1090 = vector.broadcast %parallel_loop3A_1088 : f32 to vector<16xf32>
      %parallel_loop3A_1091 = arith.select %parallel_loop3A_1080, %parallel_loop3A_1089, %parallel_loop3A_1090 : vector<16xi1>, vector<16xf32>
      %parallel_loop3A_1092 = arith.addf %parallel_loop3A_1027, %parallel_loop3A_1091 : vector<16xf32>
      %parallel_loop3A_1093 = arith.mulf %parallel_loop3A_1060, %get3A_18 : vector<16xf32>
      %parallel_loop3A_1094 = arith.mulf %parallel_loop3A_1077, %get3A_20 : vector<16xf32>
      %parallel_loop3A_1095 = arith.addf %parallel_loop3A_1093, %parallel_loop3A_1094 : vector<16xf32>
      %parallel_loop3A_1096 = arith.constant true
      %parallel_loop3A_1097 = vector.broadcast %parallel_loop3A_1096 : i1 to vector<16xi1>
      %parallel_loop3A_1098 = tpu.scan <sum>, %parallel_loop3A_1095 masked %parallel_loop3A_1097 : vector<16xf32>, vector<16xi1> -> vector<16xf32>
      %parallel_loop3A_1099 = vector.extract %parallel_loop3A_1098[15] : f32 from vector<16xf32>
      %parallel_loop3A_1100 = arith.constant 0.000000e+00 : f32
      %parallel_loop3A_1101 = vector.broadcast %parallel_loop3A_1099 : f32 to vector<16xf32>
      %parallel_loop3A_1102 = vector.broadcast %parallel_loop3A_1100 : f32 to vector<16xf32>
      %parallel_loop3A_1103 = arith.select %parallel_loop3A_1080, %parallel_loop3A_1101, %parallel_loop3A_1102 : vector<16xi1>, vector<16xf32>
      %parallel_loop3A_1104 = arith.addf %parallel_loop3A_1039, %parallel_loop3A_1103 : vector<16xf32>
      %parallel_loop3A_1105 = arith.constant 14 : i32
      %parallel_loop3A_1106 = arith.addi %parallel_loop3A_179, %parallel_loop3A_1105 : i32
      %parallel_loop3A_1107 = vector.extract_strided_slice %parallel_loop3A_190 {offsets = [14], sizes = [1], strides = [1]} : vector<16xf32> to vector<1xf32>
      %parallel_loop3A_1108 = vector.extract %parallel_loop3A_1107[0] : f32 from vector<1xf32>
      %parallel_loop3A_1109 = arith.index_cast %parallel_loop3A_1106 : i32 to index
      %parallel_loop3A_1110 = arith.constant 0 : index
      %parallel_loop3A_1111 = tpu.vector_load %arg13[%parallel_loop3A_1109, %parallel_loop3A_1110] {strides = array<i32>} : memref<640x32xf32, #tpu.memory_space<vmem>>, vector<16xf32>,
      %parallel_loop3A_1112 = arith.index_cast %parallel_loop3A_1106 : i32 to index
      %parallel_loop3A_1113 = arith.constant 0 : index
      %parallel_loop3A_1114 = tpu.vector_load %arg14[%parallel_loop3A_1112, %parallel_loop3A_1113] {strides = array<i32>} : memref<640x32xf32, #tpu.memory_space<vmem>>, vector<16xf32>,
      %parallel_loop3A_1115 = arith.addf %parallel_loop3A_1111, %parallel_loop3A_1114 : vector<16xf32>
      %parallel_loop3A_1116 = vector.broadcast %parallel_loop3A_1108 : f32 to vector<16xf32>
      %parallel_loop3A_1117 = arith.mulf %parallel_loop3A_1115, %parallel_loop3A_1116 : vector<16xf32>
      %parallel_loop3A_1118 = arith.addf %parallel_loop3A_1117, %get3A_10 : vector<16xf32>
      %parallel_loop3A_1119 = arith.index_cast %parallel_loop3A_1106 : i32 to index
      %parallel_loop3A_1120 = arith.constant 0 : index
      %parallel_loop3A_1121 = tpu.vector_load %arg17[%parallel_loop3A_1119, %parallel_loop3A_1120] {strides = array<i32>} : memref<640x32xf32, #tpu.memory_space<vmem>>, vector<16xf32>,
      %parallel_loop3A_1122 = arith.addf %parallel_loop3A_1118, %parallel_loop3A_1121 : vector<16xf32>
      %parallel_loop3A_1123 = arith.constant 0.000000e+00 : f32
      %parallel_loop3A_1124 = vector.broadcast %parallel_loop3A_1123 : f32 to vector<16xf32>
      %parallel_loop3A_1125 = arith.maximumf %parallel_loop3A_1122, %parallel_loop3A_1124 : vector<16xf32>
      %parallel_loop3A_1126 = arith.index_cast %parallel_loop3A_1106 : i32 to index
      %parallel_loop3A_1127 = arith.constant 16 : index
      %parallel_loop3A_1128 = tpu.vector_load %arg13[%parallel_loop3A_1126, %parallel_loop3A_1127] {strides = array<i32>} : memref<640x32xf32, #tpu.memory_space<vmem>>, vector<16xf32>,
      %parallel_loop3A_1129 = arith.index_cast %parallel_loop3A_1106 : i32 to index
      %parallel_loop3A_1130 = arith.constant 16 : index
      %parallel_loop3A_1131 = tpu.vector_load %arg14[%parallel_loop3A_1129, %parallel_loop3A_1130] {strides = array<i32>} : memref<640x32xf32, #tpu.memory_space<vmem>>, vector<16xf32>,
      %parallel_loop3A_1132 = arith.addf %parallel_loop3A_1128, %parallel_loop3A_1131 : vector<16xf32>
      %parallel_loop3A_1133 = vector.broadcast %parallel_loop3A_1108 : f32 to vector<16xf32>
      %parallel_loop3A_1134 = arith.mulf %parallel_loop3A_1132, %parallel_loop3A_1133 : vector<16xf32>
      %parallel_loop3A_1135 = arith.addf %parallel_loop3A_1134, %get3A_12 : vector<16xf32>
      %parallel_loop3A_1136 = arith.index_cast %parallel_loop3A_1106 : i32 to index
      %parallel_loop3A_1137 = arith.constant 16 : index
      %parallel_loop3A_1138 = tpu.vector_load %arg17[%parallel_loop3A_1136, %parallel_loop3A_1137] {strides = array<i32>} : memref<640x32xf32, #tpu.memory_space<vmem>>, vector<16xf32>,
      %parallel_loop3A_1139 = arith.addf %parallel_loop3A_1135, %parallel_loop3A_1138 : vector<16xf32>
      %parallel_loop3A_1140 = arith.constant 0.000000e+00 : f32
      %parallel_loop3A_1141 = vector.broadcast %parallel_loop3A_1140 : f32 to vector<16xf32>
      %parallel_loop3A_1142 = arith.maximumf %parallel_loop3A_1139, %parallel_loop3A_1141 : vector<16xf32>
      %parallel_loop3A_1143 = arith.constant 14 : i32
      %parallel_loop3A_1144 = vector.broadcast %parallel_loop3A_1143 : i32 to vector<16xi32>
      %parallel_loop3A_1145 = arith.cmpi eq, %iota3A, %parallel_loop3A_1144 : vector<16xi32>
      %parallel_loop3A_1146 = arith.mulf %parallel_loop3A_1125, %get3A_14 : vector<16xf32>
      %parallel_loop3A_1147 = arith.mulf %parallel_loop3A_1142, %get3A_16 : vector<16xf32>
      %parallel_loop3A_1148 = arith.addf %parallel_loop3A_1146, %parallel_loop3A_1147 : vector<16xf32>
      %parallel_loop3A_1149 = arith.constant true
      %parallel_loop3A_1150 = vector.broadcast %parallel_loop3A_1149 : i1 to vector<16xi1>
      %parallel_loop3A_1151 = tpu.scan <sum>, %parallel_loop3A_1148 masked %parallel_loop3A_1150 : vector<16xf32>, vector<16xi1> -> vector<16xf32>
      %parallel_loop3A_1152 = vector.extract %parallel_loop3A_1151[15] : f32 from vector<16xf32>
      %parallel_loop3A_1153 = arith.constant 0.000000e+00 : f32
      %parallel_loop3A_1154 = vector.broadcast %parallel_loop3A_1152 : f32 to vector<16xf32>
      %parallel_loop3A_1155 = vector.broadcast %parallel_loop3A_1153 : f32 to vector<16xf32>
      %parallel_loop3A_1156 = arith.select %parallel_loop3A_1145, %parallel_loop3A_1154, %parallel_loop3A_1155 : vector<16xi1>, vector<16xf32>
      %parallel_loop3A_1157 = arith.addf %parallel_loop3A_1092, %parallel_loop3A_1156 : vector<16xf32>
      %parallel_loop3A_1158 = arith.mulf %parallel_loop3A_1125, %get3A_18 : vector<16xf32>
      %parallel_loop3A_1159 = arith.mulf %parallel_loop3A_1142, %get3A_20 : vector<16xf32>
      %parallel_loop3A_1160 = arith.addf %parallel_loop3A_1158, %parallel_loop3A_1159 : vector<16xf32>
      %parallel_loop3A_1161 = arith.constant true
      %parallel_loop3A_1162 = vector.broadcast %parallel_loop3A_1161 : i1 to vector<16xi1>
      %parallel_loop3A_1163 = tpu.scan <sum>, %parallel_loop3A_1160 masked %parallel_loop3A_1162 : vector<16xf32>, vector<16xi1> -> vector<16xf32>
      %parallel_loop3A_1164 = vector.extract %parallel_loop3A_1163[15] : f32 from vector<16xf32>
      %parallel_loop3A_1165 = arith.constant 0.000000e+00 : f32
      %parallel_loop3A_1166 = vector.broadcast %parallel_loop3A_1164 : f32 to vector<16xf32>
      %parallel_loop3A_1167 = vector.broadcast %parallel_loop3A_1165 : f32 to vector<16xf32>
      %parallel_loop3A_1168 = arith.select %parallel_loop3A_1145, %parallel_loop3A_1166, %parallel_loop3A_1167 : vector<16xi1>, vector<16xf32>
      %parallel_loop3A_1169 = arith.addf %parallel_loop3A_1104, %parallel_loop3A_1168 : vector<16xf32>
      %parallel_loop3A_1170 = arith.constant 15 : i32
      %parallel_loop3A_1171 = arith.addi %parallel_loop3A_179, %parallel_loop3A_1170 : i32
      %parallel_loop3A_1172 = vector.extract_strided_slice %parallel_loop3A_190 {offsets = [15], sizes = [1], strides = [1]} : vector<16xf32> to vector<1xf32>
      %parallel_loop3A_1173 = vector.extract %parallel_loop3A_1172[0] : f32 from vector<1xf32>
      %parallel_loop3A_1174 = arith.index_cast %parallel_loop3A_1171 : i32 to index
      %parallel_loop3A_1175 = arith.constant 0 : index
      %parallel_loop3A_1176 = tpu.vector_load %arg13[%parallel_loop3A_1174, %parallel_loop3A_1175] {strides = array<i32>} : memref<640x32xf32, #tpu.memory_space<vmem>>, vector<16xf32>,
      %parallel_loop3A_1177 = arith.index_cast %parallel_loop3A_1171 : i32 to index
      %parallel_loop3A_1178 = arith.constant 0 : index
      %parallel_loop3A_1179 = tpu.vector_load %arg14[%parallel_loop3A_1177, %parallel_loop3A_1178] {strides = array<i32>} : memref<640x32xf32, #tpu.memory_space<vmem>>, vector<16xf32>,
      %parallel_loop3A_1180 = arith.addf %parallel_loop3A_1176, %parallel_loop3A_1179 : vector<16xf32>
      %parallel_loop3A_1181 = vector.broadcast %parallel_loop3A_1173 : f32 to vector<16xf32>
      %parallel_loop3A_1182 = arith.mulf %parallel_loop3A_1180, %parallel_loop3A_1181 : vector<16xf32>
      %parallel_loop3A_1183 = arith.addf %parallel_loop3A_1182, %get3A_10 : vector<16xf32>
      %parallel_loop3A_1184 = arith.index_cast %parallel_loop3A_1171 : i32 to index
      %parallel_loop3A_1185 = arith.constant 0 : index
      %parallel_loop3A_1186 = tpu.vector_load %arg17[%parallel_loop3A_1184, %parallel_loop3A_1185] {strides = array<i32>} : memref<640x32xf32, #tpu.memory_space<vmem>>, vector<16xf32>,
      %parallel_loop3A_1187 = arith.addf %parallel_loop3A_1183, %parallel_loop3A_1186 : vector<16xf32>
      %parallel_loop3A_1188 = arith.constant 0.000000e+00 : f32
      %parallel_loop3A_1189 = vector.broadcast %parallel_loop3A_1188 : f32 to vector<16xf32>
      %parallel_loop3A_1190 = arith.maximumf %parallel_loop3A_1187, %parallel_loop3A_1189 : vector<16xf32>
      %parallel_loop3A_1191 = arith.index_cast %parallel_loop3A_1171 : i32 to index
      %parallel_loop3A_1192 = arith.constant 16 : index
      %parallel_loop3A_1193 = tpu.vector_load %arg13[%parallel_loop3A_1191, %parallel_loop3A_1192] {strides = array<i32>} : memref<640x32xf32, #tpu.memory_space<vmem>>, vector<16xf32>,
      %parallel_loop3A_1194 = arith.index_cast %parallel_loop3A_1171 : i32 to index
      %parallel_loop3A_1195 = arith.constant 16 : index
      %parallel_loop3A_1196 = tpu.vector_load %arg14[%parallel_loop3A_1194, %parallel_loop3A_1195] {strides = array<i32>} : memref<640x32xf32, #tpu.memory_space<vmem>>, vector<16xf32>,
      %parallel_loop3A_1197 = arith.addf %parallel_loop3A_1193, %parallel_loop3A_1196 : vector<16xf32>
      %parallel_loop3A_1198 = vector.broadcast %parallel_loop3A_1173 : f32 to vector<16xf32>
      %parallel_loop3A_1199 = arith.mulf %parallel_loop3A_1197, %parallel_loop3A_1198 : vector<16xf32>
      %parallel_loop3A_1200 = arith.addf %parallel_loop3A_1199, %get3A_12 : vector<16xf32>
      %parallel_loop3A_1201 = arith.index_cast %parallel_loop3A_1171 : i32 to index
      %parallel_loop3A_1202 = arith.constant 16 : index
      %parallel_loop3A_1203 = tpu.vector_load %arg17[%parallel_loop3A_1201, %parallel_loop3A_1202] {strides = array<i32>} : memref<640x32xf32, #tpu.memory_space<vmem>>, vector<16xf32>,
      %parallel_loop3A_1204 = arith.addf %parallel_loop3A_1200, %parallel_loop3A_1203 : vector<16xf32>
      %parallel_loop3A_1205 = arith.constant 0.000000e+00 : f32
      %parallel_loop3A_1206 = vector.broadcast %parallel_loop3A_1205 : f32 to vector<16xf32>
      %parallel_loop3A_1207 = arith.maximumf %parallel_loop3A_1204, %parallel_loop3A_1206 : vector<16xf32>
      %parallel_loop3A_1208 = arith.constant 15 : i32
      %parallel_loop3A_1209 = vector.broadcast %parallel_loop3A_1208 : i32 to vector<16xi32>
      %parallel_loop3A_1210 = arith.cmpi eq, %iota3A, %parallel_loop3A_1209 : vector<16xi32>
      %parallel_loop3A_1211 = arith.mulf %parallel_loop3A_1190, %get3A_14 : vector<16xf32>
      %parallel_loop3A_1212 = arith.mulf %parallel_loop3A_1207, %get3A_16 : vector<16xf32>
      %parallel_loop3A_1213 = arith.addf %parallel_loop3A_1211, %parallel_loop3A_1212 : vector<16xf32>
      %parallel_loop3A_1214 = arith.constant true
      %parallel_loop3A_1215 = vector.broadcast %parallel_loop3A_1214 : i1 to vector<16xi1>
      %parallel_loop3A_1216 = tpu.scan <sum>, %parallel_loop3A_1213 masked %parallel_loop3A_1215 : vector<16xf32>, vector<16xi1> -> vector<16xf32>
      %parallel_loop3A_1217 = vector.extract %parallel_loop3A_1216[15] : f32 from vector<16xf32>
      %parallel_loop3A_1218 = arith.constant 0.000000e+00 : f32
      %parallel_loop3A_1219 = vector.broadcast %parallel_loop3A_1217 : f32 to vector<16xf32>
      %parallel_loop3A_1220 = vector.broadcast %parallel_loop3A_1218 : f32 to vector<16xf32>
      %parallel_loop3A_1221 = arith.select %parallel_loop3A_1210, %parallel_loop3A_1219, %parallel_loop3A_1220 : vector<16xi1>, vector<16xf32>
      %parallel_loop3A_1222 = arith.addf %parallel_loop3A_1157, %parallel_loop3A_1221 : vector<16xf32>
      %parallel_loop3A_1223 = arith.mulf %parallel_loop3A_1190, %get3A_18 : vector<16xf32>
      %parallel_loop3A_1224 = arith.mulf %parallel_loop3A_1207, %get3A_20 : vector<16xf32>
      %parallel_loop3A_1225 = arith.addf %parallel_loop3A_1223, %parallel_loop3A_1224 : vector<16xf32>
      %parallel_loop3A_1226 = arith.constant true
      %parallel_loop3A_1227 = vector.broadcast %parallel_loop3A_1226 : i1 to vector<16xi1>
      %parallel_loop3A_1228 = tpu.scan <sum>, %parallel_loop3A_1225 masked %parallel_loop3A_1227 : vector<16xf32>, vector<16xi1> -> vector<16xf32>
      %parallel_loop3A_1229 = vector.extract %parallel_loop3A_1228[15] : f32 from vector<16xf32>
      %parallel_loop3A_1230 = arith.constant 0.000000e+00 : f32
      %parallel_loop3A_1231 = vector.broadcast %parallel_loop3A_1229 : f32 to vector<16xf32>
      %parallel_loop3A_1232 = vector.broadcast %parallel_loop3A_1230 : f32 to vector<16xf32>
      %parallel_loop3A_1233 = arith.select %parallel_loop3A_1210, %parallel_loop3A_1231, %parallel_loop3A_1232 : vector<16xi1>, vector<16xf32>
      %parallel_loop3A_1234 = arith.addf %parallel_loop3A_1169, %parallel_loop3A_1233 : vector<16xf32>
      %parallel_loop3A_1235 = arith.index_cast %parallel_loop3A_179 : i32 to index
      %parallel_loop3A_1236 = tpu.vector_load %arg21[%parallel_loop3A_1235] {strides = array<i32>} : memref<640xf32, #tpu.memory_space<vmem>>, vector<16xf32>,
      tpu.vector_store %arg21[%parallel_loop3A_1235], %parallel_loop3A_1222 {strides = array<i32>} : memref<640xf32, #tpu.memory_space<vmem>>, vector<16xf32>,
      %parallel_loop3A_1237 = arith.index_cast %parallel_loop3A_179 : i32 to index
      %parallel_loop3A_1238 = tpu.vector_load %arg22[%parallel_loop3A_1237] {strides = array<i32>} : memref<640xf32, #tpu.memory_space<vmem>>, vector<16xf32>,
      tpu.vector_store %arg22[%parallel_loop3A_1237], %parallel_loop3A_1234 {strides = array<i32>} : memref<640xf32, #tpu.memory_space<vmem>>, vector<16xf32>,
    } {sc.loop_unroll_factor = 1 : i64, sc.parallel_access}
    "tpu.region"() ({
      %run_scoped3A_177 = tpu.sem_alloc : memref<!tpu.dma_semaphore, #tpu.memory_space<semaphore_mem>>
      %dma_start3A_178 = tpu.memref_slice %arg11[%mul3A_0] : memref<10240xf32, #tpu.memory_space<vmem_shared>> -> memref<640xf32, #tpu.memory_space<vmem_shared>>
      %dma_start3A_179 = tpu.memref_slice %arg11[%mul3A_0] : memref<10240xf32, #tpu.memory_space<vmem_shared>> -> memref<640xf32, #tpu.memory_space<vmem_shared>>
      tpu.enqueue_dma source(%arg21 : memref<640xf32, #tpu.memory_space<vmem>>) target(%dma_start3A_179 : memref<640xf32, #tpu.memory_space<vmem_shared>>) target_semaphore(%run_scoped3A_177 : memref<!tpu.dma_semaphore, #tpu.memory_space<semaphore_mem>>)
      %dma_wait3A_180 = tpu.memref_slice %arg11[%mul3A_0] : memref<10240xf32, #tpu.memory_space<vmem_shared>> -> memref<640xf32, #tpu.memory_space<vmem_shared>>
      %dma_wait3A_181 = tpu.memref_slice %arg11[%mul3A_0] : memref<10240xf32, #tpu.memory_space<vmem_shared>> -> memref<640xf32, #tpu.memory_space<vmem_shared>>
      tpu.wait_dma2 semaphore(%run_scoped3A_177 : memref<!tpu.dma_semaphore, #tpu.memory_space<semaphore_mem>>) src(%arg21 : memref<640xf32, #tpu.memory_space<vmem>>) dst(%dma_wait3A_181 : memref<640xf32, #tpu.memory_space<vmem_shared>>)
      tpu.yield
    }) : () -> ()
    "tpu.region"() ({
      %run_scoped3A_177 = tpu.sem_alloc : memref<!tpu.dma_semaphore, #tpu.memory_space<semaphore_mem>>
      %dma_start3A_178 = tpu.memref_slice %arg12[%mul3A_0] : memref<10240xf32, #tpu.memory_space<vmem_shared>> -> memref<640xf32, #tpu.memory_space<vmem_shared>>
      %dma_start3A_179 = tpu.memref_slice %arg12[%mul3A_0] : memref<10240xf32, #tpu.memory_space<vmem_shared>> -> memref<640xf32, #tpu.memory_space<vmem_shared>>
      tpu.enqueue_dma source(%arg34 : memref<640xf32, #tpu.memory_space<vmem>>) target(%dma_start3A_179 : memref<640xf32, #tpu.memory_space<vmem_shared>>) target_semaphore(%run_scoped3A_177 : memref<!tpu.dma_semaphore, #tpu.memory_space<semaphore_mem>>)
      %dma_wait3A_180 = tpu.memref_slice %arg12[%mul3A_0] : memref<10240xf32, #tpu.memory_space<vmem_shared>> -> memref<640xf32, #tpu.memory_space<vmem_shared>>
      %dma_wait3A_181 = tpu.memref_slice %arg12[%mul3A_0] : memref<10240xf32, #tpu.memory_space<vmem_shared>> -> memref<640xf32, #tpu.memory_space<vmem_shared>>
      tpu.wait_dma2 semaphore(%run_scoped3A_177 : memref<!tpu.dma_semaphore, #tpu.memory_space<semaphore_mem>>) src(%arg34 : memref<640xf32, #tpu.memory_space<vmem>>) dst(%dma_wait3A_181 : memref<640xf32, #tpu.memory_space<vmem_shared>>)
      tpu.yield
    }) : () -> ()
    %eq3A = arith.constant 0 : i32
    %eq3A_23 = arith.cmpi eq, %arg0, %eq3A : i32
    %convert_element_type3A = arith.extui %eq3A_23 : i1 to i32
    %cond3A = arith.constant 0 : i32
    %cond3A_24 = arith.cmpi ne, %convert_element_type3A, %cond3A : i32
    scf.if %cond3A_24 {
      "tpu.region"() ({
        %run_scoped3A_177 = tpu.sem_alloc : memref<!tpu.dma_semaphore, #tpu.memory_space<semaphore_mem>>
        %dma_start3A_178 = tpu.memref_slice %arg10[%mul3A_0] : memref<10240xf32, #tpu.memory_space<hbm>> -> memref<640xf32, #tpu.memory_space<hbm>>
        %dma_start3A_179 = tpu.memref_slice %arg10[%mul3A_0] : memref<10240xf32, #tpu.memory_space<hbm>> -> memref<640xf32, #tpu.memory_space<hbm>>
        tpu.enqueue_dma source(%arg22 : memref<640xf32, #tpu.memory_space<vmem>>) target(%dma_start3A_179 : memref<640xf32, #tpu.memory_space<hbm>>) target_semaphore(%run_scoped3A_177 : memref<!tpu.dma_semaphore, #tpu.memory_space<semaphore_mem>>)
        %dma_wait3A_180 = tpu.memref_slice %arg10[%mul3A_0] : memref<10240xf32, #tpu.memory_space<hbm>> -> memref<640xf32, #tpu.memory_space<hbm>>
        %dma_wait3A_181 = tpu.memref_slice %arg10[%mul3A_0] : memref<10240xf32, #tpu.memory_space<hbm>> -> memref<640xf32, #tpu.memory_space<hbm>>
        tpu.wait_dma2 semaphore(%run_scoped3A_177 : memref<!tpu.dma_semaphore, #tpu.memory_space<semaphore_mem>>) src(%arg22 : memref<640xf32, #tpu.memory_space<vmem>>) dst(%dma_wait3A_181 : memref<640xf32, #tpu.memory_space<hbm>>)
        tpu.yield
      }) : () -> ()
    } else {
    }
    %barrier3A = arith.constant 0 : index
    tpu.barrier barrier_id(%barrier3A)
    "tpu.region"() ({
      %run_scoped3A_177 = tpu.sem_alloc : memref<!tpu.dma_semaphore, #tpu.memory_space<semaphore_mem>>
      tpu.enqueue_dma source(%arg11 : memref<10240xf32, #tpu.memory_space<vmem_shared>>) target(%arg23 : memref<10240xf32, #tpu.memory_space<vmem>>) target_semaphore(%run_scoped3A_177 : memref<!tpu.dma_semaphore, #tpu.memory_space<semaphore_mem>>)
      tpu.wait_dma2 semaphore(%run_scoped3A_177 : memref<!tpu.dma_semaphore, #tpu.memory_space<semaphore_mem>>) src(%arg11 : memref<10240xf32, #tpu.memory_space<vmem_shared>>) dst(%arg23 : memref<10240xf32, #tpu.memory_space<vmem>>)
      tpu.yield
    }) : () -> ()
    %mul3A_25 = arith.constant 2 : i32
    %mul3A_26 = arith.muli %arg1, %mul3A_25 : i32
    %add3A = arith.addi %mul3A_26, %arg0 : i32
    %mul3A_27 = arith.constant 10000 : i32
    %mul3A_28 = arith.muli %add3A, %mul3A_27 : i32
    %add3A_29 = arith.constant 0 : i32
    %add3A_30 = arith.addi %mul3A_28, %add3A_29 : i32
    %multiple_of3A = tpu.assume_multiple %add3A_30, 8 : i32
    %dma_start3A = arith.constant 0 : i32
    %dma_start3A_31 = tpu.memref_slice %arg8[%dma_start3A, %multiple_of3A] : memref<2x320000xi32, #tpu.memory_space<hbm>> -> memref<1x2000xi32, #tpu.memory_space<hbm>>
    %dma_start3A_32 = tpu.memref_squeeze %dma_start3A_31 : memref<1x2000xi32, #tpu.memory_space<hbm>> -> memref<2000xi32, #tpu.memory_space<hbm>>
    %dma_start3A_33 = tpu.memref_slice %arg8[%dma_start3A, %multiple_of3A] : memref<2x320000xi32, #tpu.memory_space<hbm>> -> memref<1x2000xi32, #tpu.memory_space<hbm>>
    %dma_start3A_34 = tpu.memref_squeeze %dma_start3A_33 : memref<1x2000xi32, #tpu.memory_space<hbm>> -> memref<2000xi32, #tpu.memory_space<hbm>>
    tpu.enqueue_dma source(%dma_start3A_34 : memref<2000xi32, #tpu.memory_space<hbm>>) target(%arg24 : memref<2000xi32, #tpu.memory_space<vmem>>) target_semaphore(%arg35 : memref<!tpu.dma_semaphore, #tpu.memory_space<semaphore_mem>>)
    %dma_start3A_35 = arith.constant 1 : i32
    %dma_start3A_36 = tpu.memref_slice %arg8[%dma_start3A_35, %multiple_of3A] : memref<2x320000xi32, #tpu.memory_space<hbm>> -> memref<1x2000xi32, #tpu.memory_space<hbm>>
    %dma_start3A_37 = tpu.memref_squeeze %dma_start3A_36 : memref<1x2000xi32, #tpu.memory_space<hbm>> -> memref<2000xi32, #tpu.memory_space<hbm>>
    %dma_start3A_38 = tpu.memref_slice %arg8[%dma_start3A_35, %multiple_of3A] : memref<2x320000xi32, #tpu.memory_space<hbm>> -> memref<1x2000xi32, #tpu.memory_space<hbm>>
    %dma_start3A_39 = tpu.memref_squeeze %dma_start3A_38 : memref<1x2000xi32, #tpu.memory_space<hbm>> -> memref<2000xi32, #tpu.memory_space<hbm>>
    tpu.enqueue_dma source(%dma_start3A_39 : memref<2000xi32, #tpu.memory_space<hbm>>) target(%arg28 : memref<2000xi32, #tpu.memory_space<vmem>>) target_semaphore(%arg39 : memref<!tpu.dma_semaphore, #tpu.memory_space<semaphore_mem>>)
    %add3A_40 = arith.constant 2000 : i32
    %add3A_41 = arith.addi %mul3A_28, %add3A_40 : i32
    %multiple_of3A_42 = tpu.assume_multiple %add3A_41, 8 : i32
    %dma_start3A_43 = arith.constant 0 : i32
    %dma_start3A_44 = tpu.memref_slice %arg8[%dma_start3A_43, %multiple_of3A_42] : memref<2x320000xi32, #tpu.memory_space<hbm>> -> memref<1x2000xi32, #tpu.memory_space<hbm>>
    %dma_start3A_45 = tpu.memref_squeeze %dma_start3A_44 : memref<1x2000xi32, #tpu.memory_space<hbm>> -> memref<2000xi32, #tpu.memory_space<hbm>>
    %dma_start3A_46 = tpu.memref_slice %arg8[%dma_start3A_43, %multiple_of3A_42] : memref<2x320000xi32, #tpu.memory_space<hbm>> -> memref<1x2000xi32, #tpu.memory_space<hbm>>
    %dma_start3A_47 = tpu.memref_squeeze %dma_start3A_46 : memref<1x2000xi32, #tpu.memory_space<hbm>> -> memref<2000xi32, #tpu.memory_space<hbm>>
    tpu.enqueue_dma source(%dma_start3A_47 : memref<2000xi32, #tpu.memory_space<hbm>>) target(%arg25 : memref<2000xi32, #tpu.memory_space<vmem>>) target_semaphore(%arg36 : memref<!tpu.dma_semaphore, #tpu.memory_space<semaphore_mem>>)
    %dma_start3A_48 = arith.constant 1 : i32
    %dma_start3A_49 = tpu.memref_slice %arg8[%dma_start3A_48, %multiple_of3A_42] : memref<2x320000xi32, #tpu.memory_space<hbm>> -> memref<1x2000xi32, #tpu.memory_space<hbm>>
    %dma_start3A_50 = tpu.memref_squeeze %dma_start3A_49 : memref<1x2000xi32, #tpu.memory_space<hbm>> -> memref<2000xi32, #tpu.memory_space<hbm>>
    %dma_start3A_51 = tpu.memref_slice %arg8[%dma_start3A_48, %multiple_of3A_42] : memref<2x320000xi32, #tpu.memory_space<hbm>> -> memref<1x2000xi32, #tpu.memory_space<hbm>>
    %dma_start3A_52 = tpu.memref_squeeze %dma_start3A_51 : memref<1x2000xi32, #tpu.memory_space<hbm>> -> memref<2000xi32, #tpu.memory_space<hbm>>
    tpu.enqueue_dma source(%dma_start3A_52 : memref<2000xi32, #tpu.memory_space<hbm>>) target(%arg29 : memref<2000xi32, #tpu.memory_space<vmem>>) target_semaphore(%arg40 : memref<!tpu.dma_semaphore, #tpu.memory_space<semaphore_mem>>)
    %add3A_53 = arith.constant 4000 : i32
    %add3A_54 = arith.addi %mul3A_28, %add3A_53 : i32
    %multiple_of3A_55 = tpu.assume_multiple %add3A_54, 8 : i32
    %dma_start3A_56 = arith.constant 0 : i32
    %dma_start3A_57 = tpu.memref_slice %arg8[%dma_start3A_56, %multiple_of3A_55] : memref<2x320000xi32, #tpu.memory_space<hbm>> -> memref<1x2000xi32, #tpu.memory_space<hbm>>
    %dma_start3A_58 = tpu.memref_squeeze %dma_start3A_57 : memref<1x2000xi32, #tpu.memory_space<hbm>> -> memref<2000xi32, #tpu.memory_space<hbm>>
    %dma_start3A_59 = tpu.memref_slice %arg8[%dma_start3A_56, %multiple_of3A_55] : memref<2x320000xi32, #tpu.memory_space<hbm>> -> memref<1x2000xi32, #tpu.memory_space<hbm>>
    %dma_start3A_60 = tpu.memref_squeeze %dma_start3A_59 : memref<1x2000xi32, #tpu.memory_space<hbm>> -> memref<2000xi32, #tpu.memory_space<hbm>>
    tpu.enqueue_dma source(%dma_start3A_60 : memref<2000xi32, #tpu.memory_space<hbm>>) target(%arg26 : memref<2000xi32, #tpu.memory_space<vmem>>) target_semaphore(%arg37 : memref<!tpu.dma_semaphore, #tpu.memory_space<semaphore_mem>>)
    %dma_start3A_61 = arith.constant 1 : i32
    %dma_start3A_62 = tpu.memref_slice %arg8[%dma_start3A_61, %multiple_of3A_55] : memref<2x320000xi32, #tpu.memory_space<hbm>> -> memref<1x2000xi32, #tpu.memory_space<hbm>>
    %dma_start3A_63 = tpu.memref_squeeze %dma_start3A_62 : memref<1x2000xi32, #tpu.memory_space<hbm>> -> memref<2000xi32, #tpu.memory_space<hbm>>
    %dma_start3A_64 = tpu.memref_slice %arg8[%dma_start3A_61, %multiple_of3A_55] : memref<2x320000xi32, #tpu.memory_space<hbm>> -> memref<1x2000xi32, #tpu.memory_space<hbm>>
    %dma_start3A_65 = tpu.memref_squeeze %dma_start3A_64 : memref<1x2000xi32, #tpu.memory_space<hbm>> -> memref<2000xi32, #tpu.memory_space<hbm>>
    tpu.enqueue_dma source(%dma_start3A_65 : memref<2000xi32, #tpu.memory_space<hbm>>) target(%arg30 : memref<2000xi32, #tpu.memory_space<vmem>>) target_semaphore(%arg41 : memref<!tpu.dma_semaphore, #tpu.memory_space<semaphore_mem>>)
    %dma_wait3A = arith.constant 0 : i32
    %dma_wait3A_66 = tpu.memref_slice %arg8[%dma_wait3A, %multiple_of3A] : memref<2x320000xi32, #tpu.memory_space<hbm>> -> memref<1x2000xi32, #tpu.memory_space<hbm>>
    %dma_wait3A_67 = tpu.memref_squeeze %dma_wait3A_66 : memref<1x2000xi32, #tpu.memory_space<hbm>> -> memref<2000xi32, #tpu.memory_space<hbm>>
    %dma_wait3A_68 = tpu.memref_slice %arg8[%dma_wait3A, %multiple_of3A] : memref<2x320000xi32, #tpu.memory_space<hbm>> -> memref<1x2000xi32, #tpu.memory_space<hbm>>
    %dma_wait3A_69 = tpu.memref_squeeze %dma_wait3A_68 : memref<1x2000xi32, #tpu.memory_space<hbm>> -> memref<2000xi32, #tpu.memory_space<hbm>>
    tpu.wait_dma2 semaphore(%arg35 : memref<!tpu.dma_semaphore, #tpu.memory_space<semaphore_mem>>) src(%dma_wait3A_69 : memref<2000xi32, #tpu.memory_space<hbm>>) dst(%arg24 : memref<2000xi32, #tpu.memory_space<vmem>>)
    %parallel_loop3A_70 = arith.constant 0 : i32
    %parallel_loop3A_71 = arith.constant 125 : i32
    %parallel_loop3A_72 = arith.constant 1 : i32
    scf.for %parallel_loop3A_177 = %parallel_loop3A_70 to %parallel_loop3A_71 step %parallel_loop3A_72  : i32 {
      %parallel_loop3A_178 = arith.constant 16 : i32
      %parallel_loop3A_179 = arith.muli %parallel_loop3A_177, %parallel_loop3A_178 : i32
      %parallel_loop3A_180 = arith.index_cast %parallel_loop3A_179 : i32 to index
      %parallel_loop3A_181 = tpu.vector_load %arg24[%parallel_loop3A_180] {strides = array<i32>} : memref<2000xi32, #tpu.memory_space<vmem>>, vector<16xi32>,
      %parallel_loop3A_182 = tpu.vector_load_idx %arg23[%parallel_loop3A_181] : memref<10240xf32, #tpu.memory_space<vmem>>[vector<16xi32>], vector<16xf32>,
      %parallel_loop3A_183 = arith.constant 16 : i32
      %parallel_loop3A_184 = arith.muli %parallel_loop3A_177, %parallel_loop3A_183 : i32
      %parallel_loop3A_185 = arith.index_cast %parallel_loop3A_184 : i32 to index
      %parallel_loop3A_186 = tpu.vector_load %arg32[%parallel_loop3A_185] {strides = array<i32>} : memref<2000xf32, #tpu.memory_space<vmem>>, vector<16xf32>,
      tpu.vector_store %arg32[%parallel_loop3A_185], %parallel_loop3A_182 {strides = array<i32>} : memref<2000xf32, #tpu.memory_space<vmem>>, vector<16xf32>,
    } {sc.loop_unroll_factor = 1 : i64, sc.parallel_access}
    %dma_wait3A_73 = arith.constant 1 : i32
    %dma_wait3A_74 = tpu.memref_slice %arg8[%dma_wait3A_73, %multiple_of3A] : memref<2x320000xi32, #tpu.memory_space<hbm>> -> memref<1x2000xi32, #tpu.memory_space<hbm>>
    %dma_wait3A_75 = tpu.memref_squeeze %dma_wait3A_74 : memref<1x2000xi32, #tpu.memory_space<hbm>> -> memref<2000xi32, #tpu.memory_space<hbm>>
    %dma_wait3A_76 = tpu.memref_slice %arg8[%dma_wait3A_73, %multiple_of3A] : memref<2x320000xi32, #tpu.memory_space<hbm>> -> memref<1x2000xi32, #tpu.memory_space<hbm>>
    %dma_wait3A_77 = tpu.memref_squeeze %dma_wait3A_76 : memref<1x2000xi32, #tpu.memory_space<hbm>> -> memref<2000xi32, #tpu.memory_space<hbm>>
    tpu.wait_dma2 semaphore(%arg39 : memref<!tpu.dma_semaphore, #tpu.memory_space<semaphore_mem>>) src(%dma_wait3A_77 : memref<2000xi32, #tpu.memory_space<hbm>>) dst(%arg28 : memref<2000xi32, #tpu.memory_space<vmem>>)
    %dma_start3A_78 = arith.constant 0 : i32
    %dma_start3A_79 = tpu.memref_slice %arg12[%dma_start3A_78] : memref<10240xf32, #tpu.memory_space<vmem_shared>> -> memref<10240xf32, #tpu.memory_space<vmem_shared>>
    tpu.enqueue_indirect_dma source(%arg32 : memref<2000xf32, #tpu.memory_space<vmem>>) target(%dma_start3A_79 : memref<10240xf32, #tpu.memory_space<vmem_shared>>) offsets(%arg28 : memref<2000xi32, #tpu.memory_space<vmem>>) semaphore(%arg43 : memref<!tpu.dma_semaphore, #tpu.memory_space<semaphore_mem>>) {add = true}
    %add3A_80 = arith.constant 6000 : i32
    %add3A_81 = arith.addi %mul3A_28, %add3A_80 : i32
    %multiple_of3A_82 = tpu.assume_multiple %add3A_81, 8 : i32
    %dma_start3A_83 = arith.constant 0 : i32
    %dma_start3A_84 = tpu.memref_slice %arg8[%dma_start3A_83, %multiple_of3A_82] : memref<2x320000xi32, #tpu.memory_space<hbm>> -> memref<1x2000xi32, #tpu.memory_space<hbm>>
    %dma_start3A_85 = tpu.memref_squeeze %dma_start3A_84 : memref<1x2000xi32, #tpu.memory_space<hbm>> -> memref<2000xi32, #tpu.memory_space<hbm>>
    %dma_start3A_86 = tpu.memref_slice %arg8[%dma_start3A_83, %multiple_of3A_82] : memref<2x320000xi32, #tpu.memory_space<hbm>> -> memref<1x2000xi32, #tpu.memory_space<hbm>>
    %dma_start3A_87 = tpu.memref_squeeze %dma_start3A_86 : memref<1x2000xi32, #tpu.memory_space<hbm>> -> memref<2000xi32, #tpu.memory_space<hbm>>
    tpu.enqueue_dma source(%dma_start3A_87 : memref<2000xi32, #tpu.memory_space<hbm>>) target(%arg27 : memref<2000xi32, #tpu.memory_space<vmem>>) target_semaphore(%arg38 : memref<!tpu.dma_semaphore, #tpu.memory_space<semaphore_mem>>)
    %dma_start3A_88 = arith.constant 1 : i32
    %dma_start3A_89 = tpu.memref_slice %arg8[%dma_start3A_88, %multiple_of3A_82] : memref<2x320000xi32, #tpu.memory_space<hbm>> -> memref<1x2000xi32, #tpu.memory_space<hbm>>
    %dma_start3A_90 = tpu.memref_squeeze %dma_start3A_89 : memref<1x2000xi32, #tpu.memory_space<hbm>> -> memref<2000xi32, #tpu.memory_space<hbm>>
    %dma_start3A_91 = tpu.memref_slice %arg8[%dma_start3A_88, %multiple_of3A_82] : memref<2x320000xi32, #tpu.memory_space<hbm>> -> memref<1x2000xi32, #tpu.memory_space<hbm>>
    %dma_start3A_92 = tpu.memref_squeeze %dma_start3A_91 : memref<1x2000xi32, #tpu.memory_space<hbm>> -> memref<2000xi32, #tpu.memory_space<hbm>>
    tpu.enqueue_dma source(%dma_start3A_92 : memref<2000xi32, #tpu.memory_space<hbm>>) target(%arg31 : memref<2000xi32, #tpu.memory_space<vmem>>) target_semaphore(%arg42 : memref<!tpu.dma_semaphore, #tpu.memory_space<semaphore_mem>>)
    %dma_wait3A_93 = arith.constant 0 : i32
    %dma_wait3A_94 = tpu.memref_slice %arg8[%dma_wait3A_93, %multiple_of3A_42] : memref<2x320000xi32, #tpu.memory_space<hbm>> -> memref<1x2000xi32, #tpu.memory_space<hbm>>
    %dma_wait3A_95 = tpu.memref_squeeze %dma_wait3A_94 : memref<1x2000xi32, #tpu.memory_space<hbm>> -> memref<2000xi32, #tpu.memory_space<hbm>>
    %dma_wait3A_96 = tpu.memref_slice %arg8[%dma_wait3A_93, %multiple_of3A_42] : memref<2x320000xi32, #tpu.memory_space<hbm>> -> memref<1x2000xi32, #tpu.memory_space<hbm>>
    %dma_wait3A_97 = tpu.memref_squeeze %dma_wait3A_96 : memref<1x2000xi32, #tpu.memory_space<hbm>> -> memref<2000xi32, #tpu.memory_space<hbm>>
    tpu.wait_dma2 semaphore(%arg36 : memref<!tpu.dma_semaphore, #tpu.memory_space<semaphore_mem>>) src(%dma_wait3A_97 : memref<2000xi32, #tpu.memory_space<hbm>>) dst(%arg25 : memref<2000xi32, #tpu.memory_space<vmem>>)
    %parallel_loop3A_98 = arith.constant 0 : i32
    %parallel_loop3A_99 = arith.constant 125 : i32
    %parallel_loop3A_100 = arith.constant 1 : i32
    scf.for %parallel_loop3A_177 = %parallel_loop3A_98 to %parallel_loop3A_99 step %parallel_loop3A_100  : i32 {
      %parallel_loop3A_178 = arith.constant 16 : i32
      %parallel_loop3A_179 = arith.muli %parallel_loop3A_177, %parallel_loop3A_178 : i32
      %parallel_loop3A_180 = arith.index_cast %parallel_loop3A_179 : i32 to index
      %parallel_loop3A_181 = tpu.vector_load %arg25[%parallel_loop3A_180] {strides = array<i32>} : memref<2000xi32, #tpu.memory_space<vmem>>, vector<16xi32>,
      %parallel_loop3A_182 = tpu.vector_load_idx %arg23[%parallel_loop3A_181] : memref<10240xf32, #tpu.memory_space<vmem>>[vector<16xi32>], vector<16xf32>,
      %parallel_loop3A_183 = arith.constant 16 : i32
      %parallel_loop3A_184 = arith.muli %parallel_loop3A_177, %parallel_loop3A_183 : i32
      %parallel_loop3A_185 = arith.index_cast %parallel_loop3A_184 : i32 to index
      %parallel_loop3A_186 = tpu.vector_load %arg33[%parallel_loop3A_185] {strides = array<i32>} : memref<2000xf32, #tpu.memory_space<vmem>>, vector<16xf32>,
      tpu.vector_store %arg33[%parallel_loop3A_185], %parallel_loop3A_182 {strides = array<i32>} : memref<2000xf32, #tpu.memory_space<vmem>>, vector<16xf32>,
    } {sc.loop_unroll_factor = 1 : i64, sc.parallel_access}
    %dma_wait3A_101 = arith.constant 1 : i32
    %dma_wait3A_102 = tpu.memref_slice %arg8[%dma_wait3A_101, %multiple_of3A_42] : memref<2x320000xi32, #tpu.memory_space<hbm>> -> memref<1x2000xi32, #tpu.memory_space<hbm>>
    %dma_wait3A_103 = tpu.memref_squeeze %dma_wait3A_102 : memref<1x2000xi32, #tpu.memory_space<hbm>> -> memref<2000xi32, #tpu.memory_space<hbm>>
    %dma_wait3A_104 = tpu.memref_slice %arg8[%dma_wait3A_101, %multiple_of3A_42] : memref<2x320000xi32, #tpu.memory_space<hbm>> -> memref<1x2000xi32, #tpu.memory_space<hbm>>
    %dma_wait3A_105 = tpu.memref_squeeze %dma_wait3A_104 : memref<1x2000xi32, #tpu.memory_space<hbm>> -> memref<2000xi32, #tpu.memory_space<hbm>>
    tpu.wait_dma2 semaphore(%arg40 : memref<!tpu.dma_semaphore, #tpu.memory_space<semaphore_mem>>) src(%dma_wait3A_105 : memref<2000xi32, #tpu.memory_space<hbm>>) dst(%arg29 : memref<2000xi32, #tpu.memory_space<vmem>>)
    %dma_start3A_106 = arith.constant 0 : i32
    %dma_start3A_107 = tpu.memref_slice %arg12[%dma_start3A_106] : memref<10240xf32, #tpu.memory_space<vmem_shared>> -> memref<10240xf32, #tpu.memory_space<vmem_shared>>
    tpu.enqueue_indirect_dma source(%arg33 : memref<2000xf32, #tpu.memory_space<vmem>>) target(%dma_start3A_107 : memref<10240xf32, #tpu.memory_space<vmem_shared>>) offsets(%arg29 : memref<2000xi32, #tpu.memory_space<vmem>>) semaphore(%arg44 : memref<!tpu.dma_semaphore, #tpu.memory_space<semaphore_mem>>) {add = true}
    %dma_wait3A_108 = arith.constant 0 : i32
    %dma_wait3A_109 = tpu.memref_slice %arg12[%dma_wait3A_108] : memref<10240xf32, #tpu.memory_space<vmem_shared>> -> memref<10240xf32, #tpu.memory_space<vmem_shared>>
    tpu.wait_indirect_dma semaphore(%arg43 : memref<!tpu.dma_semaphore, #tpu.memory_space<semaphore_mem>>) src(%arg32 : memref<2000xf32, #tpu.memory_space<vmem>>) dst(%dma_wait3A_109 : memref<10240xf32, #tpu.memory_space<vmem_shared>>)
    %add3A_110 = arith.constant 8000 : i32
    %add3A_111 = arith.addi %mul3A_28, %add3A_110 : i32
    %multiple_of3A_112 = tpu.assume_multiple %add3A_111, 8 : i32
    %dma_start3A_113 = arith.constant 0 : i32
    %dma_start3A_114 = tpu.memref_slice %arg8[%dma_start3A_113, %multiple_of3A_112] : memref<2x320000xi32, #tpu.memory_space<hbm>> -> memref<1x2000xi32, #tpu.memory_space<hbm>>
    %dma_start3A_115 = tpu.memref_squeeze %dma_start3A_114 : memref<1x2000xi32, #tpu.memory_space<hbm>> -> memref<2000xi32, #tpu.memory_space<hbm>>
    %dma_start3A_116 = tpu.memref_slice %arg8[%dma_start3A_113, %multiple_of3A_112] : memref<2x320000xi32, #tpu.memory_space<hbm>> -> memref<1x2000xi32, #tpu.memory_space<hbm>>
    %dma_start3A_117 = tpu.memref_squeeze %dma_start3A_116 : memref<1x2000xi32, #tpu.memory_space<hbm>> -> memref<2000xi32, #tpu.memory_space<hbm>>
    tpu.enqueue_dma source(%dma_start3A_117 : memref<2000xi32, #tpu.memory_space<hbm>>) target(%arg24 : memref<2000xi32, #tpu.memory_space<vmem>>) target_semaphore(%arg35 : memref<!tpu.dma_semaphore, #tpu.memory_space<semaphore_mem>>)
    %dma_start3A_118 = arith.constant 1 : i32
    %dma_start3A_119 = tpu.memref_slice %arg8[%dma_start3A_118, %multiple_of3A_112] : memref<2x320000xi32, #tpu.memory_space<hbm>> -> memref<1x2000xi32, #tpu.memory_space<hbm>>
    %dma_start3A_120 = tpu.memref_squeeze %dma_start3A_119 : memref<1x2000xi32, #tpu.memory_space<hbm>> -> memref<2000xi32, #tpu.memory_space<hbm>>
    %dma_start3A_121 = tpu.memref_slice %arg8[%dma_start3A_118, %multiple_of3A_112] : memref<2x320000xi32, #tpu.memory_space<hbm>> -> memref<1x2000xi32, #tpu.memory_space<hbm>>
    %dma_start3A_122 = tpu.memref_squeeze %dma_start3A_121 : memref<1x2000xi32, #tpu.memory_space<hbm>> -> memref<2000xi32, #tpu.memory_space<hbm>>
    tpu.enqueue_dma source(%dma_start3A_122 : memref<2000xi32, #tpu.memory_space<hbm>>) target(%arg28 : memref<2000xi32, #tpu.memory_space<vmem>>) target_semaphore(%arg39 : memref<!tpu.dma_semaphore, #tpu.memory_space<semaphore_mem>>)
    %dma_wait3A_123 = arith.constant 0 : i32
    %dma_wait3A_124 = tpu.memref_slice %arg8[%dma_wait3A_123, %multiple_of3A_55] : memref<2x320000xi32, #tpu.memory_space<hbm>> -> memref<1x2000xi32, #tpu.memory_space<hbm>>
    %dma_wait3A_125 = tpu.memref_squeeze %dma_wait3A_124 : memref<1x2000xi32, #tpu.memory_space<hbm>> -> memref<2000xi32, #tpu.memory_space<hbm>>
    %dma_wait3A_126 = tpu.memref_slice %arg8[%dma_wait3A_123, %multiple_of3A_55] : memref<2x320000xi32, #tpu.memory_space<hbm>> -> memref<1x2000xi32, #tpu.memory_space<hbm>>
    %dma_wait3A_127 = tpu.memref_squeeze %dma_wait3A_126 : memref<1x2000xi32, #tpu.memory_space<hbm>> -> memref<2000xi32, #tpu.memory_space<hbm>>
    tpu.wait_dma2 semaphore(%arg37 : memref<!tpu.dma_semaphore, #tpu.memory_space<semaphore_mem>>) src(%dma_wait3A_127 : memref<2000xi32, #tpu.memory_space<hbm>>) dst(%arg26 : memref<2000xi32, #tpu.memory_space<vmem>>)
    %parallel_loop3A_128 = arith.constant 0 : i32
    %parallel_loop3A_129 = arith.constant 125 : i32
    %parallel_loop3A_130 = arith.constant 1 : i32
    scf.for %parallel_loop3A_177 = %parallel_loop3A_128 to %parallel_loop3A_129 step %parallel_loop3A_130  : i32 {
      %parallel_loop3A_178 = arith.constant 16 : i32
      %parallel_loop3A_179 = arith.muli %parallel_loop3A_177, %parallel_loop3A_178 : i32
      %parallel_loop3A_180 = arith.index_cast %parallel_loop3A_179 : i32 to index
      %parallel_loop3A_181 = tpu.vector_load %arg26[%parallel_loop3A_180] {strides = array<i32>} : memref<2000xi32, #tpu.memory_space<vmem>>, vector<16xi32>,
      %parallel_loop3A_182 = tpu.vector_load_idx %arg23[%parallel_loop3A_181] : memref<10240xf32, #tpu.memory_space<vmem>>[vector<16xi32>], vector<16xf32>,
      %parallel_loop3A_183 = arith.constant 16 : i32
      %parallel_loop3A_184 = arith.muli %parallel_loop3A_177, %parallel_loop3A_183 : i32
      %parallel_loop3A_185 = arith.index_cast %parallel_loop3A_184 : i32 to index
      %parallel_loop3A_186 = tpu.vector_load %arg32[%parallel_loop3A_185] {strides = array<i32>} : memref<2000xf32, #tpu.memory_space<vmem>>, vector<16xf32>,
      tpu.vector_store %arg32[%parallel_loop3A_185], %parallel_loop3A_182 {strides = array<i32>} : memref<2000xf32, #tpu.memory_space<vmem>>, vector<16xf32>,
    } {sc.loop_unroll_factor = 1 : i64, sc.parallel_access}
    %dma_wait3A_131 = arith.constant 1 : i32
    %dma_wait3A_132 = tpu.memref_slice %arg8[%dma_wait3A_131, %multiple_of3A_55] : memref<2x320000xi32, #tpu.memory_space<hbm>> -> memref<1x2000xi32, #tpu.memory_space<hbm>>
    %dma_wait3A_133 = tpu.memref_squeeze %dma_wait3A_132 : memref<1x2000xi32, #tpu.memory_space<hbm>> -> memref<2000xi32, #tpu.memory_space<hbm>>
    %dma_wait3A_134 = tpu.memref_slice %arg8[%dma_wait3A_131, %multiple_of3A_55] : memref<2x320000xi32, #tpu.memory_space<hbm>> -> memref<1x2000xi32, #tpu.memory_space<hbm>>
    %dma_wait3A_135 = tpu.memref_squeeze %dma_wait3A_134 : memref<1x2000xi32, #tpu.memory_space<hbm>> -> memref<2000xi32, #tpu.memory_space<hbm>>
    tpu.wait_dma2 semaphore(%arg41 : memref<!tpu.dma_semaphore, #tpu.memory_space<semaphore_mem>>) src(%dma_wait3A_135 : memref<2000xi32, #tpu.memory_space<hbm>>) dst(%arg30 : memref<2000xi32, #tpu.memory_space<vmem>>)
    %dma_start3A_136 = arith.constant 0 : i32
    %dma_start3A_137 = tpu.memref_slice %arg12[%dma_start3A_136] : memref<10240xf32, #tpu.memory_space<vmem_shared>> -> memref<10240xf32, #tpu.memory_space<vmem_shared>>
    tpu.enqueue_indirect_dma source(%arg32 : memref<2000xf32, #tpu.memory_space<vmem>>) target(%dma_start3A_137 : memref<10240xf32, #tpu.memory_space<vmem_shared>>) offsets(%arg30 : memref<2000xi32, #tpu.memory_space<vmem>>) semaphore(%arg43 : memref<!tpu.dma_semaphore, #tpu.memory_space<semaphore_mem>>) {add = true}
    %dma_wait3A_138 = arith.constant 0 : i32
    %dma_wait3A_139 = tpu.memref_slice %arg12[%dma_wait3A_138] : memref<10240xf32, #tpu.memory_space<vmem_shared>> -> memref<10240xf32, #tpu.memory_space<vmem_shared>>
    tpu.wait_indirect_dma semaphore(%arg44 : memref<!tpu.dma_semaphore, #tpu.memory_space<semaphore_mem>>) src(%arg33 : memref<2000xf32, #tpu.memory_space<vmem>>) dst(%dma_wait3A_139 : memref<10240xf32, #tpu.memory_space<vmem_shared>>)
    %dma_wait3A_140 = arith.constant 0 : i32
    %dma_wait3A_141 = tpu.memref_slice %arg8[%dma_wait3A_140, %multiple_of3A_82] : memref<2x320000xi32, #tpu.memory_space<hbm>> -> memref<1x2000xi32, #tpu.memory_space<hbm>>
    %dma_wait3A_142 = tpu.memref_squeeze %dma_wait3A_141 : memref<1x2000xi32, #tpu.memory_space<hbm>> -> memref<2000xi32, #tpu.memory_space<hbm>>
    %dma_wait3A_143 = tpu.memref_slice %arg8[%dma_wait3A_140, %multiple_of3A_82] : memref<2x320000xi32, #tpu.memory_space<hbm>> -> memref<1x2000xi32, #tpu.memory_space<hbm>>
    %dma_wait3A_144 = tpu.memref_squeeze %dma_wait3A_143 : memref<1x2000xi32, #tpu.memory_space<hbm>> -> memref<2000xi32, #tpu.memory_space<hbm>>
    tpu.wait_dma2 semaphore(%arg38 : memref<!tpu.dma_semaphore, #tpu.memory_space<semaphore_mem>>) src(%dma_wait3A_144 : memref<2000xi32, #tpu.memory_space<hbm>>) dst(%arg27 : memref<2000xi32, #tpu.memory_space<vmem>>)
    %parallel_loop3A_145 = arith.constant 0 : i32
    %parallel_loop3A_146 = arith.constant 125 : i32
    %parallel_loop3A_147 = arith.constant 1 : i32
    scf.for %parallel_loop3A_177 = %parallel_loop3A_145 to %parallel_loop3A_146 step %parallel_loop3A_147  : i32 {
      %parallel_loop3A_178 = arith.constant 16 : i32
      %parallel_loop3A_179 = arith.muli %parallel_loop3A_177, %parallel_loop3A_178 : i32
      %parallel_loop3A_180 = arith.index_cast %parallel_loop3A_179 : i32 to index
      %parallel_loop3A_181 = tpu.vector_load %arg27[%parallel_loop3A_180] {strides = array<i32>} : memref<2000xi32, #tpu.memory_space<vmem>>, vector<16xi32>,
      %parallel_loop3A_182 = tpu.vector_load_idx %arg23[%parallel_loop3A_181] : memref<10240xf32, #tpu.memory_space<vmem>>[vector<16xi32>], vector<16xf32>,
      %parallel_loop3A_183 = arith.constant 16 : i32
      %parallel_loop3A_184 = arith.muli %parallel_loop3A_177, %parallel_loop3A_183 : i32
      %parallel_loop3A_185 = arith.index_cast %parallel_loop3A_184 : i32 to index
      %parallel_loop3A_186 = tpu.vector_load %arg33[%parallel_loop3A_185] {strides = array<i32>} : memref<2000xf32, #tpu.memory_space<vmem>>, vector<16xf32>,
      tpu.vector_store %arg33[%parallel_loop3A_185], %parallel_loop3A_182 {strides = array<i32>} : memref<2000xf32, #tpu.memory_space<vmem>>, vector<16xf32>,
    } {sc.loop_unroll_factor = 1 : i64, sc.parallel_access}
    %dma_wait3A_148 = arith.constant 1 : i32
    %dma_wait3A_149 = tpu.memref_slice %arg8[%dma_wait3A_148, %multiple_of3A_82] : memref<2x320000xi32, #tpu.memory_space<hbm>> -> memref<1x2000xi32, #tpu.memory_space<hbm>>
    %dma_wait3A_150 = tpu.memref_squeeze %dma_wait3A_149 : memref<1x2000xi32, #tpu.memory_space<hbm>> -> memref<2000xi32, #tpu.memory_space<hbm>>
    %dma_wait3A_151 = tpu.memref_slice %arg8[%dma_wait3A_148, %multiple_of3A_82] : memref<2x320000xi32, #tpu.memory_space<hbm>> -> memref<1x2000xi32, #tpu.memory_space<hbm>>
    %dma_wait3A_152 = tpu.memref_squeeze %dma_wait3A_151 : memref<1x2000xi32, #tpu.memory_space<hbm>> -> memref<2000xi32, #tpu.memory_space<hbm>>
    tpu.wait_dma2 semaphore(%arg42 : memref<!tpu.dma_semaphore, #tpu.memory_space<semaphore_mem>>) src(%dma_wait3A_152 : memref<2000xi32, #tpu.memory_space<hbm>>) dst(%arg31 : memref<2000xi32, #tpu.memory_space<vmem>>)
    %dma_start3A_153 = arith.constant 0 : i32
    %dma_start3A_154 = tpu.memref_slice %arg12[%dma_start3A_153] : memref<10240xf32, #tpu.memory_space<vmem_shared>> -> memref<10240xf32, #tpu.memory_space<vmem_shared>>
    tpu.enqueue_indirect_dma source(%arg33 : memref<2000xf32, #tpu.memory_space<vmem>>) target(%dma_start3A_154 : memref<10240xf32, #tpu.memory_space<vmem_shared>>) offsets(%arg31 : memref<2000xi32, #tpu.memory_space<vmem>>) semaphore(%arg44 : memref<!tpu.dma_semaphore, #tpu.memory_space<semaphore_mem>>) {add = true}
    %dma_wait3A_155 = arith.constant 0 : i32
    %dma_wait3A_156 = tpu.memref_slice %arg12[%dma_wait3A_155] : memref<10240xf32, #tpu.memory_space<vmem_shared>> -> memref<10240xf32, #tpu.memory_space<vmem_shared>>
    tpu.wait_indirect_dma semaphore(%arg43 : memref<!tpu.dma_semaphore, #tpu.memory_space<semaphore_mem>>) src(%arg32 : memref<2000xf32, #tpu.memory_space<vmem>>) dst(%dma_wait3A_156 : memref<10240xf32, #tpu.memory_space<vmem_shared>>)
    %dma_wait3A_157 = arith.constant 0 : i32
    %dma_wait3A_158 = tpu.memref_slice %arg8[%dma_wait3A_157, %multiple_of3A_112] : memref<2x320000xi32, #tpu.memory_space<hbm>> -> memref<1x2000xi32, #tpu.memory_space<hbm>>
    %dma_wait3A_159 = tpu.memref_squeeze %dma_wait3A_158 : memref<1x2000xi32, #tpu.memory_space<hbm>> -> memref<2000xi32, #tpu.memory_space<hbm>>
    %dma_wait3A_160 = tpu.memref_slice %arg8[%dma_wait3A_157, %multiple_of3A_112] : memref<2x320000xi32, #tpu.memory_space<hbm>> -> memref<1x2000xi32, #tpu.memory_space<hbm>>
    %dma_wait3A_161 = tpu.memref_squeeze %dma_wait3A_160 : memref<1x2000xi32, #tpu.memory_space<hbm>> -> memref<2000xi32, #tpu.memory_space<hbm>>
    tpu.wait_dma2 semaphore(%arg35 : memref<!tpu.dma_semaphore, #tpu.memory_space<semaphore_mem>>) src(%dma_wait3A_161 : memref<2000xi32, #tpu.memory_space<hbm>>) dst(%arg24 : memref<2000xi32, #tpu.memory_space<vmem>>)
    %parallel_loop3A_162 = arith.constant 0 : i32
    %parallel_loop3A_163 = arith.constant 125 : i32
    %parallel_loop3A_164 = arith.constant 1 : i32
    scf.for %parallel_loop3A_177 = %parallel_loop3A_162 to %parallel_loop3A_163 step %parallel_loop3A_164  : i32 {
      %parallel_loop3A_178 = arith.constant 16 : i32
      %parallel_loop3A_179 = arith.muli %parallel_loop3A_177, %parallel_loop3A_178 : i32
      %parallel_loop3A_180 = arith.index_cast %parallel_loop3A_179 : i32 to index
      %parallel_loop3A_181 = tpu.vector_load %arg24[%parallel_loop3A_180] {strides = array<i32>} : memref<2000xi32, #tpu.memory_space<vmem>>, vector<16xi32>,
      %parallel_loop3A_182 = tpu.vector_load_idx %arg23[%parallel_loop3A_181] : memref<10240xf32, #tpu.memory_space<vmem>>[vector<16xi32>], vector<16xf32>,
      %parallel_loop3A_183 = arith.constant 16 : i32
      %parallel_loop3A_184 = arith.muli %parallel_loop3A_177, %parallel_loop3A_183 : i32
      %parallel_loop3A_185 = arith.index_cast %parallel_loop3A_184 : i32 to index
      %parallel_loop3A_186 = tpu.vector_load %arg32[%parallel_loop3A_185] {strides = array<i32>} : memref<2000xf32, #tpu.memory_space<vmem>>, vector<16xf32>,
      tpu.vector_store %arg32[%parallel_loop3A_185], %parallel_loop3A_182 {strides = array<i32>} : memref<2000xf32, #tpu.memory_space<vmem>>, vector<16xf32>,
    } {sc.loop_unroll_factor = 1 : i64, sc.parallel_access}
    %dma_wait3A_165 = arith.constant 1 : i32
    %dma_wait3A_166 = tpu.memref_slice %arg8[%dma_wait3A_165, %multiple_of3A_112] : memref<2x320000xi32, #tpu.memory_space<hbm>> -> memref<1x2000xi32, #tpu.memory_space<hbm>>
    %dma_wait3A_167 = tpu.memref_squeeze %dma_wait3A_166 : memref<1x2000xi32, #tpu.memory_space<hbm>> -> memref<2000xi32, #tpu.memory_space<hbm>>
    %dma_wait3A_168 = tpu.memref_slice %arg8[%dma_wait3A_165, %multiple_of3A_112] : memref<2x320000xi32, #tpu.memory_space<hbm>> -> memref<1x2000xi32, #tpu.memory_space<hbm>>
    %dma_wait3A_169 = tpu.memref_squeeze %dma_wait3A_168 : memref<1x2000xi32, #tpu.memory_space<hbm>> -> memref<2000xi32, #tpu.memory_space<hbm>>
    tpu.wait_dma2 semaphore(%arg39 : memref<!tpu.dma_semaphore, #tpu.memory_space<semaphore_mem>>) src(%dma_wait3A_169 : memref<2000xi32, #tpu.memory_space<hbm>>) dst(%arg28 : memref<2000xi32, #tpu.memory_space<vmem>>)
    %dma_start3A_170 = arith.constant 0 : i32
    %dma_start3A_171 = tpu.memref_slice %arg12[%dma_start3A_170] : memref<10240xf32, #tpu.memory_space<vmem_shared>> -> memref<10240xf32, #tpu.memory_space<vmem_shared>>
    tpu.enqueue_indirect_dma source(%arg32 : memref<2000xf32, #tpu.memory_space<vmem>>) target(%dma_start3A_171 : memref<10240xf32, #tpu.memory_space<vmem_shared>>) offsets(%arg28 : memref<2000xi32, #tpu.memory_space<vmem>>) semaphore(%arg43 : memref<!tpu.dma_semaphore, #tpu.memory_space<semaphore_mem>>) {add = true}
    %dma_wait3A_172 = arith.constant 0 : i32
    %dma_wait3A_173 = tpu.memref_slice %arg12[%dma_wait3A_172] : memref<10240xf32, #tpu.memory_space<vmem_shared>> -> memref<10240xf32, #tpu.memory_space<vmem_shared>>
    tpu.wait_indirect_dma semaphore(%arg44 : memref<!tpu.dma_semaphore, #tpu.memory_space<semaphore_mem>>) src(%arg33 : memref<2000xf32, #tpu.memory_space<vmem>>) dst(%dma_wait3A_173 : memref<10240xf32, #tpu.memory_space<vmem_shared>>)
    %dma_wait3A_174 = arith.constant 0 : i32
    %dma_wait3A_175 = tpu.memref_slice %arg12[%dma_wait3A_174] : memref<10240xf32, #tpu.memory_space<vmem_shared>> -> memref<10240xf32, #tpu.memory_space<vmem_shared>>
    tpu.wait_indirect_dma semaphore(%arg43 : memref<!tpu.dma_semaphore, #tpu.memory_space<semaphore_mem>>) src(%arg32 : memref<2000xf32, #tpu.memory_space<vmem>>) dst(%dma_wait3A_175 : memref<10240xf32, #tpu.memory_space<vmem_shared>>)
    %barrier3A_176 = arith.constant 0 : index
    tpu.barrier barrier_id(%barrier3A_176)
    "tpu.region"() ({
      %run_scoped3A_177 = tpu.sem_alloc : memref<!tpu.dma_semaphore, #tpu.memory_space<semaphore_mem>>
      %dma_start3A_178 = tpu.memref_slice %arg9[%arg0, %mul3A_0] : memref<2x10240xf32, #tpu.memory_space<hbm>> -> memref<1x640xf32, #tpu.memory_space<hbm>>
      %dma_start3A_179 = tpu.memref_squeeze %dma_start3A_178 : memref<1x640xf32, #tpu.memory_space<hbm>> -> memref<640xf32, #tpu.memory_space<hbm>>
      %dma_start3A_180 = tpu.memref_slice %arg12[%mul3A_0] : memref<10240xf32, #tpu.memory_space<vmem_shared>> -> memref<640xf32, #tpu.memory_space<vmem_shared>>
      tpu.enqueue_dma source(%dma_start3A_180 : memref<640xf32, #tpu.memory_space<vmem_shared>>) target(%dma_start3A_179 : memref<640xf32, #tpu.memory_space<hbm>>) target_semaphore(%run_scoped3A_177 : memref<!tpu.dma_semaphore, #tpu.memory_space<semaphore_mem>>)
      %dma_wait3A_181 = tpu.memref_slice %arg9[%arg0, %mul3A_0] : memref<2x10240xf32, #tpu.memory_space<hbm>> -> memref<1x640xf32, #tpu.memory_space<hbm>>
      %dma_wait3A_182 = tpu.memref_squeeze %dma_wait3A_181 : memref<1x640xf32, #tpu.memory_space<hbm>> -> memref<640xf32, #tpu.memory_space<hbm>>
      %dma_wait3A_183 = tpu.memref_slice %arg12[%mul3A_0] : memref<10240xf32, #tpu.memory_space<vmem_shared>> -> memref<640xf32, #tpu.memory_space<vmem_shared>>
      tpu.wait_dma2 semaphore(%run_scoped3A_177 : memref<!tpu.dma_semaphore, #tpu.memory_space<semaphore_mem>>) src(%dma_wait3A_183 : memref<640xf32, #tpu.memory_space<vmem_shared>>) dst(%dma_wait3A_182 : memref<640xf32, #tpu.memory_space<hbm>>)
      tpu.yield
    }) : () -> ()
    return
  }
}

#map = affine_map<(d0, d1) -> (0, 0)>
#map1 = affine_map<(d0, d1) -> (0, 0, 0)>
module attributes {stable_mosaic.version = 14 : i64} {
  func.func @_edge1_body(%arg0: i32, %arg1: i32, %arg2: memref<10240x32xf32, #tpu.memory_space<hbm>>, %arg3: memref<2x320000xi32, #tpu.memory_space<hbm>>, %arg4: memref<2x10240x32xf32, #tpu.memory_space<hbm>>, %arg5: memref<2x10240xf32, #tpu.memory_space<hbm>>, %arg6: memref<10240x32xf32, #tpu.memory_space<vmem_shared>>, %arg7: memref<10240xf32, #tpu.memory_space<vmem_shared>>, %arg8: memref<1000xi32, #tpu.memory_space<vmem>>, %arg9: memref<1000xi32, #tpu.memory_space<vmem>>, %arg10: memref<1000xi32, #tpu.memory_space<vmem>>, %arg11: memref<1000xi32, #tpu.memory_space<vmem>>, %arg12: memref<1000xi32, #tpu.memory_space<vmem>>, %arg13: memref<1000xi32, #tpu.memory_space<vmem>>, %arg14: memref<1000xi32, #tpu.memory_space<vmem>>, %arg15: memref<1000xi32, #tpu.memory_space<vmem>>, %arg16: memref<1000x32xf32, #tpu.memory_space<vmem>>, %arg17: memref<1000x32xf32, #tpu.memory_space<vmem>>, %arg18: memref<1000x32xf32, #tpu.memory_space<vmem>>, %arg19: memref<1008xf32, #tpu.memory_space<vmem>>, %arg20: memref<!tpu.dma_semaphore, #tpu.memory_space<semaphore_mem>>, %arg21: memref<!tpu.dma_semaphore, #tpu.memory_space<semaphore_mem>>, %arg22: memref<!tpu.dma_semaphore, #tpu.memory_space<semaphore_mem>>, %arg23: memref<!tpu.dma_semaphore, #tpu.memory_space<semaphore_mem>>, %arg24: memref<!tpu.dma_semaphore, #tpu.memory_space<semaphore_mem>>, %arg25: memref<!tpu.dma_semaphore, #tpu.memory_space<semaphore_mem>>, %arg26: memref<!tpu.dma_semaphore, #tpu.memory_space<semaphore_mem>>, %arg27: memref<!tpu.dma_semaphore, #tpu.memory_space<semaphore_mem>>, %arg28: memref<!tpu.dma_semaphore, #tpu.memory_space<semaphore_mem>>, %arg29: memref<!tpu.dma_semaphore, #tpu.memory_space<semaphore_mem>>, %arg30: memref<!tpu.dma_semaphore, #tpu.memory_space<semaphore_mem>>, %arg31: memref<!tpu.dma_semaphore, #tpu.memory_space<semaphore_mem>>, %arg32: memref<!tpu.dma_semaphore, #tpu.memory_space<semaphore_mem>>, %arg33: memref<!tpu.dma_semaphore, #tpu.memory_space<semaphore_mem>>, %arg34: memref<!tpu.dma_semaphore, #tpu.memory_space<semaphore_mem>>, %arg35: memref<!tpu.dma_semaphore, #tpu.memory_space<semaphore_mem>>, %arg36: memref<!tpu.dma_semaphore, #tpu.memory_space<semaphore_mem>>) attributes {dimension_semantics = [#tpu.dimension_semantics<core_parallel>, #tpu.dimension_semantics<subcore_parallel>], iteration_bounds = array<i64: 2, 16>, scalar_prefetch = 0 : i64, scratch_operands = 31 : i64, tpu.core_type = #tpu.core_type<sc_vector_subcore>, window_params = [{transform_indices = #map}, {transform_indices = #map}, {transform_indices = #map1}, {transform_indices = #map}]} {
    %scan3A = arith.constant 0 : i32
    %scan3A_0 = arith.constant 0 : i32
    %scan3A_1 = arith.constant 640 : i32
    %scan3A_2 = arith.addi %scan3A_0, %scan3A_1 : i32
    %scan3A_3 = arith.constant 1 : i32
    %scan3A_4 = scf.for %scan3A_456 = %scan3A_0 to %scan3A_2 step %scan3A_3 iter_args(%scan3A_457 = %scan3A) -> (i32)  : i32 {
      %broadcast_in_dim3A = arith.constant 0.000000e+00 : f32
      %broadcast_in_dim3A_458 = vector.broadcast %broadcast_in_dim3A : f32 to vector<16xf32>
      %swap3A = arith.index_cast %scan3A_456 : i32 to index
      %swap3A_459 = arith.constant 0 : index
      %swap3A_460 = tpu.vector_load %arg16[%swap3A, %swap3A_459] {strides = array<i32>} : memref<1000x32xf32, #tpu.memory_space<vmem>>, vector<16xf32>,
      tpu.vector_store %arg16[%swap3A, %swap3A_459], %broadcast_in_dim3A_458 {strides = array<i32>} : memref<1000x32xf32, #tpu.memory_space<vmem>>, vector<16xf32>,
      %broadcast_in_dim3A_461 = arith.constant 0.000000e+00 : f32
      %broadcast_in_dim3A_462 = vector.broadcast %broadcast_in_dim3A_461 : f32 to vector<16xf32>
      %swap3A_463 = arith.index_cast %scan3A_456 : i32 to index
      %swap3A_464 = arith.constant 16 : index
      %swap3A_465 = tpu.vector_load %arg16[%swap3A_463, %swap3A_464] {strides = array<i32>} : memref<1000x32xf32, #tpu.memory_space<vmem>>, vector<16xf32>,
      tpu.vector_store %arg16[%swap3A_463, %swap3A_464], %broadcast_in_dim3A_462 {strides = array<i32>} : memref<1000x32xf32, #tpu.memory_space<vmem>>, vector<16xf32>,
      %scan3A_466 = arith.constant 0 : i32
      scf.yield %scan3A_466 : i32
    }
    %scan3A_5 = arith.constant 640 : i32
    %mul3A = arith.constant 640 : i32
    %mul3A_6 = arith.muli %arg1, %mul3A : i32
    "tpu.region"() ({
      %run_scoped3A = tpu.sem_alloc : memref<!tpu.dma_semaphore, #tpu.memory_space<semaphore_mem>>
      %dma_start3A_456 = arith.constant 0 : i32
      %dma_start3A_457 = arith.constant 0 : i32
      %dma_start3A_458 = tpu.memref_slice %arg16[%dma_start3A_456, %dma_start3A_457] : memref<1000x32xf32, #tpu.memory_space<vmem>> -> memref<640x32xf32, #tpu.memory_space<vmem>>
      %dma_start3A_459 = arith.constant 0 : i32
      %dma_start3A_460 = tpu.memref_slice %arg6[%mul3A_6, %dma_start3A_459] : memref<10240x32xf32, #tpu.memory_space<vmem_shared>> -> memref<640x32xf32, #tpu.memory_space<vmem_shared>>
      %dma_start3A_461 = arith.constant 0 : i32
      %dma_start3A_462 = tpu.memref_slice %arg6[%mul3A_6, %dma_start3A_461] : memref<10240x32xf32, #tpu.memory_space<vmem_shared>> -> memref<640x32xf32, #tpu.memory_space<vmem_shared>>
      %dma_start3A_463 = arith.constant 0 : i32
      %dma_start3A_464 = arith.constant 0 : i32
      %dma_start3A_465 = tpu.memref_slice %arg16[%dma_start3A_463, %dma_start3A_464] : memref<1000x32xf32, #tpu.memory_space<vmem>> -> memref<640x32xf32, #tpu.memory_space<vmem>>
      tpu.enqueue_dma source(%dma_start3A_465 : memref<640x32xf32, #tpu.memory_space<vmem>>) target(%dma_start3A_462 : memref<640x32xf32, #tpu.memory_space<vmem_shared>>) target_semaphore(%run_scoped3A : memref<!tpu.dma_semaphore, #tpu.memory_space<semaphore_mem>>)
      %dma_wait3A_466 = arith.constant 0 : i32
      %dma_wait3A_467 = arith.constant 0 : i32
      %dma_wait3A_468 = tpu.memref_slice %arg16[%dma_wait3A_466, %dma_wait3A_467] : memref<1000x32xf32, #tpu.memory_space<vmem>> -> memref<640x32xf32, #tpu.memory_space<vmem>>
      %dma_wait3A_469 = arith.constant 0 : i32
      %dma_wait3A_470 = tpu.memref_slice %arg6[%mul3A_6, %dma_wait3A_469] : memref<10240x32xf32, #tpu.memory_space<vmem_shared>> -> memref<640x32xf32, #tpu.memory_space<vmem_shared>>
      %dma_wait3A_471 = arith.constant 0 : i32
      %dma_wait3A_472 = tpu.memref_slice %arg6[%mul3A_6, %dma_wait3A_471] : memref<10240x32xf32, #tpu.memory_space<vmem_shared>> -> memref<640x32xf32, #tpu.memory_space<vmem_shared>>
      %dma_wait3A_473 = arith.constant 0 : i32
      %dma_wait3A_474 = arith.constant 0 : i32
      %dma_wait3A_475 = tpu.memref_slice %arg16[%dma_wait3A_473, %dma_wait3A_474] : memref<1000x32xf32, #tpu.memory_space<vmem>> -> memref<640x32xf32, #tpu.memory_space<vmem>>
      tpu.wait_dma2 semaphore(%run_scoped3A : memref<!tpu.dma_semaphore, #tpu.memory_space<semaphore_mem>>) src(%dma_wait3A_475 : memref<640x32xf32, #tpu.memory_space<vmem>>) dst(%dma_wait3A_472 : memref<640x32xf32, #tpu.memory_space<vmem_shared>>)
      tpu.yield
    }) : () -> ()
    %scan3A_7 = arith.constant 0 : i32
    %scan3A_8 = arith.constant 0 : i32
    %scan3A_9 = arith.constant 40 : i32
    %scan3A_10 = arith.addi %scan3A_8, %scan3A_9 : i32
    %scan3A_11 = arith.constant 1 : i32
    %scan3A_12 = scf.for %scan3A_456 = %scan3A_8 to %scan3A_10 step %scan3A_11 iter_args(%scan3A_457 = %scan3A_7) -> (i32)  : i32 {
      %broadcast_in_dim3A = arith.constant 0.000000e+00 : f32
      %broadcast_in_dim3A_458 = vector.broadcast %broadcast_in_dim3A : f32 to vector<16xf32>
      %mul3A_459 = arith.constant 16 : i32
      %mul3A_460 = arith.muli %scan3A_456, %mul3A_459 : i32
      %swap3A = arith.index_cast %mul3A_460 : i32 to index
      %swap3A_461 = tpu.vector_load %arg19[%swap3A] {strides = array<i32>} : memref<1008xf32, #tpu.memory_space<vmem>>, vector<16xf32>,
      tpu.vector_store %arg19[%swap3A], %broadcast_in_dim3A_458 {strides = array<i32>} : memref<1008xf32, #tpu.memory_space<vmem>>, vector<16xf32>,
      %scan3A_462 = arith.constant 0 : i32
      scf.yield %scan3A_462 : i32
    }
    %scan3A_13 = arith.constant 40 : i32
    %mul3A_14 = arith.constant 640 : i32
    %mul3A_15 = arith.muli %arg1, %mul3A_14 : i32
    "tpu.region"() ({
      %run_scoped3A = tpu.sem_alloc : memref<!tpu.dma_semaphore, #tpu.memory_space<semaphore_mem>>
      %dma_start3A_456 = arith.constant 0 : i32
      %dma_start3A_457 = tpu.memref_slice %arg19[%dma_start3A_456] : memref<1008xf32, #tpu.memory_space<vmem>> -> memref<640xf32, #tpu.memory_space<vmem>>
      %dma_start3A_458 = tpu.memref_slice %arg7[%mul3A_15] : memref<10240xf32, #tpu.memory_space<vmem_shared>> -> memref<640xf32, #tpu.memory_space<vmem_shared>>
      %dma_start3A_459 = tpu.memref_slice %arg7[%mul3A_15] : memref<10240xf32, #tpu.memory_space<vmem_shared>> -> memref<640xf32, #tpu.memory_space<vmem_shared>>
      %dma_start3A_460 = arith.constant 0 : i32
      %dma_start3A_461 = tpu.memref_slice %arg19[%dma_start3A_460] : memref<1008xf32, #tpu.memory_space<vmem>> -> memref<640xf32, #tpu.memory_space<vmem>>
      tpu.enqueue_dma source(%dma_start3A_461 : memref<640xf32, #tpu.memory_space<vmem>>) target(%dma_start3A_459 : memref<640xf32, #tpu.memory_space<vmem_shared>>) target_semaphore(%run_scoped3A : memref<!tpu.dma_semaphore, #tpu.memory_space<semaphore_mem>>)
      %dma_wait3A_462 = arith.constant 0 : i32
      %dma_wait3A_463 = tpu.memref_slice %arg19[%dma_wait3A_462] : memref<1008xf32, #tpu.memory_space<vmem>> -> memref<640xf32, #tpu.memory_space<vmem>>
      %dma_wait3A_464 = tpu.memref_slice %arg7[%mul3A_15] : memref<10240xf32, #tpu.memory_space<vmem_shared>> -> memref<640xf32, #tpu.memory_space<vmem_shared>>
      %dma_wait3A_465 = tpu.memref_slice %arg7[%mul3A_15] : memref<10240xf32, #tpu.memory_space<vmem_shared>> -> memref<640xf32, #tpu.memory_space<vmem_shared>>
      %dma_wait3A_466 = arith.constant 0 : i32
      %dma_wait3A_467 = tpu.memref_slice %arg19[%dma_wait3A_466] : memref<1008xf32, #tpu.memory_space<vmem>> -> memref<640xf32, #tpu.memory_space<vmem>>
      tpu.wait_dma2 semaphore(%run_scoped3A : memref<!tpu.dma_semaphore, #tpu.memory_space<semaphore_mem>>) src(%dma_wait3A_467 : memref<640xf32, #tpu.memory_space<vmem>>) dst(%dma_wait3A_465 : memref<640xf32, #tpu.memory_space<vmem_shared>>)
      tpu.yield
    }) : () -> ()
    %scan3A_16 = arith.constant 0 : i32
    %scan3A_17 = arith.constant 0 : i32
    %scan3A_18 = arith.constant 63 : i32
    %scan3A_19 = arith.addi %scan3A_17, %scan3A_18 : i32
    %scan3A_20 = arith.constant 1 : i32
    %scan3A_21 = scf.for %scan3A_456 = %scan3A_17 to %scan3A_19 step %scan3A_20 iter_args(%scan3A_457 = %scan3A_16) -> (i32)  : i32 {
      %broadcast_in_dim3A = arith.constant 1.000000e+00 : f32
      %broadcast_in_dim3A_458 = vector.broadcast %broadcast_in_dim3A : f32 to vector<16xf32>
      %mul3A_459 = arith.constant 16 : i32
      %mul3A_460 = arith.muli %scan3A_456, %mul3A_459 : i32
      %swap3A = arith.index_cast %mul3A_460 : i32 to index
      %swap3A_461 = tpu.vector_load %arg19[%swap3A] {strides = array<i32>} : memref<1008xf32, #tpu.memory_space<vmem>>, vector<16xf32>,
      tpu.vector_store %arg19[%swap3A], %broadcast_in_dim3A_458 {strides = array<i32>} : memref<1008xf32, #tpu.memory_space<vmem>>, vector<16xf32>,
      %scan3A_462 = arith.constant 0 : i32
      scf.yield %scan3A_462 : i32
    }
    %scan3A_22 = arith.constant 63 : i32
    %barrier3A = arith.constant 0 : index
    tpu.barrier barrier_id(%barrier3A)
    %mul3A_23 = arith.constant 2 : i32
    %mul3A_24 = arith.muli %arg1, %mul3A_23 : i32
    %add3A = arith.addi %mul3A_24, %arg0 : i32
    %mul3A_25 = arith.constant 10000 : i32
    %mul3A_26 = arith.muli %add3A, %mul3A_25 : i32
    %add3A_27 = arith.constant 0 : i32
    %add3A_28 = arith.addi %mul3A_26, %add3A_27 : i32
    %multiple_of3A = tpu.assume_multiple %add3A_28, 8 : i32
    %dma_start3A = arith.constant 0 : i32
    %dma_start3A_29 = tpu.memref_slice %arg3[%dma_start3A, %multiple_of3A] : memref<2x320000xi32, #tpu.memory_space<hbm>> -> memref<1x1000xi32, #tpu.memory_space<hbm>>
    %dma_start3A_30 = tpu.memref_squeeze %dma_start3A_29 : memref<1x1000xi32, #tpu.memory_space<hbm>> -> memref<1000xi32, #tpu.memory_space<hbm>>
    %dma_start3A_31 = tpu.memref_slice %arg3[%dma_start3A, %multiple_of3A] : memref<2x320000xi32, #tpu.memory_space<hbm>> -> memref<1x1000xi32, #tpu.memory_space<hbm>>
    %dma_start3A_32 = tpu.memref_squeeze %dma_start3A_31 : memref<1x1000xi32, #tpu.memory_space<hbm>> -> memref<1000xi32, #tpu.memory_space<hbm>>
    tpu.enqueue_dma source(%dma_start3A_32 : memref<1000xi32, #tpu.memory_space<hbm>>) target(%arg8 : memref<1000xi32, #tpu.memory_space<vmem>>) target_semaphore(%arg20 : memref<!tpu.dma_semaphore, #tpu.memory_space<semaphore_mem>>)
    %dma_start3A_33 = arith.constant 1 : i32
    %dma_start3A_34 = tpu.memref_slice %arg3[%dma_start3A_33, %multiple_of3A] : memref<2x320000xi32, #tpu.memory_space<hbm>> -> memref<1x1000xi32, #tpu.memory_space<hbm>>
    %dma_start3A_35 = tpu.memref_squeeze %dma_start3A_34 : memref<1x1000xi32, #tpu.memory_space<hbm>> -> memref<1000xi32, #tpu.memory_space<hbm>>
    %dma_start3A_36 = tpu.memref_slice %arg3[%dma_start3A_33, %multiple_of3A] : memref<2x320000xi32, #tpu.memory_space<hbm>> -> memref<1x1000xi32, #tpu.memory_space<hbm>>
    %dma_start3A_37 = tpu.memref_squeeze %dma_start3A_36 : memref<1x1000xi32, #tpu.memory_space<hbm>> -> memref<1000xi32, #tpu.memory_space<hbm>>
    tpu.enqueue_dma source(%dma_start3A_37 : memref<1000xi32, #tpu.memory_space<hbm>>) target(%arg12 : memref<1000xi32, #tpu.memory_space<vmem>>) target_semaphore(%arg24 : memref<!tpu.dma_semaphore, #tpu.memory_space<semaphore_mem>>)
    %add3A_38 = arith.constant 1000 : i32
    %add3A_39 = arith.addi %mul3A_26, %add3A_38 : i32
    %multiple_of3A_40 = tpu.assume_multiple %add3A_39, 8 : i32
    %dma_start3A_41 = arith.constant 0 : i32
    %dma_start3A_42 = tpu.memref_slice %arg3[%dma_start3A_41, %multiple_of3A_40] : memref<2x320000xi32, #tpu.memory_space<hbm>> -> memref<1x1000xi32, #tpu.memory_space<hbm>>
    %dma_start3A_43 = tpu.memref_squeeze %dma_start3A_42 : memref<1x1000xi32, #tpu.memory_space<hbm>> -> memref<1000xi32, #tpu.memory_space<hbm>>
    %dma_start3A_44 = tpu.memref_slice %arg3[%dma_start3A_41, %multiple_of3A_40] : memref<2x320000xi32, #tpu.memory_space<hbm>> -> memref<1x1000xi32, #tpu.memory_space<hbm>>
    %dma_start3A_45 = tpu.memref_squeeze %dma_start3A_44 : memref<1x1000xi32, #tpu.memory_space<hbm>> -> memref<1000xi32, #tpu.memory_space<hbm>>
    tpu.enqueue_dma source(%dma_start3A_45 : memref<1000xi32, #tpu.memory_space<hbm>>) target(%arg9 : memref<1000xi32, #tpu.memory_space<vmem>>) target_semaphore(%arg21 : memref<!tpu.dma_semaphore, #tpu.memory_space<semaphore_mem>>)
    %dma_start3A_46 = arith.constant 1 : i32
    %dma_start3A_47 = tpu.memref_slice %arg3[%dma_start3A_46, %multiple_of3A_40] : memref<2x320000xi32, #tpu.memory_space<hbm>> -> memref<1x1000xi32, #tpu.memory_space<hbm>>
    %dma_start3A_48 = tpu.memref_squeeze %dma_start3A_47 : memref<1x1000xi32, #tpu.memory_space<hbm>> -> memref<1000xi32, #tpu.memory_space<hbm>>
    %dma_start3A_49 = tpu.memref_slice %arg3[%dma_start3A_46, %multiple_of3A_40] : memref<2x320000xi32, #tpu.memory_space<hbm>> -> memref<1x1000xi32, #tpu.memory_space<hbm>>
    %dma_start3A_50 = tpu.memref_squeeze %dma_start3A_49 : memref<1x1000xi32, #tpu.memory_space<hbm>> -> memref<1000xi32, #tpu.memory_space<hbm>>
    tpu.enqueue_dma source(%dma_start3A_50 : memref<1000xi32, #tpu.memory_space<hbm>>) target(%arg13 : memref<1000xi32, #tpu.memory_space<vmem>>) target_semaphore(%arg25 : memref<!tpu.dma_semaphore, #tpu.memory_space<semaphore_mem>>)
    %dma_wait3A = arith.constant 0 : i32
    %dma_wait3A_51 = tpu.memref_slice %arg3[%dma_wait3A, %multiple_of3A] : memref<2x320000xi32, #tpu.memory_space<hbm>> -> memref<1x1000xi32, #tpu.memory_space<hbm>>
    %dma_wait3A_52 = tpu.memref_squeeze %dma_wait3A_51 : memref<1x1000xi32, #tpu.memory_space<hbm>> -> memref<1000xi32, #tpu.memory_space<hbm>>
    %dma_wait3A_53 = tpu.memref_slice %arg3[%dma_wait3A, %multiple_of3A] : memref<2x320000xi32, #tpu.memory_space<hbm>> -> memref<1x1000xi32, #tpu.memory_space<hbm>>
    %dma_wait3A_54 = tpu.memref_squeeze %dma_wait3A_53 : memref<1x1000xi32, #tpu.memory_space<hbm>> -> memref<1000xi32, #tpu.memory_space<hbm>>
    tpu.wait_dma2 semaphore(%arg20 : memref<!tpu.dma_semaphore, #tpu.memory_space<semaphore_mem>>) src(%dma_wait3A_54 : memref<1000xi32, #tpu.memory_space<hbm>>) dst(%arg8 : memref<1000xi32, #tpu.memory_space<vmem>>)
    %dma_start3A_55 = arith.constant 0 : i32
    %dma_start3A_56 = arith.constant 0 : i32
    %dma_start3A_57 = tpu.memref_slice %arg2[%dma_start3A_55, %dma_start3A_56] : memref<10240x32xf32, #tpu.memory_space<hbm>> -> memref<10240x32xf32, #tpu.memory_space<hbm>>
    tpu.enqueue_indirect_dma source(%dma_start3A_57 : memref<10240x32xf32, #tpu.memory_space<hbm>>) target(%arg16 : memref<1000x32xf32, #tpu.memory_space<vmem>>) offsets(%arg8 : memref<1000xi32, #tpu.memory_space<vmem>>) semaphore(%arg28 : memref<!tpu.dma_semaphore, #tpu.memory_space<semaphore_mem>>)
    %add3A_58 = arith.constant 2000 : i32
    %add3A_59 = arith.addi %mul3A_26, %add3A_58 : i32
    %multiple_of3A_60 = tpu.assume_multiple %add3A_59, 8 : i32
    %dma_start3A_61 = arith.constant 0 : i32
    %dma_start3A_62 = tpu.memref_slice %arg3[%dma_start3A_61, %multiple_of3A_60] : memref<2x320000xi32, #tpu.memory_space<hbm>> -> memref<1x1000xi32, #tpu.memory_space<hbm>>
    %dma_start3A_63 = tpu.memref_squeeze %dma_start3A_62 : memref<1x1000xi32, #tpu.memory_space<hbm>> -> memref<1000xi32, #tpu.memory_space<hbm>>
    %dma_start3A_64 = tpu.memref_slice %arg3[%dma_start3A_61, %multiple_of3A_60] : memref<2x320000xi32, #tpu.memory_space<hbm>> -> memref<1x1000xi32, #tpu.memory_space<hbm>>
    %dma_start3A_65 = tpu.memref_squeeze %dma_start3A_64 : memref<1x1000xi32, #tpu.memory_space<hbm>> -> memref<1000xi32, #tpu.memory_space<hbm>>
    tpu.enqueue_dma source(%dma_start3A_65 : memref<1000xi32, #tpu.memory_space<hbm>>) target(%arg10 : memref<1000xi32, #tpu.memory_space<vmem>>) target_semaphore(%arg22 : memref<!tpu.dma_semaphore, #tpu.memory_space<semaphore_mem>>)
    %dma_start3A_66 = arith.constant 1 : i32
    %dma_start3A_67 = tpu.memref_slice %arg3[%dma_start3A_66, %multiple_of3A_60] : memref<2x320000xi32, #tpu.memory_space<hbm>> -> memref<1x1000xi32, #tpu.memory_space<hbm>>
    %dma_start3A_68 = tpu.memref_squeeze %dma_start3A_67 : memref<1x1000xi32, #tpu.memory_space<hbm>> -> memref<1000xi32, #tpu.memory_space<hbm>>
    %dma_start3A_69 = tpu.memref_slice %arg3[%dma_start3A_66, %multiple_of3A_60] : memref<2x320000xi32, #tpu.memory_space<hbm>> -> memref<1x1000xi32, #tpu.memory_space<hbm>>
    %dma_start3A_70 = tpu.memref_squeeze %dma_start3A_69 : memref<1x1000xi32, #tpu.memory_space<hbm>> -> memref<1000xi32, #tpu.memory_space<hbm>>
    tpu.enqueue_dma source(%dma_start3A_70 : memref<1000xi32, #tpu.memory_space<hbm>>) target(%arg14 : memref<1000xi32, #tpu.memory_space<vmem>>) target_semaphore(%arg26 : memref<!tpu.dma_semaphore, #tpu.memory_space<semaphore_mem>>)
    %dma_wait3A_71 = arith.constant 0 : i32
    %dma_wait3A_72 = tpu.memref_slice %arg3[%dma_wait3A_71, %multiple_of3A_40] : memref<2x320000xi32, #tpu.memory_space<hbm>> -> memref<1x1000xi32, #tpu.memory_space<hbm>>
    %dma_wait3A_73 = tpu.memref_squeeze %dma_wait3A_72 : memref<1x1000xi32, #tpu.memory_space<hbm>> -> memref<1000xi32, #tpu.memory_space<hbm>>
    %dma_wait3A_74 = tpu.memref_slice %arg3[%dma_wait3A_71, %multiple_of3A_40] : memref<2x320000xi32, #tpu.memory_space<hbm>> -> memref<1x1000xi32, #tpu.memory_space<hbm>>
    %dma_wait3A_75 = tpu.memref_squeeze %dma_wait3A_74 : memref<1x1000xi32, #tpu.memory_space<hbm>> -> memref<1000xi32, #tpu.memory_space<hbm>>
    tpu.wait_dma2 semaphore(%arg21 : memref<!tpu.dma_semaphore, #tpu.memory_space<semaphore_mem>>) src(%dma_wait3A_75 : memref<1000xi32, #tpu.memory_space<hbm>>) dst(%arg9 : memref<1000xi32, #tpu.memory_space<vmem>>)
    %dma_start3A_76 = arith.constant 0 : i32
    %dma_start3A_77 = arith.constant 0 : i32
    %dma_start3A_78 = tpu.memref_slice %arg2[%dma_start3A_76, %dma_start3A_77] : memref<10240x32xf32, #tpu.memory_space<hbm>> -> memref<10240x32xf32, #tpu.memory_space<hbm>>
    tpu.enqueue_indirect_dma source(%dma_start3A_78 : memref<10240x32xf32, #tpu.memory_space<hbm>>) target(%arg17 : memref<1000x32xf32, #tpu.memory_space<vmem>>) offsets(%arg9 : memref<1000xi32, #tpu.memory_space<vmem>>) semaphore(%arg29 : memref<!tpu.dma_semaphore, #tpu.memory_space<semaphore_mem>>)
    %dma_wait3A_79 = arith.constant 0 : i32
    %dma_wait3A_80 = arith.constant 0 : i32
    %dma_wait3A_81 = tpu.memref_slice %arg2[%dma_wait3A_79, %dma_wait3A_80] : memref<10240x32xf32, #tpu.memory_space<hbm>> -> memref<10240x32xf32, #tpu.memory_space<hbm>>
    tpu.wait_indirect_dma semaphore(%arg28 : memref<!tpu.dma_semaphore, #tpu.memory_space<semaphore_mem>>) src(%dma_wait3A_81 : memref<10240x32xf32, #tpu.memory_space<hbm>>) dst(%arg16 : memref<1000x32xf32, #tpu.memory_space<vmem>>)
    %dma_wait3A_82 = arith.constant 1 : i32
    %dma_wait3A_83 = tpu.memref_slice %arg3[%dma_wait3A_82, %multiple_of3A] : memref<2x320000xi32, #tpu.memory_space<hbm>> -> memref<1x1000xi32, #tpu.memory_space<hbm>>
    %dma_wait3A_84 = tpu.memref_squeeze %dma_wait3A_83 : memref<1x1000xi32, #tpu.memory_space<hbm>> -> memref<1000xi32, #tpu.memory_space<hbm>>
    %dma_wait3A_85 = tpu.memref_slice %arg3[%dma_wait3A_82, %multiple_of3A] : memref<2x320000xi32, #tpu.memory_space<hbm>> -> memref<1x1000xi32, #tpu.memory_space<hbm>>
    %dma_wait3A_86 = tpu.memref_squeeze %dma_wait3A_85 : memref<1x1000xi32, #tpu.memory_space<hbm>> -> memref<1000xi32, #tpu.memory_space<hbm>>
    tpu.wait_dma2 semaphore(%arg24 : memref<!tpu.dma_semaphore, #tpu.memory_space<semaphore_mem>>) src(%dma_wait3A_86 : memref<1000xi32, #tpu.memory_space<hbm>>) dst(%arg12 : memref<1000xi32, #tpu.memory_space<vmem>>)
    %dma_start3A_87 = arith.constant 0 : i32
    %dma_start3A_88 = arith.constant 0 : i32
    %dma_start3A_89 = tpu.memref_slice %arg6[%dma_start3A_87, %dma_start3A_88] : memref<10240x32xf32, #tpu.memory_space<vmem_shared>> -> memref<10240x32xf32, #tpu.memory_space<vmem_shared>>
    tpu.enqueue_indirect_dma source(%arg16 : memref<1000x32xf32, #tpu.memory_space<vmem>>) target(%dma_start3A_89 : memref<10240x32xf32, #tpu.memory_space<vmem_shared>>) offsets(%arg12 : memref<1000xi32, #tpu.memory_space<vmem>>) semaphore(%arg31 : memref<!tpu.dma_semaphore, #tpu.memory_space<semaphore_mem>>) {add = true}
    %dma_start3A_90 = arith.constant 0 : i32
    %dma_start3A_91 = tpu.memref_slice %arg19[%dma_start3A_90] : memref<1008xf32, #tpu.memory_space<vmem>> -> memref<1000xf32, #tpu.memory_space<vmem>>
    %dma_start3A_92 = arith.constant 0 : i32
    %dma_start3A_93 = tpu.memref_slice %arg7[%dma_start3A_92] : memref<10240xf32, #tpu.memory_space<vmem_shared>> -> memref<10240xf32, #tpu.memory_space<vmem_shared>>
    tpu.enqueue_indirect_dma source(%dma_start3A_91 : memref<1000xf32, #tpu.memory_space<vmem>>) target(%dma_start3A_93 : memref<10240xf32, #tpu.memory_space<vmem_shared>>) offsets(%arg12 : memref<1000xi32, #tpu.memory_space<vmem>>) semaphore(%arg34 : memref<!tpu.dma_semaphore, #tpu.memory_space<semaphore_mem>>) {add = true}
    %add3A_94 = arith.constant 3000 : i32
    %add3A_95 = arith.addi %mul3A_26, %add3A_94 : i32
    %multiple_of3A_96 = tpu.assume_multiple %add3A_95, 8 : i32
    %dma_start3A_97 = arith.constant 0 : i32
    %dma_start3A_98 = tpu.memref_slice %arg3[%dma_start3A_97, %multiple_of3A_96] : memref<2x320000xi32, #tpu.memory_space<hbm>> -> memref<1x1000xi32, #tpu.memory_space<hbm>>
    %dma_start3A_99 = tpu.memref_squeeze %dma_start3A_98 : memref<1x1000xi32, #tpu.memory_space<hbm>> -> memref<1000xi32, #tpu.memory_space<hbm>>
    %dma_start3A_100 = tpu.memref_slice %arg3[%dma_start3A_97, %multiple_of3A_96] : memref<2x320000xi32, #tpu.memory_space<hbm>> -> memref<1x1000xi32, #tpu.memory_space<hbm>>
    %dma_start3A_101 = tpu.memref_squeeze %dma_start3A_100 : memref<1x1000xi32, #tpu.memory_space<hbm>> -> memref<1000xi32, #tpu.memory_space<hbm>>
    tpu.enqueue_dma source(%dma_start3A_101 : memref<1000xi32, #tpu.memory_space<hbm>>) target(%arg11 : memref<1000xi32, #tpu.memory_space<vmem>>) target_semaphore(%arg23 : memref<!tpu.dma_semaphore, #tpu.memory_space<semaphore_mem>>)
    %dma_start3A_102 = arith.constant 1 : i32
    %dma_start3A_103 = tpu.memref_slice %arg3[%dma_start3A_102, %multiple_of3A_96] : memref<2x320000xi32, #tpu.memory_space<hbm>> -> memref<1x1000xi32, #tpu.memory_space<hbm>>
    %dma_start3A_104 = tpu.memref_squeeze %dma_start3A_103 : memref<1x1000xi32, #tpu.memory_space<hbm>> -> memref<1000xi32, #tpu.memory_space<hbm>>
    %dma_start3A_105 = tpu.memref_slice %arg3[%dma_start3A_102, %multiple_of3A_96] : memref<2x320000xi32, #tpu.memory_space<hbm>> -> memref<1x1000xi32, #tpu.memory_space<hbm>>
    %dma_start3A_106 = tpu.memref_squeeze %dma_start3A_105 : memref<1x1000xi32, #tpu.memory_space<hbm>> -> memref<1000xi32, #tpu.memory_space<hbm>>
    tpu.enqueue_dma source(%dma_start3A_106 : memref<1000xi32, #tpu.memory_space<hbm>>) target(%arg15 : memref<1000xi32, #tpu.memory_space<vmem>>) target_semaphore(%arg27 : memref<!tpu.dma_semaphore, #tpu.memory_space<semaphore_mem>>)
    %dma_wait3A_107 = arith.constant 0 : i32
    %dma_wait3A_108 = tpu.memref_slice %arg3[%dma_wait3A_107, %multiple_of3A_60] : memref<2x320000xi32, #tpu.memory_space<hbm>> -> memref<1x1000xi32, #tpu.memory_space<hbm>>
    %dma_wait3A_109 = tpu.memref_squeeze %dma_wait3A_108 : memref<1x1000xi32, #tpu.memory_space<hbm>> -> memref<1000xi32, #tpu.memory_space<hbm>>
    %dma_wait3A_110 = tpu.memref_slice %arg3[%dma_wait3A_107, %multiple_of3A_60] : memref<2x320000xi32, #tpu.memory_space<hbm>> -> memref<1x1000xi32, #tpu.memory_space<hbm>>
    %dma_wait3A_111 = tpu.memref_squeeze %dma_wait3A_110 : memref<1x1000xi32, #tpu.memory_space<hbm>> -> memref<1000xi32, #tpu.memory_space<hbm>>
    tpu.wait_dma2 semaphore(%arg22 : memref<!tpu.dma_semaphore, #tpu.memory_space<semaphore_mem>>) src(%dma_wait3A_111 : memref<1000xi32, #tpu.memory_space<hbm>>) dst(%arg10 : memref<1000xi32, #tpu.memory_space<vmem>>)
    %dma_start3A_112 = arith.constant 0 : i32
    %dma_start3A_113 = arith.constant 0 : i32
    %dma_start3A_114 = tpu.memref_slice %arg2[%dma_start3A_112, %dma_start3A_113] : memref<10240x32xf32, #tpu.memory_space<hbm>> -> memref<10240x32xf32, #tpu.memory_space<hbm>>
    tpu.enqueue_indirect_dma source(%dma_start3A_114 : memref<10240x32xf32, #tpu.memory_space<hbm>>) target(%arg18 : memref<1000x32xf32, #tpu.memory_space<vmem>>) offsets(%arg10 : memref<1000xi32, #tpu.memory_space<vmem>>) semaphore(%arg30 : memref<!tpu.dma_semaphore, #tpu.memory_space<semaphore_mem>>)
    %dma_wait3A_115 = arith.constant 0 : i32
    %dma_wait3A_116 = arith.constant 0 : i32
    %dma_wait3A_117 = tpu.memref_slice %arg2[%dma_wait3A_115, %dma_wait3A_116] : memref<10240x32xf32, #tpu.memory_space<hbm>> -> memref<10240x32xf32, #tpu.memory_space<hbm>>
    tpu.wait_indirect_dma semaphore(%arg29 : memref<!tpu.dma_semaphore, #tpu.memory_space<semaphore_mem>>) src(%dma_wait3A_117 : memref<10240x32xf32, #tpu.memory_space<hbm>>) dst(%arg17 : memref<1000x32xf32, #tpu.memory_space<vmem>>)
    %dma_wait3A_118 = arith.constant 1 : i32
    %dma_wait3A_119 = tpu.memref_slice %arg3[%dma_wait3A_118, %multiple_of3A_40] : memref<2x320000xi32, #tpu.memory_space<hbm>> -> memref<1x1000xi32, #tpu.memory_space<hbm>>
    %dma_wait3A_120 = tpu.memref_squeeze %dma_wait3A_119 : memref<1x1000xi32, #tpu.memory_space<hbm>> -> memref<1000xi32, #tpu.memory_space<hbm>>
    %dma_wait3A_121 = tpu.memref_slice %arg3[%dma_wait3A_118, %multiple_of3A_40] : memref<2x320000xi32, #tpu.memory_space<hbm>> -> memref<1x1000xi32, #tpu.memory_space<hbm>>
    %dma_wait3A_122 = tpu.memref_squeeze %dma_wait3A_121 : memref<1x1000xi32, #tpu.memory_space<hbm>> -> memref<1000xi32, #tpu.memory_space<hbm>>
    tpu.wait_dma2 semaphore(%arg25 : memref<!tpu.dma_semaphore, #tpu.memory_space<semaphore_mem>>) src(%dma_wait3A_122 : memref<1000xi32, #tpu.memory_space<hbm>>) dst(%arg13 : memref<1000xi32, #tpu.memory_space<vmem>>)
    %dma_start3A_123 = arith.constant 0 : i32
    %dma_start3A_124 = arith.constant 0 : i32
    %dma_start3A_125 = tpu.memref_slice %arg6[%dma_start3A_123, %dma_start3A_124] : memref<10240x32xf32, #tpu.memory_space<vmem_shared>> -> memref<10240x32xf32, #tpu.memory_space<vmem_shared>>
    tpu.enqueue_indirect_dma source(%arg17 : memref<1000x32xf32, #tpu.memory_space<vmem>>) target(%dma_start3A_125 : memref<10240x32xf32, #tpu.memory_space<vmem_shared>>) offsets(%arg13 : memref<1000xi32, #tpu.memory_space<vmem>>) semaphore(%arg32 : memref<!tpu.dma_semaphore, #tpu.memory_space<semaphore_mem>>) {add = true}
    %dma_start3A_126 = arith.constant 0 : i32
    %dma_start3A_127 = tpu.memref_slice %arg19[%dma_start3A_126] : memref<1008xf32, #tpu.memory_space<vmem>> -> memref<1000xf32, #tpu.memory_space<vmem>>
    %dma_start3A_128 = arith.constant 0 : i32
    %dma_start3A_129 = tpu.memref_slice %arg7[%dma_start3A_128] : memref<10240xf32, #tpu.memory_space<vmem_shared>> -> memref<10240xf32, #tpu.memory_space<vmem_shared>>
    tpu.enqueue_indirect_dma source(%dma_start3A_127 : memref<1000xf32, #tpu.memory_space<vmem>>) target(%dma_start3A_129 : memref<10240xf32, #tpu.memory_space<vmem_shared>>) offsets(%arg13 : memref<1000xi32, #tpu.memory_space<vmem>>) semaphore(%arg35 : memref<!tpu.dma_semaphore, #tpu.memory_space<semaphore_mem>>) {add = true}
    %dma_wait3A_130 = arith.constant 0 : i32
    %dma_wait3A_131 = arith.constant 0 : i32
    %dma_wait3A_132 = tpu.memref_slice %arg6[%dma_wait3A_130, %dma_wait3A_131] : memref<10240x32xf32, #tpu.memory_space<vmem_shared>> -> memref<10240x32xf32, #tpu.memory_space<vmem_shared>>
    tpu.wait_indirect_dma semaphore(%arg31 : memref<!tpu.dma_semaphore, #tpu.memory_space<semaphore_mem>>) src(%arg16 : memref<1000x32xf32, #tpu.memory_space<vmem>>) dst(%dma_wait3A_132 : memref<10240x32xf32, #tpu.memory_space<vmem_shared>>)
    %dma_wait3A_133 = arith.constant 0 : i32
    %dma_wait3A_134 = tpu.memref_slice %arg19[%dma_wait3A_133] : memref<1008xf32, #tpu.memory_space<vmem>> -> memref<1000xf32, #tpu.memory_space<vmem>>
    %dma_wait3A_135 = arith.constant 0 : i32
    %dma_wait3A_136 = tpu.memref_slice %arg7[%dma_wait3A_135] : memref<10240xf32, #tpu.memory_space<vmem_shared>> -> memref<10240xf32, #tpu.memory_space<vmem_shared>>
    tpu.wait_indirect_dma semaphore(%arg34 : memref<!tpu.dma_semaphore, #tpu.memory_space<semaphore_mem>>) src(%dma_wait3A_134 : memref<1000xf32, #tpu.memory_space<vmem>>) dst(%dma_wait3A_136 : memref<10240xf32, #tpu.memory_space<vmem_shared>>)
    %add3A_137 = arith.constant 4000 : i32
    %add3A_138 = arith.addi %mul3A_26, %add3A_137 : i32
    %multiple_of3A_139 = tpu.assume_multiple %add3A_138, 8 : i32
    %dma_start3A_140 = arith.constant 0 : i32
    %dma_start3A_141 = tpu.memref_slice %arg3[%dma_start3A_140, %multiple_of3A_139] : memref<2x320000xi32, #tpu.memory_space<hbm>> -> memref<1x1000xi32, #tpu.memory_space<hbm>>
    %dma_start3A_142 = tpu.memref_squeeze %dma_start3A_141 : memref<1x1000xi32, #tpu.memory_space<hbm>> -> memref<1000xi32, #tpu.memory_space<hbm>>
    %dma_start3A_143 = tpu.memref_slice %arg3[%dma_start3A_140, %multiple_of3A_139] : memref<2x320000xi32, #tpu.memory_space<hbm>> -> memref<1x1000xi32, #tpu.memory_space<hbm>>
    %dma_start3A_144 = tpu.memref_squeeze %dma_start3A_143 : memref<1x1000xi32, #tpu.memory_space<hbm>> -> memref<1000xi32, #tpu.memory_space<hbm>>
    tpu.enqueue_dma source(%dma_start3A_144 : memref<1000xi32, #tpu.memory_space<hbm>>) target(%arg8 : memref<1000xi32, #tpu.memory_space<vmem>>) target_semaphore(%arg20 : memref<!tpu.dma_semaphore, #tpu.memory_space<semaphore_mem>>)
    %dma_start3A_145 = arith.constant 1 : i32
    %dma_start3A_146 = tpu.memref_slice %arg3[%dma_start3A_145, %multiple_of3A_139] : memref<2x320000xi32, #tpu.memory_space<hbm>> -> memref<1x1000xi32, #tpu.memory_space<hbm>>
    %dma_start3A_147 = tpu.memref_squeeze %dma_start3A_146 : memref<1x1000xi32, #tpu.memory_space<hbm>> -> memref<1000xi32, #tpu.memory_space<hbm>>
    %dma_start3A_148 = tpu.memref_slice %arg3[%dma_start3A_145, %multiple_of3A_139] : memref<2x320000xi32, #tpu.memory_space<hbm>> -> memref<1x1000xi32, #tpu.memory_space<hbm>>
    %dma_start3A_149 = tpu.memref_squeeze %dma_start3A_148 : memref<1x1000xi32, #tpu.memory_space<hbm>> -> memref<1000xi32, #tpu.memory_space<hbm>>
    tpu.enqueue_dma source(%dma_start3A_149 : memref<1000xi32, #tpu.memory_space<hbm>>) target(%arg12 : memref<1000xi32, #tpu.memory_space<vmem>>) target_semaphore(%arg24 : memref<!tpu.dma_semaphore, #tpu.memory_space<semaphore_mem>>)
    %dma_wait3A_150 = arith.constant 0 : i32
    %dma_wait3A_151 = tpu.memref_slice %arg3[%dma_wait3A_150, %multiple_of3A_96] : memref<2x320000xi32, #tpu.memory_space<hbm>> -> memref<1x1000xi32, #tpu.memory_space<hbm>>
    %dma_wait3A_152 = tpu.memref_squeeze %dma_wait3A_151 : memref<1x1000xi32, #tpu.memory_space<hbm>> -> memref<1000xi32, #tpu.memory_space<hbm>>
    %dma_wait3A_153 = tpu.memref_slice %arg3[%dma_wait3A_150, %multiple_of3A_96] : memref<2x320000xi32, #tpu.memory_space<hbm>> -> memref<1x1000xi32, #tpu.memory_space<hbm>>
    %dma_wait3A_154 = tpu.memref_squeeze %dma_wait3A_153 : memref<1x1000xi32, #tpu.memory_space<hbm>> -> memref<1000xi32, #tpu.memory_space<hbm>>
    tpu.wait_dma2 semaphore(%arg23 : memref<!tpu.dma_semaphore, #tpu.memory_space<semaphore_mem>>) src(%dma_wait3A_154 : memref<1000xi32, #tpu.memory_space<hbm>>) dst(%arg11 : memref<1000xi32, #tpu.memory_space<vmem>>)
    %dma_start3A_155 = arith.constant 0 : i32
    %dma_start3A_156 = arith.constant 0 : i32
    %dma_start3A_157 = tpu.memref_slice %arg2[%dma_start3A_155, %dma_start3A_156] : memref<10240x32xf32, #tpu.memory_space<hbm>> -> memref<10240x32xf32, #tpu.memory_space<hbm>>
    tpu.enqueue_indirect_dma source(%dma_start3A_157 : memref<10240x32xf32, #tpu.memory_space<hbm>>) target(%arg16 : memref<1000x32xf32, #tpu.memory_space<vmem>>) offsets(%arg11 : memref<1000xi32, #tpu.memory_space<vmem>>) semaphore(%arg28 : memref<!tpu.dma_semaphore, #tpu.memory_space<semaphore_mem>>)
    %dma_wait3A_158 = arith.constant 0 : i32
    %dma_wait3A_159 = arith.constant 0 : i32
    %dma_wait3A_160 = tpu.memref_slice %arg2[%dma_wait3A_158, %dma_wait3A_159] : memref<10240x32xf32, #tpu.memory_space<hbm>> -> memref<10240x32xf32, #tpu.memory_space<hbm>>
    tpu.wait_indirect_dma semaphore(%arg30 : memref<!tpu.dma_semaphore, #tpu.memory_space<semaphore_mem>>) src(%dma_wait3A_160 : memref<10240x32xf32, #tpu.memory_space<hbm>>) dst(%arg18 : memref<1000x32xf32, #tpu.memory_space<vmem>>)
    %dma_wait3A_161 = arith.constant 1 : i32
    %dma_wait3A_162 = tpu.memref_slice %arg3[%dma_wait3A_161, %multiple_of3A_60] : memref<2x320000xi32, #tpu.memory_space<hbm>> -> memref<1x1000xi32, #tpu.memory_space<hbm>>
    %dma_wait3A_163 = tpu.memref_squeeze %dma_wait3A_162 : memref<1x1000xi32, #tpu.memory_space<hbm>> -> memref<1000xi32, #tpu.memory_space<hbm>>
    %dma_wait3A_164 = tpu.memref_slice %arg3[%dma_wait3A_161, %multiple_of3A_60] : memref<2x320000xi32, #tpu.memory_space<hbm>> -> memref<1x1000xi32, #tpu.memory_space<hbm>>
    %dma_wait3A_165 = tpu.memref_squeeze %dma_wait3A_164 : memref<1x1000xi32, #tpu.memory_space<hbm>> -> memref<1000xi32, #tpu.memory_space<hbm>>
    tpu.wait_dma2 semaphore(%arg26 : memref<!tpu.dma_semaphore, #tpu.memory_space<semaphore_mem>>) src(%dma_wait3A_165 : memref<1000xi32, #tpu.memory_space<hbm>>) dst(%arg14 : memref<1000xi32, #tpu.memory_space<vmem>>)
    %dma_start3A_166 = arith.constant 0 : i32
    %dma_start3A_167 = arith.constant 0 : i32
    %dma_start3A_168 = tpu.memref_slice %arg6[%dma_start3A_166, %dma_start3A_167] : memref<10240x32xf32, #tpu.memory_space<vmem_shared>> -> memref<10240x32xf32, #tpu.memory_space<vmem_shared>>
    tpu.enqueue_indirect_dma source(%arg18 : memref<1000x32xf32, #tpu.memory_space<vmem>>) target(%dma_start3A_168 : memref<10240x32xf32, #tpu.memory_space<vmem_shared>>) offsets(%arg14 : memref<1000xi32, #tpu.memory_space<vmem>>) semaphore(%arg33 : memref<!tpu.dma_semaphore, #tpu.memory_space<semaphore_mem>>) {add = true}
    %dma_start3A_169 = arith.constant 0 : i32
    %dma_start3A_170 = tpu.memref_slice %arg19[%dma_start3A_169] : memref<1008xf32, #tpu.memory_space<vmem>> -> memref<1000xf32, #tpu.memory_space<vmem>>
    %dma_start3A_171 = arith.constant 0 : i32
    %dma_start3A_172 = tpu.memref_slice %arg7[%dma_start3A_171] : memref<10240xf32, #tpu.memory_space<vmem_shared>> -> memref<10240xf32, #tpu.memory_space<vmem_shared>>
    tpu.enqueue_indirect_dma source(%dma_start3A_170 : memref<1000xf32, #tpu.memory_space<vmem>>) target(%dma_start3A_172 : memref<10240xf32, #tpu.memory_space<vmem_shared>>) offsets(%arg14 : memref<1000xi32, #tpu.memory_space<vmem>>) semaphore(%arg36 : memref<!tpu.dma_semaphore, #tpu.memory_space<semaphore_mem>>) {add = true}
    %dma_wait3A_173 = arith.constant 0 : i32
    %dma_wait3A_174 = arith.constant 0 : i32
    %dma_wait3A_175 = tpu.memref_slice %arg6[%dma_wait3A_173, %dma_wait3A_174] : memref<10240x32xf32, #tpu.memory_space<vmem_shared>> -> memref<10240x32xf32, #tpu.memory_space<vmem_shared>>
    tpu.wait_indirect_dma semaphore(%arg32 : memref<!tpu.dma_semaphore, #tpu.memory_space<semaphore_mem>>) src(%arg17 : memref<1000x32xf32, #tpu.memory_space<vmem>>) dst(%dma_wait3A_175 : memref<10240x32xf32, #tpu.memory_space<vmem_shared>>)
    %dma_wait3A_176 = arith.constant 0 : i32
    %dma_wait3A_177 = tpu.memref_slice %arg19[%dma_wait3A_176] : memref<1008xf32, #tpu.memory_space<vmem>> -> memref<1000xf32, #tpu.memory_space<vmem>>
    %dma_wait3A_178 = arith.constant 0 : i32
    %dma_wait3A_179 = tpu.memref_slice %arg7[%dma_wait3A_178] : memref<10240xf32, #tpu.memory_space<vmem_shared>> -> memref<10240xf32, #tpu.memory_space<vmem_shared>>
    tpu.wait_indirect_dma semaphore(%arg35 : memref<!tpu.dma_semaphore, #tpu.memory_space<semaphore_mem>>) src(%dma_wait3A_177 : memref<1000xf32, #tpu.memory_space<vmem>>) dst(%dma_wait3A_179 : memref<10240xf32, #tpu.memory_space<vmem_shared>>)
    %add3A_180 = arith.constant 5000 : i32
    %add3A_181 = arith.addi %mul3A_26, %add3A_180 : i32
    %multiple_of3A_182 = tpu.assume_multiple %add3A_181, 8 : i32
    %dma_start3A_183 = arith.constant 0 : i32
    %dma_start3A_184 = tpu.memref_slice %arg3[%dma_start3A_183, %multiple_of3A_182] : memref<2x320000xi32, #tpu.memory_space<hbm>> -> memref<1x1000xi32, #tpu.memory_space<hbm>>
    %dma_start3A_185 = tpu.memref_squeeze %dma_start3A_184 : memref<1x1000xi32, #tpu.memory_space<hbm>> -> memref<1000xi32, #tpu.memory_space<hbm>>
    %dma_start3A_186 = tpu.memref_slice %arg3[%dma_start3A_183, %multiple_of3A_182] : memref<2x320000xi32, #tpu.memory_space<hbm>> -> memref<1x1000xi32, #tpu.memory_space<hbm>>
    %dma_start3A_187 = tpu.memref_squeeze %dma_start3A_186 : memref<1x1000xi32, #tpu.memory_space<hbm>> -> memref<1000xi32, #tpu.memory_space<hbm>>
    tpu.enqueue_dma source(%dma_start3A_187 : memref<1000xi32, #tpu.memory_space<hbm>>) target(%arg9 : memref<1000xi32, #tpu.memory_space<vmem>>) target_semaphore(%arg21 : memref<!tpu.dma_semaphore, #tpu.memory_space<semaphore_mem>>)
    %dma_start3A_188 = arith.constant 1 : i32
    %dma_start3A_189 = tpu.memref_slice %arg3[%dma_start3A_188, %multiple_of3A_182] : memref<2x320000xi32, #tpu.memory_space<hbm>> -> memref<1x1000xi32, #tpu.memory_space<hbm>>
    %dma_start3A_190 = tpu.memref_squeeze %dma_start3A_189 : memref<1x1000xi32, #tpu.memory_space<hbm>> -> memref<1000xi32, #tpu.memory_space<hbm>>
    %dma_start3A_191 = tpu.memref_slice %arg3[%dma_start3A_188, %multiple_of3A_182] : memref<2x320000xi32, #tpu.memory_space<hbm>> -> memref<1x1000xi32, #tpu.memory_space<hbm>>
    %dma_start3A_192 = tpu.memref_squeeze %dma_start3A_191 : memref<1x1000xi32, #tpu.memory_space<hbm>> -> memref<1000xi32, #tpu.memory_space<hbm>>
    tpu.enqueue_dma source(%dma_start3A_192 : memref<1000xi32, #tpu.memory_space<hbm>>) target(%arg13 : memref<1000xi32, #tpu.memory_space<vmem>>) target_semaphore(%arg25 : memref<!tpu.dma_semaphore, #tpu.memory_space<semaphore_mem>>)
    %dma_wait3A_193 = arith.constant 0 : i32
    %dma_wait3A_194 = tpu.memref_slice %arg3[%dma_wait3A_193, %multiple_of3A_139] : memref<2x320000xi32, #tpu.memory_space<hbm>> -> memref<1x1000xi32, #tpu.memory_space<hbm>>
    %dma_wait3A_195 = tpu.memref_squeeze %dma_wait3A_194 : memref<1x1000xi32, #tpu.memory_space<hbm>> -> memref<1000xi32, #tpu.memory_space<hbm>>
    %dma_wait3A_196 = tpu.memref_slice %arg3[%dma_wait3A_193, %multiple_of3A_139] : memref<2x320000xi32, #tpu.memory_space<hbm>> -> memref<1x1000xi32, #tpu.memory_space<hbm>>
    %dma_wait3A_197 = tpu.memref_squeeze %dma_wait3A_196 : memref<1x1000xi32, #tpu.memory_space<hbm>> -> memref<1000xi32, #tpu.memory_space<hbm>>
    tpu.wait_dma2 semaphore(%arg20 : memref<!tpu.dma_semaphore, #tpu.memory_space<semaphore_mem>>) src(%dma_wait3A_197 : memref<1000xi32, #tpu.memory_space<hbm>>) dst(%arg8 : memref<1000xi32, #tpu.memory_space<vmem>>)
    %dma_start3A_198 = arith.constant 0 : i32
    %dma_start3A_199 = arith.constant 0 : i32
    %dma_start3A_200 = tpu.memref_slice %arg2[%dma_start3A_198, %dma_start3A_199] : memref<10240x32xf32, #tpu.memory_space<hbm>> -> memref<10240x32xf32, #tpu.memory_space<hbm>>
    tpu.enqueue_indirect_dma source(%dma_start3A_200 : memref<10240x32xf32, #tpu.memory_space<hbm>>) target(%arg17 : memref<1000x32xf32, #tpu.memory_space<vmem>>) offsets(%arg8 : memref<1000xi32, #tpu.memory_space<vmem>>) semaphore(%arg29 : memref<!tpu.dma_semaphore, #tpu.memory_space<semaphore_mem>>)
    %dma_wait3A_201 = arith.constant 0 : i32
    %dma_wait3A_202 = arith.constant 0 : i32
    %dma_wait3A_203 = tpu.memref_slice %arg2[%dma_wait3A_201, %dma_wait3A_202] : memref<10240x32xf32, #tpu.memory_space<hbm>> -> memref<10240x32xf32, #tpu.memory_space<hbm>>
    tpu.wait_indirect_dma semaphore(%arg28 : memref<!tpu.dma_semaphore, #tpu.memory_space<semaphore_mem>>) src(%dma_wait3A_203 : memref<10240x32xf32, #tpu.memory_space<hbm>>) dst(%arg16 : memref<1000x32xf32, #tpu.memory_space<vmem>>)
    %dma_wait3A_204 = arith.constant 1 : i32
    %dma_wait3A_205 = tpu.memref_slice %arg3[%dma_wait3A_204, %multiple_of3A_96] : memref<2x320000xi32, #tpu.memory_space<hbm>> -> memref<1x1000xi32, #tpu.memory_space<hbm>>
    %dma_wait3A_206 = tpu.memref_squeeze %dma_wait3A_205 : memref<1x1000xi32, #tpu.memory_space<hbm>> -> memref<1000xi32, #tpu.memory_space<hbm>>
    %dma_wait3A_207 = tpu.memref_slice %arg3[%dma_wait3A_204, %multiple_of3A_96] : memref<2x320000xi32, #tpu.memory_space<hbm>> -> memref<1x1000xi32, #tpu.memory_space<hbm>>
    %dma_wait3A_208 = tpu.memref_squeeze %dma_wait3A_207 : memref<1x1000xi32, #tpu.memory_space<hbm>> -> memref<1000xi32, #tpu.memory_space<hbm>>
    tpu.wait_dma2 semaphore(%arg27 : memref<!tpu.dma_semaphore, #tpu.memory_space<semaphore_mem>>) src(%dma_wait3A_208 : memref<1000xi32, #tpu.memory_space<hbm>>) dst(%arg15 : memref<1000xi32, #tpu.memory_space<vmem>>)
    %dma_start3A_209 = arith.constant 0 : i32
    %dma_start3A_210 = arith.constant 0 : i32
    %dma_start3A_211 = tpu.memref_slice %arg6[%dma_start3A_209, %dma_start3A_210] : memref<10240x32xf32, #tpu.memory_space<vmem_shared>> -> memref<10240x32xf32, #tpu.memory_space<vmem_shared>>
    tpu.enqueue_indirect_dma source(%arg16 : memref<1000x32xf32, #tpu.memory_space<vmem>>) target(%dma_start3A_211 : memref<10240x32xf32, #tpu.memory_space<vmem_shared>>) offsets(%arg15 : memref<1000xi32, #tpu.memory_space<vmem>>) semaphore(%arg31 : memref<!tpu.dma_semaphore, #tpu.memory_space<semaphore_mem>>) {add = true}
    %dma_start3A_212 = arith.constant 0 : i32
    %dma_start3A_213 = tpu.memref_slice %arg19[%dma_start3A_212] : memref<1008xf32, #tpu.memory_space<vmem>> -> memref<1000xf32, #tpu.memory_space<vmem>>
    %dma_start3A_214 = arith.constant 0 : i32
    %dma_start3A_215 = tpu.memref_slice %arg7[%dma_start3A_214] : memref<10240xf32, #tpu.memory_space<vmem_shared>> -> memref<10240xf32, #tpu.memory_space<vmem_shared>>
    tpu.enqueue_indirect_dma source(%dma_start3A_213 : memref<1000xf32, #tpu.memory_space<vmem>>) target(%dma_start3A_215 : memref<10240xf32, #tpu.memory_space<vmem_shared>>) offsets(%arg15 : memref<1000xi32, #tpu.memory_space<vmem>>) semaphore(%arg34 : memref<!tpu.dma_semaphore, #tpu.memory_space<semaphore_mem>>) {add = true}
    %dma_wait3A_216 = arith.constant 0 : i32
    %dma_wait3A_217 = arith.constant 0 : i32
    %dma_wait3A_218 = tpu.memref_slice %arg6[%dma_wait3A_216, %dma_wait3A_217] : memref<10240x32xf32, #tpu.memory_space<vmem_shared>> -> memref<10240x32xf32, #tpu.memory_space<vmem_shared>>
    tpu.wait_indirect_dma semaphore(%arg33 : memref<!tpu.dma_semaphore, #tpu.memory_space<semaphore_mem>>) src(%arg18 : memref<1000x32xf32, #tpu.memory_space<vmem>>) dst(%dma_wait3A_218 : memref<10240x32xf32, #tpu.memory_space<vmem_shared>>)
    %dma_wait3A_219 = arith.constant 0 : i32
    %dma_wait3A_220 = tpu.memref_slice %arg19[%dma_wait3A_219] : memref<1008xf32, #tpu.memory_space<vmem>> -> memref<1000xf32, #tpu.memory_space<vmem>>
    %dma_wait3A_221 = arith.constant 0 : i32
    %dma_wait3A_222 = tpu.memref_slice %arg7[%dma_wait3A_221] : memref<10240xf32, #tpu.memory_space<vmem_shared>> -> memref<10240xf32, #tpu.memory_space<vmem_shared>>
    tpu.wait_indirect_dma semaphore(%arg36 : memref<!tpu.dma_semaphore, #tpu.memory_space<semaphore_mem>>) src(%dma_wait3A_220 : memref<1000xf32, #tpu.memory_space<vmem>>) dst(%dma_wait3A_222 : memref<10240xf32, #tpu.memory_space<vmem_shared>>)
    %add3A_223 = arith.constant 6000 : i32
    %add3A_224 = arith.addi %mul3A_26, %add3A_223 : i32
    %multiple_of3A_225 = tpu.assume_multiple %add3A_224, 8 : i32
    %dma_start3A_226 = arith.constant 0 : i32
    %dma_start3A_227 = tpu.memref_slice %arg3[%dma_start3A_226, %multiple_of3A_225] : memref<2x320000xi32, #tpu.memory_space<hbm>> -> memref<1x1000xi32, #tpu.memory_space<hbm>>
    %dma_start3A_228 = tpu.memref_squeeze %dma_start3A_227 : memref<1x1000xi32, #tpu.memory_space<hbm>> -> memref<1000xi32, #tpu.memory_space<hbm>>
    %dma_start3A_229 = tpu.memref_slice %arg3[%dma_start3A_226, %multiple_of3A_225] : memref<2x320000xi32, #tpu.memory_space<hbm>> -> memref<1x1000xi32, #tpu.memory_space<hbm>>
    %dma_start3A_230 = tpu.memref_squeeze %dma_start3A_229 : memref<1x1000xi32, #tpu.memory_space<hbm>> -> memref<1000xi32, #tpu.memory_space<hbm>>
    tpu.enqueue_dma source(%dma_start3A_230 : memref<1000xi32, #tpu.memory_space<hbm>>) target(%arg10 : memref<1000xi32, #tpu.memory_space<vmem>>) target_semaphore(%arg22 : memref<!tpu.dma_semaphore, #tpu.memory_space<semaphore_mem>>)
    %dma_start3A_231 = arith.constant 1 : i32
    %dma_start3A_232 = tpu.memref_slice %arg3[%dma_start3A_231, %multiple_of3A_225] : memref<2x320000xi32, #tpu.memory_space<hbm>> -> memref<1x1000xi32, #tpu.memory_space<hbm>>
    %dma_start3A_233 = tpu.memref_squeeze %dma_start3A_232 : memref<1x1000xi32, #tpu.memory_space<hbm>> -> memref<1000xi32, #tpu.memory_space<hbm>>
    %dma_start3A_234 = tpu.memref_slice %arg3[%dma_start3A_231, %multiple_of3A_225] : memref<2x320000xi32, #tpu.memory_space<hbm>> -> memref<1x1000xi32, #tpu.memory_space<hbm>>
    %dma_start3A_235 = tpu.memref_squeeze %dma_start3A_234 : memref<1x1000xi32, #tpu.memory_space<hbm>> -> memref<1000xi32, #tpu.memory_space<hbm>>
    tpu.enqueue_dma source(%dma_start3A_235 : memref<1000xi32, #tpu.memory_space<hbm>>) target(%arg14 : memref<1000xi32, #tpu.memory_space<vmem>>) target_semaphore(%arg26 : memref<!tpu.dma_semaphore, #tpu.memory_space<semaphore_mem>>)
    %dma_wait3A_236 = arith.constant 0 : i32
    %dma_wait3A_237 = tpu.memref_slice %arg3[%dma_wait3A_236, %multiple_of3A_182] : memref<2x320000xi32, #tpu.memory_space<hbm>> -> memref<1x1000xi32, #tpu.memory_space<hbm>>
    %dma_wait3A_238 = tpu.memref_squeeze %dma_wait3A_237 : memref<1x1000xi32, #tpu.memory_space<hbm>> -> memref<1000xi32, #tpu.memory_space<hbm>>
    %dma_wait3A_239 = tpu.memref_slice %arg3[%dma_wait3A_236, %multiple_of3A_182] : memref<2x320000xi32, #tpu.memory_space<hbm>> -> memref<1x1000xi32, #tpu.memory_space<hbm>>
    %dma_wait3A_240 = tpu.memref_squeeze %dma_wait3A_239 : memref<1x1000xi32, #tpu.memory_space<hbm>> -> memref<1000xi32, #tpu.memory_space<hbm>>
    tpu.wait_dma2 semaphore(%arg21 : memref<!tpu.dma_semaphore, #tpu.memory_space<semaphore_mem>>) src(%dma_wait3A_240 : memref<1000xi32, #tpu.memory_space<hbm>>) dst(%arg9 : memref<1000xi32, #tpu.memory_space<vmem>>)
    %dma_start3A_241 = arith.constant 0 : i32
    %dma_start3A_242 = arith.constant 0 : i32
    %dma_start3A_243 = tpu.memref_slice %arg2[%dma_start3A_241, %dma_start3A_242] : memref<10240x32xf32, #tpu.memory_space<hbm>> -> memref<10240x32xf32, #tpu.memory_space<hbm>>
    tpu.enqueue_indirect_dma source(%dma_start3A_243 : memref<10240x32xf32, #tpu.memory_space<hbm>>) target(%arg18 : memref<1000x32xf32, #tpu.memory_space<vmem>>) offsets(%arg9 : memref<1000xi32, #tpu.memory_space<vmem>>) semaphore(%arg30 : memref<!tpu.dma_semaphore, #tpu.memory_space<semaphore_mem>>)
    %dma_wait3A_244 = arith.constant 0 : i32
    %dma_wait3A_245 = arith.constant 0 : i32
    %dma_wait3A_246 = tpu.memref_slice %arg2[%dma_wait3A_244, %dma_wait3A_245] : memref<10240x32xf32, #tpu.memory_space<hbm>> -> memref<10240x32xf32, #tpu.memory_space<hbm>>
    tpu.wait_indirect_dma semaphore(%arg29 : memref<!tpu.dma_semaphore, #tpu.memory_space<semaphore_mem>>) src(%dma_wait3A_246 : memref<10240x32xf32, #tpu.memory_space<hbm>>) dst(%arg17 : memref<1000x32xf32, #tpu.memory_space<vmem>>)
    %dma_wait3A_247 = arith.constant 1 : i32
    %dma_wait3A_248 = tpu.memref_slice %arg3[%dma_wait3A_247, %multiple_of3A_139] : memref<2x320000xi32, #tpu.memory_space<hbm>> -> memref<1x1000xi32, #tpu.memory_space<hbm>>
    %dma_wait3A_249 = tpu.memref_squeeze %dma_wait3A_248 : memref<1x1000xi32, #tpu.memory_space<hbm>> -> memref<1000xi32, #tpu.memory_space<hbm>>
    %dma_wait3A_250 = tpu.memref_slice %arg3[%dma_wait3A_247, %multiple_of3A_139] : memref<2x320000xi32, #tpu.memory_space<hbm>> -> memref<1x1000xi32, #tpu.memory_space<hbm>>
    %dma_wait3A_251 = tpu.memref_squeeze %dma_wait3A_250 : memref<1x1000xi32, #tpu.memory_space<hbm>> -> memref<1000xi32, #tpu.memory_space<hbm>>
    tpu.wait_dma2 semaphore(%arg24 : memref<!tpu.dma_semaphore, #tpu.memory_space<semaphore_mem>>) src(%dma_wait3A_251 : memref<1000xi32, #tpu.memory_space<hbm>>) dst(%arg12 : memref<1000xi32, #tpu.memory_space<vmem>>)
    %dma_start3A_252 = arith.constant 0 : i32
    %dma_start3A_253 = arith.constant 0 : i32
    %dma_start3A_254 = tpu.memref_slice %arg6[%dma_start3A_252, %dma_start3A_253] : memref<10240x32xf32, #tpu.memory_space<vmem_shared>> -> memref<10240x32xf32, #tpu.memory_space<vmem_shared>>
    tpu.enqueue_indirect_dma source(%arg17 : memref<1000x32xf32, #tpu.memory_space<vmem>>) target(%dma_start3A_254 : memref<10240x32xf32, #tpu.memory_space<vmem_shared>>) offsets(%arg12 : memref<1000xi32, #tpu.memory_space<vmem>>) semaphore(%arg32 : memref<!tpu.dma_semaphore, #tpu.memory_space<semaphore_mem>>) {add = true}
    %dma_start3A_255 = arith.constant 0 : i32
    %dma_start3A_256 = tpu.memref_slice %arg19[%dma_start3A_255] : memref<1008xf32, #tpu.memory_space<vmem>> -> memref<1000xf32, #tpu.memory_space<vmem>>
    %dma_start3A_257 = arith.constant 0 : i32
    %dma_start3A_258 = tpu.memref_slice %arg7[%dma_start3A_257] : memref<10240xf32, #tpu.memory_space<vmem_shared>> -> memref<10240xf32, #tpu.memory_space<vmem_shared>>
    tpu.enqueue_indirect_dma source(%dma_start3A_256 : memref<1000xf32, #tpu.memory_space<vmem>>) target(%dma_start3A_258 : memref<10240xf32, #tpu.memory_space<vmem_shared>>) offsets(%arg12 : memref<1000xi32, #tpu.memory_space<vmem>>) semaphore(%arg35 : memref<!tpu.dma_semaphore, #tpu.memory_space<semaphore_mem>>) {add = true}
    %dma_wait3A_259 = arith.constant 0 : i32
    %dma_wait3A_260 = arith.constant 0 : i32
    %dma_wait3A_261 = tpu.memref_slice %arg6[%dma_wait3A_259, %dma_wait3A_260] : memref<10240x32xf32, #tpu.memory_space<vmem_shared>> -> memref<10240x32xf32, #tpu.memory_space<vmem_shared>>
    tpu.wait_indirect_dma semaphore(%arg31 : memref<!tpu.dma_semaphore, #tpu.memory_space<semaphore_mem>>) src(%arg16 : memref<1000x32xf32, #tpu.memory_space<vmem>>) dst(%dma_wait3A_261 : memref<10240x32xf32, #tpu.memory_space<vmem_shared>>)
    %dma_wait3A_262 = arith.constant 0 : i32
    %dma_wait3A_263 = tpu.memref_slice %arg19[%dma_wait3A_262] : memref<1008xf32, #tpu.memory_space<vmem>> -> memref<1000xf32, #tpu.memory_space<vmem>>
    %dma_wait3A_264 = arith.constant 0 : i32
    %dma_wait3A_265 = tpu.memref_slice %arg7[%dma_wait3A_264] : memref<10240xf32, #tpu.memory_space<vmem_shared>> -> memref<10240xf32, #tpu.memory_space<vmem_shared>>
    tpu.wait_indirect_dma semaphore(%arg34 : memref<!tpu.dma_semaphore, #tpu.memory_space<semaphore_mem>>) src(%dma_wait3A_263 : memref<1000xf32, #tpu.memory_space<vmem>>) dst(%dma_wait3A_265 : memref<10240xf32, #tpu.memory_space<vmem_shared>>)
    %add3A_266 = arith.constant 7000 : i32
    %add3A_267 = arith.addi %mul3A_26, %add3A_266 : i32
    %multiple_of3A_268 = tpu.assume_multiple %add3A_267, 8 : i32
    %dma_start3A_269 = arith.constant 0 : i32
    %dma_start3A_270 = tpu.memref_slice %arg3[%dma_start3A_269, %multiple_of3A_268] : memref<2x320000xi32, #tpu.memory_space<hbm>> -> memref<1x1000xi32, #tpu.memory_space<hbm>>
    %dma_start3A_271 = tpu.memref_squeeze %dma_start3A_270 : memref<1x1000xi32, #tpu.memory_space<hbm>> -> memref<1000xi32, #tpu.memory_space<hbm>>
    %dma_start3A_272 = tpu.memref_slice %arg3[%dma_start3A_269, %multiple_of3A_268] : memref<2x320000xi32, #tpu.memory_space<hbm>> -> memref<1x1000xi32, #tpu.memory_space<hbm>>
    %dma_start3A_273 = tpu.memref_squeeze %dma_start3A_272 : memref<1x1000xi32, #tpu.memory_space<hbm>> -> memref<1000xi32, #tpu.memory_space<hbm>>
    tpu.enqueue_dma source(%dma_start3A_273 : memref<1000xi32, #tpu.memory_space<hbm>>) target(%arg11 : memref<1000xi32, #tpu.memory_space<vmem>>) target_semaphore(%arg23 : memref<!tpu.dma_semaphore, #tpu.memory_space<semaphore_mem>>)
    %dma_start3A_274 = arith.constant 1 : i32
    %dma_start3A_275 = tpu.memref_slice %arg3[%dma_start3A_274, %multiple_of3A_268] : memref<2x320000xi32, #tpu.memory_space<hbm>> -> memref<1x1000xi32, #tpu.memory_space<hbm>>
    %dma_start3A_276 = tpu.memref_squeeze %dma_start3A_275 : memref<1x1000xi32, #tpu.memory_space<hbm>> -> memref<1000xi32, #tpu.memory_space<hbm>>
    %dma_start3A_277 = tpu.memref_slice %arg3[%dma_start3A_274, %multiple_of3A_268] : memref<2x320000xi32, #tpu.memory_space<hbm>> -> memref<1x1000xi32, #tpu.memory_space<hbm>>
    %dma_start3A_278 = tpu.memref_squeeze %dma_start3A_277 : memref<1x1000xi32, #tpu.memory_space<hbm>> -> memref<1000xi32, #tpu.memory_space<hbm>>
    tpu.enqueue_dma source(%dma_start3A_278 : memref<1000xi32, #tpu.memory_space<hbm>>) target(%arg15 : memref<1000xi32, #tpu.memory_space<vmem>>) target_semaphore(%arg27 : memref<!tpu.dma_semaphore, #tpu.memory_space<semaphore_mem>>)
    %dma_wait3A_279 = arith.constant 0 : i32
    %dma_wait3A_280 = tpu.memref_slice %arg3[%dma_wait3A_279, %multiple_of3A_225] : memref<2x320000xi32, #tpu.memory_space<hbm>> -> memref<1x1000xi32, #tpu.memory_space<hbm>>
    %dma_wait3A_281 = tpu.memref_squeeze %dma_wait3A_280 : memref<1x1000xi32, #tpu.memory_space<hbm>> -> memref<1000xi32, #tpu.memory_space<hbm>>
    %dma_wait3A_282 = tpu.memref_slice %arg3[%dma_wait3A_279, %multiple_of3A_225] : memref<2x320000xi32, #tpu.memory_space<hbm>> -> memref<1x1000xi32, #tpu.memory_space<hbm>>
    %dma_wait3A_283 = tpu.memref_squeeze %dma_wait3A_282 : memref<1x1000xi32, #tpu.memory_space<hbm>> -> memref<1000xi32, #tpu.memory_space<hbm>>
    tpu.wait_dma2 semaphore(%arg22 : memref<!tpu.dma_semaphore, #tpu.memory_space<semaphore_mem>>) src(%dma_wait3A_283 : memref<1000xi32, #tpu.memory_space<hbm>>) dst(%arg10 : memref<1000xi32, #tpu.memory_space<vmem>>)
    %dma_start3A_284 = arith.constant 0 : i32
    %dma_start3A_285 = arith.constant 0 : i32
    %dma_start3A_286 = tpu.memref_slice %arg2[%dma_start3A_284, %dma_start3A_285] : memref<10240x32xf32, #tpu.memory_space<hbm>> -> memref<10240x32xf32, #tpu.memory_space<hbm>>
    tpu.enqueue_indirect_dma source(%dma_start3A_286 : memref<10240x32xf32, #tpu.memory_space<hbm>>) target(%arg16 : memref<1000x32xf32, #tpu.memory_space<vmem>>) offsets(%arg10 : memref<1000xi32, #tpu.memory_space<vmem>>) semaphore(%arg28 : memref<!tpu.dma_semaphore, #tpu.memory_space<semaphore_mem>>)
    %dma_wait3A_287 = arith.constant 0 : i32
    %dma_wait3A_288 = arith.constant 0 : i32
    %dma_wait3A_289 = tpu.memref_slice %arg2[%dma_wait3A_287, %dma_wait3A_288] : memref<10240x32xf32, #tpu.memory_space<hbm>> -> memref<10240x32xf32, #tpu.memory_space<hbm>>
    tpu.wait_indirect_dma semaphore(%arg30 : memref<!tpu.dma_semaphore, #tpu.memory_space<semaphore_mem>>) src(%dma_wait3A_289 : memref<10240x32xf32, #tpu.memory_space<hbm>>) dst(%arg18 : memref<1000x32xf32, #tpu.memory_space<vmem>>)
    %dma_wait3A_290 = arith.constant 1 : i32
    %dma_wait3A_291 = tpu.memref_slice %arg3[%dma_wait3A_290, %multiple_of3A_182] : memref<2x320000xi32, #tpu.memory_space<hbm>> -> memref<1x1000xi32, #tpu.memory_space<hbm>>
    %dma_wait3A_292 = tpu.memref_squeeze %dma_wait3A_291 : memref<1x1000xi32, #tpu.memory_space<hbm>> -> memref<1000xi32, #tpu.memory_space<hbm>>
    %dma_wait3A_293 = tpu.memref_slice %arg3[%dma_wait3A_290, %multiple_of3A_182] : memref<2x320000xi32, #tpu.memory_space<hbm>> -> memref<1x1000xi32, #tpu.memory_space<hbm>>
    %dma_wait3A_294 = tpu.memref_squeeze %dma_wait3A_293 : memref<1x1000xi32, #tpu.memory_space<hbm>> -> memref<1000xi32, #tpu.memory_space<hbm>>
    tpu.wait_dma2 semaphore(%arg25 : memref<!tpu.dma_semaphore, #tpu.memory_space<semaphore_mem>>) src(%dma_wait3A_294 : memref<1000xi32, #tpu.memory_space<hbm>>) dst(%arg13 : memref<1000xi32, #tpu.memory_space<vmem>>)
    %dma_start3A_295 = arith.constant 0 : i32
    %dma_start3A_296 = arith.constant 0 : i32
    %dma_start3A_297 = tpu.memref_slice %arg6[%dma_start3A_295, %dma_start3A_296] : memref<10240x32xf32, #tpu.memory_space<vmem_shared>> -> memref<10240x32xf32, #tpu.memory_space<vmem_shared>>
    tpu.enqueue_indirect_dma source(%arg18 : memref<1000x32xf32, #tpu.memory_space<vmem>>) target(%dma_start3A_297 : memref<10240x32xf32, #tpu.memory_space<vmem_shared>>) offsets(%arg13 : memref<1000xi32, #tpu.memory_space<vmem>>) semaphore(%arg33 : memref<!tpu.dma_semaphore, #tpu.memory_space<semaphore_mem>>) {add = true}
    %dma_start3A_298 = arith.constant 0 : i32
    %dma_start3A_299 = tpu.memref_slice %arg19[%dma_start3A_298] : memref<1008xf32, #tpu.memory_space<vmem>> -> memref<1000xf32, #tpu.memory_space<vmem>>
    %dma_start3A_300 = arith.constant 0 : i32
    %dma_start3A_301 = tpu.memref_slice %arg7[%dma_start3A_300] : memref<10240xf32, #tpu.memory_space<vmem_shared>> -> memref<10240xf32, #tpu.memory_space<vmem_shared>>
    tpu.enqueue_indirect_dma source(%dma_start3A_299 : memref<1000xf32, #tpu.memory_space<vmem>>) target(%dma_start3A_301 : memref<10240xf32, #tpu.memory_space<vmem_shared>>) offsets(%arg13 : memref<1000xi32, #tpu.memory_space<vmem>>) semaphore(%arg36 : memref<!tpu.dma_semaphore, #tpu.memory_space<semaphore_mem>>) {add = true}
    %dma_wait3A_302 = arith.constant 0 : i32
    %dma_wait3A_303 = arith.constant 0 : i32
    %dma_wait3A_304 = tpu.memref_slice %arg6[%dma_wait3A_302, %dma_wait3A_303] : memref<10240x32xf32, #tpu.memory_space<vmem_shared>> -> memref<10240x32xf32, #tpu.memory_space<vmem_shared>>
    tpu.wait_indirect_dma semaphore(%arg32 : memref<!tpu.dma_semaphore, #tpu.memory_space<semaphore_mem>>) src(%arg17 : memref<1000x32xf32, #tpu.memory_space<vmem>>) dst(%dma_wait3A_304 : memref<10240x32xf32, #tpu.memory_space<vmem_shared>>)
    %dma_wait3A_305 = arith.constant 0 : i32
    %dma_wait3A_306 = tpu.memref_slice %arg19[%dma_wait3A_305] : memref<1008xf32, #tpu.memory_space<vmem>> -> memref<1000xf32, #tpu.memory_space<vmem>>
    %dma_wait3A_307 = arith.constant 0 : i32
    %dma_wait3A_308 = tpu.memref_slice %arg7[%dma_wait3A_307] : memref<10240xf32, #tpu.memory_space<vmem_shared>> -> memref<10240xf32, #tpu.memory_space<vmem_shared>>
    tpu.wait_indirect_dma semaphore(%arg35 : memref<!tpu.dma_semaphore, #tpu.memory_space<semaphore_mem>>) src(%dma_wait3A_306 : memref<1000xf32, #tpu.memory_space<vmem>>) dst(%dma_wait3A_308 : memref<10240xf32, #tpu.memory_space<vmem_shared>>)
    %add3A_309 = arith.constant 8000 : i32
    %add3A_310 = arith.addi %mul3A_26, %add3A_309 : i32
    %multiple_of3A_311 = tpu.assume_multiple %add3A_310, 8 : i32
    %dma_start3A_312 = arith.constant 0 : i32
    %dma_start3A_313 = tpu.memref_slice %arg3[%dma_start3A_312, %multiple_of3A_311] : memref<2x320000xi32, #tpu.memory_space<hbm>> -> memref<1x1000xi32, #tpu.memory_space<hbm>>
    %dma_start3A_314 = tpu.memref_squeeze %dma_start3A_313 : memref<1x1000xi32, #tpu.memory_space<hbm>> -> memref<1000xi32, #tpu.memory_space<hbm>>
    %dma_start3A_315 = tpu.memref_slice %arg3[%dma_start3A_312, %multiple_of3A_311] : memref<2x320000xi32, #tpu.memory_space<hbm>> -> memref<1x1000xi32, #tpu.memory_space<hbm>>
    %dma_start3A_316 = tpu.memref_squeeze %dma_start3A_315 : memref<1x1000xi32, #tpu.memory_space<hbm>> -> memref<1000xi32, #tpu.memory_space<hbm>>
    tpu.enqueue_dma source(%dma_start3A_316 : memref<1000xi32, #tpu.memory_space<hbm>>) target(%arg8 : memref<1000xi32, #tpu.memory_space<vmem>>) target_semaphore(%arg20 : memref<!tpu.dma_semaphore, #tpu.memory_space<semaphore_mem>>)
    %dma_start3A_317 = arith.constant 1 : i32
    %dma_start3A_318 = tpu.memref_slice %arg3[%dma_start3A_317, %multiple_of3A_311] : memref<2x320000xi32, #tpu.memory_space<hbm>> -> memref<1x1000xi32, #tpu.memory_space<hbm>>
    %dma_start3A_319 = tpu.memref_squeeze %dma_start3A_318 : memref<1x1000xi32, #tpu.memory_space<hbm>> -> memref<1000xi32, #tpu.memory_space<hbm>>
    %dma_start3A_320 = tpu.memref_slice %arg3[%dma_start3A_317, %multiple_of3A_311] : memref<2x320000xi32, #tpu.memory_space<hbm>> -> memref<1x1000xi32, #tpu.memory_space<hbm>>
    %dma_start3A_321 = tpu.memref_squeeze %dma_start3A_320 : memref<1x1000xi32, #tpu.memory_space<hbm>> -> memref<1000xi32, #tpu.memory_space<hbm>>
    tpu.enqueue_dma source(%dma_start3A_321 : memref<1000xi32, #tpu.memory_space<hbm>>) target(%arg12 : memref<1000xi32, #tpu.memory_space<vmem>>) target_semaphore(%arg24 : memref<!tpu.dma_semaphore, #tpu.memory_space<semaphore_mem>>)
    %dma_wait3A_322 = arith.constant 0 : i32
    %dma_wait3A_323 = tpu.memref_slice %arg3[%dma_wait3A_322, %multiple_of3A_268] : memref<2x320000xi32, #tpu.memory_space<hbm>> -> memref<1x1000xi32, #tpu.memory_space<hbm>>
    %dma_wait3A_324 = tpu.memref_squeeze %dma_wait3A_323 : memref<1x1000xi32, #tpu.memory_space<hbm>> -> memref<1000xi32, #tpu.memory_space<hbm>>
    %dma_wait3A_325 = tpu.memref_slice %arg3[%dma_wait3A_322, %multiple_of3A_268] : memref<2x320000xi32, #tpu.memory_space<hbm>> -> memref<1x1000xi32, #tpu.memory_space<hbm>>
    %dma_wait3A_326 = tpu.memref_squeeze %dma_wait3A_325 : memref<1x1000xi32, #tpu.memory_space<hbm>> -> memref<1000xi32, #tpu.memory_space<hbm>>
    tpu.wait_dma2 semaphore(%arg23 : memref<!tpu.dma_semaphore, #tpu.memory_space<semaphore_mem>>) src(%dma_wait3A_326 : memref<1000xi32, #tpu.memory_space<hbm>>) dst(%arg11 : memref<1000xi32, #tpu.memory_space<vmem>>)
    %dma_start3A_327 = arith.constant 0 : i32
    %dma_start3A_328 = arith.constant 0 : i32
    %dma_start3A_329 = tpu.memref_slice %arg2[%dma_start3A_327, %dma_start3A_328] : memref<10240x32xf32, #tpu.memory_space<hbm>> -> memref<10240x32xf32, #tpu.memory_space<hbm>>
    tpu.enqueue_indirect_dma source(%dma_start3A_329 : memref<10240x32xf32, #tpu.memory_space<hbm>>) target(%arg17 : memref<1000x32xf32, #tpu.memory_space<vmem>>) offsets(%arg11 : memref<1000xi32, #tpu.memory_space<vmem>>) semaphore(%arg29 : memref<!tpu.dma_semaphore, #tpu.memory_space<semaphore_mem>>)
    %dma_wait3A_330 = arith.constant 0 : i32
    %dma_wait3A_331 = arith.constant 0 : i32
    %dma_wait3A_332 = tpu.memref_slice %arg2[%dma_wait3A_330, %dma_wait3A_331] : memref<10240x32xf32, #tpu.memory_space<hbm>> -> memref<10240x32xf32, #tpu.memory_space<hbm>>
    tpu.wait_indirect_dma semaphore(%arg28 : memref<!tpu.dma_semaphore, #tpu.memory_space<semaphore_mem>>) src(%dma_wait3A_332 : memref<10240x32xf32, #tpu.memory_space<hbm>>) dst(%arg16 : memref<1000x32xf32, #tpu.memory_space<vmem>>)
    %dma_wait3A_333 = arith.constant 1 : i32
    %dma_wait3A_334 = tpu.memref_slice %arg3[%dma_wait3A_333, %multiple_of3A_225] : memref<2x320000xi32, #tpu.memory_space<hbm>> -> memref<1x1000xi32, #tpu.memory_space<hbm>>
    %dma_wait3A_335 = tpu.memref_squeeze %dma_wait3A_334 : memref<1x1000xi32, #tpu.memory_space<hbm>> -> memref<1000xi32, #tpu.memory_space<hbm>>
    %dma_wait3A_336 = tpu.memref_slice %arg3[%dma_wait3A_333, %multiple_of3A_225] : memref<2x320000xi32, #tpu.memory_space<hbm>> -> memref<1x1000xi32, #tpu.memory_space<hbm>>
    %dma_wait3A_337 = tpu.memref_squeeze %dma_wait3A_336 : memref<1x1000xi32, #tpu.memory_space<hbm>> -> memref<1000xi32, #tpu.memory_space<hbm>>
    tpu.wait_dma2 semaphore(%arg26 : memref<!tpu.dma_semaphore, #tpu.memory_space<semaphore_mem>>) src(%dma_wait3A_337 : memref<1000xi32, #tpu.memory_space<hbm>>) dst(%arg14 : memref<1000xi32, #tpu.memory_space<vmem>>)
    %dma_start3A_338 = arith.constant 0 : i32
    %dma_start3A_339 = arith.constant 0 : i32
    %dma_start3A_340 = tpu.memref_slice %arg6[%dma_start3A_338, %dma_start3A_339] : memref<10240x32xf32, #tpu.memory_space<vmem_shared>> -> memref<10240x32xf32, #tpu.memory_space<vmem_shared>>
    tpu.enqueue_indirect_dma source(%arg16 : memref<1000x32xf32, #tpu.memory_space<vmem>>) target(%dma_start3A_340 : memref<10240x32xf32, #tpu.memory_space<vmem_shared>>) offsets(%arg14 : memref<1000xi32, #tpu.memory_space<vmem>>) semaphore(%arg31 : memref<!tpu.dma_semaphore, #tpu.memory_space<semaphore_mem>>) {add = true}
    %dma_start3A_341 = arith.constant 0 : i32
    %dma_start3A_342 = tpu.memref_slice %arg19[%dma_start3A_341] : memref<1008xf32, #tpu.memory_space<vmem>> -> memref<1000xf32, #tpu.memory_space<vmem>>
    %dma_start3A_343 = arith.constant 0 : i32
    %dma_start3A_344 = tpu.memref_slice %arg7[%dma_start3A_343] : memref<10240xf32, #tpu.memory_space<vmem_shared>> -> memref<10240xf32, #tpu.memory_space<vmem_shared>>
    tpu.enqueue_indirect_dma source(%dma_start3A_342 : memref<1000xf32, #tpu.memory_space<vmem>>) target(%dma_start3A_344 : memref<10240xf32, #tpu.memory_space<vmem_shared>>) offsets(%arg14 : memref<1000xi32, #tpu.memory_space<vmem>>) semaphore(%arg34 : memref<!tpu.dma_semaphore, #tpu.memory_space<semaphore_mem>>) {add = true}
    %dma_wait3A_345 = arith.constant 0 : i32
    %dma_wait3A_346 = arith.constant 0 : i32
    %dma_wait3A_347 = tpu.memref_slice %arg6[%dma_wait3A_345, %dma_wait3A_346] : memref<10240x32xf32, #tpu.memory_space<vmem_shared>> -> memref<10240x32xf32, #tpu.memory_space<vmem_shared>>
    tpu.wait_indirect_dma semaphore(%arg33 : memref<!tpu.dma_semaphore, #tpu.memory_space<semaphore_mem>>) src(%arg18 : memref<1000x32xf32, #tpu.memory_space<vmem>>) dst(%dma_wait3A_347 : memref<10240x32xf32, #tpu.memory_space<vmem_shared>>)
    %dma_wait3A_348 = arith.constant 0 : i32
    %dma_wait3A_349 = tpu.memref_slice %arg19[%dma_wait3A_348] : memref<1008xf32, #tpu.memory_space<vmem>> -> memref<1000xf32, #tpu.memory_space<vmem>>
    %dma_wait3A_350 = arith.constant 0 : i32
    %dma_wait3A_351 = tpu.memref_slice %arg7[%dma_wait3A_350] : memref<10240xf32, #tpu.memory_space<vmem_shared>> -> memref<10240xf32, #tpu.memory_space<vmem_shared>>
    tpu.wait_indirect_dma semaphore(%arg36 : memref<!tpu.dma_semaphore, #tpu.memory_space<semaphore_mem>>) src(%dma_wait3A_349 : memref<1000xf32, #tpu.memory_space<vmem>>) dst(%dma_wait3A_351 : memref<10240xf32, #tpu.memory_space<vmem_shared>>)
    %add3A_352 = arith.constant 9000 : i32
    %add3A_353 = arith.addi %mul3A_26, %add3A_352 : i32
    %multiple_of3A_354 = tpu.assume_multiple %add3A_353, 8 : i32
    %dma_start3A_355 = arith.constant 0 : i32
    %dma_start3A_356 = tpu.memref_slice %arg3[%dma_start3A_355, %multiple_of3A_354] : memref<2x320000xi32, #tpu.memory_space<hbm>> -> memref<1x1000xi32, #tpu.memory_space<hbm>>
    %dma_start3A_357 = tpu.memref_squeeze %dma_start3A_356 : memref<1x1000xi32, #tpu.memory_space<hbm>> -> memref<1000xi32, #tpu.memory_space<hbm>>
    %dma_start3A_358 = tpu.memref_slice %arg3[%dma_start3A_355, %multiple_of3A_354] : memref<2x320000xi32, #tpu.memory_space<hbm>> -> memref<1x1000xi32, #tpu.memory_space<hbm>>
    %dma_start3A_359 = tpu.memref_squeeze %dma_start3A_358 : memref<1x1000xi32, #tpu.memory_space<hbm>> -> memref<1000xi32, #tpu.memory_space<hbm>>
    tpu.enqueue_dma source(%dma_start3A_359 : memref<1000xi32, #tpu.memory_space<hbm>>) target(%arg9 : memref<1000xi32, #tpu.memory_space<vmem>>) target_semaphore(%arg21 : memref<!tpu.dma_semaphore, #tpu.memory_space<semaphore_mem>>)
    %dma_start3A_360 = arith.constant 1 : i32
    %dma_start3A_361 = tpu.memref_slice %arg3[%dma_start3A_360, %multiple_of3A_354] : memref<2x320000xi32, #tpu.memory_space<hbm>> -> memref<1x1000xi32, #tpu.memory_space<hbm>>
    %dma_start3A_362 = tpu.memref_squeeze %dma_start3A_361 : memref<1x1000xi32, #tpu.memory_space<hbm>> -> memref<1000xi32, #tpu.memory_space<hbm>>
    %dma_start3A_363 = tpu.memref_slice %arg3[%dma_start3A_360, %multiple_of3A_354] : memref<2x320000xi32, #tpu.memory_space<hbm>> -> memref<1x1000xi32, #tpu.memory_space<hbm>>
    %dma_start3A_364 = tpu.memref_squeeze %dma_start3A_363 : memref<1x1000xi32, #tpu.memory_space<hbm>> -> memref<1000xi32, #tpu.memory_space<hbm>>
    tpu.enqueue_dma source(%dma_start3A_364 : memref<1000xi32, #tpu.memory_space<hbm>>) target(%arg13 : memref<1000xi32, #tpu.memory_space<vmem>>) target_semaphore(%arg25 : memref<!tpu.dma_semaphore, #tpu.memory_space<semaphore_mem>>)
    %dma_wait3A_365 = arith.constant 0 : i32
    %dma_wait3A_366 = tpu.memref_slice %arg3[%dma_wait3A_365, %multiple_of3A_311] : memref<2x320000xi32, #tpu.memory_space<hbm>> -> memref<1x1000xi32, #tpu.memory_space<hbm>>
    %dma_wait3A_367 = tpu.memref_squeeze %dma_wait3A_366 : memref<1x1000xi32, #tpu.memory_space<hbm>> -> memref<1000xi32, #tpu.memory_space<hbm>>
    %dma_wait3A_368 = tpu.memref_slice %arg3[%dma_wait3A_365, %multiple_of3A_311] : memref<2x320000xi32, #tpu.memory_space<hbm>> -> memref<1x1000xi32, #tpu.memory_space<hbm>>
    %dma_wait3A_369 = tpu.memref_squeeze %dma_wait3A_368 : memref<1x1000xi32, #tpu.memory_space<hbm>> -> memref<1000xi32, #tpu.memory_space<hbm>>
    tpu.wait_dma2 semaphore(%arg20 : memref<!tpu.dma_semaphore, #tpu.memory_space<semaphore_mem>>) src(%dma_wait3A_369 : memref<1000xi32, #tpu.memory_space<hbm>>) dst(%arg8 : memref<1000xi32, #tpu.memory_space<vmem>>)
    %dma_start3A_370 = arith.constant 0 : i32
    %dma_start3A_371 = arith.constant 0 : i32
    %dma_start3A_372 = tpu.memref_slice %arg2[%dma_start3A_370, %dma_start3A_371] : memref<10240x32xf32, #tpu.memory_space<hbm>> -> memref<10240x32xf32, #tpu.memory_space<hbm>>
    tpu.enqueue_indirect_dma source(%dma_start3A_372 : memref<10240x32xf32, #tpu.memory_space<hbm>>) target(%arg18 : memref<1000x32xf32, #tpu.memory_space<vmem>>) offsets(%arg8 : memref<1000xi32, #tpu.memory_space<vmem>>) semaphore(%arg30 : memref<!tpu.dma_semaphore, #tpu.memory_space<semaphore_mem>>)
    %dma_wait3A_373 = arith.constant 0 : i32
    %dma_wait3A_374 = arith.constant 0 : i32
    %dma_wait3A_375 = tpu.memref_slice %arg2[%dma_wait3A_373, %dma_wait3A_374] : memref<10240x32xf32, #tpu.memory_space<hbm>> -> memref<10240x32xf32, #tpu.memory_space<hbm>>
    tpu.wait_indirect_dma semaphore(%arg29 : memref<!tpu.dma_semaphore, #tpu.memory_space<semaphore_mem>>) src(%dma_wait3A_375 : memref<10240x32xf32, #tpu.memory_space<hbm>>) dst(%arg17 : memref<1000x32xf32, #tpu.memory_space<vmem>>)
    %dma_wait3A_376 = arith.constant 1 : i32
    %dma_wait3A_377 = tpu.memref_slice %arg3[%dma_wait3A_376, %multiple_of3A_268] : memref<2x320000xi32, #tpu.memory_space<hbm>> -> memref<1x1000xi32, #tpu.memory_space<hbm>>
    %dma_wait3A_378 = tpu.memref_squeeze %dma_wait3A_377 : memref<1x1000xi32, #tpu.memory_space<hbm>> -> memref<1000xi32, #tpu.memory_space<hbm>>
    %dma_wait3A_379 = tpu.memref_slice %arg3[%dma_wait3A_376, %multiple_of3A_268] : memref<2x320000xi32, #tpu.memory_space<hbm>> -> memref<1x1000xi32, #tpu.memory_space<hbm>>
    %dma_wait3A_380 = tpu.memref_squeeze %dma_wait3A_379 : memref<1x1000xi32, #tpu.memory_space<hbm>> -> memref<1000xi32, #tpu.memory_space<hbm>>
    tpu.wait_dma2 semaphore(%arg27 : memref<!tpu.dma_semaphore, #tpu.memory_space<semaphore_mem>>) src(%dma_wait3A_380 : memref<1000xi32, #tpu.memory_space<hbm>>) dst(%arg15 : memref<1000xi32, #tpu.memory_space<vmem>>)
    %dma_start3A_381 = arith.constant 0 : i32
    %dma_start3A_382 = arith.constant 0 : i32
    %dma_start3A_383 = tpu.memref_slice %arg6[%dma_start3A_381, %dma_start3A_382] : memref<10240x32xf32, #tpu.memory_space<vmem_shared>> -> memref<10240x32xf32, #tpu.memory_space<vmem_shared>>
    tpu.enqueue_indirect_dma source(%arg17 : memref<1000x32xf32, #tpu.memory_space<vmem>>) target(%dma_start3A_383 : memref<10240x32xf32, #tpu.memory_space<vmem_shared>>) offsets(%arg15 : memref<1000xi32, #tpu.memory_space<vmem>>) semaphore(%arg32 : memref<!tpu.dma_semaphore, #tpu.memory_space<semaphore_mem>>) {add = true}
    %dma_start3A_384 = arith.constant 0 : i32
    %dma_start3A_385 = tpu.memref_slice %arg19[%dma_start3A_384] : memref<1008xf32, #tpu.memory_space<vmem>> -> memref<1000xf32, #tpu.memory_space<vmem>>
    %dma_start3A_386 = arith.constant 0 : i32
    %dma_start3A_387 = tpu.memref_slice %arg7[%dma_start3A_386] : memref<10240xf32, #tpu.memory_space<vmem_shared>> -> memref<10240xf32, #tpu.memory_space<vmem_shared>>
    tpu.enqueue_indirect_dma source(%dma_start3A_385 : memref<1000xf32, #tpu.memory_space<vmem>>) target(%dma_start3A_387 : memref<10240xf32, #tpu.memory_space<vmem_shared>>) offsets(%arg15 : memref<1000xi32, #tpu.memory_space<vmem>>) semaphore(%arg35 : memref<!tpu.dma_semaphore, #tpu.memory_space<semaphore_mem>>) {add = true}
    %dma_wait3A_388 = arith.constant 0 : i32
    %dma_wait3A_389 = arith.constant 0 : i32
    %dma_wait3A_390 = tpu.memref_slice %arg6[%dma_wait3A_388, %dma_wait3A_389] : memref<10240x32xf32, #tpu.memory_space<vmem_shared>> -> memref<10240x32xf32, #tpu.memory_space<vmem_shared>>
    tpu.wait_indirect_dma semaphore(%arg31 : memref<!tpu.dma_semaphore, #tpu.memory_space<semaphore_mem>>) src(%arg16 : memref<1000x32xf32, #tpu.memory_space<vmem>>) dst(%dma_wait3A_390 : memref<10240x32xf32, #tpu.memory_space<vmem_shared>>)
    %dma_wait3A_391 = arith.constant 0 : i32
    %dma_wait3A_392 = tpu.memref_slice %arg19[%dma_wait3A_391] : memref<1008xf32, #tpu.memory_space<vmem>> -> memref<1000xf32, #tpu.memory_space<vmem>>
    %dma_wait3A_393 = arith.constant 0 : i32
    %dma_wait3A_394 = tpu.memref_slice %arg7[%dma_wait3A_393] : memref<10240xf32, #tpu.memory_space<vmem_shared>> -> memref<10240xf32, #tpu.memory_space<vmem_shared>>
    tpu.wait_indirect_dma semaphore(%arg34 : memref<!tpu.dma_semaphore, #tpu.memory_space<semaphore_mem>>) src(%dma_wait3A_392 : memref<1000xf32, #tpu.memory_space<vmem>>) dst(%dma_wait3A_394 : memref<10240xf32, #tpu.memory_space<vmem_shared>>)
    %dma_wait3A_395 = arith.constant 0 : i32
    %dma_wait3A_396 = tpu.memref_slice %arg3[%dma_wait3A_395, %multiple_of3A_354] : memref<2x320000xi32, #tpu.memory_space<hbm>> -> memref<1x1000xi32, #tpu.memory_space<hbm>>
    %dma_wait3A_397 = tpu.memref_squeeze %dma_wait3A_396 : memref<1x1000xi32, #tpu.memory_space<hbm>> -> memref<1000xi32, #tpu.memory_space<hbm>>
    %dma_wait3A_398 = tpu.memref_slice %arg3[%dma_wait3A_395, %multiple_of3A_354] : memref<2x320000xi32, #tpu.memory_space<hbm>> -> memref<1x1000xi32, #tpu.memory_space<hbm>>
    %dma_wait3A_399 = tpu.memref_squeeze %dma_wait3A_398 : memref<1x1000xi32, #tpu.memory_space<hbm>> -> memref<1000xi32, #tpu.memory_space<hbm>>
    tpu.wait_dma2 semaphore(%arg21 : memref<!tpu.dma_semaphore, #tpu.memory_space<semaphore_mem>>) src(%dma_wait3A_399 : memref<1000xi32, #tpu.memory_space<hbm>>) dst(%arg9 : memref<1000xi32, #tpu.memory_space<vmem>>)
    %dma_start3A_400 = arith.constant 0 : i32
    %dma_start3A_401 = arith.constant 0 : i32
    %dma_start3A_402 = tpu.memref_slice %arg2[%dma_start3A_400, %dma_start3A_401] : memref<10240x32xf32, #tpu.memory_space<hbm>> -> memref<10240x32xf32, #tpu.memory_space<hbm>>
    tpu.enqueue_indirect_dma source(%dma_start3A_402 : memref<10240x32xf32, #tpu.memory_space<hbm>>) target(%arg16 : memref<1000x32xf32, #tpu.memory_space<vmem>>) offsets(%arg9 : memref<1000xi32, #tpu.memory_space<vmem>>) semaphore(%arg28 : memref<!tpu.dma_semaphore, #tpu.memory_space<semaphore_mem>>)
    %dma_wait3A_403 = arith.constant 0 : i32
    %dma_wait3A_404 = arith.constant 0 : i32
    %dma_wait3A_405 = tpu.memref_slice %arg2[%dma_wait3A_403, %dma_wait3A_404] : memref<10240x32xf32, #tpu.memory_space<hbm>> -> memref<10240x32xf32, #tpu.memory_space<hbm>>
    tpu.wait_indirect_dma semaphore(%arg30 : memref<!tpu.dma_semaphore, #tpu.memory_space<semaphore_mem>>) src(%dma_wait3A_405 : memref<10240x32xf32, #tpu.memory_space<hbm>>) dst(%arg18 : memref<1000x32xf32, #tpu.memory_space<vmem>>)
    %dma_wait3A_406 = arith.constant 1 : i32
    %dma_wait3A_407 = tpu.memref_slice %arg3[%dma_wait3A_406, %multiple_of3A_311] : memref<2x320000xi32, #tpu.memory_space<hbm>> -> memref<1x1000xi32, #tpu.memory_space<hbm>>
    %dma_wait3A_408 = tpu.memref_squeeze %dma_wait3A_407 : memref<1x1000xi32, #tpu.memory_space<hbm>> -> memref<1000xi32, #tpu.memory_space<hbm>>
    %dma_wait3A_409 = tpu.memref_slice %arg3[%dma_wait3A_406, %multiple_of3A_311] : memref<2x320000xi32, #tpu.memory_space<hbm>> -> memref<1x1000xi32, #tpu.memory_space<hbm>>
    %dma_wait3A_410 = tpu.memref_squeeze %dma_wait3A_409 : memref<1x1000xi32, #tpu.memory_space<hbm>> -> memref<1000xi32, #tpu.memory_space<hbm>>
    tpu.wait_dma2 semaphore(%arg24 : memref<!tpu.dma_semaphore, #tpu.memory_space<semaphore_mem>>) src(%dma_wait3A_410 : memref<1000xi32, #tpu.memory_space<hbm>>) dst(%arg12 : memref<1000xi32, #tpu.memory_space<vmem>>)
    %dma_start3A_411 = arith.constant 0 : i32
    %dma_start3A_412 = arith.constant 0 : i32
    %dma_start3A_413 = tpu.memref_slice %arg6[%dma_start3A_411, %dma_start3A_412] : memref<10240x32xf32, #tpu.memory_space<vmem_shared>> -> memref<10240x32xf32, #tpu.memory_space<vmem_shared>>
    tpu.enqueue_indirect_dma source(%arg18 : memref<1000x32xf32, #tpu.memory_space<vmem>>) target(%dma_start3A_413 : memref<10240x32xf32, #tpu.memory_space<vmem_shared>>) offsets(%arg12 : memref<1000xi32, #tpu.memory_space<vmem>>) semaphore(%arg33 : memref<!tpu.dma_semaphore, #tpu.memory_space<semaphore_mem>>) {add = true}
    %dma_start3A_414 = arith.constant 0 : i32
    %dma_start3A_415 = tpu.memref_slice %arg19[%dma_start3A_414] : memref<1008xf32, #tpu.memory_space<vmem>> -> memref<1000xf32, #tpu.memory_space<vmem>>
    %dma_start3A_416 = arith.constant 0 : i32
    %dma_start3A_417 = tpu.memref_slice %arg7[%dma_start3A_416] : memref<10240xf32, #tpu.memory_space<vmem_shared>> -> memref<10240xf32, #tpu.memory_space<vmem_shared>>
    tpu.enqueue_indirect_dma source(%dma_start3A_415 : memref<1000xf32, #tpu.memory_space<vmem>>) target(%dma_start3A_417 : memref<10240xf32, #tpu.memory_space<vmem_shared>>) offsets(%arg12 : memref<1000xi32, #tpu.memory_space<vmem>>) semaphore(%arg36 : memref<!tpu.dma_semaphore, #tpu.memory_space<semaphore_mem>>) {add = true}
    %dma_wait3A_418 = arith.constant 0 : i32
    %dma_wait3A_419 = arith.constant 0 : i32
    %dma_wait3A_420 = tpu.memref_slice %arg2[%dma_wait3A_418, %dma_wait3A_419] : memref<10240x32xf32, #tpu.memory_space<hbm>> -> memref<10240x32xf32, #tpu.memory_space<hbm>>
    tpu.wait_indirect_dma semaphore(%arg28 : memref<!tpu.dma_semaphore, #tpu.memory_space<semaphore_mem>>) src(%dma_wait3A_420 : memref<10240x32xf32, #tpu.memory_space<hbm>>) dst(%arg16 : memref<1000x32xf32, #tpu.memory_space<vmem>>)
    %dma_wait3A_421 = arith.constant 1 : i32
    %dma_wait3A_422 = tpu.memref_slice %arg3[%dma_wait3A_421, %multiple_of3A_354] : memref<2x320000xi32, #tpu.memory_space<hbm>> -> memref<1x1000xi32, #tpu.memory_space<hbm>>
    %dma_wait3A_423 = tpu.memref_squeeze %dma_wait3A_422 : memref<1x1000xi32, #tpu.memory_space<hbm>> -> memref<1000xi32, #tpu.memory_space<hbm>>
    %dma_wait3A_424 = tpu.memref_slice %arg3[%dma_wait3A_421, %multiple_of3A_354] : memref<2x320000xi32, #tpu.memory_space<hbm>> -> memref<1x1000xi32, #tpu.memory_space<hbm>>
    %dma_wait3A_425 = tpu.memref_squeeze %dma_wait3A_424 : memref<1x1000xi32, #tpu.memory_space<hbm>> -> memref<1000xi32, #tpu.memory_space<hbm>>
    tpu.wait_dma2 semaphore(%arg25 : memref<!tpu.dma_semaphore, #tpu.memory_space<semaphore_mem>>) src(%dma_wait3A_425 : memref<1000xi32, #tpu.memory_space<hbm>>) dst(%arg13 : memref<1000xi32, #tpu.memory_space<vmem>>)
    %dma_start3A_426 = arith.constant 0 : i32
    %dma_start3A_427 = arith.constant 0 : i32
    %dma_start3A_428 = tpu.memref_slice %arg6[%dma_start3A_426, %dma_start3A_427] : memref<10240x32xf32, #tpu.memory_space<vmem_shared>> -> memref<10240x32xf32, #tpu.memory_space<vmem_shared>>
    tpu.enqueue_indirect_dma source(%arg16 : memref<1000x32xf32, #tpu.memory_space<vmem>>) target(%dma_start3A_428 : memref<10240x32xf32, #tpu.memory_space<vmem_shared>>) offsets(%arg13 : memref<1000xi32, #tpu.memory_space<vmem>>) semaphore(%arg31 : memref<!tpu.dma_semaphore, #tpu.memory_space<semaphore_mem>>) {add = true}
    %dma_start3A_429 = arith.constant 0 : i32
    %dma_start3A_430 = tpu.memref_slice %arg19[%dma_start3A_429] : memref<1008xf32, #tpu.memory_space<vmem>> -> memref<1000xf32, #tpu.memory_space<vmem>>
    %dma_start3A_431 = arith.constant 0 : i32
    %dma_start3A_432 = tpu.memref_slice %arg7[%dma_start3A_431] : memref<10240xf32, #tpu.memory_space<vmem_shared>> -> memref<10240xf32, #tpu.memory_space<vmem_shared>>
    tpu.enqueue_indirect_dma source(%dma_start3A_430 : memref<1000xf32, #tpu.memory_space<vmem>>) target(%dma_start3A_432 : memref<10240xf32, #tpu.memory_space<vmem_shared>>) offsets(%arg13 : memref<1000xi32, #tpu.memory_space<vmem>>) semaphore(%arg34 : memref<!tpu.dma_semaphore, #tpu.memory_space<semaphore_mem>>) {add = true}
    %dma_wait3A_433 = arith.constant 0 : i32
    %dma_wait3A_434 = arith.constant 0 : i32
    %dma_wait3A_435 = tpu.memref_slice %arg6[%dma_wait3A_433, %dma_wait3A_434] : memref<10240x32xf32, #tpu.memory_space<vmem_shared>> -> memref<10240x32xf32, #tpu.memory_space<vmem_shared>>
    tpu.wait_indirect_dma semaphore(%arg33 : memref<!tpu.dma_semaphore, #tpu.memory_space<semaphore_mem>>) src(%arg18 : memref<1000x32xf32, #tpu.memory_space<vmem>>) dst(%dma_wait3A_435 : memref<10240x32xf32, #tpu.memory_space<vmem_shared>>)
    %dma_wait3A_436 = arith.constant 0 : i32
    %dma_wait3A_437 = tpu.memref_slice %arg19[%dma_wait3A_436] : memref<1008xf32, #tpu.memory_space<vmem>> -> memref<1000xf32, #tpu.memory_space<vmem>>
    %dma_wait3A_438 = arith.constant 0 : i32
    %dma_wait3A_439 = tpu.memref_slice %arg7[%dma_wait3A_438] : memref<10240xf32, #tpu.memory_space<vmem_shared>> -> memref<10240xf32, #tpu.memory_space<vmem_shared>>
    tpu.wait_indirect_dma semaphore(%arg36 : memref<!tpu.dma_semaphore, #tpu.memory_space<semaphore_mem>>) src(%dma_wait3A_437 : memref<1000xf32, #tpu.memory_space<vmem>>) dst(%dma_wait3A_439 : memref<10240xf32, #tpu.memory_space<vmem_shared>>)
    %dma_wait3A_440 = arith.constant 0 : i32
    %dma_wait3A_441 = arith.constant 0 : i32
    %dma_wait3A_442 = tpu.memref_slice %arg6[%dma_wait3A_440, %dma_wait3A_441] : memref<10240x32xf32, #tpu.memory_space<vmem_shared>> -> memref<10240x32xf32, #tpu.memory_space<vmem_shared>>
    tpu.wait_indirect_dma semaphore(%arg31 : memref<!tpu.dma_semaphore, #tpu.memory_space<semaphore_mem>>) src(%arg16 : memref<1000x32xf32, #tpu.memory_space<vmem>>) dst(%dma_wait3A_442 : memref<10240x32xf32, #tpu.memory_space<vmem_shared>>)
    %dma_wait3A_443 = arith.constant 0 : i32
    %dma_wait3A_444 = tpu.memref_slice %arg19[%dma_wait3A_443] : memref<1008xf32, #tpu.memory_space<vmem>> -> memref<1000xf32, #tpu.memory_space<vmem>>
    %dma_wait3A_445 = arith.constant 0 : i32
    %dma_wait3A_446 = tpu.memref_slice %arg7[%dma_wait3A_445] : memref<10240xf32, #tpu.memory_space<vmem_shared>> -> memref<10240xf32, #tpu.memory_space<vmem_shared>>
    tpu.wait_indirect_dma semaphore(%arg34 : memref<!tpu.dma_semaphore, #tpu.memory_space<semaphore_mem>>) src(%dma_wait3A_444 : memref<1000xf32, #tpu.memory_space<vmem>>) dst(%dma_wait3A_446 : memref<10240xf32, #tpu.memory_space<vmem_shared>>)
    %barrier3A_447 = arith.constant 0 : index
    tpu.barrier barrier_id(%barrier3A_447)
    %mul3A_448 = arith.constant 640 : i32
    %mul3A_449 = arith.muli %arg1, %mul3A_448 : i32
    %mul3A_450 = arith.constant 640 : i32
    %mul3A_451 = arith.muli %arg1, %mul3A_450 : i32
    "tpu.region"() ({
      %run_scoped3A = tpu.sem_alloc : memref<!tpu.dma_semaphore, #tpu.memory_space<semaphore_mem>>
      %dma_start3A_456 = arith.constant 0 : i32
      %dma_start3A_457 = tpu.memref_slice %arg4[%arg0, %mul3A_451, %dma_start3A_456] : memref<2x10240x32xf32, #tpu.memory_space<hbm>> -> memref<1x640x32xf32, #tpu.memory_space<hbm>>
      %dma_start3A_458 = tpu.memref_squeeze %dma_start3A_457 : memref<1x640x32xf32, #tpu.memory_space<hbm>> -> memref<640x32xf32, #tpu.memory_space<hbm>>
      %dma_start3A_459 = arith.constant 0 : i32
      %dma_start3A_460 = tpu.memref_slice %arg6[%mul3A_449, %dma_start3A_459] : memref<10240x32xf32, #tpu.memory_space<vmem_shared>> -> memref<640x32xf32, #tpu.memory_space<vmem_shared>>
      tpu.enqueue_dma source(%dma_start3A_460 : memref<640x32xf32, #tpu.memory_space<vmem_shared>>) target(%dma_start3A_458 : memref<640x32xf32, #tpu.memory_space<hbm>>) target_semaphore(%run_scoped3A : memref<!tpu.dma_semaphore, #tpu.memory_space<semaphore_mem>>)
      %dma_wait3A_461 = arith.constant 0 : i32
      %dma_wait3A_462 = tpu.memref_slice %arg4[%arg0, %mul3A_451, %dma_wait3A_461] : memref<2x10240x32xf32, #tpu.memory_space<hbm>> -> memref<1x640x32xf32, #tpu.memory_space<hbm>>
      %dma_wait3A_463 = tpu.memref_squeeze %dma_wait3A_462 : memref<1x640x32xf32, #tpu.memory_space<hbm>> -> memref<640x32xf32, #tpu.memory_space<hbm>>
      %dma_wait3A_464 = arith.constant 0 : i32
      %dma_wait3A_465 = tpu.memref_slice %arg6[%mul3A_449, %dma_wait3A_464] : memref<10240x32xf32, #tpu.memory_space<vmem_shared>> -> memref<640x32xf32, #tpu.memory_space<vmem_shared>>
      tpu.wait_dma2 semaphore(%run_scoped3A : memref<!tpu.dma_semaphore, #tpu.memory_space<semaphore_mem>>) src(%dma_wait3A_465 : memref<640x32xf32, #tpu.memory_space<vmem_shared>>) dst(%dma_wait3A_463 : memref<640x32xf32, #tpu.memory_space<hbm>>)
      tpu.yield
    }) : () -> ()
    %mul3A_452 = arith.constant 640 : i32
    %mul3A_453 = arith.muli %arg1, %mul3A_452 : i32
    %mul3A_454 = arith.constant 640 : i32
    %mul3A_455 = arith.muli %arg1, %mul3A_454 : i32
    "tpu.region"() ({
      %run_scoped3A = tpu.sem_alloc : memref<!tpu.dma_semaphore, #tpu.memory_space<semaphore_mem>>
      %dma_start3A_456 = tpu.memref_slice %arg5[%arg0, %mul3A_455] : memref<2x10240xf32, #tpu.memory_space<hbm>> -> memref<1x640xf32, #tpu.memory_space<hbm>>
      %dma_start3A_457 = tpu.memref_squeeze %dma_start3A_456 : memref<1x640xf32, #tpu.memory_space<hbm>> -> memref<640xf32, #tpu.memory_space<hbm>>
      %dma_start3A_458 = tpu.memref_slice %arg7[%mul3A_453] : memref<10240xf32, #tpu.memory_space<vmem_shared>> -> memref<640xf32, #tpu.memory_space<vmem_shared>>
      tpu.enqueue_dma source(%dma_start3A_458 : memref<640xf32, #tpu.memory_space<vmem_shared>>) target(%dma_start3A_457 : memref<640xf32, #tpu.memory_space<hbm>>) target_semaphore(%run_scoped3A : memref<!tpu.dma_semaphore, #tpu.memory_space<semaphore_mem>>)
      %dma_wait3A_459 = tpu.memref_slice %arg5[%arg0, %mul3A_455] : memref<2x10240xf32, #tpu.memory_space<hbm>> -> memref<1x640xf32, #tpu.memory_space<hbm>>
      %dma_wait3A_460 = tpu.memref_squeeze %dma_wait3A_459 : memref<1x640xf32, #tpu.memory_space<hbm>> -> memref<640xf32, #tpu.memory_space<hbm>>
      %dma_wait3A_461 = tpu.memref_slice %arg7[%mul3A_453] : memref<10240xf32, #tpu.memory_space<vmem_shared>> -> memref<640xf32, #tpu.memory_space<vmem_shared>>
      tpu.wait_dma2 semaphore(%run_scoped3A : memref<!tpu.dma_semaphore, #tpu.memory_space<semaphore_mem>>) src(%dma_wait3A_461 : memref<640xf32, #tpu.memory_space<vmem_shared>>) dst(%dma_wait3A_460 : memref<640xf32, #tpu.memory_space<hbm>>)
      tpu.yield
    }) : () -> ()
    return
  }
}

#map = affine_map<(d0, d1) -> (0, 0)>
#map1 = affine_map<(d0, d1) -> (0)>
module attributes {stable_mosaic.version = 14 : i64} {
  func.func @_out_body(%arg0: i32, %arg1: i32, %arg2: memref<2x10240xf32, #tpu.memory_space<hbm>>, %arg3: memref<2x10240xf32, #tpu.memory_space<hbm>>, %arg4: memref<10240xf32, #tpu.memory_space<hbm>>, %arg5: memref<16xf32, #tpu.memory_space<hbm>>, %arg6: memref<10240xf32, #tpu.memory_space<hbm>>, %arg7: memref<320xf32, #tpu.memory_space<vmem>>, %arg8: memref<320xf32, #tpu.memory_space<vmem>>, %arg9: memref<320xf32, #tpu.memory_space<vmem>>, %arg10: memref<320xf32, #tpu.memory_space<vmem>>, %arg11: memref<320xf32, #tpu.memory_space<vmem>>, %arg12: memref<16xf32, #tpu.memory_space<vmem>>, %arg13: memref<320xf32, #tpu.memory_space<vmem>>, %arg14: memref<!tpu.dma_semaphore, #tpu.memory_space<semaphore_mem>>) attributes {dimension_semantics = [#tpu.dimension_semantics<core_parallel>, #tpu.dimension_semantics<subcore_parallel>], iteration_bounds = array<i64: 2, 16>, scalar_prefetch = 0 : i64, scratch_operands = 8 : i64, tpu.core_type = #tpu.core_type<sc_vector_subcore>, window_params = [{transform_indices = #map}, {transform_indices = #map}, {transform_indices = #map1}, {transform_indices = #map1}, {transform_indices = #map1}]} {
    %mul3A = arith.constant 2 : i32
    %mul3A_0 = arith.muli %arg1, %mul3A : i32
    %add3A = arith.addi %mul3A_0, %arg0 : i32
    %mul3A_1 = arith.constant 320 : i32
    %mul3A_2 = arith.muli %add3A, %mul3A_1 : i32
    %run_scoped3A = arith.constant 0 : i32
    "tpu.region"() ({
      %run_scoped3A_13 = tpu.sem_alloc : memref<!tpu.dma_semaphore, #tpu.memory_space<semaphore_mem>>
      %dma_start3A = tpu.memref_slice %arg2[%run_scoped3A, %mul3A_2] : memref<2x10240xf32, #tpu.memory_space<hbm>> -> memref<1x320xf32, #tpu.memory_space<hbm>>
      %dma_start3A_14 = tpu.memref_squeeze %dma_start3A : memref<1x320xf32, #tpu.memory_space<hbm>> -> memref<320xf32, #tpu.memory_space<hbm>>
      %dma_start3A_15 = tpu.memref_slice %arg2[%run_scoped3A, %mul3A_2] : memref<2x10240xf32, #tpu.memory_space<hbm>> -> memref<1x320xf32, #tpu.memory_space<hbm>>
      %dma_start3A_16 = tpu.memref_squeeze %dma_start3A_15 : memref<1x320xf32, #tpu.memory_space<hbm>> -> memref<320xf32, #tpu.memory_space<hbm>>
      tpu.enqueue_dma source(%dma_start3A_16 : memref<320xf32, #tpu.memory_space<hbm>>) target(%arg7 : memref<320xf32, #tpu.memory_space<vmem>>) target_semaphore(%run_scoped3A_13 : memref<!tpu.dma_semaphore, #tpu.memory_space<semaphore_mem>>)
      %dma_wait3A = tpu.memref_slice %arg2[%run_scoped3A, %mul3A_2] : memref<2x10240xf32, #tpu.memory_space<hbm>> -> memref<1x320xf32, #tpu.memory_space<hbm>>
      %dma_wait3A_17 = tpu.memref_squeeze %dma_wait3A : memref<1x320xf32, #tpu.memory_space<hbm>> -> memref<320xf32, #tpu.memory_space<hbm>>
      %dma_wait3A_18 = tpu.memref_slice %arg2[%run_scoped3A, %mul3A_2] : memref<2x10240xf32, #tpu.memory_space<hbm>> -> memref<1x320xf32, #tpu.memory_space<hbm>>
      %dma_wait3A_19 = tpu.memref_squeeze %dma_wait3A_18 : memref<1x320xf32, #tpu.memory_space<hbm>> -> memref<320xf32, #tpu.memory_space<hbm>>
      tpu.wait_dma2 semaphore(%run_scoped3A_13 : memref<!tpu.dma_semaphore, #tpu.memory_space<semaphore_mem>>) src(%dma_wait3A_19 : memref<320xf32, #tpu.memory_space<hbm>>) dst(%arg7 : memref<320xf32, #tpu.memory_space<vmem>>)
      tpu.yield
    }) : () -> ()
    %run_scoped3A_3 = arith.constant 1 : i32
    "tpu.region"() ({
      %run_scoped3A_13 = tpu.sem_alloc : memref<!tpu.dma_semaphore, #tpu.memory_space<semaphore_mem>>
      %dma_start3A = tpu.memref_slice %arg2[%run_scoped3A_3, %mul3A_2] : memref<2x10240xf32, #tpu.memory_space<hbm>> -> memref<1x320xf32, #tpu.memory_space<hbm>>
      %dma_start3A_14 = tpu.memref_squeeze %dma_start3A : memref<1x320xf32, #tpu.memory_space<hbm>> -> memref<320xf32, #tpu.memory_space<hbm>>
      %dma_start3A_15 = tpu.memref_slice %arg2[%run_scoped3A_3, %mul3A_2] : memref<2x10240xf32, #tpu.memory_space<hbm>> -> memref<1x320xf32, #tpu.memory_space<hbm>>
      %dma_start3A_16 = tpu.memref_squeeze %dma_start3A_15 : memref<1x320xf32, #tpu.memory_space<hbm>> -> memref<320xf32, #tpu.memory_space<hbm>>
      tpu.enqueue_dma source(%dma_start3A_16 : memref<320xf32, #tpu.memory_space<hbm>>) target(%arg8 : memref<320xf32, #tpu.memory_space<vmem>>) target_semaphore(%run_scoped3A_13 : memref<!tpu.dma_semaphore, #tpu.memory_space<semaphore_mem>>)
      %dma_wait3A = tpu.memref_slice %arg2[%run_scoped3A_3, %mul3A_2] : memref<2x10240xf32, #tpu.memory_space<hbm>> -> memref<1x320xf32, #tpu.memory_space<hbm>>
      %dma_wait3A_17 = tpu.memref_squeeze %dma_wait3A : memref<1x320xf32, #tpu.memory_space<hbm>> -> memref<320xf32, #tpu.memory_space<hbm>>
      %dma_wait3A_18 = tpu.memref_slice %arg2[%run_scoped3A_3, %mul3A_2] : memref<2x10240xf32, #tpu.memory_space<hbm>> -> memref<1x320xf32, #tpu.memory_space<hbm>>
      %dma_wait3A_19 = tpu.memref_squeeze %dma_wait3A_18 : memref<1x320xf32, #tpu.memory_space<hbm>> -> memref<320xf32, #tpu.memory_space<hbm>>
      tpu.wait_dma2 semaphore(%run_scoped3A_13 : memref<!tpu.dma_semaphore, #tpu.memory_space<semaphore_mem>>) src(%dma_wait3A_19 : memref<320xf32, #tpu.memory_space<hbm>>) dst(%arg8 : memref<320xf32, #tpu.memory_space<vmem>>)
      tpu.yield
    }) : () -> ()
    %run_scoped3A_4 = arith.constant 0 : i32
    "tpu.region"() ({
      %run_scoped3A_13 = tpu.sem_alloc : memref<!tpu.dma_semaphore, #tpu.memory_space<semaphore_mem>>
      %dma_start3A = tpu.memref_slice %arg3[%run_scoped3A_4, %mul3A_2] : memref<2x10240xf32, #tpu.memory_space<hbm>> -> memref<1x320xf32, #tpu.memory_space<hbm>>
      %dma_start3A_14 = tpu.memref_squeeze %dma_start3A : memref<1x320xf32, #tpu.memory_space<hbm>> -> memref<320xf32, #tpu.memory_space<hbm>>
      %dma_start3A_15 = tpu.memref_slice %arg3[%run_scoped3A_4, %mul3A_2] : memref<2x10240xf32, #tpu.memory_space<hbm>> -> memref<1x320xf32, #tpu.memory_space<hbm>>
      %dma_start3A_16 = tpu.memref_squeeze %dma_start3A_15 : memref<1x320xf32, #tpu.memory_space<hbm>> -> memref<320xf32, #tpu.memory_space<hbm>>
      tpu.enqueue_dma source(%dma_start3A_16 : memref<320xf32, #tpu.memory_space<hbm>>) target(%arg9 : memref<320xf32, #tpu.memory_space<vmem>>) target_semaphore(%run_scoped3A_13 : memref<!tpu.dma_semaphore, #tpu.memory_space<semaphore_mem>>)
      %dma_wait3A = tpu.memref_slice %arg3[%run_scoped3A_4, %mul3A_2] : memref<2x10240xf32, #tpu.memory_space<hbm>> -> memref<1x320xf32, #tpu.memory_space<hbm>>
      %dma_wait3A_17 = tpu.memref_squeeze %dma_wait3A : memref<1x320xf32, #tpu.memory_space<hbm>> -> memref<320xf32, #tpu.memory_space<hbm>>
      %dma_wait3A_18 = tpu.memref_slice %arg3[%run_scoped3A_4, %mul3A_2] : memref<2x10240xf32, #tpu.memory_space<hbm>> -> memref<1x320xf32, #tpu.memory_space<hbm>>
      %dma_wait3A_19 = tpu.memref_squeeze %dma_wait3A_18 : memref<1x320xf32, #tpu.memory_space<hbm>> -> memref<320xf32, #tpu.memory_space<hbm>>
      tpu.wait_dma2 semaphore(%run_scoped3A_13 : memref<!tpu.dma_semaphore, #tpu.memory_space<semaphore_mem>>) src(%dma_wait3A_19 : memref<320xf32, #tpu.memory_space<hbm>>) dst(%arg9 : memref<320xf32, #tpu.memory_space<vmem>>)
      tpu.yield
    }) : () -> ()
    %run_scoped3A_5 = arith.constant 1 : i32
    "tpu.region"() ({
      %run_scoped3A_13 = tpu.sem_alloc : memref<!tpu.dma_semaphore, #tpu.memory_space<semaphore_mem>>
      %dma_start3A = tpu.memref_slice %arg3[%run_scoped3A_5, %mul3A_2] : memref<2x10240xf32, #tpu.memory_space<hbm>> -> memref<1x320xf32, #tpu.memory_space<hbm>>
      %dma_start3A_14 = tpu.memref_squeeze %dma_start3A : memref<1x320xf32, #tpu.memory_space<hbm>> -> memref<320xf32, #tpu.memory_space<hbm>>
      %dma_start3A_15 = tpu.memref_slice %arg3[%run_scoped3A_5, %mul3A_2] : memref<2x10240xf32, #tpu.memory_space<hbm>> -> memref<1x320xf32, #tpu.memory_space<hbm>>
      %dma_start3A_16 = tpu.memref_squeeze %dma_start3A_15 : memref<1x320xf32, #tpu.memory_space<hbm>> -> memref<320xf32, #tpu.memory_space<hbm>>
      tpu.enqueue_dma source(%dma_start3A_16 : memref<320xf32, #tpu.memory_space<hbm>>) target(%arg10 : memref<320xf32, #tpu.memory_space<vmem>>) target_semaphore(%run_scoped3A_13 : memref<!tpu.dma_semaphore, #tpu.memory_space<semaphore_mem>>)
      %dma_wait3A = tpu.memref_slice %arg3[%run_scoped3A_5, %mul3A_2] : memref<2x10240xf32, #tpu.memory_space<hbm>> -> memref<1x320xf32, #tpu.memory_space<hbm>>
      %dma_wait3A_17 = tpu.memref_squeeze %dma_wait3A : memref<1x320xf32, #tpu.memory_space<hbm>> -> memref<320xf32, #tpu.memory_space<hbm>>
      %dma_wait3A_18 = tpu.memref_slice %arg3[%run_scoped3A_5, %mul3A_2] : memref<2x10240xf32, #tpu.memory_space<hbm>> -> memref<1x320xf32, #tpu.memory_space<hbm>>
      %dma_wait3A_19 = tpu.memref_squeeze %dma_wait3A_18 : memref<1x320xf32, #tpu.memory_space<hbm>> -> memref<320xf32, #tpu.memory_space<hbm>>
      tpu.wait_dma2 semaphore(%run_scoped3A_13 : memref<!tpu.dma_semaphore, #tpu.memory_space<semaphore_mem>>) src(%dma_wait3A_19 : memref<320xf32, #tpu.memory_space<hbm>>) dst(%arg10 : memref<320xf32, #tpu.memory_space<vmem>>)
      tpu.yield
    }) : () -> ()
    "tpu.region"() ({
      %run_scoped3A_13 = tpu.sem_alloc : memref<!tpu.dma_semaphore, #tpu.memory_space<semaphore_mem>>
      %dma_start3A = tpu.memref_slice %arg4[%mul3A_2] : memref<10240xf32, #tpu.memory_space<hbm>> -> memref<320xf32, #tpu.memory_space<hbm>>
      %dma_start3A_14 = tpu.memref_slice %arg4[%mul3A_2] : memref<10240xf32, #tpu.memory_space<hbm>> -> memref<320xf32, #tpu.memory_space<hbm>>
      tpu.enqueue_dma source(%dma_start3A_14 : memref<320xf32, #tpu.memory_space<hbm>>) target(%arg11 : memref<320xf32, #tpu.memory_space<vmem>>) target_semaphore(%run_scoped3A_13 : memref<!tpu.dma_semaphore, #tpu.memory_space<semaphore_mem>>)
      %dma_wait3A = tpu.memref_slice %arg4[%mul3A_2] : memref<10240xf32, #tpu.memory_space<hbm>> -> memref<320xf32, #tpu.memory_space<hbm>>
      %dma_wait3A_15 = tpu.memref_slice %arg4[%mul3A_2] : memref<10240xf32, #tpu.memory_space<hbm>> -> memref<320xf32, #tpu.memory_space<hbm>>
      tpu.wait_dma2 semaphore(%run_scoped3A_13 : memref<!tpu.dma_semaphore, #tpu.memory_space<semaphore_mem>>) src(%dma_wait3A_15 : memref<320xf32, #tpu.memory_space<hbm>>) dst(%arg11 : memref<320xf32, #tpu.memory_space<vmem>>)
      tpu.yield
    }) : () -> ()
    "tpu.region"() ({
      %run_scoped3A_13 = tpu.sem_alloc : memref<!tpu.dma_semaphore, #tpu.memory_space<semaphore_mem>>
      tpu.enqueue_dma source(%arg5 : memref<16xf32, #tpu.memory_space<hbm>>) target(%arg12 : memref<16xf32, #tpu.memory_space<vmem>>) target_semaphore(%run_scoped3A_13 : memref<!tpu.dma_semaphore, #tpu.memory_space<semaphore_mem>>)
      tpu.wait_dma2 semaphore(%run_scoped3A_13 : memref<!tpu.dma_semaphore, #tpu.memory_space<semaphore_mem>>) src(%arg5 : memref<16xf32, #tpu.memory_space<hbm>>) dst(%arg12 : memref<16xf32, #tpu.memory_space<vmem>>)
      tpu.yield
    }) : () -> ()
    %get3A = arith.constant 0 : index
    %get3A_6 = tpu.vector_load %arg12[%get3A] {strides = array<i32>} : memref<16xf32, #tpu.memory_space<vmem>>, vector<16xf32>,
    %scan3A = arith.constant 0 : i32
    %scan3A_7 = arith.constant 0 : i32
    %scan3A_8 = arith.constant 20 : i32
    %scan3A_9 = arith.addi %scan3A_7, %scan3A_8 : i32
    %scan3A_10 = arith.constant 1 : i32
    %scan3A_11 = scf.for %scan3A_13 = %scan3A_7 to %scan3A_9 step %scan3A_10 iter_args(%scan3A_14 = %scan3A) -> (i32)  : i32 {
      %mul3A_15 = arith.constant 16 : i32
      %mul3A_16 = arith.muli %scan3A_13, %mul3A_15 : i32
      %get3A_17 = arith.index_cast %mul3A_16 : i32 to index
      %get3A_18 = tpu.vector_load %arg9[%get3A_17] {strides = array<i32>} : memref<320xf32, #tpu.memory_space<vmem>>, vector<16xf32>,
      %get3A_19 = arith.index_cast %mul3A_16 : i32 to index
      %get3A_20 = tpu.vector_load %arg10[%get3A_19] {strides = array<i32>} : memref<320xf32, #tpu.memory_space<vmem>>, vector<16xf32>,
      %add3A_21 = arith.addf %get3A_18, %get3A_20 : vector<16xf32>
      %max3A = arith.constant 1.000000e+00 : f32
      %max3A_22 = vector.broadcast %max3A : f32 to vector<16xf32>
      %max3A_23 = arith.maximumf %add3A_21, %max3A_22 : vector<16xf32>
      %get3A_24 = arith.index_cast %mul3A_16 : i32 to index
      %get3A_25 = tpu.vector_load %arg7[%get3A_24] {strides = array<i32>} : memref<320xf32, #tpu.memory_space<vmem>>, vector<16xf32>,
      %get3A_26 = arith.index_cast %mul3A_16 : i32 to index
      %get3A_27 = tpu.vector_load %arg8[%get3A_26] {strides = array<i32>} : memref<320xf32, #tpu.memory_space<vmem>>, vector<16xf32>,
      %add3A_28 = arith.addf %get3A_25, %get3A_27 : vector<16xf32>
      %div3A = arith.divf %add3A_28, %max3A_23 : vector<16xf32>
      %add3A_29 = arith.addf %div3A, %get3A_6 : vector<16xf32>
      %get3A_30 = arith.index_cast %mul3A_16 : i32 to index
      %get3A_31 = tpu.vector_load %arg11[%get3A_30] {strides = array<i32>} : memref<320xf32, #tpu.memory_space<vmem>>, vector<16xf32>,
      %add3A_32 = arith.addf %add3A_29, %get3A_31 : vector<16xf32>
      %neg3A = arith.constant 0.000000e+00 : f32
      %neg3A_33 = vector.broadcast %neg3A : f32 to vector<16xf32>
      %neg3A_34 = arith.subf %neg3A_33, %add3A_32 : vector<16xf32>
      %exp3A = math.exp %neg3A_34 : vector<16xf32>
      %add3A_35 = arith.constant 1.000000e+00 : f32
      %add3A_36 = vector.broadcast %add3A_35 : f32 to vector<16xf32>
      %add3A_37 = arith.addf %add3A_36, %exp3A : vector<16xf32>
      %div3A_38 = arith.constant 1.000000e+00 : f32
      %div3A_39 = vector.broadcast %div3A_38 : f32 to vector<16xf32>
      %div3A_40 = arith.divf %div3A_39, %add3A_37 : vector<16xf32>
      %swap3A = arith.index_cast %mul3A_16 : i32 to index
      %swap3A_41 = tpu.vector_load %arg13[%swap3A] {strides = array<i32>} : memref<320xf32, #tpu.memory_space<vmem>>, vector<16xf32>,
      tpu.vector_store %arg13[%swap3A], %div3A_40 {strides = array<i32>} : memref<320xf32, #tpu.memory_space<vmem>>, vector<16xf32>,
      %scan3A_42 = arith.constant 0 : i32
      scf.yield %scan3A_42 : i32
    }
    %scan3A_12 = arith.constant 20 : i32
    "tpu.region"() ({
      %run_scoped3A_13 = tpu.sem_alloc : memref<!tpu.dma_semaphore, #tpu.memory_space<semaphore_mem>>
      %dma_start3A = tpu.memref_slice %arg6[%mul3A_2] : memref<10240xf32, #tpu.memory_space<hbm>> -> memref<320xf32, #tpu.memory_space<hbm>>
      %dma_start3A_14 = tpu.memref_slice %arg6[%mul3A_2] : memref<10240xf32, #tpu.memory_space<hbm>> -> memref<320xf32, #tpu.memory_space<hbm>>
      tpu.enqueue_dma source(%arg13 : memref<320xf32, #tpu.memory_space<vmem>>) target(%dma_start3A_14 : memref<320xf32, #tpu.memory_space<hbm>>) target_semaphore(%run_scoped3A_13 : memref<!tpu.dma_semaphore, #tpu.memory_space<semaphore_mem>>)
      %dma_wait3A = tpu.memref_slice %arg6[%mul3A_2] : memref<10240xf32, #tpu.memory_space<hbm>> -> memref<320xf32, #tpu.memory_space<hbm>>
      %dma_wait3A_15 = tpu.memref_slice %arg6[%mul3A_2] : memref<10240xf32, #tpu.memory_space<hbm>> -> memref<320xf32, #tpu.memory_space<hbm>>
      tpu.wait_dma2 semaphore(%run_scoped3A_13 : memref<!tpu.dma_semaphore, #tpu.memory_space<semaphore_mem>>) src(%arg13 : memref<320xf32, #tpu.memory_space<vmem>>) dst(%dma_wait3A_15 : memref<320xf32, #tpu.memory_space<hbm>>)
      tpu.yield
    }) : () -> ()
    return
  }
}

module attributes {stable_mosaic.version = 14 : i64} {
  func.func @_mm_body(%arg0: memref<10000x128xf32, #tpu.memory_space<vmem>>, %arg1: memref<32x128xf32, #tpu.memory_space<vmem>>, %arg2: memref<32x128xf32, #tpu.memory_space<vmem>>, %arg3: memref<10240x32xf32, #tpu.memory_space<vmem>>, %arg4: memref<10240x32xf32, #tpu.memory_space<vmem>>) attributes {dimension_semantics = [], scalar_prefetch = 0 : i64, scratch_operands = 0 : i64, tpu.core_type = #tpu.core_type<tc>} {
    %get3A = arith.constant 0 : index
    %get3A_0 = arith.constant 0 : index
    %get3A_1 = vector.load %arg0[%get3A, %get3A_0] : memref<10000x128xf32, #tpu.memory_space<vmem>>, vector<10000x128xf32>
    %get3A_2 = arith.constant 0 : index
    %get3A_3 = arith.constant 0 : index
    %get3A_4 = vector.load %arg1[%get3A_2, %get3A_3] : memref<32x128xf32, #tpu.memory_space<vmem>>, vector<32x128xf32>
    %dot_general3A = arith.constant dense<0.000000e+00> : vector<10000x32xf32>
    %dot_general3A_5 = tpu.matmul %get3A_1, %get3A_4, %dot_general3A {dimension_numbers = #tpu.dot_dimension_numbers<[1], [1], [0], [0], [0, 0, 1, 0], [], []>, transpose_lhs_hint = false} : vector<10000x128xf32>, vector<32x128xf32>, vector<10000x32xf32> -> vector<10000x32xf32>
    %swap3A = arith.constant 0 : index
    %swap3A_6 = arith.constant 0 : index
    %swap3A_7 = vector.load %arg3[%swap3A, %swap3A_6] : memref<10240x32xf32, #tpu.memory_space<vmem>>, vector<10000x32xf32>
    tpu.vector_store %arg3[%swap3A, %swap3A_6], %dot_general3A_5 {strides = array<i32>} : memref<10240x32xf32, #tpu.memory_space<vmem>>, vector<10000x32xf32>,
    %get3A_8 = arith.constant 0 : index
    %get3A_9 = arith.constant 0 : index
    %get3A_10 = vector.load %arg2[%get3A_8, %get3A_9] : memref<32x128xf32, #tpu.memory_space<vmem>>, vector<32x128xf32>
    %dot_general3A_11 = arith.constant dense<0.000000e+00> : vector<10000x32xf32>
    %dot_general3A_12 = tpu.matmul %get3A_1, %get3A_10, %dot_general3A_11 {dimension_numbers = #tpu.dot_dimension_numbers<[1], [1], [0], [0], [0, 0, 1, 0], [], []>, transpose_lhs_hint = false} : vector<10000x128xf32>, vector<32x128xf32>, vector<10000x32xf32> -> vector<10000x32xf32>
    %swap3A_13 = arith.constant 0 : index
    %swap3A_14 = arith.constant 0 : index
    %swap3A_15 = vector.load %arg4[%swap3A_13, %swap3A_14] : memref<10240x32xf32, #tpu.memory_space<vmem>>, vector<10000x32xf32>
    tpu.vector_store %arg4[%swap3A_13, %swap3A_14], %dot_general3A_12 {strides = array<i32>} : memref<10240x32xf32, #tpu.memory_space<vmem>>, vector<10000x32xf32>,
    %broadcast_in_dim3A = arith.constant 0.000000e+00 : f32
    %broadcast_in_dim3A_16 = vector.broadcast %broadcast_in_dim3A : f32 to vector<240x32xf32>
    %swap3A_17 = arith.constant 10000 : index
    %swap3A_18 = arith.constant 0 : index
    %swap3A_19 = vector.load %arg3[%swap3A_17, %swap3A_18] : memref<10240x32xf32, #tpu.memory_space<vmem>>, vector<240x32xf32>
    tpu.vector_store %arg3[%swap3A_17, %swap3A_18], %broadcast_in_dim3A_16 {strides = array<i32>} : memref<10240x32xf32, #tpu.memory_space<vmem>>, vector<240x32xf32>,
    %swap3A_20 = arith.constant 10000 : index
    %swap3A_21 = arith.constant 0 : index
    %swap3A_22 = vector.load %arg4[%swap3A_20, %swap3A_21] : memref<10240x32xf32, #tpu.memory_space<vmem>>, vector<240x32xf32>
    tpu.vector_store %arg4[%swap3A_20, %swap3A_21], %broadcast_in_dim3A_16 {strides = array<i32>} : memref<10240x32xf32, #tpu.memory_space<vmem>>, vector<240x32xf32>,
    return
  }
}

</mosaic_0001>

<sc_bundles>
// kernel: kernel.12.cloned.1.call-start
scs
__scs_entry_jumppad:
0x0: {  	(pc) =	sbr.rel $0x88, $3  }
0x1: {  	(tag) =	ssettag $0x0;
	lr =	simm.s32 $0x1  }
0x2: {  	[smem:$0x3F99] =	sst lr;
	_ =	strace $0xD0000000  }
0x3: {  	_ = 	snop  }
0x4: {  	_ = 	snop  }
0x5: {  	_ = 	snop  }
0x6: {  	_ = 	snop  }
0x7: {  	_ = 	snop  }
__scs_overlays_trampoline_lowered:
0x8: {  	[smem:$0x3FA8] =	sst s0  }
0x9: {  	[smem:$0x3FA9] =	sst s1  }
0xa: {  	[smem:$0x3FAA] =	sst s2  }
0xb: {  	[smem:$0x3FAB] =	sst s3  }
0xc: {  	[smem:$0x3FAC] =	sst s4  }
0xd: {  	[smem:$0x3FAD] =	sst s5  }
0xe: {  	[smem:$0x3FAE] =	sst s6  }
0xf: {  	[smem:$0x3FAF] =	sst s7  }
0x10: {  	[smem:$0x3FB0] =	sst s8  }
0x11: {  	[smem:$0x3FB1] =	sst s9;
	s0 =	simm.s32 @!p0 $0x0  }
0x12: {  	s1 =	sld [smem:$0x3F97];
	s0 =	simm.s32 @p0 $0x1  }
0x13: {  	[smem:$0x3FB2] =	sst s0;
	s0 =	simm.s32 @!p1 $0x0  }
0x14: {  	s2 =	sld [smem:$0x3F96];
	s0 =	simm.s32 @p1 $0x1  }
0x15: {  	[smem:$0x3FB3] =	sst s0;
	s0 =	simm.s32 @!p2 $0x0  }
0x16: {  	s3 =	sld [smem:$0x3FDB];
	s0 =	simm.s32 @p2 $0x1  }
0x17: {  	s4 =	simm.s32 $0x1BF5;
	[smem:$0x3FB5] =	sst s0  }
0x18: {  	s0 =	sld [smem:$0x3F98];
	_ =	swait.ge [sflag:s4], $0x0  }
0x19: {  	s7 =	sld [smem:$0x3F99]  }
0x1a: {  	s8 =	sadd.s32 $0xFFFFE003, lr  }
0x1b: {  	s9 =	sadd.s32 $0xFFFFFEF7, lr;
	s5 =	simm.s32 $0xFFFFFFFF;
	p2 =	slt.u32 s8, $0xFFFFF086  }
0x1c: {  	p1 =	slt.u32 s9, $0xF7A;
	s5 =	simm.s32 @!p2 $0x0  }
0x1d: {  	s5 =	simm.s32 @p1 $0x1;
	p0 =	seq.s32 s7, s2  }
0x1e: {  	s7 =	smul.u32 @!p0 $0xF7A, s2;
	p2 =	seq.s32 @!p0 s5, $0x0  }
0x1f: {  	s9 =	smul.u32 $0xF7A, s1;
	s8 =	simm.s32 @!p0 $0x1BF5;
	p2 =	por !p2, p0  }
0x20: {  	[sflag:s8] =	ssyncset.s32 @!p0 $0xFFFFF086;
	s6 =	sadd.s32 @!p0 s3, s7;
	s7 =	simm.s32 @!p0 $0x108  }
0x21: {  	s3 =	sadd.s32 s3, s9;
	s6 =	sadd.s32 @!p0 $0x88, s6;
	s7 =	simm.s32 @p2 $0x1082  }
0x22: {  	[simem:s7], [sflag:s8] =	dma.local @!p0 [hbm:s6], $0xF7A  }
0x23: {  	s9 =	sor.u32 $0xD0000000, s2;
	s6 =	simm.s32 $0x108;
	_ =	swait.ge @!p0 [sflag:s8], $0x0  }
0x24: {  	s3 =	sadd.s32 $0x88, s3;
	s6 =	simm.s32 @!p1 $0x1082;
	[sflag:s4] =	ssyncset.s32 $0xFFFFF086  }
0x25: {  	[simem:s6], [sflag:s4] =	dma.local [hbm:s3], $0xF7A  }
0x26: {  	[smem:$0x3F99] =	sst s1;
	(tag) =	ssettag s2;
	_ =	strace s9  }
0x27: {  	s1 =	sld [smem:$0x3FA9]  }
0x28: {  	s2 =	sld [smem:$0x3FAA]  }
0x29: {  	s4 =	sld [smem:$0x3FAC]  }
0x2a: {  	p0 =	seq.s32 s5, $0x0;
	s5 =	sld [smem:$0x3FAD]  }
0x2b: {  	s6 =	sld [smem:$0x3FAE]  }
0x2c: {  	s7 =	sld [smem:$0x3FAF]  }
0x2d: {  	s3 =	simm.s32 $0x108;
	s8 =	sld [smem:$0x3FB0]  }
0x2e: {  	s3 =	simm.s32 @!p0 $0x1082;
	s9 =	sld [smem:$0x3FB1]  }
0x2f: {  	lr =	sadd.s32 s0, s3;
	s0 =	sld [smem:$0x3FA8]  }
0x30: {  	s3 =	sld [smem:$0x3FAB]  }
0x31: {  	[smem:$0x3FB4] =	sst s10  }
0x32: {  	s10 =	sld [smem:$0x3FB2];
	_ =	sdelay $0x3  }
0x33: {  	p0 =	seq.s32 s10, $0x1;
	s10 =	sld [smem:$0x3FB4];
	_ =	sdelay $0x3  }
0x34: {  	[smem:$0x3FB4] =	sst s10  }
0x35: {  	s10 =	sld [smem:$0x3FB3];
	_ =	sdelay $0x3  }
0x36: {  	p1 =	seq.s32 s10, $0x1;
	s10 =	sld [smem:$0x3FB4];
	_ =	sdelay $0x3  }
0x37: {  	[smem:$0x3FB4] =	sst s10  }
0x38: {  	s10 =	sld [smem:$0x3FB5]  }
0x39: {  	_ = 	snop;
	(pc) =	sbr.ind lr, $3  }
0x3a: {  	_ = 	snop  }
0x3b: {  	_ = 	snop  }
0x3c: {  	p2 =	seq.s32 s10, $0x1;
	s10 =	sld [smem:$0x3FB4]  }
0x3d: {  	_ =	shalt  }
0x3e: {  	_ =	shalt  }
0x3f: {  	_ =	shalt  }
0x40: {  	_ =	shalt  }
0x41: {  	_ =	shalt  }
0x42: {  	_ =	shalt  }
0x43: {  	_ =	shalt  }
0x44: {  	_ =	shalt  }
0x45: {  	_ =	shalt  }
0x46: {  	_ =	shalt  }
0x47: {  	_ =	shalt  }
0x48: {  	_ =	shalt  }
0x49: {  	_ =	shalt  }
0x4a: {  	_ =	shalt  }
0x4b: {  	_ =	shalt  }
0x4c: {  	_ =	shalt  }
0x4d: {  	_ =	shalt  }
0x4e: {  	_ =	shalt  }
0x4f: {  	_ =	shalt  }
0x50: {  	_ =	shalt  }
0x51: {  	_ =	shalt  }
0x52: {  	_ =	shalt  }
0x53: {  	_ =	shalt  }
0x54: {  	_ =	shalt  }
0x55: {  	_ =	shalt  }
0x56: {  	_ =	shalt  }
0x57: {  	_ =	shalt  }
0x58: {  	_ =	shalt  }
0x59: {  	_ =	shalt  }
0x5a: {  	_ =	shalt  }
0x5b: {  	_ =	shalt  }
0x5c: {  	_ =	shalt  }
0x5d: {  	_ =	shalt  }
0x5e: {  	_ =	shalt  }
0x5f: {  	_ =	shalt  }
0x60: {  	_ =	shalt  }
0x61: {  	_ =	shalt  }
0x62: {  	_ =	shalt  }
0x63: {  	_ =	shalt  }
0x64: {  	_ =	shalt  }
0x65: {  	_ =	shalt  }
0x66: {  	_ =	shalt  }
0x67: {  	_ =	shalt  }
0x68: {  	_ =	shalt  }
0x69: {  	_ =	shalt  }
0x6a: {  	_ =	shalt  }
0x6b: {  	_ =	shalt  }
0x6c: {  	_ =	shalt  }
0x6d: {  	_ =	shalt  }
0x6e: {  	_ =	shalt  }
0x6f: {  	_ =	shalt  }
0x70: {  	_ =	shalt  }
0x71: {  	_ =	shalt  }
0x72: {  	_ =	shalt  }
0x73: {  	_ =	shalt  }
0x74: {  	_ =	shalt  }
0x75: {  	_ =	shalt  }
0x76: {  	_ =	shalt  }
0x77: {  	_ =	shalt  }
0x78: {  	_ =	shalt  }
0x79: {  	_ =	shalt  }
0x7a: {  	_ =	shalt  }
0x7b: {  	_ =	shalt  }
0x7c: {  	_ =	shalt  }
0x7d: {  	_ =	shalt  }
0x7e: {  	_ =	shalt  }
0x7f: {  	_ =	shalt  }
0x80: {  	_ =	shalt  }
0x81: {  	_ =	shalt  }
0x82: {  	_ =	shalt  }
0x83: {  	_ =	shalt  }
0x84: {  	_ =	shalt  }
0x85: {  	_ =	shalt  }
0x86: {  	_ =	shalt  }
0x87: {  	_ =	shalt  }
.Lfunc_end0:
.L_simem_size_0:
called_computation.2_lowered:
.L_overlay_start_0:
0x88: {  	s2 =	sld [smem:$0x3FD9]  }
0x89: {  	s3 =	sld [smem:$0x3FFE];
	_ =	sdelay $0x1  }
0x8a: {  	s1 =	srdreg.scid  }
0x8b: {  	s0 =	sand.u32 $0x1, s1  }
0x8c: {  	s17 =	sshll.u32 s0, $0xA;
	s2 =	sadd.s32 s3, s2  }
0x8d: {  	s2 =	sadd.s32 s2, s17  }
0x8e: {  	[smem:$0x3FC0] =	sst s2  }
0x8f: {  	_ = 	snop  }
0x90: {  	s2 =	sld [smem:$0x3FD0];
	(tm) =	ssettm $0x1  }
0x91: {  	s18 =	sld [smem:$0x3FFB];
	_ =	sdelay $0x3  }
0x92: {  	_ =	strace s18  }
0x93: {  	s3 =	sld [smem:$0x3FFC];
	_ =	sdelay $0x3  }
0x94: {  	_ =	strace s3  }
0x95: {  	s3 =	sld [smem:$0x3FFD];
	_ =	sdelay $0x3  }
0x96: {  	_ =	strace s3  }
0x97: {  	_ =	strace $0x8FFFFFFF  }
0x98: {  	s19 =	sld [smem:$0x3FDB];
	_ =	sdelay $0x1  }
0x99: {  	s4 =	simm.s32 $_scs_section_size  }
0x9a: {  	s5 =	simm.s32 $_size__tile_overlayer_lowered;
	s6 =	simm.s32 $_tile_overlayer_lowered  }
0x9b: {  	s22 =	simm.s32 $0x1BFF;
	s21 =	sshll.u32 s6, $0x1;
	s3 =	sadd.s32 s4, s19  }
0x9c: {  	s7 =	simm.s32 $0x0;
	s20 =	sshll.u32 s5, $0x1;
	s5 =	sadd.s32 s21, s3  }
0x9d: {  	[timem:s7], [sflag:s22] =	dma.local [hbm:s5], s20  }
0x9e: {  	_ =	swait.ge [sflag:s22], s20  }
0x9f: {  	s4 =	ssub.s32 $0x0, s20;
	[sflag:s22] =	ssyncset.done $0x0  }
0xa0: {  	[sflag:s22] =	ssyncadd.s32 s4;
	_ =	sdelay $0x1  }
0xa1: {  	s23 =	simm.s32 $0x1B8B  }
0xa2: {  	_ =	swait.ge [sflag:s23], $0x1  }
0xa3: {  	[sflag:s23] =	ssyncset.done $0x0  }
0xa4: {  	s25 =	simm.s32 $0x1B8E;
	s24 =	sld [smem:$0x3FFE];
	[sflag:s23] =	ssyncadd.s32 $0xFFFFFFFF  }
0xa5: {  	s26 =	simm.s32 $execute0_lowered;
	[smem:$0x3FD2] =	sst s25  }
0xa6: {  	s5 =	sshll.u32 s26, $0x1;
	_ =	strace $0x8000004C;
	[dreg:$0x1] =	wrdreg $0xFFFFFFFF  }
0xa7: {  	s28 =	simm.s32 $_size_execute0_lowered;
	s3 =	sadd.s32 s3, s5;
	[dreg:$0x0] =	wrdreg $0x0  }
0xa8: {  	s5 =	sshll.u32 s28, $0x1;
	[dreg:$0x2] =	wrdreg s3  }
0xa9: {  	[dreg:$0x3] =	wrdreg s5  }
0xaa: {  	[dreg:$0x4] =	wrdreg $0xC0  }
0xab: {  	_ =	task [dreg:s7], $0x5FFFF  }
0xac: {  	[dreg:$0x1] =	wrdreg $0xFFFFFFFF  }
0xad: {  	[dreg:$0x0] =	wrdreg $0x60  }
0xae: {  	[dreg:$0x2] =	wrdreg s24  }
0xaf: {  	[dreg:$0x3] =	wrdreg s2  }
0xb0: {  	[dreg:$0x4] =	wrdreg $0x9  }
0xb1: {  	_ =	task.clear_ibuf [dreg:s7], $0x5FFFF;
	_ =	strace $0x9000004C  }
0xb2: {  	s29 =	simm.s32 $0x9;
	_ =	strace $0x8000004E  }
0xb3: {  	_ =	swait.ge [sflag:s29], $0x1  }
0xb4: {  	[sflag:s29] =	ssyncadd.s32 $0xFFFFFFFF  }
0xb5: {  	_ =	strace $0x9000004E  }
0xb6: {  	_ =	sfence  }
0xb7: {  	s30 =	sld [smem:$0x0];
	_ =	sdelay $0x2  }
0xb8: {  	s31 =	sshll.u32 s1, $0xD;
	s1 =	sshrl.u32 s1, $0x2  }
0xb9: {  	s3 =	sand.u32 $0x4000, s31;
	s1 =	sadd.s32 s1, s30  }
0xba: {  	s0 =	sor.u32 s3, s0;
	s1 =	sshll.u32 s1, $0x11  }
0xbb: {  	s0 =	sor.u32 s1, s0  }
0xbc: {  	s0 =	sadd.s32 $0x8F2B, s0  }
0xbd: {  	[sflag:s0] =	ssyncadd.remote.s32 $0x1  }
0xbe: {  	_ =	sfence.sel $0xFFFF  }
0xbf: {  	[dreg:$0x0] =	wrdreg $0xFFFFFFFF;
	(pc) =	sbr.abs _section_cstart, $3  }
0xc0: {  	[dreg:$0x1] =	wrdreg $0xFFFFFFFF  }
0xc1: {  	_ =	task.clear_ibuf [dreg:s7], $0x2FFFF;
	_ =	strace $0x9FFFFFFF  }
0xc2: {  	(tm) =	ssettm $0x7FFFFFFF  }
0xc3: {  	_ =	shalt  }
tec
execute0_lowered:
.L_overlay_start_1:
0x0: {  	(tag) =	ssettag $0x1  }
0x1: {  	s3 =	rddreg [dreg:$0x0]  }
0x2: {  	s1 =	srdreg.scid;
	s0 =	stileid.u32  }
0x3: {  	s9 =	rddreg [dreg:$0x1];
	s2 =	simm.s32 $0x0;
	s13 =	simm.s32 $0x280  }
0x4: {  	s14 =	simm.s32 $0x3C0;
	s15 =	simm.s32 $0x500;
	s16 =	simm.s32 $0x640  }
0x5: {  	s17 =	simm.s32 $0x650;
	s4 =	sand.u32 $0x1, s1;
	s5 =	sshll.u32 s0, $0x1  }
0x6: {  	s18 =	simm.s32 $0x0;
	s1 =	rddreg [dreg:$0x2];
	s5 =	sor.u32 s4, s5  }
0x7: {  	[smem:$0x7FF] =	sst s2;
	s4 =	ssub.s32 $0x2, s4;
	s5 =	smul.u32 $0x140, s5  }
0x8: {  	s6 =	sadd.s32 $0x1E00, s3;
	s7 =	sadd.s32 $0x33800, s3;
	s31 =	sshrl.u32 s4, $0x1  }
0x9: {  	_ =	strace $0x8000004D;
	s11 =	ssub.s32 s4, s31;
	s10 =	sshrl.u32 s5, $0x3  }
0xa: {  	s8 =	sadd.s32 s10, s3;
	s3 =	sadd.s32 $0x2E00, s3;
	s12 =	sadd.s32 $0x500, s10  }
0xb: {  	s4 =	sadd.s32 s6, s10;
	s9 =	sadd.s32 s9, s10;
	s5 =	sadd.s32 s6, s12  }
0xc: {  	s6 =	sadd.s32 s7, s10;
	s7 =	sadd.s32 s7, s12;
	s8 =	sadd.s32 $0x2800, s8  }
0xd: {  	s10 =	smax.u32 s11, $0x1;
	s11 =	simm.s32 $0x1;
	s12 =	simm.s32 $0x140  }
.LBB2_1:
0xe: {  	[tilespmem:s2], [sflag:$0x1] =	stream.linear.gather [hbm4b:s4+s2], $0x140, $0x38;
	[tilespmem:$0x790] =	vst v63  }
0xf: {  	_ =	swait.ge [sflag:s11], $0x140  }
0x10: {  	[sflag:s11] =	ssyncset.done $0x0  }
0x11: {  	[sflag:s11] =	ssyncadd.s32 $0xFFFFFEC0  }
0x12: {  	[tilespmem:s12], [sflag:$0x1] =	stream.linear.gather [hbm4b:s5+s2], $0x140, $0x38;
	[tilespmem:$0x790] =	vst v63  }
0x13: {  	_ =	swait.ge [sflag:s11], $0x140  }
0x14: {  	[sflag:s11] =	ssyncset.done $0x0  }
0x15: {  	[sflag:s11] =	ssyncadd.s32 $0xFFFFFEC0  }
0x16: {  	[tilespmem:s13], [sflag:$0x1] =	stream.linear.gather [hbm4b:s6+s2], $0x140, $0x38;
	[tilespmem:$0x790] =	vst v63  }
0x17: {  	_ =	swait.ge [sflag:s11], $0x140  }
0x18: {  	[sflag:s11] =	ssyncset.done $0x0  }
0x19: {  	[sflag:s11] =	ssyncadd.s32 $0xFFFFFEC0  }
0x1a: {  	[tilespmem:s14], [sflag:$0x1] =	stream.linear.gather [hbm4b:s7+s2], $0x140, $0x38;
	[tilespmem:$0x790] =	vst v63  }
0x1b: {  	_ =	swait.ge [sflag:s11], $0x140  }
0x1c: {  	[sflag:s11] =	ssyncset.done $0x0  }
0x1d: {  	[sflag:s11] =	ssyncadd.s32 $0xFFFFFEC0  }
0x1e: {  	[tilespmem:s15], [sflag:$0x1] =	stream.linear.gather [hbm4b:s8+s2], $0x140, $0x38;
	[tilespmem:$0x790] =	vst v63  }
0x1f: {  	_ =	swait.ge [sflag:s11], $0x140  }
0x20: {  	[sflag:s11] =	ssyncset.done $0x0  }
0x21: {  	[sflag:s11] =	ssyncadd.s32 $0xFFFFFEC0  }
0x22: {  	[tilespmem:s16], [sflag:$0x1] =	stream.linear.gather [hbm4b:s3+s2], $0x10, $0x38;
	[tilespmem:$0x790] =	vst v63  }
0x23: {  	_ =	swait.ge [sflag:s11], $0x10  }
0x24: {  	[sflag:s11] =	ssyncset.done $0x0  }
0x25: {  	s24 =	simm.s32 $0x0;
	[sflag:s11] =	ssyncadd.s32 $0xFFFFFFF0  }
0x26: {  	v0 =	vld [tilespmem:s24+$0x280]  }
0x27: {  	v1 =	vld [tilespmem:s24+$0x3C0];
	_ =	sdelay $0x2  }
0x28: {  	s19 =	simm.s32 $0x10  }
0x29: {  	v2 =	vld [tilespmem:s19+$0x280]  }
0x2a: {  	v0 =	vadd.f32 v1, v0;
	v1 =	vld [tilespmem:s19+$0x3C0];
	_ =	sdelay $0x2  }
0x2b: {  	v3 =	vld [tilespmem:s24+$0x0];
	v0 =	vmax.f32 v0, $1.000000000e+00  }
0x2c: {  	s20 =	simm.s32 $0x20;
	v4 =	vld [tilespmem:s24+$0x140];
	(erf) = vrcp.f32 v0  }
0x2d: {  	v5 =	vld [tilespmem:s20+$0x280];
	v1 =	vadd.f32 v1, v2  }
0x2e: {  	v6 =	vld [tilespmem:s19+$0x0]  }
0x2f: {  	v2 =	vld [tilespmem:s20+$0x3C0];
	v1 =	vmax.f32 v1, $1.000000000e+00  }
0x30: {  	s21 =	simm.s32 $0x30;
	v7 =	vld [tilespmem:s19+$0x140];
	(erf) = vrcp.f32 v1  }
0x31: {  	v8 =	vld [tilespmem:s21+$0x3C0]  }
0x32: {  	v3 =	vadd.f32 v4, v3;
	v4 =	vld [tilespmem:s21+$0x280]  }
0x33: {  	v0 =	vld [tilespmem:$0x640]  }
0x34: {  	v2 =	vadd.f32 v2, v5  }
0x35: {  	v1 =	vld [tilespmem:s24+$0x500];
	v5 =	vpop (erf)  }
0x36: {  	v2 =	vmax.f32 v2, $1.000000000e+00;
	v3 =	vmul.f32 v5, v3  }
0x37: {  	s22 =	simm.s32 $0x40;
	v9 =	vld [tilespmem:s20+$0x140];
	v6 =	vadd.f32 v7, v6;
	(erf) = vrcp.f32 v2  }
0x38: {  	v4 =	vadd.f32 v8, v4;
	v8 =	vld [tilespmem:s22+$0x3C0];
	v3 =	vadd.f32 v3, v0  }
0x39: {  	v2 =	vld [tilespmem:s19+$0x500];
	v7 =	vpop (erf)  }
0x3a: {  	v5 =	vld [tilespmem:s20+$0x0];
	v1 =	vadd.f32 v3, v1;
	v6 =	vmul.f32 v7, v6  }
0x3b: {  	v3 =	vld [tilespmem:s22+$0x280]  }
0x3c: {  	v1 =	vsub.f32 $0.0e+00, v1;
	v6 =	vadd.f32 v6, v0;
	_ =	sdelay $0x1  }
0x3d: {  	v10 =	vld [tilespmem:s21+$0x140];
	v4 =	vmax.f32 v4, $1.000000000e+00;
	v1 =	vmul.f32 $1.442695020e+00, v1  }
0x3e: {  	(erf) = vrcp.f32 v4;
	v4 =	vld [tilespmem:s20+$0x500];
	v5 =	vadd.f32 v9, v5  }
0x3f: {  	s23 =	simm.s32 $0x50;
	v7 =	vld [tilespmem:s21+$0x0];
	v2 =	vadd.f32 v6, v2;
	v3 =	vadd.f32 v8, v3;
	(erf) = vpow2.f32 v1;
	v6 =	vpop (erf)  }
0x40: {  	v8 =	vld [tilespmem:s23+$0x3C0];
	v5 =	vmul.f32 v6, v5  }
0x41: {  	v1 =	vld [tilespmem:s23+$0x280];
	v3 =	vmax.f32 v3, $1.000000000e+00  }
0x42: {  	(erf) = vrcp.f32 v3;
	v3 =	vadd.f32 v5, v0  }
0x43: {  	v2 =	vsub.f32 $0.0e+00, v2  }
0x44: {  	s25 =	simm.s32 $0x60;
	v9 =	vld [tilespmem:s22+$0x140];
	v3 =	vadd.f32 v3, v4  }
0x45: {  	v7 =	vadd.f32 v10, v7;
	v10 =	vld [tilespmem:s25+$0x3C0];
	v2 =	vmul.f32 $1.442695020e+00, v2  }
0x46: {  	v6 =	vld [tilespmem:s21+$0x500];
	v1 =	vadd.f32 v8, v1;
	v3 =	vsub.f32 $0.0e+00, v3  }
0x47: {  	(erf) = vpow2.f32 v2;
	v2 =	vld [tilespmem:s25+$0x280];
	v4 =	vpop (erf)  }
0x48: {  	v5 =	vld [tilespmem:s22+$0x0];
	v7 =	vmul.f32 v4, v7;
	v1 =	vmax.f32 v1, $1.000000000e+00;
	v8 =	vpop (erf);
	v3 =	vmul.f32 $1.442695020e+00, v3  }
0x49: {  	(erf) = vrcp.f32 v1;
	v8 =	vadd.f32 $1.000000000e+00, v8  }
0x4a: {  	v11 =	vadd.f32 v7, v0;
	(erf) = vpow2.f32 v3  }
0x4b: {  	v4 =	vld [tilespmem:s22+$0x500];
	(erf) = vrcp.f32 v8  }
0x4c: {  	v1 =	vld [tilespmem:s23+$0x140];
	v2 =	vadd.f32 v10, v2;
	v11 =	vadd.f32 v11, v6  }
0x4d: {  	s26 =	simm.s32 $0x70;
	v7 =	vld [tilespmem:s23+$0x0];
	v9 =	vadd.f32 v9, v5  }
0x4e: {  	v5 =	vld [tilespmem:s26+$0x280];
	v2 =	vmax.f32 v2, $1.000000000e+00;
	v3 =	vpop (erf)  }
0x4f: {  	v6 =	vld [tilespmem:s26+$0x3C0];
	(erf) = vrcp.f32 v2;
	v3 =	vmul.f32 v3, v9;
	v9 =	vsub.f32 $0.0e+00, v11  }
0x50: {  	v2 =	vld [tilespmem:s23+$0x500];
	v11 =	vpop (erf)  }
0x51: {  	s28 =	simm.s32 $0x200;
	v8 =	vadd.f32 v3, v0;
	v10 =	vmul.f32 $1.442695020e+00, v9;
	v3 =	vld [tilespmem:s25+$0x0];
	v9 =	vadd.f32 $1.000000000e+00, v11  }
.LBB2_2:
0x52: {  	s29 =	sshra.s32 s28, $0x2  }
0x53: {  	v7 =	vadd.f32 v1, v7;
	v1 =	vld [tilespmem:s25+$0x140];
	v12 =	vadd.f32 v8, v4;
	(erf) = vpow2.f32 v10;
	s30 =	smov.u32 s21;
	s21 =	smov.u32 s22;
	p0 =	sne.s32 s28, $0x4C0  }
.Ltmp0:
0x54: {  	s22 =	smov.u32 s23;
	s23 =	smov.u32 s25;
	v8 =	vadd.f32 v6, v5;
	v5 =	vld [tilespmem:s29+$0x280];
	v10 =	vpop (erf);
	(erf) = vrcp.f32 v9;
	(pc) =	sbr.rel @p0 .LBB2_2-.Ltmp0, $4  }
0x55: {  	s28 =	sadd.s32 $0x40, s28;
	s25 =	smov.u32 s26;
	v6 =	vld [tilespmem:s29+$0x3C0];
	v13 =	vmul.f32 v10, v7;
	v9 =	vsub.f32 $0.0e+00, v12  }
0x56: {  	s26 =	smov.u32 s29;
	v8 =	vmax.f32 v8, $1.000000000e+00;
	v11 =	vpop (erf);
	v4 =	vmov v2  }
0x57: {  	(erf) = vrcp.f32 v8;
	v2 =	vld [tilespmem:s23+$0x500];
	v8 =	vadd.f32 v13, v0;
	v10 =	vmul.f32 $1.442695020e+00, v9;
	v7 =	vpop (erf)  }
0x58: {  	v9 =	vadd.f32 $1.000000000e+00, v11;
	[tilespmem:s24+$0x650] =	vst v7;
	v7 =	vmov v3;
	v3 =	vld [tilespmem:s25+$0x0];
	s24 =	smov.u32 s19;
	s19 =	smov.u32 s20;
	s20 =	smov.u32 s30  }
0x59: {  	_ = 	snop  }
0x5a: {  	v5 =	vadd.f32 v6, v5  }
0x5b: {  	(erf) = vpow2.f32 v10  }
0x5c: {  	v42 =	vpop (erf);
	(erf) = vrcp.f32 v9;
	v5 =	vmax.f32 v5, $1.000000000e+00  }
0x5d: {  	v41 =	vld [tilespmem:s25+$0x140];
	v43 =	vpop (erf);
	(erf) = vrcp.f32 v5  }
0x5e: {  	v44 =	vld [tilespmem:s25+$0x500];
	v4 =	vadd.f32 v8, v4;
	v45 =	vpop (erf)  }
0x5f: {  	v11 =	vld [tilespmem:s26+$0x0];
	[tilespmem:s24+$0x650] =	vst v45  }
0x60: {  	v1 =	vadd.f32 v1, v7;
	v4 =	vsub.f32 $0.0e+00, v4;
	v46 =	vld [tilespmem:s26+$0x140];
	_ =	sdelay $0x1  }
0x61: {  	v1 =	vmul.f32 v42, v1;
	v4 =	vmul.f32 $1.442695020e+00, v4  }
0x62: {  	v3 =	vadd.f32 v41, v3;
	v47 =	vpop (erf)  }
0x63: {  	v1 =	vadd.f32 v1, v0;
	(erf) = vpow2.f32 v4;
	v48 =	vpop (erf)  }
0x64: {  	v3 =	vmul.f32 v47, v3;
	v49 =	vpop (erf);
	v7 =	vadd.f32 v46, v11  }
0x65: {  	v1 =	vadd.f32 v1, v2;
	v50 =	vld [tilespmem:s26+$0x500];
	v51 =	vpop (erf)  }
0x66: {  	v3 =	vadd.f32 v3, v0;
	v7 =	vmul.f32 v51, v7  }
0x67: {  	v1 =	vsub.f32 $0.0e+00, v1  }
0x68: {  	v3 =	vadd.f32 v3, v44;
	v52 =	vadd.f32 v7, v0  }
0x69: {  	v53 =	vadd.f32 $1.000000000e+00, v43  }
0x6a: {  	v1 =	vmul.f32 $1.442695020e+00, v1;
	v3 =	vsub.f32 $0.0e+00, v3;
	v0 =	vadd.f32 v52, v50  }
0x6b: {  	(erf) = vrcp.f32 v53;
	v54 =	vadd.f32 $1.000000000e+00, v48  }
0x6c: {  	(erf) = vpow2.f32 v1;
	v55 =	vpop (erf);
	v3 =	vmul.f32 $1.442695020e+00, v3;
	v0 =	vsub.f32 $0.0e+00, v0  }
0x6d: {  	(erf) = vrcp.f32 v54;
	v1 =	vadd.f32 $1.000000000e+00, v55  }
0x6e: {  	(erf) = vpow2.f32 v3;
	v0 =	vmul.f32 $1.442695020e+00, v0  }
0x6f: {  	(erf) = vrcp.f32 v1  }
0x70: {  	(erf) = vpow2.f32 v0;
	_ =	sdelay $0x3  }
0x71: {  	v56 =	vpop (erf)  }
0x72: {  	v57 =	vpop (erf)  }
0x73: {  	v2 =	vpop (erf)  }
0x74: {  	v3 =	vpop (erf)  }
0x75: {  	v1 =	vadd.f32 $1.000000000e+00, v57;
	v58 =	vpop (erf)  }
0x76: {  	v3 =	vadd.f32 $1.000000000e+00, v3;
	v59 =	vpop (erf)  }
0x77: {  	(erf) = vrcp.f32 v1;
	v60 =	vadd.f32 $1.000000000e+00, v59  }
0x78: {  	(erf) = vrcp.f32 v3  }
0x79: {  	(erf) = vrcp.f32 v60;
	_ =	sdelay $0x3  }
0x7a: {  	[tilespmem:s19+$0x650] =	vst v49  }
0x7b: {  	[tilespmem:s20+$0x650] =	vst v56  }
0x7c: {  	[tilespmem:s21+$0x650] =	vst v2  }
0x7d: {  	[tilespmem:s22+$0x650] =	vst v58;
	v61 =	vpop (erf)  }
0x7e: {  	s18 =	sadd.s32 $0x1, s18;
	[tilespmem:s23+$0x650] =	vst v61;
	v62 =	vpop (erf)  }
0x7f: {  	p0 =	sne.s32 s18, s10;
	[tilespmem:s25+$0x650] =	vst v62;
	v63 =	vpop (erf)  }
.Ltmp1:
0x80: {  	[tilespmem:s26+$0x650] =	vst v63;
	(pc) =	sbr.rel @p0 .LBB2_1-.Ltmp1, $4  }
0x81: {  	[hbm4b:s9+s2] =	stream.linear.scatter [tilespmem:s17], [sflag:$0x1], $0x140, $0x38;
	[tilespmem:$0x790] =	vst v63  }
0x82: {  	_ =	swait.ge [sflag:s11], $0x140  }
0x83: {  	[sflag:s11] =	ssyncset.done $0x0  }
0x84: {  	[sflag:s11] =	ssyncadd.s32 $0xFFFFFEC0  }
0x85: {  	_ =	sfence.sel $0x180000  }
0x86: {  	[bflag:$0x0] =	sbarrier.arrive $0xFFFF  }
0x87: {  	p0 =	sne.s32 s0, $0x0;
	_ =	strace $0x9000004D  }
0x88: {  	s0 =	sadd.s32 @!p0 $0x100000, s1;
	[bflag:$0x2] =	sbarrier.arrive $0xFFFF  }
0x89: {  	[sflag:s0] =	ssyncadd.tile.s32 @!p0 $0x1;
	_ =	shalt  }
.Lfunc_end2:
_tile_overlayer_lowered:
.L_overlay_start_2:
0x8a: {  	(tag) =	ssettag $0x2  }
0x8b: {  	s0 =	rddreg [dreg:$0x0];
	s2 =	stileid.u32  }
0x8c: {  	s1 =	rddreg [dreg:$0x1];
	p0 =	sne.s32 s2, $0x0  }
0x8d: {  	s3 =	rddreg [dreg:$0x2];
	[bflag:$0x3] =	sbarrier.arrive $0xFFFF;
	s2 =	simm.s32 @!p0 $0x1C01  }
0x8e: {  	[timem:s3], [sflag:s2] =	dma.local @!p0 [hbm:s0], s1  }
0x8f: {  	s0 =	simm.s32 @!p0 $0x1  }
0x90: {  	_ =	swait.ge @!p0 [sflag:s0], s1  }
0x91: {  	s1 =	ssub.s32 @!p0 $0x0, s1;
	[sflag:s0] =	ssyncset.done @!p0 $0x0  }
0x92: {  	[sflag:s0] =	ssyncadd.s32 @!p0 s1  }
0x93: {  	[bflag:$0x3] =	sbarrier.arrive $0xFFFF  }
0x94: {  	_ =	shalt  }

// kernel: kernel.6.cloned.1.call-start
scs
__scs_entry_jumppad:
0x0: {  	(pc) =	sbr.rel $0x88, $3  }
0x1: {  	(tag) =	ssettag $0x0;
	lr =	simm.s32 $0x1  }
0x2: {  	[smem:$0x3F99] =	sst lr;
	_ =	strace $0xD0000000  }
0x3: {  	_ = 	snop  }
0x4: {  	_ = 	snop  }
0x5: {  	_ = 	snop  }
0x6: {  	_ = 	snop  }
0x7: {  	_ = 	snop  }
__scs_overlays_trampoline_lowered:
0x8: {  	[smem:$0x3FA8] =	sst s0  }
0x9: {  	[smem:$0x3FA9] =	sst s1  }
0xa: {  	[smem:$0x3FAA] =	sst s2  }
0xb: {  	[smem:$0x3FAB] =	sst s3  }
0xc: {  	[smem:$0x3FAC] =	sst s4  }
0xd: {  	[smem:$0x3FAD] =	sst s5  }
0xe: {  	[smem:$0x3FAE] =	sst s6  }
0xf: {  	[smem:$0x3FAF] =	sst s7  }
0x10: {  	[smem:$0x3FB0] =	sst s8  }
0x11: {  	[smem:$0x3FB1] =	sst s9;
	s0 =	simm.s32 @!p0 $0x0  }
0x12: {  	s1 =	sld [smem:$0x3F97];
	s0 =	simm.s32 @p0 $0x1  }
0x13: {  	[smem:$0x3FB2] =	sst s0;
	s0 =	simm.s32 @!p1 $0x0  }
0x14: {  	s2 =	sld [smem:$0x3F96];
	s0 =	simm.s32 @p1 $0x1  }
0x15: {  	[smem:$0x3FB3] =	sst s0;
	s0 =	simm.s32 @!p2 $0x0  }
0x16: {  	s3 =	sld [smem:$0x3FDB];
	s0 =	simm.s32 @p2 $0x1  }
0x17: {  	s4 =	simm.s32 $0x1BF5;
	[smem:$0x3FB5] =	sst s0  }
0x18: {  	s0 =	sld [smem:$0x3F98];
	_ =	swait.ge [sflag:s4], $0x0  }
0x19: {  	s7 =	sld [smem:$0x3F99]  }
0x1a: {  	s8 =	sadd.s32 $0xFFFFE003, lr  }
0x1b: {  	s9 =	sadd.s32 $0xFFFFFEF7, lr;
	s5 =	simm.s32 $0xFFFFFFFF;
	p2 =	slt.u32 s8, $0xFFFFF086  }
0x1c: {  	p1 =	slt.u32 s9, $0xF7A;
	s5 =	simm.s32 @!p2 $0x0  }
0x1d: {  	s5 =	simm.s32 @p1 $0x1;
	p0 =	seq.s32 s7, s2  }
0x1e: {  	s7 =	smul.u32 @!p0 $0xF7A, s2;
	p2 =	seq.s32 @!p0 s5, $0x0  }
0x1f: {  	s9 =	smul.u32 $0xF7A, s1;
	s8 =	simm.s32 @!p0 $0x1BF5;
	p2 =	por !p2, p0  }
0x20: {  	[sflag:s8] =	ssyncset.s32 @!p0 $0xFFFFF086;
	s6 =	sadd.s32 @!p0 s3, s7;
	s7 =	simm.s32 @!p0 $0x108  }
0x21: {  	s3 =	sadd.s32 s3, s9;
	s6 =	sadd.s32 @!p0 $0x88, s6;
	s7 =	simm.s32 @p2 $0x1082  }
0x22: {  	[simem:s7], [sflag:s8] =	dma.local @!p0 [hbm:s6], $0xF7A  }
0x23: {  	s9 =	sor.u32 $0xD0000000, s2;
	s6 =	simm.s32 $0x108;
	_ =	swait.ge @!p0 [sflag:s8], $0x0  }
0x24: {  	s3 =	sadd.s32 $0x88, s3;
	s6 =	simm.s32 @!p1 $0x1082;
	[sflag:s4] =	ssyncset.s32 $0xFFFFF086  }
0x25: {  	[simem:s6], [sflag:s4] =	dma.local [hbm:s3], $0xF7A  }
0x26: {  	[smem:$0x3F99] =	sst s1;
	(tag) =	ssettag s2;
	_ =	strace s9  }
0x27: {  	s1 =	sld [smem:$0x3FA9]  }
0x28: {  	s2 =	sld [smem:$0x3FAA]  }
0x29: {  	s4 =	sld [smem:$0x3FAC]  }
0x2a: {  	p0 =	seq.s32 s5, $0x0;
	s5 =	sld [smem:$0x3FAD]  }
0x2b: {  	s6 =	sld [smem:$0x3FAE]  }
0x2c: {  	s7 =	sld [smem:$0x3FAF]  }
0x2d: {  	s3 =	simm.s32 $0x108;
	s8 =	sld [smem:$0x3FB0]  }
0x2e: {  	s3 =	simm.s32 @!p0 $0x1082;
	s9 =	sld [smem:$0x3FB1]  }
0x2f: {  	lr =	sadd.s32 s0, s3;
	s0 =	sld [smem:$0x3FA8]  }
0x30: {  	s3 =	sld [smem:$0x3FAB]  }
0x31: {  	[smem:$0x3FB4] =	sst s10  }
0x32: {  	s10 =	sld [smem:$0x3FB2];
	_ =	sdelay $0x3  }
0x33: {  	p0 =	seq.s32 s10, $0x1;
	s10 =	sld [smem:$0x3FB4];
	_ =	sdelay $0x3  }
0x34: {  	[smem:$0x3FB4] =	sst s10  }
0x35: {  	s10 =	sld [smem:$0x3FB3];
	_ =	sdelay $0x3  }
0x36: {  	p1 =	seq.s32 s10, $0x1;
	s10 =	sld [smem:$0x3FB4];
	_ =	sdelay $0x3  }
0x37: {  	[smem:$0x3FB4] =	sst s10  }
0x38: {  	s10 =	sld [smem:$0x3FB5]  }
0x39: {  	_ = 	snop;
	(pc) =	sbr.ind lr, $3  }
0x3a: {  	_ = 	snop  }
0x3b: {  	_ = 	snop  }
0x3c: {  	p2 =	seq.s32 s10, $0x1;
	s10 =	sld [smem:$0x3FB4]  }
0x3d: {  	_ =	shalt  }
0x3e: {  	_ =	shalt  }
0x3f: {  	_ =	shalt  }
0x40: {  	_ =	shalt  }
0x41: {  	_ =	shalt  }
0x42: {  	_ =	shalt  }
0x43: {  	_ =	shalt  }
0x44: {  	_ =	shalt  }
0x45: {  	_ =	shalt  }
0x46: {  	_ =	shalt  }
0x47: {  	_ =	shalt  }
0x48: {  	_ =	shalt  }
0x49: {  	_ =	shalt  }
0x4a: {  	_ =	shalt  }
0x4b: {  	_ =	shalt  }
0x4c: {  	_ =	shalt  }
0x4d: {  	_ =	shalt  }
0x4e: {  	_ =	shalt  }
0x4f: {  	_ =	shalt  }
0x50: {  	_ =	shalt  }
0x51: {  	_ =	shalt  }
0x52: {  	_ =	shalt  }
0x53: {  	_ =	shalt  }
0x54: {  	_ =	shalt  }
0x55: {  	_ =	shalt  }
0x56: {  	_ =	shalt  }
0x57: {  	_ =	shalt  }
0x58: {  	_ =	shalt  }
0x59: {  	_ =	shalt  }
0x5a: {  	_ =	shalt  }
0x5b: {  	_ =	shalt  }
0x5c: {  	_ =	shalt  }
0x5d: {  	_ =	shalt  }
0x5e: {  	_ =	shalt  }
0x5f: {  	_ =	shalt  }
0x60: {  	_ =	shalt  }
0x61: {  	_ =	shalt  }
0x62: {  	_ =	shalt  }
0x63: {  	_ =	shalt  }
0x64: {  	_ =	shalt  }
0x65: {  	_ =	shalt  }
0x66: {  	_ =	shalt  }
0x67: {  	_ =	shalt  }
0x68: {  	_ =	shalt  }
0x69: {  	_ =	shalt  }
0x6a: {  	_ =	shalt  }
0x6b: {  	_ =	shalt  }
0x6c: {  	_ =	shalt  }
0x6d: {  	_ =	shalt  }
0x6e: {  	_ =	shalt  }
0x6f: {  	_ =	shalt  }
0x70: {  	_ =	shalt  }
0x71: {  	_ =	shalt  }
0x72: {  	_ =	shalt  }
0x73: {  	_ =	shalt  }
0x74: {  	_ =	shalt  }
0x75: {  	_ =	shalt  }
0x76: {  	_ =	shalt  }
0x77: {  	_ =	shalt  }
0x78: {  	_ =	shalt  }
0x79: {  	_ =	shalt  }
0x7a: {  	_ =	shalt  }
0x7b: {  	_ =	shalt  }
0x7c: {  	_ =	shalt  }
0x7d: {  	_ =	shalt  }
0x7e: {  	_ =	shalt  }
0x7f: {  	_ =	shalt  }
0x80: {  	_ =	shalt  }
0x81: {  	_ =	shalt  }
0x82: {  	_ =	shalt  }
0x83: {  	_ =	shalt  }
0x84: {  	_ =	shalt  }
0x85: {  	_ =	shalt  }
0x86: {  	_ =	shalt  }
0x87: {  	_ =	shalt  }
.Lfunc_end0:
.L_simem_size_0:
called_computation_lowered:
.L_overlay_start_0:
0x88: {  	s2 =	sld [smem:$0x3FD9]  }
0x89: {  	s3 =	sld [smem:$0x3FFE];
	_ =	sdelay $0x1  }
0x8a: {  	s1 =	srdreg.scid  }
0x8b: {  	s0 =	sand.u32 $0x1, s1  }
0x8c: {  	s16 =	sshll.u32 s0, $0xA;
	s2 =	sadd.s32 s3, s2  }
0x8d: {  	s2 =	sadd.s32 s2, s16  }
0x8e: {  	[smem:$0x3FC0] =	sst s2  }
0x8f: {  	_ = 	snop  }
0x90: {  	(tm) =	ssettm $0x1  }
0x91: {  	s17 =	sld [smem:$0x3FFB];
	_ =	sdelay $0x3  }
0x92: {  	_ =	strace s17  }
0x93: {  	s2 =	sld [smem:$0x3FFC];
	_ =	sdelay $0x3  }
0x94: {  	_ =	strace s2  }
0x95: {  	s2 =	sld [smem:$0x3FFD];
	_ =	sdelay $0x3  }
0x96: {  	_ =	strace s2  }
0x97: {  	_ =	strace $0x8FFFFFFF  }
0x98: {  	s18 =	sld [smem:$0x3FDB];
	_ =	sdelay $0x1  }
0x99: {  	s19 =	simm.s32 $_scs_section_size  }
0x9a: {  	s4 =	simm.s32 $_size__tile_overlayer_lowered;
	s5 =	simm.s32 $_tile_overlayer_lowered  }
0x9b: {  	s22 =	simm.s32 $0x1BFF;
	s21 =	sshll.u32 s5, $0x1;
	s2 =	sadd.s32 s19, s18  }
0x9c: {  	s6 =	simm.s32 $0x0;
	s20 =	sshll.u32 s4, $0x1;
	s4 =	sadd.s32 s21, s2  }
0x9d: {  	[timem:s6], [sflag:s22] =	dma.local [hbm:s4], s20  }
0x9e: {  	_ =	swait.ge [sflag:s22], s20  }
0x9f: {  	s3 =	ssub.s32 $0x0, s20;
	[sflag:s22] =	ssyncset.done $0x0  }
0xa0: {  	[sflag:s22] =	ssyncadd.s32 s3;
	_ =	sdelay $0x1  }
0xa1: {  	s23 =	simm.s32 $0x1B8B  }
0xa2: {  	_ =	swait.ge [sflag:s23], $0x1  }
0xa3: {  	[sflag:s23] =	ssyncset.done $0x0  }
0xa4: {  	s25 =	simm.s32 $0x1B8E;
	s24 =	sld [smem:$0x3FFE];
	[sflag:s23] =	ssyncadd.s32 $0xFFFFFFFF  }
0xa5: {  	s26 =	simm.s32 $execute0_lowered;
	[smem:$0x3FD2] =	sst s25  }
0xa6: {  	s4 =	sshll.u32 s26, $0x1;
	_ =	strace $0x80000046;
	[dreg:$0x1] =	wrdreg $0xFFFFFFFF  }
0xa7: {  	s28 =	simm.s32 $_size_execute0_lowered;
	s2 =	sadd.s32 s2, s4;
	[dreg:$0x0] =	wrdreg $0x0  }
0xa8: {  	s4 =	sshll.u32 s28, $0x1;
	[dreg:$0x2] =	wrdreg s2  }
0xa9: {  	[dreg:$0x3] =	wrdreg s4  }
0xaa: {  	[dreg:$0x4] =	wrdreg $0xC0  }
0xab: {  	_ =	task [dreg:s6], $0x5FFFF  }
0xac: {  	[dreg:$0x1] =	wrdreg $0xFFFFFFFF  }
0xad: {  	[dreg:$0x0] =	wrdreg $0x60  }
0xae: {  	[dreg:$0x2] =	wrdreg s24  }
0xaf: {  	[dreg:$0x3] =	wrdreg $0x0  }
0xb0: {  	[dreg:$0x4] =	wrdreg $0x50000  }
0xb1: {  	[dreg:$0x5] =	wrdreg $0x9  }
0xb2: {  	_ =	task.clear_ibuf [dreg:s6], $0x6FFFF;
	_ =	strace $0x90000046  }
0xb3: {  	s29 =	simm.s32 $0x9;
	_ =	strace $0x80000048  }
0xb4: {  	_ =	swait.ge [sflag:s29], $0x1  }
0xb5: {  	[sflag:s29] =	ssyncadd.s32 $0xFFFFFFFF  }
0xb6: {  	_ =	strace $0x90000048  }
0xb7: {  	_ =	sfence  }
0xb8: {  	s30 =	sld [smem:$0x0];
	_ =	sdelay $0x2  }
0xb9: {  	s31 =	sshll.u32 s1, $0xD;
	s1 =	sshrl.u32 s1, $0x2  }
0xba: {  	s3 =	sand.u32 $0x4000, s31;
	s1 =	sadd.s32 s1, s30  }
0xbb: {  	s0 =	sor.u32 s3, s0;
	s1 =	sshll.u32 s1, $0x11  }
0xbc: {  	s0 =	sor.u32 s1, s0  }
0xbd: {  	s0 =	sadd.s32 $0x8F2B, s0  }
0xbe: {  	[sflag:s0] =	ssyncadd.remote.s32 $0x1  }
0xbf: {  	_ =	sfence.sel $0xFFFF  }
0xc0: {  	[dreg:$0x0] =	wrdreg $0xFFFFFFFF;
	(pc) =	sbr.abs _section_cstart, $3  }
0xc1: {  	[dreg:$0x1] =	wrdreg $0xFFFFFFFF  }
0xc2: {  	_ =	task.clear_ibuf [dreg:s6], $0x2FFFF;
	_ =	strace $0x9FFFFFFF  }
0xc3: {  	(tm) =	ssettm $0x7FFFFFFF  }
tec
execute0_lowered:
.L_overlay_start_1:
0x0: {  	(tag) =	ssettag $0x1  }
0x1: {  	s0 =	rddreg [dreg:$0x0]  }
0x2: {  	s2 =	rddreg [dreg:$0x1]  }
0x3: {  	s3 =	rddreg [dreg:$0x2]  }
0x4: {  	s1 =	srdreg.scid;
	s11 =	stileid.u32;
	s4 =	simm.s32 $0x0  }
0x5: {  	s29 =	simm.s32 $0x9;
	s28 =	simm.s32 $0xA;
	s30 =	simm.s32 $0xC  }
0x6: {  	s1 =	sand.u32 $0x1, s1;
	s6 =	smul.u32 $0x5000, s11;
	[smem:$0x7FF] =	sst s4  }
0x7: {  	s8 =	smul.u32 $0x280, s11;
	s5 =	sadd.s32 $0x1E00, s0;
	s10 =	sadd.s32 $0xBE00, s0  }
0x8: {  	s11 =	sshll.u32 s11, $0x1;
	s18 =	smul.u32 $0x50000, s1;
	_ =	strace $0x80000047  }
0x9: {  	[dreg:$0x1e] =	wrdreg s5;
	s9 =	smul.u32 $0x2800, s1;
	s12 =	ssub.s32 $0x2, s1  }
0xa: {  	s1 =	sor.u32 s1, s11;
	s19 =	sshrl.u32 s12, $0x1;
	s25 =	sadd.s32 s6, s2  }
0xb: {  	s1 =	smul.u32 $0x2710, s1;
	s2 =	sadd.s32 s8, s3;
	[dreg:$0x1b] =	wrdreg s25  }
0xc: {  	s4 =	sadd.s32 s6, s18;
	s9 =	sadd.s32 s8, s9;
	[dreg:$0x1c] =	wrdreg s2  }
0xd: {  	s4 =	sshrl.u32 s4, $0x3;
	s9 =	sshrl.u32 s9, $0x3;
	s20 =	sshrl.u32 s1, $0x3  }
0xe: {  	s21 =	sadd.s32 $0x3E8, s1;
	s22 =	sadd.s32 $0x4E5E8, s1;
	s26 =	sadd.s32 $0xBB8, s1  }
0xf: {  	s3 =	sadd.s32 $0x4EDB8, s1;
	s11 =	sadd.s32 $0x4F588, s1;
	s4 =	sadd.s32 s4, s0  }
0x10: {  	s0 =	sadd.s32 s9, s0;
	s9 =	ssub.s32 s12, s19;
	s12 =	sadd.s32 s10, s20  }
0x11: {  	s6 =	sshrl.u32 s21, $0x3;
	s23 =	sadd.s32 $0x9C40, s12;
	[dreg:$0x4] =	wrdreg s12  }
0x12: {  	s8 =	sshrl.u32 s22, $0x3;
	s6 =	sadd.s32 s10, s6;
	[dreg:$0x5] =	wrdreg s23  }
0x13: {  	s13 =	sadd.s32 $0x1B58, s1;
	s24 =	sadd.s32 s10, s8;
	[dreg:$0x6] =	wrdreg s6  }
0x14: {  	s16 =	sadd.s32 $0x4FD58, s1;
	s31 =	sadd.s32 $0xFA, s12;
	[dreg:$0x7] =	wrdreg s24  }
0x15: {  	s17 =	sadd.s32 $0x2328, s1;
	s5 =	sadd.s32 $0x9D3A, s12;
	[dreg:$0x8] =	wrdreg s31  }
0x16: {  	s7 =	sshrl.u32 s3, $0x3;
	s19 =	sadd.s32 $0x1F4, s12;
	[dreg:$0x9] =	wrdreg s5  }
0x17: {  	s15 =	sshrl.u32 s13, $0x3;
	s20 =	sadd.s32 $0x1F800, s4;
	[dreg:$0x12] =	wrdreg s19  }
0x18: {  	s3 =	simm.s32 $0x0;
	s0 =	sadd.s32 $0x33800, s0;
	[dreg:$0x13] =	wrdreg s20  }
0x19: {  	s13 =	simm.s32 $0x1E8C0;
	s21 =	smax.u32 s9, $0x1;
	[dreg:$0x14] =	wrdreg s0  }
0x1a: {  	s8 =	sadd.s32 $0x1388, s1;
	s22 =	sadd.s32 $0x9E34, s12;
	[dreg:$0x15] =	wrdreg s21  }
0x1b: {  	s1 =	sadd.s32 $0x50528, s1;
	[dreg:$0x16] =	wrdreg s22;
	s23 =	sadd.s32 $0x2EE, s12  }
0x1c: {  	s6 =	sshrl.u32 s26, $0x3;
	s24 =	sadd.s32 $0x9F2E, s12;
	[dreg:$0x17] =	wrdreg s23  }
0x1d: {  	s1 =	sshrl.u32 s1, $0x3;
	s26 =	sadd.s32 $0x3E8, s12;
	[dreg:$0x18] =	wrdreg s24  }
0x1e: {  	s31 =	sadd.s32 $0xA028, s12;
	s0 =	simm.s32 $0x71C0;
	[dreg:$0x19] =	wrdreg s26  }
0x1f: {  	s5 =	simm.s32 $0x0;
	s6 =	sadd.s32 s10, s6;
	[dreg:$0x1a] =	wrdreg s31  }
0x20: {  	s21 =	simm.s32 $0x2;
	s1 =	sadd.s32 s10, s1;
	[dreg:$0xa] =	wrdreg s6  }
0x21: {  	s12 =	simm.s32 $0xB;
	s6 =	sadd.s32 s10, s7;
	[dreg:$0x11] =	wrdreg s1  }
0x22: {  	s26 =	simm.s32 $0x5;
	[dreg:$0xb] =	wrdreg s6;
	s6 =	sshrl.u32 s8, $0x3  }
0x23: {  	s1 =	simm.s32 $0x12;
	s8 =	sshrl.u32 s11, $0x3;
	s6 =	sadd.s32 s10, s6  }
0x24: {  	s14 =	sadd.s32 s10, s8;
	s8 =	sshrl.u32 s17, $0x3;
	[dreg:$0xc] =	wrdreg s6  }
0x25: {  	s17 =	simm.s32 $0xF;
	[dreg:$0xd] =	wrdreg s14;
	s6 =	sadd.s32 s10, s15  }
0x26: {  	s18 =	sadd.s32 s10, s8;
	s8 =	simm.s32 $0x1E8C0;
	s15 =	simm.s32 $0x3E8  }
0x27: {  	s14 =	simm.s32 $0x6220;
	[dreg:$0xe] =	wrdreg s6;
	s6 =	sshrl.u32 s16, $0x3  }
0x28: {  	[dreg:$0x10] =	wrdreg s18;
	s16 =	simm.s32 $0x6608;
	s6 =	sadd.s32 s10, s6  }
0x29: {  	v0 =	vimm.f32 $0.0e+00;
	v1 =	vimm.f32 $1.000000000e+00;
	s18 =	simm.s32 $0x1;
	s10 =	simm.s32 $0x4;
	[dreg:$0xf] =	wrdreg s6  }
.LBB2_1:
0x2a: {  	s31 =	smov.u32 s2;
	s19 =	simm.s32 $0x80;
	s23 =	simm.s32 $0x0  }
.LBB2_2:
0x2b: {  	p0 =	sne.s32 s19, $0x13F80;
	[tilespmem:s23+$0x71C0] =	vst v0;
	s24 =	smov.u32 s19;
	s19 =	sadd.s32 $0x80, s19  }
.Ltmp0:
0x2c: {  	[tilespmem:s23+$0x71D0] =	vst v0;
	(pc) =	sbr.rel @p0 .LBB2_2-.Ltmp0, $2  }
0x2d: {  	_ =	sdelay $0x2  }
0x2e: {  	s23 =	sshra.s32 s24, $0x2  }
0x2f: {  	[tilespmem:s23+$0x71C0] =	vst v0  }
0x30: {  	[dreg:$0x1d] =	wrdreg s3;
	[tilespmem:s23+$0x71D0] =	vst v0  }
0x31: {  	[spmem:s25] =	stream.linear.scatter [tilespmem:s0], [sflag:$0x12], $0x5000, $0x38;
	[tilespmem:$0x1ECB0] =	vst v63  }
0x32: {  	_ =	swait.ge [sflag:s1], $0x5000  }
0x33: {  	[sflag:s1] =	ssyncset.done $0x0  }
0x34: {  	[sflag:s1] =	ssyncadd.s32 $0xFFFFB000  }
0x35: {  	[tilespmem:$0x1E8C0] =	vst v0  }
0x36: {  	[tilespmem:$0x1E8D0] =	vst v0  }
0x37: {  	[tilespmem:$0x1E8E0] =	vst v0  }
0x38: {  	[tilespmem:$0x1E8F0] =	vst v0  }
0x39: {  	[tilespmem:$0x1E900] =	vst v0  }
0x3a: {  	[tilespmem:$0x1E910] =	vst v0  }
0x3b: {  	[tilespmem:$0x1E920] =	vst v0  }
0x3c: {  	[tilespmem:$0x1E930] =	vst v0  }
0x3d: {  	[tilespmem:$0x1E940] =	vst v0  }
0x3e: {  	[tilespmem:$0x1E950] =	vst v0  }
0x3f: {  	[tilespmem:$0x1E960] =	vst v0  }
0x40: {  	[tilespmem:$0x1E970] =	vst v0  }
0x41: {  	[tilespmem:$0x1E980] =	vst v0  }
0x42: {  	[tilespmem:$0x1E990] =	vst v0  }
0x43: {  	[tilespmem:$0x1E9A0] =	vst v0  }
0x44: {  	[tilespmem:$0x1E9B0] =	vst v0  }
0x45: {  	[tilespmem:$0x1E9C0] =	vst v0  }
0x46: {  	[tilespmem:$0x1E9D0] =	vst v0  }
0x47: {  	[tilespmem:$0x1E9E0] =	vst v0  }
0x48: {  	[tilespmem:$0x1E9F0] =	vst v0  }
0x49: {  	[tilespmem:$0x1EA00] =	vst v0  }
0x4a: {  	[tilespmem:$0x1EA10] =	vst v0  }
0x4b: {  	[tilespmem:$0x1EA20] =	vst v0  }
0x4c: {  	[tilespmem:$0x1EA30] =	vst v0  }
0x4d: {  	[tilespmem:$0x1EA40] =	vst v0  }
0x4e: {  	[tilespmem:$0x1EA50] =	vst v0  }
0x4f: {  	[tilespmem:$0x1EA60] =	vst v0  }
0x50: {  	[tilespmem:$0x1EA70] =	vst v0  }
0x51: {  	[tilespmem:$0x1EA80] =	vst v0  }
0x52: {  	[tilespmem:$0x1EA90] =	vst v0  }
0x53: {  	[tilespmem:$0x1EAA0] =	vst v0  }
0x54: {  	[tilespmem:$0x1EAB0] =	vst v0  }
0x55: {  	[tilespmem:$0x1EAC0] =	vst v0  }
0x56: {  	[tilespmem:$0x1EAD0] =	vst v0  }
0x57: {  	[tilespmem:$0x1EAE0] =	vst v0  }
0x58: {  	[tilespmem:$0x1EAF0] =	vst v0  }
0x59: {  	[tilespmem:$0x1EB00] =	vst v0  }
0x5a: {  	[tilespmem:$0x1EB10] =	vst v0  }
0x5b: {  	[tilespmem:$0x1EB20] =	vst v0  }
0x5c: {  	[tilespmem:$0x1EB30] =	vst v0  }
0x5d: {  	[spmem:s31] =	stream.linear.scatter [tilespmem:s8], [sflag:$0x12], $0x280, $0x38;
	[tilespmem:$0x1ECB0] =	vst v63  }
0x5e: {  	_ =	swait.ge [sflag:s1], $0x280  }
0x5f: {  	[sflag:s1] =	ssyncset.done $0x0  }
0x60: {  	s19 =	simm.s32 $0x40;
	s23 =	simm.s32 $0x0;
	[sflag:s1] =	ssyncadd.s32 $0xFFFFFD80  }
.LBB2_4:
0x61: {  	p0 =	sne.s32 s19, $0xF80;
	[tilespmem:s23+$0x1E8C0] =	vst v1;
	s23 =	smov.u32 s19;
	s19 =	sadd.s32 $0x40, s19  }
.Ltmp1:
0x62: {  	(pc) =	sbr.rel @p0 .LBB2_4-.Ltmp1, $2  }
0x63: {  	_ =	sdelay $0x2  }
0x64: {  	s23 =	sshra.s32 s23, $0x2  }
0x65: {  	[tilespmem:s23+$0x1E8C0] =	vst v1  }
0x66: {  	[bflag:$0x0] =	sbarrier.arrive $0xFFFF  }
0x67: {  	s2 =	simm.s32 $0x5280;
	s19 =	rddreg [dreg:$0x4]  }
0x68: {  	[tilespmem:s2], [sflag:$0x1] =	stream.linear.gather [hbm4b:s19+s5], $0x3E8, $0x38;
	[tilespmem:$0x1ECB0] =	vst v63  }
0x69: {  	s20 =	rddreg [dreg:$0x5]  }
0x6a: {  	[tilespmem:s14], [sflag:$0x5] =	stream.linear.gather [hbm4b:s20+s5], $0x3E8, $0x38;
	[tilespmem:$0x1ECB0] =	vst v63  }
0x6b: {  	s1 =	simm.s32 $0x5668;
	s22 =	rddreg [dreg:$0x6]  }
0x6c: {  	[tilespmem:s1], [sflag:$0x2] =	stream.linear.gather [hbm4b:s22+s5], $0x3E8, $0x38;
	[tilespmem:$0x1ECB0] =	vst v63  }
0x6d: {  	s23 =	rddreg [dreg:$0x7]  }
0x6e: {  	[tilespmem:s16], [sflag:$0x6] =	stream.linear.gather [hbm4b:s23+s5], $0x3E8, $0x38;
	[tilespmem:$0x1ECB0] =	vst v63  }
0x6f: {  	_ =	swait.ge [sflag:s18], $0x3E8  }
0x70: {  	[sflag:s18] =	ssyncset.done $0x0  }
0x71: {  	s1 =	rddreg [dreg:$0x1e];
	[sflag:s18] =	ssyncadd.s32 $0xFFFFFC18  }
0x72: {  	[tilespmem:s0], [sflag:$0x9] =	stream.indirect.gather [hbm4b:s1+s15], $0x20, s2, s15, $0xb8;
	[tilespmem:$0x1ECB0] =	vst v63  }
0x73: {  	s25 =	simm.s32 $0x5A50;
	s24 =	rddreg [dreg:$0x8]  }
0x74: {  	[tilespmem:s25], [sflag:$0x3] =	stream.linear.gather [hbm4b:s24+s5], $0x3E8, $0x38;
	[tilespmem:$0x1ECB0] =	vst v63  }
0x75: {  	s23 =	simm.s32 $0x69F0;
	s31 =	rddreg [dreg:$0x9]  }
0x76: {  	[tilespmem:s23], [sflag:$0x7] =	stream.linear.gather [hbm4b:s31+s5], $0x3E8, $0x38;
	[tilespmem:$0x1ECB0] =	vst v63  }
0x77: {  	_ =	swait.ge [sflag:s21], $0x3E8  }
0x78: {  	[sflag:s21] =	ssyncset.done $0x0  }
0x79: {  	s3 =	simm.s32 $0x5668;
	s31 =	simm.s32 $0xEEC0;
	[sflag:s21] =	ssyncadd.s32 $0xFFFFFC18  }
0x7a: {  	[tilespmem:s31], [sflag:$0xA] =	stream.indirect.gather [hbm4b:s1+s15], $0x20, s3, s15, $0xb8;
	[tilespmem:$0x1ECB0] =	vst v63  }
0x7b: {  	_ =	swait.ge [sflag:s29], $0x7D00  }
0x7c: {  	[sflag:s29] =	ssyncset.done $0x0  }
0x7d: {  	[sflag:s29] =	ssyncadd.s32 $0xFFFF8300  }
0x7e: {  	_ =	swait.ge [sflag:s26], $0x3E8  }
0x7f: {  	[sflag:s26] =	ssyncset.done $0x0  }
0x80: {  	[sflag:s26] =	ssyncadd.s32 $0xFFFFFC18  }
0x81: {  	s3 =	rddreg [dreg:$0x1]  }
0x82: {  	[spmem:s3] =	stream.indirect.scatter.add.f32 [tilespmem:s0], [sflag:$0xC], $0x20, s14, s15, $0xb8;
	[tilespmem:$0x1ECB0] =	vst v63  }
0x83: {  	s25 =	rddreg [dreg:$0x2]  }
0x84: {  	[spmem:s25] =	stream.indirect.scatter.add.f32 [tilespmem:s8], [sflag:$0xF], $0x1, s14, s15, $0xb8;
	[tilespmem:$0x1ECB0] =	vst v63  }
0x85: {  	s2 =	simm.s32 $0x5E38;
	s0 =	rddreg [dreg:$0xa]  }
0x86: {  	[tilespmem:s2], [sflag:$0x4] =	stream.linear.gather [hbm4b:s0+s5], $0x3E8, $0x38;
	[tilespmem:$0x1ECB0] =	vst v63  }
0x87: {  	s24 =	simm.s32 $0x6DD8;
	s4 =	rddreg [dreg:$0xb];
	s2 =	simm.s32 $0x3  }
0x88: {  	[tilespmem:s24], [sflag:$0x8] =	stream.linear.gather [hbm4b:s4+s5], $0x3E8, $0x38;
	[tilespmem:$0x1ECB0] =	vst v63  }
0x89: {  	_ =	swait.ge [sflag:s2], $0x3E8  }
0x8a: {  	[sflag:s2] =	ssyncset.done $0x0  }
0x8b: {  	s6 =	simm.s32 $0x5A50;
	s7 =	simm.s32 $0x16BC0;
	[sflag:s2] =	ssyncadd.s32 $0xFFFFFC18  }
0x8c: {  	[tilespmem:s7], [sflag:$0xB] =	stream.indirect.gather [hbm4b:s1+s15], $0x20, s6, s15, $0xb8;
	[tilespmem:$0x1ECB0] =	vst v63  }
0x8d: {  	_ =	swait.ge [sflag:s28], $0x7D00  }
0x8e: {  	[sflag:s28] =	ssyncset.done $0x0  }
0x8f: {  	s8 =	simm.s32 $0x6;
	[sflag:s28] =	ssyncadd.s32 $0xFFFF8300  }
0x90: {  	_ =	swait.ge [sflag:s8], $0x3E8  }
0x91: {  	[sflag:s8] =	ssyncset.done $0x0  }
0x92: {  	[sflag:s8] =	ssyncadd.s32 $0xFFFFFC18  }
0x93: {  	[spmem:s3] =	stream.indirect.scatter.add.f32 [tilespmem:s31], [sflag:$0xD], $0x20, s16, s15, $0xb8;
	[tilespmem:$0x1ECB0] =	vst v63  }
0x94: {  	_ = 	snop  }
0x95: {  	[spmem:s25] =	stream.indirect.scatter.add.f32 [tilespmem:s13], [sflag:$0x10], $0x1, s16, s15, $0xb8;
	[tilespmem:$0x1ECB0] =	vst v63  }
0x96: {  	_ =	swait.ge [sflag:s30], $0x7D00  }
0x97: {  	[sflag:s30] =	ssyncset.done $0x0  }
0x98: {  	[sflag:s30] =	ssyncadd.s32 $0xFFFF8300  }
0x99: {  	_ =	swait.ge [sflag:s17], $0x3E8  }
0x9a: {  	[sflag:s17] =	ssyncset.done $0x0  }
0x9b: {  	s22 =	simm.s32 $0x5280;
	s9 =	rddreg [dreg:$0x12];
	[sflag:s17] =	ssyncadd.s32 $0xFFFFFC18  }
0x9c: {  	[tilespmem:s22], [sflag:$0x1] =	stream.linear.gather [hbm4b:s9+s5], $0x3E8, $0x38;
	[tilespmem:$0x1ECB0] =	vst v63  }
0x9d: {  	s20 =	rddreg [dreg:$0x16]  }
0x9e: {  	[tilespmem:s14], [sflag:$0x5] =	stream.linear.gather [hbm4b:s20+s5], $0x3E8, $0x38;
	[tilespmem:$0x1ECB0] =	vst v63  }
0x9f: {  	_ =	swait.ge [sflag:s10], $0x3E8  }
0xa0: {  	[sflag:s10] =	ssyncset.done $0x0  }
0xa1: {  	s0 =	simm.s32 $0x5E38;
	s9 =	simm.s32 $0x71C0;
	[sflag:s10] =	ssyncadd.s32 $0xFFFFFC18  }
0xa2: {  	[tilespmem:s9], [sflag:$0x9] =	stream.indirect.gather [hbm4b:s1+s15], $0x20, s0, s15, $0xb8;
	[tilespmem:$0x1ECB0] =	vst v63  }
0xa3: {  	_ =	swait.ge [sflag:s12], $0x7D00  }
0xa4: {  	[sflag:s12] =	ssyncset.done $0x0  }
0xa5: {  	s9 =	simm.s32 $0x7;
	[sflag:s12] =	ssyncadd.s32 $0xFFFF8300  }
0xa6: {  	_ =	swait.ge [sflag:s9], $0x3E8  }
0xa7: {  	[sflag:s9] =	ssyncset.done $0x0  }
0xa8: {  	s7 =	simm.s32 $0x16BC0;
	[sflag:s9] =	ssyncadd.s32 $0xFFFFFC18  }
0xa9: {  	[spmem:s3] =	stream.indirect.scatter.add.f32 [tilespmem:s7], [sflag:$0xE], $0x20, s23, s15, $0xb8;
	[tilespmem:$0x1ECB0] =	vst v63  }
0xaa: {  	s20 =	simm.s32 $0xD  }
0xab: {  	[spmem:s25] =	stream.indirect.scatter.add.f32 [tilespmem:s13], [sflag:$0x11], $0x1, s23, s15, $0xb8;
	[tilespmem:$0x1ECB0] =	vst v63  }
0xac: {  	_ =	swait.ge [sflag:s20], $0x7D00  }
0xad: {  	[sflag:s20] =	ssyncset.done $0x0  }
0xae: {  	s0 =	simm.s32 $0x10;
	[sflag:s20] =	ssyncadd.s32 $0xFFFF8300  }
0xaf: {  	_ =	swait.ge [sflag:s0], $0x3E8  }
0xb0: {  	[sflag:s0] =	ssyncset.done $0x0  }
0xb1: {  	s11 =	simm.s32 $0x5668;
	s4 =	rddreg [dreg:$0xc];
	[sflag:s0] =	ssyncadd.s32 $0xFFFFFC18  }
0xb2: {  	[tilespmem:s11], [sflag:$0x2] =	stream.linear.gather [hbm4b:s4+s5], $0x3E8, $0x38;
	[tilespmem:$0x1ECB0] =	vst v63  }
0xb3: {  	s6 =	rddreg [dreg:$0xd]  }
0xb4: {  	[tilespmem:s16], [sflag:$0x6] =	stream.linear.gather [hbm4b:s6+s5], $0x3E8, $0x38;
	[tilespmem:$0x1ECB0] =	vst v63  }
0xb5: {  	_ =	swait.ge [sflag:s18], $0x3E8  }
0xb6: {  	[sflag:s18] =	ssyncset.done $0x0  }
0xb7: {  	[sflag:s18] =	ssyncadd.s32 $0xFFFFFC18  }
0xb8: {  	[tilespmem:s31], [sflag:$0xA] =	stream.indirect.gather [hbm4b:s1+s15], $0x20, s22, s15, $0xb8;
	[tilespmem:$0x1ECB0] =	vst v63  }
0xb9: {  	_ =	swait.ge [sflag:s29], $0x7D00  }
0xba: {  	[sflag:s29] =	ssyncset.done $0x0  }
0xbb: {  	s11 =	simm.s32 $0x8;
	[sflag:s29] =	ssyncadd.s32 $0xFFFF8300  }
0xbc: {  	_ =	swait.ge [sflag:s11], $0x3E8  }
0xbd: {  	[sflag:s11] =	ssyncset.done $0x0  }
0xbe: {  	s7 =	simm.s32 $0x71C0;
	[sflag:s11] =	ssyncadd.s32 $0xFFFFFC18  }
0xbf: {  	[spmem:s3] =	stream.indirect.scatter.add.f32 [tilespmem:s7], [sflag:$0xC], $0x20, s24, s15, $0xb8;
	[tilespmem:$0x1ECB0] =	vst v63  }
0xc0: {  	s22 =	simm.s32 $0xE  }
0xc1: {  	[spmem:s25] =	stream.indirect.scatter.add.f32 [tilespmem:s13], [sflag:$0xF], $0x1, s24, s15, $0xb8;
	[tilespmem:$0x1ECB0] =	vst v63  }
0xc2: {  	_ =	swait.ge [sflag:s22], $0x7D00  }
0xc3: {  	[sflag:s22] =	ssyncset.done $0x0  }
0xc4: {  	s6 =	simm.s32 $0x11;
	[sflag:s22] =	ssyncadd.s32 $0xFFFF8300  }
0xc5: {  	_ =	swait.ge [sflag:s6], $0x3E8  }
0xc6: {  	[sflag:s6] =	ssyncset.done $0x0  }
0xc7: {  	s7 =	simm.s32 $0x5A50;
	s19 =	rddreg [dreg:$0x17];
	[sflag:s6] =	ssyncadd.s32 $0xFFFFFC18  }
0xc8: {  	[tilespmem:s7], [sflag:$0x3] =	stream.linear.gather [hbm4b:s19+s5], $0x3E8, $0x38;
	[tilespmem:$0x1ECB0] =	vst v63  }
0xc9: {  	s19 =	rddreg [dreg:$0x18]  }
0xca: {  	[tilespmem:s23], [sflag:$0x7] =	stream.linear.gather [hbm4b:s19+s5], $0x3E8, $0x38;
	[tilespmem:$0x1ECB0] =	vst v63  }
0xcb: {  	_ =	swait.ge [sflag:s21], $0x3E8  }
0xcc: {  	[sflag:s21] =	ssyncset.done $0x0  }
0xcd: {  	s4 =	simm.s32 $0x5668;
	s19 =	simm.s32 $0x16BC0;
	[sflag:s21] =	ssyncadd.s32 $0xFFFFFC18  }
0xce: {  	[tilespmem:s19], [sflag:$0xB] =	stream.indirect.gather [hbm4b:s1+s15], $0x20, s4, s15, $0xb8;
	[tilespmem:$0x1ECB0] =	vst v63  }
0xcf: {  	_ =	swait.ge [sflag:s28], $0x7D00  }
0xd0: {  	[sflag:s28] =	ssyncset.done $0x0  }
0xd1: {  	[sflag:s28] =	ssyncadd.s32 $0xFFFF8300  }
0xd2: {  	_ =	swait.ge [sflag:s26], $0x3E8  }
0xd3: {  	[sflag:s26] =	ssyncset.done $0x0  }
0xd4: {  	[sflag:s26] =	ssyncadd.s32 $0xFFFFFC18  }
0xd5: {  	[spmem:s3] =	stream.indirect.scatter.add.f32 [tilespmem:s31], [sflag:$0xD], $0x20, s14, s15, $0xb8;
	[tilespmem:$0x1ECB0] =	vst v63  }
0xd6: {  	_ = 	snop  }
0xd7: {  	[spmem:s25] =	stream.indirect.scatter.add.f32 [tilespmem:s13], [sflag:$0x10], $0x1, s14, s15, $0xb8;
	[tilespmem:$0x1ECB0] =	vst v63  }
0xd8: {  	_ =	swait.ge [sflag:s30], $0x7D00  }
0xd9: {  	[sflag:s30] =	ssyncset.done $0x0  }
0xda: {  	[sflag:s30] =	ssyncadd.s32 $0xFFFF8300  }
0xdb: {  	_ =	swait.ge [sflag:s17], $0x3E8  }
0xdc: {  	[sflag:s17] =	ssyncset.done $0x0  }
0xdd: {  	s4 =	simm.s32 $0x5E38;
	s19 =	rddreg [dreg:$0xe];
	[sflag:s17] =	ssyncadd.s32 $0xFFFFFC18  }
0xde: {  	[tilespmem:s4], [sflag:$0x4] =	stream.linear.gather [hbm4b:s19+s5], $0x3E8, $0x38;
	[tilespmem:$0x1ECB0] =	vst v63  }
0xdf: {  	s19 =	rddreg [dreg:$0xf]  }
0xe0: {  	[tilespmem:s24], [sflag:$0x8] =	stream.linear.gather [hbm4b:s19+s5], $0x3E8, $0x38;
	[tilespmem:$0x1ECB0] =	vst v63  }
0xe1: {  	_ =	swait.ge [sflag:s2], $0x3E8  }
0xe2: {  	[sflag:s2] =	ssyncset.done $0x0  }
0xe3: {  	s19 =	simm.s32 $0x71C0;
	[sflag:s2] =	ssyncadd.s32 $0xFFFFFC18  }
0xe4: {  	[tilespmem:s19], [sflag:$0x9] =	stream.indirect.gather [hbm4b:s1+s15], $0x20, s7, s15, $0xb8;
	[tilespmem:$0x1ECB0] =	vst v63  }
0xe5: {  	_ =	swait.ge [sflag:s12], $0x7D00  }
0xe6: {  	[sflag:s12] =	ssyncset.done $0x0  }
0xe7: {  	[sflag:s12] =	ssyncadd.s32 $0xFFFF8300  }
0xe8: {  	_ =	swait.ge [sflag:s8], $0x3E8  }
0xe9: {  	[sflag:s8] =	ssyncset.done $0x0  }
0xea: {  	s19 =	simm.s32 $0x16BC0;
	[sflag:s8] =	ssyncadd.s32 $0xFFFFFC18  }
0xeb: {  	[spmem:s3] =	stream.indirect.scatter.add.f32 [tilespmem:s19], [sflag:$0xE], $0x20, s16, s15, $0xb8;
	[tilespmem:$0x1ECB0] =	vst v63  }
0xec: {  	_ = 	snop  }
0xed: {  	[spmem:s25] =	stream.indirect.scatter.add.f32 [tilespmem:s13], [sflag:$0x11], $0x1, s16, s15, $0xb8;
	[tilespmem:$0x1ECB0] =	vst v63  }
0xee: {  	_ =	swait.ge [sflag:s20], $0x7D00  }
0xef: {  	[sflag:s20] =	ssyncset.done $0x0  }
0xf0: {  	[sflag:s20] =	ssyncadd.s32 $0xFFFF8300  }
0xf1: {  	_ =	swait.ge [sflag:s0], $0x3E8  }
0xf2: {  	[sflag:s0] =	ssyncset.done $0x0  }
0xf3: {  	s20 =	simm.s32 $0x5280;
	s2 =	rddreg [dreg:$0x19];
	[sflag:s0] =	ssyncadd.s32 $0xFFFFFC18  }
0xf4: {  	[tilespmem:s20], [sflag:$0x1] =	stream.linear.gather [hbm4b:s2+s5], $0x3E8, $0x38;
	[tilespmem:$0x1ECB0] =	vst v63  }
0xf5: {  	s7 =	rddreg [dreg:$0x1a]  }
0xf6: {  	[tilespmem:s14], [sflag:$0x5] =	stream.linear.gather [hbm4b:s7+s5], $0x3E8, $0x38;
	[tilespmem:$0x1ECB0] =	vst v63  }
0xf7: {  	_ =	swait.ge [sflag:s10], $0x3E8  }
0xf8: {  	[sflag:s10] =	ssyncset.done $0x0  }
0xf9: {  	[sflag:s10] =	ssyncadd.s32 $0xFFFFFC18  }
0xfa: {  	[tilespmem:s31], [sflag:$0xA] =	stream.indirect.gather [hbm4b:s1+s15], $0x20, s4, s15, $0xb8;
	[tilespmem:$0x1ECB0] =	vst v63  }
0xfb: {  	_ =	swait.ge [sflag:s29], $0x7D00  }
0xfc: {  	[sflag:s29] =	ssyncset.done $0x0  }
0xfd: {  	[sflag:s29] =	ssyncadd.s32 $0xFFFF8300  }
0xfe: {  	_ =	swait.ge [sflag:s9], $0x3E8  }
0xff: {  	[sflag:s9] =	ssyncset.done $0x0  }
0x100: {  	s0 =	simm.s32 $0x71C0;
	[sflag:s9] =	ssyncadd.s32 $0xFFFFFC18  }
0x101: {  	[spmem:s3] =	stream.indirect.scatter.add.f32 [tilespmem:s0], [sflag:$0xC], $0x20, s23, s15, $0xb8;
	[tilespmem:$0x1ECB0] =	vst v63  }
0x102: {  	_ = 	snop  }
0x103: {  	[spmem:s25] =	stream.indirect.scatter.add.f32 [tilespmem:s13], [sflag:$0xF], $0x1, s23, s15, $0xb8;
	[tilespmem:$0x1ECB0] =	vst v63  }
0x104: {  	_ =	swait.ge [sflag:s22], $0x7D00  }
0x105: {  	[sflag:s22] =	ssyncset.done $0x0  }
0x106: {  	[sflag:s22] =	ssyncadd.s32 $0xFFFF8300  }
0x107: {  	_ =	swait.ge [sflag:s6], $0x3E8  }
0x108: {  	[sflag:s6] =	ssyncset.done $0x0  }
0x109: {  	s7 =	simm.s32 $0x5668;
	s4 =	rddreg [dreg:$0x10];
	[sflag:s6] =	ssyncadd.s32 $0xFFFFFC18  }
0x10a: {  	[tilespmem:s7], [sflag:$0x2] =	stream.linear.gather [hbm4b:s4+s5], $0x3E8, $0x38;
	[tilespmem:$0x1ECB0] =	vst v63  }
0x10b: {  	s9 =	rddreg [dreg:$0x11]  }
0x10c: {  	[tilespmem:s16], [sflag:$0x6] =	stream.linear.gather [hbm4b:s9+s5], $0x3E8, $0x38;
	[tilespmem:$0x1ECB0] =	vst v63  }
0x10d: {  	_ =	swait.ge [sflag:s18], $0x3E8  }
0x10e: {  	[sflag:s18] =	ssyncset.done $0x0  }
0x10f: {  	s23 =	simm.s32 $0x16BC0;
	[sflag:s18] =	ssyncadd.s32 $0xFFFFFC18  }
0x110: {  	[tilespmem:s23], [sflag:$0xB] =	stream.indirect.gather [hbm4b:s1+s15], $0x20, s20, s15, $0xb8;
	[tilespmem:$0x1ECB0] =	vst v63  }
0x111: {  	_ =	swait.ge [sflag:s28], $0x7D00  }
0x112: {  	[sflag:s28] =	ssyncset.done $0x0  }
0x113: {  	[sflag:s28] =	ssyncadd.s32 $0xFFFF8300  }
0x114: {  	_ =	swait.ge [sflag:s11], $0x3E8  }
0x115: {  	[sflag:s11] =	ssyncset.done $0x0  }
0x116: {  	[sflag:s11] =	ssyncadd.s32 $0xFFFFFC18  }
0x117: {  	[spmem:s3] =	stream.indirect.scatter.add.f32 [tilespmem:s31], [sflag:$0xD], $0x20, s24, s15, $0xb8;
	[tilespmem:$0x1ECB0] =	vst v63  }
0x118: {  	_ = 	snop  }
0x119: {  	[spmem:s25] =	stream.indirect.scatter.add.f32 [tilespmem:s13], [sflag:$0x10], $0x1, s24, s15, $0xb8;
	[tilespmem:$0x1ECB0] =	vst v63  }
0x11a: {  	_ =	swait.ge [sflag:s30], $0x7D00  }
0x11b: {  	[sflag:s30] =	ssyncset.done $0x0  }
0x11c: {  	[sflag:s30] =	ssyncadd.s32 $0xFFFF8300  }
0x11d: {  	_ =	swait.ge [sflag:s17], $0x3E8  }
0x11e: {  	[sflag:s17] =	ssyncset.done $0x0  }
0x11f: {  	[sflag:s17] =	ssyncadd.s32 $0xFFFFFC18  }
0x120: {  	_ =	swait.ge [sflag:s21], $0x3E8  }
0x121: {  	[sflag:s21] =	ssyncset.done $0x0  }
0x122: {  	s31 =	simm.s32 $0x71C0;
	[sflag:s21] =	ssyncadd.s32 $0xFFFFFC18  }
0x123: {  	[tilespmem:s31], [sflag:$0x9] =	stream.indirect.gather [hbm4b:s1+s15], $0x20, s7, s15, $0xb8;
	[tilespmem:$0x1ECB0] =	vst v63  }
0x124: {  	_ =	swait.ge [sflag:s12], $0x7D00  }
0x125: {  	[sflag:s12] =	ssyncset.done $0x0  }
0x126: {  	[sflag:s12] =	ssyncadd.s32 $0xFFFF8300  }
0x127: {  	_ =	swait.ge [sflag:s26], $0x3E8  }
0x128: {  	[sflag:s26] =	ssyncset.done $0x0  }
0x129: {  	[sflag:s26] =	ssyncadd.s32 $0xFFFFFC18  }
0x12a: {  	[spmem:s3] =	stream.indirect.scatter.add.f32 [tilespmem:s23], [sflag:$0xE], $0x20, s14, s15, $0xb8;
	[tilespmem:$0x1ECB0] =	vst v63  }
0x12b: {  	_ = 	snop  }
0x12c: {  	[spmem:s25] =	stream.indirect.scatter.add.f32 [tilespmem:s13], [sflag:$0x11], $0x1, s14, s15, $0xb8;
	[tilespmem:$0x1ECB0] =	vst v63  }
0x12d: {  	_ =	swait.ge [sflag:s29], $0x7D00  }
0x12e: {  	[sflag:s29] =	ssyncset.done $0x0  }
0x12f: {  	[sflag:s29] =	ssyncadd.s32 $0xFFFF8300  }
0x130: {  	_ =	swait.ge [sflag:s8], $0x3E8  }
0x131: {  	[sflag:s8] =	ssyncset.done $0x0  }
0x132: {  	s0 =	simm.s32 $0x71C0;
	[sflag:s8] =	ssyncadd.s32 $0xFFFFFC18  }
0x133: {  	[spmem:s3] =	stream.indirect.scatter.add.f32 [tilespmem:s0], [sflag:$0xC], $0x20, s16, s15, $0xb8;
	[tilespmem:$0x1ECB0] =	vst v63  }
0x134: {  	s8 =	simm.s32 $0x1E8C0  }
0x135: {  	[spmem:s25] =	stream.indirect.scatter.add.f32 [tilespmem:s8], [sflag:$0xF], $0x1, s16, s15, $0xb8;
	[tilespmem:$0x1ECB0] =	vst v63  }
0x136: {  	_ =	swait.ge [sflag:s22], $0x7D00  }
0x137: {  	[sflag:s22] =	ssyncset.done $0x0  }
0x138: {  	[sflag:s22] =	ssyncadd.s32 $0xFFFF8300  }
0x139: {  	_ =	swait.ge [sflag:s6], $0x3E8  }
0x13a: {  	[sflag:s6] =	ssyncset.done $0x0  }
0x13b: {  	[sflag:s6] =	ssyncadd.s32 $0xFFFFFC18  }
0x13c: {  	_ =	swait.ge [sflag:s30], $0x7D00  }
0x13d: {  	[sflag:s30] =	ssyncset.done $0x0  }
0x13e: {  	[sflag:s30] =	ssyncadd.s32 $0xFFFF8300  }
0x13f: {  	_ =	swait.ge [sflag:s17], $0x3E8  }
0x140: {  	[sflag:s17] =	ssyncset.done $0x0  }
0x141: {  	[sflag:s17] =	ssyncadd.s32 $0xFFFFFC18  }
0x142: {  	s7 =	stileid.u32;
	[bflag:$0x0] =	sbarrier.arrive $0xFFFF  }
0x143: {  	s1 =	simm.s32 $0x12;
	s19 =	sshll.u32 s7, $0x6;
	s25 =	rddreg [dreg:$0x1b]  }
0x144: {  	s19 =	sor.u32 $0x1C12, s19;
	s11 =	rddreg [dreg:$0x13];
	s9 =	sshrl.u32 s25, $0x3  }
0x145: {  	[hbm:s11], [sflag:s19] =	dma.local [spmem:s9], $0xA00  }
0x146: {  	_ =	swait.ge [sflag:s1], $0xA00  }
0x147: {  	[sflag:s1] =	ssyncset.done $0x0;
	s2 =	rddreg [dreg:$0x1c]  }
0x148: {  	s22 =	rddreg [dreg:$0x14];
	[sflag:s1] =	ssyncadd.s32 $0xFFFFF600;
	s20 =	sshrl.u32 s2, $0x3  }
0x149: {  	[hbm:s22], [sflag:s19] =	dma.local [spmem:s20], $0x50  }
0x14a: {  	_ =	swait.ge [sflag:s1], $0x50  }
0x14b: {  	s24 =	rddreg [dreg:$0x1d]  }
0x14c: {  	s31 =	rddreg [dreg:$0x15];
	s3 =	sadd.s32 $0x1, s24  }
0x14d: {  	p0 =	sne.s32 s3, s31  }
.Ltmp2:
0x14e: {  	_ = 	snop;
	(pc) =	sbr.rel @p0 .LBB2_1-.Ltmp2, $3  }
0x14f: {  	_ =	sdelay $0x1  }
0x150: {  	[sflag:s1] =	ssyncset.done $0x0  }
0x151: {  	[sflag:s1] =	ssyncadd.s32 $0xFFFFFFB0  }
0x152: {  	_ =	sfence.sel $0x180000  }
0x153: {  	[bflag:$0x0] =	sbarrier.arrive $0xFFFF  }
0x154: {  	_ =	strace $0x90000047  }
0x155: {  	s0 =	stileid.u32;
	[bflag:$0x2] =	sbarrier.arrive $0xFFFF  }
0x156: {  	p0 =	sne.s32 s0, $0x0;
	s0 =	rddreg [dreg:$0x3]  }
0x157: {  	s0 =	sadd.s32 @!p0 $0x100000, s0  }
0x158: {  	[sflag:s0] =	ssyncadd.tile.s32 @!p0 $0x1;
	_ =	shalt  }
.Lfunc_end2:
_tile_overlayer_lowered:
.L_overlay_start_2:
0x159: {  	(tag) =	ssettag $0x2  }
0x15a: {  	s0 =	rddreg [dreg:$0x0];
	s2 =	stileid.u32  }
0x15b: {  	s1 =	rddreg [dreg:$0x1];
	p0 =	sne.s32 s2, $0x0  }
0x15c: {  	s3 =	rddreg [dreg:$0x2];
	[bflag:$0x3] =	sbarrier.arrive $0xFFFF;
	s2 =	simm.s32 @!p0 $0x1C12  }
0x15d: {  	[timem:s3], [sflag:s2] =	dma.local @!p0 [hbm:s0], s1  }
0x15e: {  	s0 =	simm.s32 @!p0 $0x12  }
0x15f: {  	_ =	swait.ge @!p0 [sflag:s0], s1  }
0x160: {  	s1 =	ssub.s32 @!p0 $0x0, s1;
	[sflag:s0] =	ssyncset.done @!p0 $0x0  }
0x161: {  	[sflag:s0] =	ssyncadd.s32 @!p0 s1  }
0x162: {  	[bflag:$0x3] =	sbarrier.arrive $0xFFFF  }
0x163: {  	_ =	shalt  }

// kernel: kernel.9.cloned.1.call-start
scs
__scs_entry_jumppad:
0x0: {  	(pc) =	sbr.rel $0x88, $3  }
0x1: {  	(tag) =	ssettag $0x0;
	lr =	simm.s32 $0x1  }
0x2: {  	[smem:$0x3F99] =	sst lr;
	_ =	strace $0xD0000000  }
0x3: {  	_ = 	snop  }
0x4: {  	_ = 	snop  }
0x5: {  	_ = 	snop  }
0x6: {  	_ = 	snop  }
0x7: {  	_ = 	snop  }
__scs_overlays_trampoline_lowered:
0x8: {  	[smem:$0x3FA8] =	sst s0  }
0x9: {  	[smem:$0x3FA9] =	sst s1  }
0xa: {  	[smem:$0x3FAA] =	sst s2  }
0xb: {  	[smem:$0x3FAB] =	sst s3  }
0xc: {  	[smem:$0x3FAC] =	sst s4  }
0xd: {  	[smem:$0x3FAD] =	sst s5  }
0xe: {  	[smem:$0x3FAE] =	sst s6  }
0xf: {  	[smem:$0x3FAF] =	sst s7  }
0x10: {  	[smem:$0x3FB0] =	sst s8  }
0x11: {  	[smem:$0x3FB1] =	sst s9;
	s0 =	simm.s32 @!p0 $0x0  }
0x12: {  	s1 =	sld [smem:$0x3F97];
	s0 =	simm.s32 @p0 $0x1  }
0x13: {  	[smem:$0x3FB2] =	sst s0;
	s0 =	simm.s32 @!p1 $0x0  }
0x14: {  	s2 =	sld [smem:$0x3F96];
	s0 =	simm.s32 @p1 $0x1  }
0x15: {  	[smem:$0x3FB3] =	sst s0;
	s0 =	simm.s32 @!p2 $0x0  }
0x16: {  	s3 =	sld [smem:$0x3FDB];
	s0 =	simm.s32 @p2 $0x1  }
0x17: {  	s4 =	simm.s32 $0x1BF5;
	[smem:$0x3FB5] =	sst s0  }
0x18: {  	s0 =	sld [smem:$0x3F98];
	_ =	swait.ge [sflag:s4], $0x0  }
0x19: {  	s7 =	sld [smem:$0x3F99]  }
0x1a: {  	s8 =	sadd.s32 $0xFFFFE003, lr  }
0x1b: {  	s9 =	sadd.s32 $0xFFFFFEF7, lr;
	s5 =	simm.s32 $0xFFFFFFFF;
	p2 =	slt.u32 s8, $0xFFFFF086  }
0x1c: {  	p1 =	slt.u32 s9, $0xF7A;
	s5 =	simm.s32 @!p2 $0x0  }
0x1d: {  	s5 =	simm.s32 @p1 $0x1;
	p0 =	seq.s32 s7, s2  }
0x1e: {  	s7 =	smul.u32 @!p0 $0xF7A, s2;
	p2 =	seq.s32 @!p0 s5, $0x0  }
0x1f: {  	s9 =	smul.u32 $0xF7A, s1;
	s8 =	simm.s32 @!p0 $0x1BF5;
	p2 =	por !p2, p0  }
0x20: {  	[sflag:s8] =	ssyncset.s32 @!p0 $0xFFFFF086;
	s6 =	sadd.s32 @!p0 s3, s7;
	s7 =	simm.s32 @!p0 $0x108  }
0x21: {  	s3 =	sadd.s32 s3, s9;
	s6 =	sadd.s32 @!p0 $0x88, s6;
	s7 =	simm.s32 @p2 $0x1082  }
0x22: {  	[simem:s7], [sflag:s8] =	dma.local @!p0 [hbm:s6], $0xF7A  }
0x23: {  	s9 =	sor.u32 $0xD0000000, s2;
	s6 =	simm.s32 $0x108;
	_ =	swait.ge @!p0 [sflag:s8], $0x0  }
0x24: {  	s3 =	sadd.s32 $0x88, s3;
	s6 =	simm.s32 @!p1 $0x1082;
	[sflag:s4] =	ssyncset.s32 $0xFFFFF086  }
0x25: {  	[simem:s6], [sflag:s4] =	dma.local [hbm:s3], $0xF7A  }
0x26: {  	[smem:$0x3F99] =	sst s1;
	(tag) =	ssettag s2;
	_ =	strace s9  }
0x27: {  	s1 =	sld [smem:$0x3FA9]  }
0x28: {  	s2 =	sld [smem:$0x3FAA]  }
0x29: {  	s4 =	sld [smem:$0x3FAC]  }
0x2a: {  	p0 =	seq.s32 s5, $0x0;
	s5 =	sld [smem:$0x3FAD]  }
0x2b: {  	s6 =	sld [smem:$0x3FAE]  }
0x2c: {  	s7 =	sld [smem:$0x3FAF]  }
0x2d: {  	s3 =	simm.s32 $0x108;
	s8 =	sld [smem:$0x3FB0]  }
0x2e: {  	s3 =	simm.s32 @!p0 $0x1082;
	s9 =	sld [smem:$0x3FB1]  }
0x2f: {  	lr =	sadd.s32 s0, s3;
	s0 =	sld [smem:$0x3FA8]  }
0x30: {  	s3 =	sld [smem:$0x3FAB]  }
0x31: {  	[smem:$0x3FB4] =	sst s10  }
0x32: {  	s10 =	sld [smem:$0x3FB2];
	_ =	sdelay $0x3  }
0x33: {  	p0 =	seq.s32 s10, $0x1;
	s10 =	sld [smem:$0x3FB4];
	_ =	sdelay $0x3  }
0x34: {  	[smem:$0x3FB4] =	sst s10  }
0x35: {  	s10 =	sld [smem:$0x3FB3];
	_ =	sdelay $0x3  }
0x36: {  	p1 =	seq.s32 s10, $0x1;
	s10 =	sld [smem:$0x3FB4];
	_ =	sdelay $0x3  }
0x37: {  	[smem:$0x3FB4] =	sst s10  }
0x38: {  	s10 =	sld [smem:$0x3FB5]  }
0x39: {  	_ = 	snop;
	(pc) =	sbr.ind lr, $3  }
0x3a: {  	_ = 	snop  }
0x3b: {  	_ = 	snop  }
0x3c: {  	p2 =	seq.s32 s10, $0x1;
	s10 =	sld [smem:$0x3FB4]  }
0x3d: {  	_ =	shalt  }
0x3e: {  	_ =	shalt  }
0x3f: {  	_ =	shalt  }
0x40: {  	_ =	shalt  }
0x41: {  	_ =	shalt  }
0x42: {  	_ =	shalt  }
0x43: {  	_ =	shalt  }
0x44: {  	_ =	shalt  }
0x45: {  	_ =	shalt  }
0x46: {  	_ =	shalt  }
0x47: {  	_ =	shalt  }
0x48: {  	_ =	shalt  }
0x49: {  	_ =	shalt  }
0x4a: {  	_ =	shalt  }
0x4b: {  	_ =	shalt  }
0x4c: {  	_ =	shalt  }
0x4d: {  	_ =	shalt  }
0x4e: {  	_ =	shalt  }
0x4f: {  	_ =	shalt  }
0x50: {  	_ =	shalt  }
0x51: {  	_ =	shalt  }
0x52: {  	_ =	shalt  }
0x53: {  	_ =	shalt  }
0x54: {  	_ =	shalt  }
0x55: {  	_ =	shalt  }
0x56: {  	_ =	shalt  }
0x57: {  	_ =	shalt  }
0x58: {  	_ =	shalt  }
0x59: {  	_ =	shalt  }
0x5a: {  	_ =	shalt  }
0x5b: {  	_ =	shalt  }
0x5c: {  	_ =	shalt  }
0x5d: {  	_ =	shalt  }
0x5e: {  	_ =	shalt  }
0x5f: {  	_ =	shalt  }
0x60: {  	_ =	shalt  }
0x61: {  	_ =	shalt  }
0x62: {  	_ =	shalt  }
0x63: {  	_ =	shalt  }
0x64: {  	_ =	shalt  }
0x65: {  	_ =	shalt  }
0x66: {  	_ =	shalt  }
0x67: {  	_ =	shalt  }
0x68: {  	_ =	shalt  }
0x69: {  	_ =	shalt  }
0x6a: {  	_ =	shalt  }
0x6b: {  	_ =	shalt  }
0x6c: {  	_ =	shalt  }
0x6d: {  	_ =	shalt  }
0x6e: {  	_ =	shalt  }
0x6f: {  	_ =	shalt  }
0x70: {  	_ =	shalt  }
0x71: {  	_ =	shalt  }
0x72: {  	_ =	shalt  }
0x73: {  	_ =	shalt  }
0x74: {  	_ =	shalt  }
0x75: {  	_ =	shalt  }
0x76: {  	_ =	shalt  }
0x77: {  	_ =	shalt  }
0x78: {  	_ =	shalt  }
0x79: {  	_ =	shalt  }
0x7a: {  	_ =	shalt  }
0x7b: {  	_ =	shalt  }
0x7c: {  	_ =	shalt  }
0x7d: {  	_ =	shalt  }
0x7e: {  	_ =	shalt  }
0x7f: {  	_ =	shalt  }
0x80: {  	_ =	shalt  }
0x81: {  	_ =	shalt  }
0x82: {  	_ =	shalt  }
0x83: {  	_ =	shalt  }
0x84: {  	_ =	shalt  }
0x85: {  	_ =	shalt  }
0x86: {  	_ =	shalt  }
0x87: {  	_ =	shalt  }
.Lfunc_end0:
.L_simem_size_0:
called_computation.1_lowered:
.L_overlay_start_0:
0x88: {  	s2 =	sld [smem:$0x3FD9]  }
0x89: {  	s3 =	sld [smem:$0x3FFE];
	_ =	sdelay $0x1  }
0x8a: {  	s1 =	srdreg.scid  }
0x8b: {  	s0 =	sand.u32 $0x1, s1  }
0x8c: {  	s17 =	sshll.u32 s0, $0xA;
	s2 =	sadd.s32 s3, s2  }
0x8d: {  	s2 =	sadd.s32 s2, s17  }
0x8e: {  	[smem:$0x3FC0] =	sst s2  }
0x8f: {  	_ = 	snop  }
0x90: {  	s2 =	sld [smem:$0x3FC6]  }
0x91: {  	s18 =	sld [smem:$0x3FC4]  }
0x92: {  	s4 =	sld [smem:$0x3FC2];
	(tm) =	ssettm $0x1  }
0x93: {  	s5 =	sld [smem:$0x3FFB];
	_ =	sdelay $0x3  }
0x94: {  	_ =	strace s5  }
0x95: {  	s5 =	sld [smem:$0x3FFC];
	_ =	sdelay $0x3  }
0x96: {  	_ =	strace s5  }
0x97: {  	s5 =	sld [smem:$0x3FFD];
	_ =	sdelay $0x3  }
0x98: {  	_ =	strace s5  }
0x99: {  	_ =	strace $0x8FFFFFFF  }
0x9a: {  	s19 =	sld [smem:$0x3FDB];
	_ =	sdelay $0x1  }
0x9b: {  	s6 =	simm.s32 $_scs_section_size  }
0x9c: {  	s7 =	simm.s32 $_size__tile_overlayer_lowered;
	s8 =	simm.s32 $_tile_overlayer_lowered  }
0x9d: {  	s22 =	simm.s32 $0x1BFF;
	s21 =	sshll.u32 s8, $0x1;
	s5 =	sadd.s32 s6, s19  }
0x9e: {  	s9 =	simm.s32 $0x0;
	s20 =	sshll.u32 s7, $0x1;
	s7 =	sadd.s32 s21, s5  }
0x9f: {  	[timem:s9], [sflag:s22] =	dma.local [hbm:s7], s20  }
0xa0: {  	_ =	swait.ge [sflag:s22], s20  }
0xa1: {  	s6 =	ssub.s32 $0x0, s20;
	[sflag:s22] =	ssyncset.done $0x0  }
0xa2: {  	[sflag:s22] =	ssyncadd.s32 s6;
	_ =	sdelay $0x1  }
0xa3: {  	s23 =	simm.s32 $0x1B8B  }
0xa4: {  	_ =	swait.ge [sflag:s23], $0x1  }
0xa5: {  	[sflag:s23] =	ssyncset.done $0x0  }
0xa6: {  	s25 =	simm.s32 $0x1B8E;
	s24 =	sld [smem:$0x3FFE];
	[sflag:s23] =	ssyncadd.s32 $0xFFFFFFFF  }
0xa7: {  	s26 =	simm.s32 $execute0_lowered;
	[smem:$0x3FD2] =	sst s25  }
0xa8: {  	s7 =	sshll.u32 s26, $0x1;
	_ =	strace $0x80000049;
	[dreg:$0x1] =	wrdreg $0xFFFFFFFF  }
0xa9: {  	s28 =	simm.s32 $_size_execute0_lowered;
	s5 =	sadd.s32 s5, s7;
	[dreg:$0x0] =	wrdreg $0x0  }
0xaa: {  	s7 =	sshll.u32 s28, $0x1;
	[dreg:$0x2] =	wrdreg s5  }
0xab: {  	[dreg:$0x3] =	wrdreg s7  }
0xac: {  	[dreg:$0x4] =	wrdreg $0xC0  }
0xad: {  	_ =	task [dreg:s9], $0x5FFFF  }
0xae: {  	[dreg:$0x1] =	wrdreg $0xFFFFFFFF  }
0xaf: {  	[dreg:$0x0] =	wrdreg $0x60  }
0xb0: {  	[dreg:$0x2] =	wrdreg s24  }
0xb1: {  	[dreg:$0x3] =	wrdreg s2  }
0xb2: {  	[dreg:$0x4] =	wrdreg s18  }
0xb3: {  	[dreg:$0x5] =	wrdreg s4  }
0xb4: {  	[dreg:$0x6] =	wrdreg $0x0  }
0xb5: {  	[dreg:$0x7] =	wrdreg $0x2800  }
0xb6: {  	[dreg:$0x8] =	wrdreg $0x9  }
0xb7: {  	_ =	task.clear_ibuf [dreg:s9], $0x9FFFF;
	_ =	strace $0x90000049  }
0xb8: {  	s29 =	simm.s32 $0x9;
	_ =	strace $0x8000004B  }
0xb9: {  	_ =	swait.ge [sflag:s29], $0x1  }
0xba: {  	[sflag:s29] =	ssyncadd.s32 $0xFFFFFFFF  }
0xbb: {  	_ =	strace $0x9000004B  }
0xbc: {  	_ =	sfence  }
0xbd: {  	s30 =	sld [smem:$0x0];
	_ =	sdelay $0x2  }
0xbe: {  	s31 =	sshll.u32 s1, $0xD;
	s1 =	sshrl.u32 s1, $0x2  }
0xbf: {  	s3 =	sand.u32 $0x4000, s31;
	s1 =	sadd.s32 s1, s30  }
0xc0: {  	s0 =	sor.u32 s3, s0;
	s1 =	sshll.u32 s1, $0x11  }
0xc1: {  	s0 =	sor.u32 s1, s0  }
0xc2: {  	s0 =	sadd.s32 $0x8F2B, s0  }
0xc3: {  	[sflag:s0] =	ssyncadd.remote.s32 $0x1  }
0xc4: {  	_ =	sfence.sel $0xFFFF  }
0xc5: {  	[dreg:$0x0] =	wrdreg $0xFFFFFFFF;
	(pc) =	sbr.abs _section_cstart, $3  }
0xc6: {  	[dreg:$0x1] =	wrdreg $0xFFFFFFFF  }
0xc7: {  	_ =	task.clear_ibuf [dreg:s9], $0x2FFFF;
	_ =	strace $0x9FFFFFFF  }
0xc8: {  	(tm) =	ssettm $0x7FFFFFFF  }
0xc9: {  	_ =	shalt  }
tec
execute0_lowered:
.L_overlay_start_1:
0x0: {  	(tag) =	ssettag $0x1  }
0x1: {  	s0 =	rddreg [dreg:$0x0]  }
0x2: {  	s4 =	stileid.u32;
	s11 =	rddreg [dreg:$0x4]  }
0x3: {  	s1 =	srdreg.scid;
	s6 =	rddreg [dreg:$0x5];
	s7 =	simm.s32 $0x0  }
0x4: {  	s30 =	simm.s32 $0xB;
	s29 =	simm.s32 $0x146A0;
	s31 =	simm.s32 $0x2  }
0x5: {  	s12 =	simm.s32 $0x7;
	s1 =	sand.u32 $0x1, s1;
	s3 =	smul.u32 $0x5000, s4  }
0x6: {  	s2 =	sshll.u32 s4, $0x1;
	s4 =	smul.u32 $0x280, s4;
	[smem:$0x7FF] =	sst s7  }
0x7: {  	s2 =	sor.u32 s1, s2;
	s5 =	smul.u32 $0x2800, s1;
	_ =	strace $0x8000004A  }
0x8: {  	s8 =	ssub.s32 $0x2, s1;
	s2 =	smul.u32 $0x2710, s2;
	s3 =	sshrl.u32 s3, $0x3  }
0x9: {  	s9 =	sshrl.u32 s4, $0x3;
	s17 =	sadd.s32 s4, s11;
	s3 =	sadd.s32 s3, s0  }
0xa: {  	s5 =	sadd.s32 s4, s5;
	[dreg:$0xc] =	wrdreg s17;
	s2 =	sshrl.u32 s2, $0x3  }
0xb: {  	s5 =	sshrl.u32 s5, $0x3;
	s13 =	sadd.s32 $0x1F800, s3;
	s14 =	sadd.s32 $0x29800, s3  }
0xc: {  	s3 =	sadd.s32 $0x34200, s3;
	s2 =	sadd.s32 s2, s0;
	[dreg:$0x7] =	wrdreg s13  }
0xd: {  	s5 =	sadd.s32 s5, s0;
	s0 =	sadd.s32 s9, s0;
	[dreg:$0x8] =	wrdreg s14  }
0xe: {  	p0 =	sne.s32 s1, $0x0;
	[dreg:$0xb] =	wrdreg s3;
	s15 =	sadd.s32 $0x33800, s0  }
0xf: {  	s1 =	simm.s32 $0x1;
	s16 =	sadd.s32 $0x33D00, s0;
	[dreg:$0x9] =	wrdreg s15  }
0x10: {  	s10 =	sshrl.u32 s8, $0x1;
	s0 =	sadd.s32 $0x2800, s0;
	[dreg:$0xa] =	wrdreg s16  }
0x11: {  	s11 =	simm.s32 $0x3;
	s18 =	sadd.s32 $0xBE00, s2;
	[dreg:$0xd] =	wrdreg s0  }
0x12: {  	s8 =	ssub.s32 s8, s10;
	s19 =	sadd.s32 $0x15A40, s2;
	[dreg:$0xe] =	wrdreg s18  }
0x13: {  	s10 =	simm.s32 $0x9;
	s20 =	sadd.s32 $0xBEFA, s2;
	[dreg:$0xf] =	wrdreg s19  }
0x14: {  	s17 =	simm.s32 $0x0;
	s21 =	sadd.s32 $0x15B3A, s2;
	[dreg:$0x10] =	wrdreg s20  }
0x15: {  	s28 =	smax.u32 s8, $0x1;
	s22 =	sadd.s32 $0xBFF4, s2;
	[dreg:$0x11] =	wrdreg s21  }
0x16: {  	s8 =	simm.s32 $0x6;
	s23 =	sadd.s32 $0x15C34, s2;
	[dreg:$0x12] =	wrdreg s22  }
0x17: {  	vm0 =	vmmov $0x1;
	s14 =	sadd.s32 s4, s6;
	s24 =	sadd.s32 $0xC0EE, s2;
	[dreg:$0x13] =	wrdreg s23  }
0x18: {  	vm1 =	vcmask $0x704;
	vm2 =	vcmask $0xB08;
	vm3 =	vcmask $0xF0C;
	s3 =	simm.s32 $0x165E0;
	s25 =	sadd.s32 $0x15D2E, s2;
	[dreg:$0x14] =	wrdreg s24  }
0x19: {  	vm4 =	vcmask $0x1310;
	vm5 =	vcmask $0x1714;
	vm6 =	vcmask $0x1B18;
	s9 =	simm.s32 $0x16DB0;
	s26 =	sadd.s32 $0xC1E8, s2;
	[dreg:$0x15] =	wrdreg s25  }
0x1a: {  	vm7 =	vcmask $0x1F1C;
	vm8 =	vcmask $0x2320;
	vm9 =	vcmask $0x2724;
	s13 =	simm.s32 $0xA;
	[dreg:$0x16] =	wrdreg s26;
	s25 =	sadd.s32 $0x15E28, s2  }
0x1b: {  	vm10 =	vcmask $0x2B28;
	vm11 =	vcmask $0x2F2C;
	vm12 =	vcmask $0x3330;
	s26 =	sadd.s32 $0x1E00, s5;
	s2 =	simm.s32 $0xFF60;
	s5 =	simm.s32 $0x5  }
0x1c: {  	vm13 =	vcmask $0x3734;
	vm14 =	vcmask $0x3B38;
	vm15 =	vmmov $0x7fff;
	s0 =	simm.s32 $0x7D0;
	s15 =	simm.s32 $0x4;
	s16 =	simm.s32 $0x8  }
.LBB2_1:
0x1d: {  	s4 =	rddreg [dreg:$0x7];
	s18 =	simm.s32 $0x500  }
0x1e: {  	[tilespmem:s18], [sflag:$0xB] =	stream.linear.gather [hbm4b:s4+s7], $0x5000, $0x38;
	[tilespmem:$0x17800] =	vst v63  }
0x1f: {  	_ =	swait.ge [sflag:s30], $0x5000  }
0x20: {  	[sflag:s30] =	ssyncset.done $0x0  }
0x21: {  	s20 =	simm.s32 $0x5500;
	s19 =	rddreg [dreg:$0x8];
	[sflag:s30] =	ssyncadd.s32 $0xFFFFB000  }
0x22: {  	[tilespmem:s20], [sflag:$0xB] =	stream.linear.gather [hbm4b:s19+s7], $0x5000, $0x38;
	[tilespmem:$0x17800] =	vst v63  }
0x23: {  	_ =	swait.ge [sflag:s30], $0x5000  }
0x24: {  	[sflag:s30] =	ssyncset.done $0x0  }
0x25: {  	s22 =	simm.s32 $0xA500;
	s21 =	rddreg [dreg:$0x9];
	[sflag:s30] =	ssyncadd.s32 $0xFFFFB000  }
0x26: {  	[tilespmem:s22], [sflag:$0xB] =	stream.linear.gather [hbm4b:s21+s7], $0x280, $0x38;
	[tilespmem:$0x17800] =	vst v63  }
0x27: {  	_ =	swait.ge [sflag:s30], $0x280  }
0x28: {  	[sflag:s30] =	ssyncset.done $0x0  }
0x29: {  	s24 =	simm.s32 $0xA780;
	s23 =	rddreg [dreg:$0xa];
	[sflag:s30] =	ssyncadd.s32 $0xFFFFFD80  }
0x2a: {  	[tilespmem:s24], [sflag:$0xB] =	stream.linear.gather [hbm4b:s23+s7], $0x280, $0x38;
	[tilespmem:$0x17800] =	vst v63  }
0x2b: {  	_ =	swait.ge [sflag:s30], $0x280  }
0x2c: {  	[sflag:s30] =	ssyncset.done $0x0  }
0x2d: {  	s20 =	simm.s32 $0xAA00;
	s19 =	rddreg [dreg:$0xb];
	[sflag:s30] =	ssyncadd.s32 $0xFFFFFD80  }
0x2e: {  	[tilespmem:s20], [sflag:$0xB] =	stream.linear.gather [hbm4b:s19+s7], $0x5000, $0x38;
	[tilespmem:$0x17800] =	vst v63  }
0x2f: {  	_ =	swait.ge [sflag:s30], $0x5000  }
0x30: {  	[sflag:s30] =	ssyncset.done $0x0  }
0x31: {  	[sflag:s30] =	ssyncadd.s32 $0xFFFFB000  }
0x32: {  	s22 =	simm.s32 $0xFA00;
	s21 =	rddreg [dreg:$0x1]  }
0x33: {  	[tilespmem:s22], [sflag:$0xB] =	stream.linear.gather [hbm4b:s21+s7], $0x20, $0x38;
	[tilespmem:$0x17800] =	vst v63  }
0x34: {  	_ =	swait.ge [sflag:s30], $0x20  }
0x35: {  	[sflag:s30] =	ssyncset.done $0x0  }
0x36: {  	[sflag:s30] =	ssyncadd.s32 $0xFFFFFFE0  }
0x37: {  	s24 =	simm.s32 $0xFA20;
	s23 =	rddreg [dreg:$0x2]  }
0x38: {  	[tilespmem:s24], [sflag:$0xB] =	stream.linear.gather [hbm4b:s23+s7], $0x20, $0x38;
	[tilespmem:$0x17800] =	vst v63  }
0x39: {  	_ =	swait.ge [sflag:s30], $0x20  }
0x3a: {  	[sflag:s30] =	ssyncset.done $0x0  }
0x3b: {  	[sflag:s30] =	ssyncadd.s32 $0xFFFFFFE0  }
0x3c: {  	s20 =	simm.s32 $0xFA40;
	s19 =	rddreg [dreg:$0x3]  }
0x3d: {  	[tilespmem:s20], [sflag:$0xB] =	stream.linear.gather [hbm4b:s19+s7], $0x20, $0x38;
	[tilespmem:$0x17800] =	vst v63  }
0x3e: {  	_ =	swait.ge [sflag:s30], $0x20  }
0x3f: {  	[sflag:s30] =	ssyncset.done $0x0  }
0x40: {  	v0 =	vimm.f32 $0.0e+00;
	[sflag:s30] =	ssyncadd.s32 $0xFFFFFFE0  }
0x41: {  	[tilespmem:$0x17580] =	vst v0  }
0x42: {  	[tilespmem:$0x17590] =	vst v0  }
0x43: {  	[tilespmem:$0x175A0] =	vst v0  }
0x44: {  	[tilespmem:$0x175B0] =	vst v0  }
0x45: {  	[tilespmem:$0x175C0] =	vst v0  }
0x46: {  	[tilespmem:$0x175D0] =	vst v0  }
0x47: {  	[tilespmem:$0x175E0] =	vst v0  }
0x48: {  	[tilespmem:$0x175F0] =	vst v0  }
0x49: {  	[tilespmem:$0x17600] =	vst v0  }
0x4a: {  	[tilespmem:$0x17610] =	vst v0  }
0x4b: {  	[tilespmem:$0x17620] =	vst v0  }
0x4c: {  	[tilespmem:$0x17630] =	vst v0  }
0x4d: {  	[tilespmem:$0x17640] =	vst v0  }
0x4e: {  	[tilespmem:$0x17650] =	vst v0  }
0x4f: {  	[tilespmem:$0x17660] =	vst v0  }
0x50: {  	[tilespmem:$0x17670] =	vst v0  }
0x51: {  	[tilespmem:$0x17680] =	vst v0  }
0x52: {  	[tilespmem:$0x17690] =	vst v0  }
0x53: {  	[tilespmem:$0x176A0] =	vst v0  }
0x54: {  	[tilespmem:$0x176B0] =	vst v0  }
0x55: {  	[tilespmem:$0x176C0] =	vst v0  }
0x56: {  	[tilespmem:$0x176D0] =	vst v0  }
0x57: {  	[tilespmem:$0x176E0] =	vst v0  }
0x58: {  	[tilespmem:$0x176F0] =	vst v0  }
0x59: {  	[tilespmem:$0x17700] =	vst v0  }
0x5a: {  	[tilespmem:$0x17710] =	vst v0  }
0x5b: {  	[tilespmem:$0x17720] =	vst v0  }
0x5c: {  	[tilespmem:$0x17730] =	vst v0  }
0x5d: {  	[tilespmem:$0x17740] =	vst v0  }
0x5e: {  	[tilespmem:$0x17750] =	vst v0  }
0x5f: {  	[tilespmem:$0x17760] =	vst v0  }
0x60: {  	[tilespmem:$0x17770] =	vst v0  }
0x61: {  	[tilespmem:$0x17780] =	vst v0  }
0x62: {  	[tilespmem:$0x17790] =	vst v0  }
0x63: {  	[tilespmem:$0x177A0] =	vst v0  }
0x64: {  	[tilespmem:$0x177B0] =	vst v0  }
0x65: {  	[tilespmem:$0x177C0] =	vst v0  }
0x66: {  	[tilespmem:$0x177D0] =	vst v0  }
0x67: {  	[tilespmem:$0x177E0] =	vst v0  }
0x68: {  	s19 =	simm.s32 $0x600;
	[tilespmem:$0x177F0] =	vst v0;
	v1 =	vld [tilespmem:$0xFA00]  }
0x69: {  	s21 =	simm.s32 $0x5600;
	v0 =	vld [tilespmem:s19+$0xE0]  }
0x6a: {  	v2 =	vld [tilespmem:s21+$0xE0]  }
0x6b: {  	v3 =	vld [tilespmem:s19+$0xF0]  }
0x6c: {  	v4 =	vld [tilespmem:s21+$0xF0]  }
0x6d: {  	v5 =	vld [tilespmem:s19+$0xC0]  }
0x6e: {  	v6 =	vld [tilespmem:s21+$0xC0]  }
0x6f: {  	v7 =	vld [tilespmem:s19+$0xD0]  }
0x70: {  	v8 =	vld [tilespmem:s21+$0xD0]  }
0x71: {  	v9 =	vld [tilespmem:s19+$0xA0]  }
0x72: {  	v10 =	vld [tilespmem:s21+$0xA0]  }
0x73: {  	v11 =	vld [tilespmem:s19+$0xB0]  }
0x74: {  	v12 =	vld [tilespmem:s21+$0xB0]  }
0x75: {  	v13 =	vld [tilespmem:s19+$0x80]  }
0x76: {  	v14 =	vld [tilespmem:s21+$0x80]  }
0x77: {  	v15 =	vld [tilespmem:s19+$0x90]  }
0x78: {  	v16 =	vld [tilespmem:s21+$0x90]  }
0x79: {  	v17 =	vld [tilespmem:s19+$0x60]  }
0x7a: {  	v18 =	vld [tilespmem:s21+$0x60]  }
0x7b: {  	v19 =	vld [tilespmem:s19+$0x70]  }
0x7c: {  	v20 =	vld [tilespmem:s21+$0x70]  }
0x7d: {  	v21 =	vld [tilespmem:s19+$0x40]  }
0x7e: {  	v22 =	vld [tilespmem:s21+$0x40]  }
0x7f: {  	v23 =	vld [tilespmem:s19+$0x50]  }
0x80: {  	v24 =	vld [tilespmem:s21+$0x50]  }
0x81: {  	v25 =	vld [tilespmem:s19+$0x20]  }
0x82: {  	v26 =	vld [tilespmem:s21+$0x20]  }
0x83: {  	v27 =	vld [tilespmem:s19+$0x30]  }
0x84: {  	v28 =	vld [tilespmem:s21+$0x30]  }
0x85: {  	v29 =	vld [tilespmem:s19+$0x0]  }
0x86: {  	v30 =	vld [tilespmem:s21+$0x0]  }
0x87: {  	v31 =	vld [tilespmem:s19+$0x10]  }
0x88: {  	v32 =	vld [tilespmem:s21+$0x10]  }
0x89: {  	v33 =	vld [tilespmem:s19+$0xFFFFFFE0]  }
0x8a: {  	v34 =	vld [tilespmem:s21+$0xFFFFFFE0]  }
0x8b: {  	v35 =	vld [tilespmem:s19+$0xFFFFFFF0]  }
0x8c: {  	v36 =	vld [tilespmem:s21+$0xFFFFFFF0]  }
0x8d: {  	s18 =	simm.s32 $0x0;
	v37 =	vld [tilespmem:s19+$0xFFFFFFC0]  }
0x8e: {  	v39 =	vld [tilespmem:s18+$0xA500]  }
0x8f: {  	v40 =	vld [tilespmem:s18+$0xA780]  }
0x90: {  	v38 =	vld [tilespmem:s21+$0xFFFFFFC0]  }
0x91: {  	v41 =	vld [tilespmem:s19+$0xFFFFFFD0]  }
0x92: {  	v42 =	vld [tilespmem:s21+$0xFFFFFFD0]  }
0x93: {  	v43 =	vld [tilespmem:s19+$0xFFFFFFA0]  }
0x94: {  	v44 =	vld [tilespmem:s21+$0xFFFFFFA0];
	v39 =	vadd.f32 v40, v39  }
0x95: {  	v58 =	vld [tilespmem:s19+$0xFFFFFFB0]  }
0x96: {  	v45 =	vld [tilespmem:s21+$0xFFFFFFB0];
	v39 =	vmax.f32 v39, $1.000000000e+00  }
0x97: {  	v46 =	vld [tilespmem:s19+$0xFFFFFF80];
	(erf) = vrcp.f32 v39  }
0x98: {  	v47 =	vld [tilespmem:s21+$0xFFFFFF80];
	v0 =	vadd.f32 v2, v0  }
0x99: {  	v59 =	vld [tilespmem:s19+$0xFFFFFF90];
	v2 =	vadd.f32 v4, v3;
	v48 =	vadd.f32 v6, v5  }
0x9a: {  	v50 =	vld [tilespmem:s19+$0xFFFFFF30];
	v7 =	vadd.f32 v8, v7;
	v8 =	vadd.f32 v10, v9  }
0x9b: {  	v51 =	vld [tilespmem:s21+$0xFFFFFF30];
	v9 =	vadd.f32 v12, v11;
	v11 =	vadd.f32 v14, v13  }
0x9c: {  	v62 =	vld [tilespmem:s19+$0xFFFFFF00];
	v12 =	vadd.f32 v16, v15;
	v14 =	vadd.f32 v18, v17  }
0x9d: {  	v4 =	vld [tilespmem:s21+$0xFFFFFF90];
	v15 =	vadd.f32 v20, v19;
	v17 =	vadd.f32 v22, v21  }
0x9e: {  	v6 =	vld [tilespmem:s19+$0xFFFFFF60];
	v18 =	vadd.f32 v24, v23;
	v24 =	vadd.f32 v26, v25  }
0x9f: {  	v10 =	vld [tilespmem:s21+$0xFFFFFF60];
	v25 =	vadd.f32 v28, v27;
	v49 =	vadd.f32 v30, v29  }
0xa0: {  	v13 =	vld [tilespmem:s19+$0xFFFFFF70];
	v19 =	vadd.f32 v32, v31;
	v32 =	vadd.f32 v34, v33;
	v29 =	vpop (erf)  }
0xa1: {  	v16 =	vld [tilespmem:s21+$0xFFFFFF70];
	v33 =	vadd.f32 v36, v35;
	v23 =	vadd.f32 v38, v37;
	v34 =	vbroadcast v29, $0xE  }
0xa2: {  	v20 =	vld [tilespmem:s19+$0xFFFFFF40];
	v21 =	vadd.f32 v42, v41;
	v35 =	vbroadcast v29, $0xF;
	v37 =	vbroadcast v29, $0xC  }
0xa3: {  	v27 =	vld [tilespmem:s21+$0xFFFFFF40];
	v42 =	vadd.f32 v44, v43;
	v38 =	vbroadcast v29, $0xD;
	v43 =	vbroadcast v29, $0xA  }
0xa4: {  	v28 =	vld [tilespmem:s19+$0xFFFFFF50];
	v44 =	vbroadcast v29, $0xB;
	v22 =	vbroadcast v29, $0x8  }
0xa5: {  	v31 =	vld [tilespmem:s21+$0xFFFFFF50];
	v40 =	vadd.f32 v45, v58;
	v60 =	vbroadcast v29, $0x9;
	v26 =	vbroadcast v29, $0x6  }
0xa6: {  	v36 =	vld [tilespmem:s19+$0xFFFFFF20];
	v3 =	vadd.f32 v47, v46;
	v61 =	vbroadcast v29, $0x7;
	v5 =	vbroadcast v29, $0x4  }
0xa7: {  	v41 =	vld [tilespmem:s21+$0xFFFFFF20];
	v30 =	vadd.f32 v4, v59;
	v63 =	vbroadcast v29, $0x5;
	v52 =	vbroadcast v29, $0x2  }
0xa8: {  	v55 =	vld [tilespmem:s19+$0xFFFFFF10];
	v10 =	vadd.f32 v10, v6;
	v53 =	vbroadcast v29, $0x3;
	v54 =	vbroadcast v29, $0x0  }
0xa9: {  	v4 =	vld [tilespmem:s21+$0xFFFFFF00];
	v13 =	vadd.f32 v16, v13;
	v56 =	vbroadcast v29, $0x1;
	v0 =	vmul.f32 v0, v35  }
0xaa: {  	v16 =	vld [tilespmem:s21+$0xFFFFFF10];
	v57 =	vadd.f32 v27, v20;
	v20 =	vmul.f32 v2, v35;
	v27 =	vmul.f32 v48, v34  }
0xab: {  	v6 =	vld [tilespmem:$0xFA10];
	v35 =	vadd.f32 v31, v28;
	v7 =	vmul.f32 v7, v34;
	v8 =	vmul.f32 v8, v38  }
0xac: {  	v34 =	vadd.f32 v41, v36;
	v9 =	vmul.f32 v9, v38;
	v11 =	vmul.f32 v11, v37  }
0xad: {  	v36 =	vadd.f32 v51, v50;
	v12 =	vmul.f32 v12, v37;
	v14 =	vmul.f32 v14, v44  }
0xae: {  	v37 =	vadd.f32 v4, v62;
	v50 =	vmul.f32 v15, v44;
	v44 =	vmul.f32 v17, v43  }
0xaf: {  	v41 =	vadd.f32 v16, v55;
	v31 =	vmul.f32 v18, v43;
	v17 =	vmul.f32 v24, v60  }
0xb0: {  	v18 =	vmul.f32 v25, v60;
	v29 =	vadd.f32 v0, v1;
	v15 =	vadd.f32 v20, v6  }
0xb1: {  	v25 =	vmul.f32 v32, v61;
	v28 =	vadd.f32 v27, v1;
	v16 =	vadd.f32 v7, v6  }
0xb2: {  	s22 =	simm.s32 $0xAB00;
	v59 =	vmul.f32 v42, v63;
	v7 =	vadd.f32 v8, v1;
	v8 =	vadd.f32 v9, v6  }
0xb3: {  	v24 =	vld [tilespmem:s22+$0xA0];
	v39 =	vmul.f32 v40, v63;
	v27 =	vadd.f32 v11, v1;
	v20 =	vadd.f32 v12, v6  }
0xb4: {  	v10 =	vmul.f32 v10, v53;
	v9 =	vld [tilespmem:s22+$0xB0];
	v51 =	vadd.f32 v14, v1;
	v58 =	vadd.f32 v50, v6  }
0xb5: {  	v38 =	vmul.f32 v57, v52;
	v17 =	vadd.f32 v17, v1;
	v18 =	vadd.f32 v18, v6  }
0xb6: {  	v2 =	vld [tilespmem:$0xFA40];
	v11 =	vmul.f32 v33, v61;
	v25 =	vadd.f32 v25, v1;
	v33 =	vadd.f32 v39, v6  }
0xb7: {  	v55 =	vld [tilespmem:s22+$0x60];
	v43 =	vadd.f32 v10, v1;
	v34 =	vmul.f32 v34, v56;
	v36 =	vmul.f32 v36, v56  }
0xb8: {  	v62 =	vld [tilespmem:s22+$0x30];
	v37 =	vmul.f32 v54, v37;
	v41 =	vmul.f32 v41, v54;
	v7 =	vadd.f32 v7, v24  }
0xb9: {  	v35 =	vmul.f32 v35, v52;
	v61 =	vadd.f32 v11, v6;
	v11 =	vld [tilespmem:s22+$0x20];
	v9 =	vadd.f32 v8, v9  }
0xba: {  	v60 =	vld [tilespmem:s22+$0x70];
	v38 =	vadd.f32 v38, v1;
	v34 =	vadd.f32 v34, v1;
	v8 =	vmax.f32 v7, $0.0e+00  }
0xbb: {  	v63 =	vld [tilespmem:s22+$0xFFFFFFE0];
	v36 =	vadd.f32 v36, v6;
	v37 =	vadd.f32 v37, v1;
	[tilespmem:$0x1FE20] =	vst v8;
	v7 =	vmax.f32 v9, $0.0e+00  }
0xbc: {  	v4 =	vld [tilespmem:$0xFA50];
	v41 =	vadd.f32 v41, v6;
	v35 =	vadd.f32 v35, v6;
	[tilespmem:$0x1FE30] =	vst v7  }
0xbd: {  	v13 =	vmul.f32 v13, v53;
	v24 =	vadd.f32 v59, v1;
	v12 =	vadd.f32 v51, v55;
	v50 =	vld [tilespmem:s22+$0xFFFFFFF0]  }
0xbe: {  	v51 =	vadd.f32 v18, v62;
	v11 =	vadd.f32 v17, v11;
	v17 =	vld [tilespmem:s22+$0xFFFFFFA0]  }
0xbf: {  	v0 =	vmul.f32 v49, v22;
	v55 =	vadd.f32 v13, v6;
	v9 =	vadd.f32 v58, v60;
	v57 =	vld [tilespmem:s22+$0xFFFFFFB0]  }
0xc0: {  	v10 =	vmax.f32 v12, $0.0e+00;
	v48 =	vmul.f32 v8, v2;
	v58 =	vadd.f32 v25, v63;
	v25 =	vld [tilespmem:s22+$0xFFFFFF60]  }
0xc1: {  	v18 =	vmul.f32 v10, v2;
	v49 =	vmul.f32 v7, v4;
	v9 =	vmax.f32 v9, $0.0e+00;
	v13 =	vld [tilespmem:s22+$0xFFFFFF30]  }
0xc2: {  	v12 =	vmax.f32 v11, $0.0e+00;
	v11 =	vmax.f32 v51, $0.0e+00;
	v54 =	vld [tilespmem:s22+$0xFFFFFF10];
	v53 =	vmul.f32 v9, v4  }
0xc3: {  	v14 =	vmax.f32 v58, $0.0e+00;
	v58 =	vld [tilespmem:s22+$0xFFFFFF40];
	v59 =	vmul.f32 v12, v2;
	v60 =	vmul.f32 v11, v4  }
0xc4: {  	v32 =	vadd.f32 v49, v48;
	v49 =	vld [tilespmem:s22+$0xFFFFFF00];
	v39 =	vadd.f32 v53, v18  }
0xc5: {  	v40 =	vadd.f32 v60, v59;
	v18 =	vadd.f32 v61, v50  }
0xc6: {  	v61 =	vld [tilespmem:s22+$0xFFFFFF70];
	v17 =	vadd.f32 v24, v17;
	v33 =	vadd.f32 v33, v57  }
0xc7: {  	v30 =	vmul.f32 v30, v5;
	v24 =	vld [tilespmem:s22+$0xFFFFFF20];
	v25 =	vadd.f32 v43, v25;
	v36 =	vadd.f32 v36, v13  }
0xc8: {  	v62 =	vmul.f32 v14, v2;
	v60 =	vadd.f32 v41, v54;
	v38 =	vadd.f32 v38, v58  }
0xc9: {  	v43 =	vadd.f32 v37, v49;
	v8 =	vmax.f32 v18, $0.0e+00;
	v18 =	vmax.f32 v17, $0.0e+00  }
0xca: {  	v17 =	vmax.f32 v33, $0.0e+00;
	v25 =	vmax.f32 v25, $0.0e+00;
	v37 =	vmax.f32 v36, $0.0e+00  }
0xcb: {  	(xrf2) =	vadd.scan.msk.f32 $0xffff, v32;
	v32 =	vmax.f32 v60, $0.0e+00;
	v63 =	vmul.f32 v8, v4;
	v50 =	vadd.f32 v55, v61  }
0xcc: {  	v59 =	vld [tilespmem:s22+$0xFFFFFF50];
	v51 =	vmul.f32 v18, v2;
	v53 =	vmul.f32 v17, v4;
	v34 =	vadd.f32 v34, v24  }
0xcd: {  	v56 =	vmul.f32 v25, v2;
	v13 =	vmax.f32 v43, $0.0e+00;
	v24 =	vmax.f32 v50, $0.0e+00  }
0xce: {  	(xrf2) =	vadd.scan.msk.f32 $0xffff, v39;
	v33 =	vadd.f32 v63, v62;
	v34 =	vmax.f32 v34, $0.0e+00;
	v57 =	vmul.f32 v24, v4  }
0xcf: {  	(xrf2) =	vadd.scan.msk.f32 $0xffff, v40;
	v55 =	vadd.f32 v53, v51;
	v62 =	vmul.f32 v37, v4;
	v61 =	vmul.f32 v34, v2  }
0xd0: {  	v52 =	vmul.f32 v32, v4;
	v51 =	vmul.f32 v13, v2;
	v53 =	vld [tilespmem:s22+$0xFFFFFF90];
	(xrf2) =	vadd.scan.msk.f32 $0xffff, v33;
	v45 =	vadd.f32 v57, v56  }
0xd1: {  	v23 =	vmul.f32 v23, v26;
	v35 =	vadd.f32 v35, v59;
	v50 =	vld [tilespmem:s22+$0xFFFFFF80];
	(xrf2) =	vadd.scan.msk.f32 $0xffff, v55;
	v41 =	vadd.f32 v62, v61  }
0xd2: {  	v21 =	vmul.f32 v21, v26;
	v63 =	vmul.f32 v3, v5;
	v33 =	vadd.f32 v52, v51;
	v57 =	vld [tilespmem:s22+$0xFFFFFFD0];
	(xrf2) =	vadd.scan.msk.f32 $0xffff, v45  }
0xd3: {  	v30 =	vadd.f32 v30, v6;
	v39 =	vmax.f32 v35, $0.0e+00;
	v55 =	vld [tilespmem:s22+$0xFFFFFFC0];
	v45 =	vmax.f32 v38, $0.0e+00;
	(xrf2) =	vadd.scan.msk.f32 $0xffff, v41  }
0xd4: {  	v26 =	vld [tilespmem:s22+$0xE0];
	v54 =	vadd.f32 v63, v1;
	v56 =	vmul.f32 v39, v4;
	v38 =	vmul.f32 v45, v2;
	(xrf2) =	vadd.scan.msk.f32 $0xffff, v33  }
0xd5: {  	v23 =	vadd.f32 v23, v1;
	v21 =	vadd.f32 v21, v6;
	v3 =	vld [tilespmem:$0xFA20]  }
0xd6: {  	v58 =	vadd.f32 v54, v50;
	v33 =	vld [tilespmem:s22+$0x0];
	v41 =	vadd.f32 v56, v38  }
0xd7: {  	v19 =	vmul.f32 v19, v22;
	v22 =	vld [tilespmem:s22+$0xC0];
	v59 =	vadd.f32 v30, v53;
	v30, _, _ =	vpop (xrf2);
	v21 =	vadd.f32 v21, v57  }
0xd8: {  	v0 =	vadd.f32 v0, v1;
	v5 =	vld [tilespmem:$0xFA30];
	v48, _, _ =	vpop (xrf2);
	v23 =	vadd.f32 v23, v55;
	v43 =	vmax.f32 v58, $0.0e+00  }
0xd9: {  	v63 =	vld [tilespmem:s22+$0x80];
	v49, _, _ =	vpop (xrf2);
	v38 =	vmax.f32 v59, $0.0e+00;
	v60 =	vmul.f32 v43, v2;
	v40 =	vmax.f32 v21, $0.0e+00  }
0xda: {  	v62 =	vld [tilespmem:s22+$0x10];
	v56 =	vadd.f32 v29, v26;
	v61 =	vmul.f32 v38, v4;
	(xrf2) =	vadd.scan.msk.f32 $0xffff, v41;
	v26 =	vmul.f32 v40, v4;
	v41, _, _ =	vpop (xrf2)  }
0xdb: {  	v42 =	vmul.f32 v13, v3;
	v13 =	vld [tilespmem:s22+$0x40];
	v46 =	vmax.f32 v23, $0.0e+00;
	v0 =	vadd.f32 v0, v33;
	v55, _, _ =	vpop (xrf2)  }
0xdc: {  	s23 =	simm.s32 $0x800;
	v23 =	vld [tilespmem:s22+$0x50];
	v21 =	vmul.f32 v46, v2;
	v36 =	vadd.f32 v61, v60;
	v54, _, _ =	vpop (xrf2)  }
0xdd: {  	v19 =	vadd.f32 v19, v6;
	v57 =	vadd.f32 v28, v22;
	v50 =	vmax.f32 v0, $0.0e+00;
	v0 =	vld [tilespmem:s23+$0xE0];
	v22, _, _ =	vpop (xrf2)  }
0xde: {  	v21 =	vadd.f32 v26, v21;
	(xrf2) =	vadd.scan.msk.f32 $0xffff, v36;
	v26, _, _ =	vpop (xrf2)  }
0xdf: {  	v44 =	vadd.f32 v44, v1;
	v19 =	vadd.f32 v19, v62;
	v26 =	vbroadcast v26, $0xF  }
0xe0: {  	v31 =	vadd.f32 v31, v6;
	v58 =	vmul.f32 v32, v5;
	v32 =	vadd.f32 v27, v63;
	v28 =	vld [tilespmem:s22+$0x90]  }
0xe1: {  	v59 =	vmul.f32 v34, v3;
	v29 =	vmax.f32 v19, $0.0e+00;
	v60 =	vld [tilespmem:s22+$0xF0];
	v26 =	vnsel vm0, $0x0, v26  }
0xe2: {  	s20 =	simm.s32 $0x5800;
	v27 =	vmul.f32 v29, v4;
	v61 =	vadd.f32 v44, v13;
	v31 =	vadd.f32 v31, v23;
	v36 =	vld [tilespmem:s22+$0xD0];
	[tilespmem:$0x1FE40] =	vst v0  }
0xe3: {  	v62 =	vbroadcast v22, $0xF;
	v0 =	vmul.f32 v50, v2;
	v13 =	vld [tilespmem:s20+$0xE0]  }
0xe4: {  	v52 =	vmax.f32 v61, $0.0e+00;
	v53 =	vmax.f32 v31, $0.0e+00;
	(xrf2) =	vadd.scan.msk.f32 $0xffff, v21;
	v22 =	vld [tilespmem:s23+$0xF0];
	v63 =	vadd.f32 $0.0e+00, v26;
	v26, _, _ =	vpop (xrf2)  }
0xe5: {  	v21 =	vld [tilespmem:s20+$0xF0];
	v0 =	vadd.f32 v27, v0;
	v27 =	vnsel vm1, $0x0, v62;
	v44 =	vbroadcast v26, $0xF  }
0xe6: {  	v47 =	vmul.f32 v52, v2;
	v51 =	vmul.f32 v53, v4;
	v23 =	vld [tilespmem:s23+$0xC0];
	v31 =	vadd.f32 v27, v63  }
0xe7: {  	v20 =	vadd.f32 v20, v28;
	v54 =	vbroadcast v54, $0xF;
	v28 =	vld [tilespmem:s23+$0xD0];
	(xrf2) =	vadd.scan.msk.f32 $0xffff, v0;
	v0 =	vnsel vm2, $0x0, v44  }
0xe8: {  	v34 =	vadd.f32 v51, v47;
	v51 =	vmax.f32 v32, $0.0e+00;
	v32 =	vld [tilespmem:s23+$0xA0];
	v61, _, _ =	vpop (xrf2);
	v0 =	vadd.f32 v0, v31  }
0xe9: {  	v58 =	vadd.f32 v58, v42;
	v33 =	vnsel vm3, $0x0, v54;
	v35 =	vld [tilespmem:s23+$0x80];
	v62 =	vbroadcast v61, $0xF  }
0xea: {  	v39 =	vmul.f32 v39, v5;
	v36 =	vadd.f32 v16, v36;
	v16 =	vld [tilespmem:s23+$0x90];
	v0 =	vadd.f32 v33, v0  }
0xeb: {  	v54 =	vmax.f32 v20, $0.0e+00;
	v42 =	vld [tilespmem:s23+$0x70];
	v61 =	vbroadcast v55, $0xF;
	v47 =	vnsel vm4, $0x0, v62  }
0xec: {  	v20 =	vmul.f32 v51, v2;
	v19 =	vld [tilespmem:s20+$0x30];
	v63 =	vmul.f32 v54, v4;
	(xrf2) =	vadd.scan.msk.f32 $0xffff, v34;
	v0 =	vadd.f32 v47, v0  }
0xed: {  	v25 =	vmul.f32 v25, v3;
	v18 =	vmul.f32 v18, v3;
	v27 =	vld [tilespmem:s20+$0xC0];
	v55 =	vnsel vm5, $0x0, v61  }
0xee: {  	v41 =	vbroadcast v41, $0xF;
	v26 =	vld [tilespmem:s20+$0xD0];
	v20 =	vadd.f32 v63, v20;
	v62, _, _ =	vpop (xrf2);
	v0 =	vadd.f32 v55, v0  }
0xef: {  	v34 =	vld [tilespmem:s20+$0xB0];
	v44 =	vmax.f32 v57, $0.0e+00;
	v57 =	vbroadcast v62, $0xF;
	v47 =	vmax.f32 v36, $0.0e+00  }
0xf0: {  	v31 =	vld [tilespmem:s23+$0xB0];
	(xrf2) =	vadd.scan.msk.f32 $0xffff, v20;
	v61 =	vmul.f32 v47, v4;
	v55 =	vmul.f32 v44, v2  }
0xf1: {  	v56 =	vmax.f32 v56, $0.0e+00;
	v33 =	vld [tilespmem:s20+$0xA0];
	v20 =	vnsel vm6, $0x0, v57;
	v57 =	vadd.f32 v15, v60  }
0xf2: {  	v41 =	vnsel vm7, $0x0, v41;
	v36 =	vld [tilespmem:s20+$0x80];
	v20 =	vadd.f32 v20, v0;
	v55 =	vadd.f32 v61, v55;
	v0, _, _ =	vpop (xrf2)  }
0xf3: {  	v60 =	vmul.f32 v37, v5;
	v37 =	vld [tilespmem:s20+$0x90];
	v57 =	vmax.f32 v57, $0.0e+00;
	v61 =	vbroadcast v0, $0xF  }
0xf4: {  	v62 =	vmul.f32 v56, v2;
	v15 =	vld [tilespmem:s23+$0x60];
	v20 =	vadd.f32 v41, v20;
	(xrf2) =	vadd.scan.msk.f32 $0xffff, v55;
	v55 =	vmul.f32 v57, v4  }
0xf5: {  	v17 =	vmul.f32 v17, v5;
	v63 =	vbroadcast v49, $0xF;
	v41 =	vld [tilespmem:s20+$0x60];
	v61 =	vnsel vm8, $0x0, v61  }
0xf6: {  	v0 =	vmul.f32 v45, v3;
	v49, _, _ =	vpop (xrf2);
	v45 =	vld [tilespmem:s20+$0x70];
	v20 =	vadd.f32 v61, v20;
	v61 =	vadd.f32 v55, v62  }
0xf7: {  	v59 =	vadd.f32 v60, v59;
	v60 =	vbroadcast v49, $0xF;
	v49 =	vld [tilespmem:s23+$0x40];
	v62 =	vnsel vm9, $0x0, v63  }
0xf8: {  	v14 =	vmul.f32 v14, v3;
	v48 =	vbroadcast v48, $0xF;
	v55 =	vld [tilespmem:s20+$0x40];
	v20 =	vadd.f32 v62, v20;
	(xrf2) =	vadd.scan.msk.f32 $0xffff, v61  }
0xf9: {  	v30 =	vbroadcast v30, $0xF;
	v60 =	vnsel vm10, $0x0, v60;
	v61 =	vmul.f32 v24, v5;
	v24 =	vld [tilespmem:s23+$0x50]  }
0xfa: {  	v48 =	vnsel vm11, $0x0, v48;
	v40 =	vmul.f32 v40, v5;
	v63, _, _ =	vpop (xrf2);
	(xrf2) =	vadd.scan.msk.f32 $0xffff, v58;
	v58 =	vld [tilespmem:s20+$0x50];
	v20 =	vadd.f32 v60, v20  }
0xfb: {  	v0 =	vadd.f32 v39, v0;
	v39 =	vmul.f32 v43, v3;
	v43 =	vbroadcast v63, $0xF;
	v60 =	vld [tilespmem:s23+$0x20]  }
0xfc: {  	v62 =	vmul.f32 v46, v3;
	v25 =	vadd.f32 v61, v25;
	(xrf2) =	vadd.scan.msk.f32 $0xffff, v59;
	v59 =	vld [tilespmem:s20+$0x20];
	v20 =	vadd.f32 v48, v20  }
0xfd: {  	v18 =	vadd.f32 v17, v18;
	v38 =	vmul.f32 v38, v5;
	v43 =	vnsel vm12, $0x0, v43;
	(xrf2) =	vadd.scan.msk.f32 $0xffff, v0;
	v0 =	vld [tilespmem:s20+$0x0]  }
0xfe: {  	v7 =	vadd.f32 v40, v62;
	v48 =	vld [tilespmem:s23+$0x30];
	v63, _, _ =	vpop (xrf2);
	(xrf2) =	vadd.scan.msk.f32 $0xffff, v25;
	v25 =	vmul.f32 v8, v5;
	v20 =	vadd.f32 v43, v20  }
0xff: {  	v30 =	vnsel vm13, $0x0, v30;
	v38 =	vadd.f32 v38, v39;
	v17 =	vbroadcast v63, $0xF;
	v43 =	vld [tilespmem:s23+$0x0]  }
0x100: {  	v20 =	vadd.f32 v30, v20;
	v30 =	vmul.f32 v50, v3;
	v50 =	vld [tilespmem:s23+$0x10];
	[tilespmem:$0x1FE50] =	vst v7;
	v7 =	vadd.f32 v25, v14  }
0x101: {  	v17 =	vnsel vm14, $0x0, v17  }
0x102: {  	(xrf2) =	vadd.scan.msk.f32 $0xffff, v38;
	v38 =	vld [tilespmem:s20+$0x10];
	v20 =	vadd.f32 v17, v20;
	v46, _, _ =	vpop (xrf2);
	[tilespmem:$0x1FE60] =	vst v7  }
0x103: {  	v29 =	vmul.f32 v29, v5;
	v61 =	vld [tilespmem:s23+$0xFFFFFFE0];
	v62 =	vsel vm15, $0x0, v46  }
0x104: {  	v25 =	vmul.f32 v52, v3;
	v52 =	vld [tilespmem:s20+$0xFFFFFFE0];
	v7 =	vadd.f32 v62, v20  }
0x105: {  	(xrf2) =	vadd.scan.msk.f32 $0xffff, v18;
	v18 =	vadd.f32 v29, v30;
	v29 =	vmul.f32 v53, v5;
	v53 =	vld [tilespmem:s23+$0xFFFFFFF0]  }
0x106: {  	[tilespmem:$0x1FFE0] =	vst v7;
	v7 =	vld [tilespmem:$0x1FE20]  }
0x107: {  	v11 =	vmul.f32 v11, v5;
	v63, _, _ =	vpop (xrf2)  }
0x108: {  	v30 =	vbroadcast v63, $0xF  }
0x109: {  	v12 =	vmul.f32 v12, v3  }
0x10a: {  	v17 =	vadd.f32 v29, v25;
	v25 =	vnsel vm0, $0x0, v30  }
0x10b: {  	v10 =	vmul.f32 v10, v3;
	v20 =	vadd.f32 v11, v12;
	v11, _, _ =	vpop (xrf2);
	v8 =	vmul.f32 v7, v3;
	v7 =	vld [tilespmem:$0x1FE30]  }
0x10c: {  	s19 =	simm.s32 $0x10;
	v11 =	vbroadcast v11, $0xF  }
0x10d: {  	v9 =	vmul.f32 v9, v5;
	v46 =	vmul.f32 v54, v5;
	v12 =	vadd.f32 $0.0e+00, v25;
	v40 =	vld [tilespmem:s19+$0xA500];
	v25, _, _ =	vpop (xrf2)  }
0x10e: {  	v11 =	vnsel vm1, $0x0, v11;
	v62 =	vld [tilespmem:s19+$0xA780];
	v14 =	vbroadcast v25, $0xF  }
0x10f: {  	v30 =	vmul.f32 v51, v3;
	v25 =	vadd.f32 v9, v10;
	v9 =	vadd.f32 v11, v12;
	v10, _, _ =	vpop (xrf2)  }
0x110: {  	v63 =	vld [tilespmem:s20+$0xFFFFFFF0];
	v10 =	vbroadcast v10, $0xF;
	v54 =	vnsel vm2, $0x0, v14;
	v39 =	vmul.f32 v7, v5  }
0x111: {  	v29 =	vld [tilespmem:s23+$0xFFFFFFC0];
	v51 =	vadd.f32 v46, v30;
	v46, _, _ =	vpop (xrf2);
	v9 =	vadd.f32 v54, v9  }
0x112: {  	v11 =	vld [tilespmem:s20+$0xFFFFFFC0];
	v30 =	vadd.f32 v39, v8;
	v8 =	vnsel vm3, $0x0, v10;
	v10 =	vbroadcast v46, $0xF  }
0x113: {  	v47 =	vmul.f32 v47, v5;
	v12 =	vld [tilespmem:s23+$0xFFFFFFD0];
	v39 =	vadd.f32 v62, v40;
	v62, _, _ =	vpop (xrf2);
	v8 =	vadd.f32 v8, v9  }
0x114: {  	v54 =	vld [tilespmem:s23+$0xFFFFFFA0];
	v9 =	vmul.f32 v44, v3;
	v14 =	vbroadcast v62, $0xF;
	v10 =	vnsel vm4, $0x0, v10  }
0x115: {  	v7 =	vld [tilespmem:s20+$0xFFFFFFD0];
	v8 =	vadd.f32 v10, v8;
	v10 =	vmul.f32 v56, v3  }
0x116: {  	v40 =	vld [tilespmem:s23+$0xFFFFFFB0];
	v56 =	vadd.f32 v47, v9;
	v9 =	vnsel vm5, $0x0, v14;
	v14 =	vmax.f32 v39, $1.000000000e+00  }
0x117: {  	v21 =	vadd.f32 v21, v22;
	v46 =	vld [tilespmem:s20+$0xFFFFFFB0];
	(erf) = vrcp.f32 v14  }
0x118: {  	v23 =	vadd.f32 v27, v23;
	v44 =	vld [tilespmem:s20+$0xFFFFFFA0];
	v8 =	vadd.f32 v9, v8  }
0x119: {  	v26 =	vadd.f32 v26, v28;
	v28 =	vadd.f32 v33, v32;
	v39 =	vld [tilespmem:s23+$0xFFFFFF80]  }
0x11a: {  	v32 =	vadd.f32 v34, v31;
	v35 =	vadd.f32 v36, v35;
	[tilespmem:$0x1FE90] =	vst v8;
	v8 =	vld [tilespmem:$0x1FE40]  }
0x11b: {  	v16 =	vadd.f32 v37, v16;
	v15 =	vadd.f32 v41, v15;
	v9 =	vld [tilespmem:s20+$0xFFFFFF80]  }
0x11c: {  	v41 =	vadd.f32 v45, v42;
	v45 =	vadd.f32 v55, v49;
	v22 =	vld [tilespmem:s20+$0xFFFFFF90]  }
0x11d: {  	v24 =	vadd.f32 v58, v24;
	v55 =	vadd.f32 v59, v60;
	v36 =	vld [tilespmem:s23+$0xFFFFFF70]  }
0x11e: {  	v58 =	vadd.f32 v0, v43;
	v31 =	vadd.f32 v38, v50;
	v42 =	vld [tilespmem:s20+$0xFFFFFF70]  }
0x11f: {  	v57 =	vmul.f32 v57, v5;
	v50 =	vadd.f32 v52, v61;
	v52 =	vadd.f32 v63, v53;
	v49 =	vld [tilespmem:s23+$0xFFFFFF40]  }
0x120: {  	v37 =	vadd.f32 v11, v29;
	v14 =	vadd.f32 v19, v48;
	v48 =	vld [tilespmem:s20+$0xFFFFFF40];
	v53 =	vpop (erf)  }
0x121: {  	v33 =	vadd.f32 v7, v12;
	v57 =	vadd.f32 v57, v10;
	v60 =	vld [tilespmem:s23+$0xFFFFFF20];
	v11 =	vbroadcast v53, $0xE  }
0x122: {  	v40 =	vadd.f32 v46, v40;
	v61 =	vld [tilespmem:s20+$0xFFFFFF20];
	v29 =	vbroadcast v53, $0xF;
	v7 =	vbroadcast v53, $0xC  }
0x123: {  	v54 =	vadd.f32 v44, v54;
	v27 =	vld [tilespmem:s23+$0xFFFFFF60];
	v12 =	vbroadcast v53, $0xD;
	v63 =	vbroadcast v53, $0xA  }
0x124: {  	v47 =	vld [tilespmem:s20+$0xFFFFFF60];
	v10 =	vadd.f32 v13, v8;
	v0 =	vbroadcast v53, $0xB;
	v34 =	vbroadcast v53, $0x8  }
0x125: {  	v43 =	vld [tilespmem:s23+$0xFFFFFF50];
	v36 =	vadd.f32 v42, v36;
	v44 =	vbroadcast v53, $0x9;
	v38 =	vbroadcast v53, $0x6  }
0x126: {  	v59 =	vld [tilespmem:s20+$0xFFFFFF50];
	v48 =	vadd.f32 v48, v49;
	v46 =	vbroadcast v53, $0x4;
	v49 =	vbroadcast v53, $0x5  }
0x127: {  	v13 =	vld [tilespmem:s23+$0xFFFFFF90];
	v60 =	vadd.f32 v61, v60;
	v42 =	vbroadcast v53, $0x2;
	v61 =	vbroadcast v53, $0x3  }
0x128: {  	v8 =	vld [tilespmem:s23+$0xFFFFFF30];
	v10 =	vmul.f32 v10, v29;
	v21 =	vmul.f32 v21, v29  }
0x129: {  	v19 =	vadd.f32 v9, v39;
	v9 =	vld [tilespmem:s20+$0xFFFFFF30];
	v23 =	vmul.f32 v23, v11;
	v11 =	vmul.f32 v26, v11  }
0x12a: {  	v39 =	vld [tilespmem:s23+$0xFFFFFF10];
	v28 =	vmul.f32 v28, v12;
	v12 =	vmul.f32 v32, v12  }
0x12b: {  	v27 =	vadd.f32 v47, v27;
	v47 =	vld [tilespmem:s20+$0xFFFFFF10];
	v35 =	vmul.f32 v35, v7;
	v16 =	vmul.f32 v16, v7  }
0x12c: {  	v29 =	vld [tilespmem:s23+$0xFFFFFF00];
	v15 =	vmul.f32 v15, v0;
	v41 =	vmul.f32 v41, v0  }
0x12d: {  	v59 =	vadd.f32 v59, v43;
	v26 =	vld [tilespmem:s20+$0xFFFFFF00];
	v0 =	vmul.f32 v24, v63;
	v54 =	vmul.f32 v54, v49  }
0x12e: {  	v40 =	vmul.f32 v40, v49;
	v27 =	vmul.f32 v27, v61;
	v13 =	vadd.f32 v22, v13  }
0x12f: {  	s24 =	simm.s32 $0xAD00;
	v22 =	vbroadcast v53, $0x7;
	v8 =	vadd.f32 v9, v8;
	v9 =	vbroadcast v53, $0x0  }
0x130: {  	v62 =	vld [tilespmem:s24+$0xA0];
	v39 =	vadd.f32 v47, v39;
	v7 =	vadd.f32 v10, v1;
	v10 =	vmul.f32 v14, v44  }
0x131: {  	v47 =	vmul.f32 v45, v63;
	v24 =	vadd.f32 v21, v6;
	v43 =	vadd.f32 v23, v1  }
0x132: {  	v63 =	vmul.f32 v55, v44;
	v44 =	vadd.f32 v10, v6;
	v10 =	vld [tilespmem:s24+$0x70];
	v29 =	vadd.f32 v26, v29  }
0x133: {  	v53 =	vbroadcast v53, $0x1;
	v26 =	vadd.f32 v11, v6;
	v11 =	vadd.f32 v28, v1  }
0x134: {  	v12 =	vadd.f32 v12, v6;
	v21 =	vld [tilespmem:s24+$0xB0];
	v32 =	vadd.f32 v16, v6;
	v23 =	vmul.f32 v50, v22  }
0x135: {  	v16 =	vmul.f32 v52, v22;
	v22 =	vld [tilespmem:s24+$0x60];
	v28 =	vadd.f32 v41, v6;
	v11 =	vadd.f32 v11, v62  }
0x136: {  	v45 =	vmul.f32 v58, v34;
	v55 =	vadd.f32 v35, v1;
	v15 =	vadd.f32 v15, v1;
	v50 =	vld [tilespmem:s24+$0xFFFFFFE0]  }
0x137: {  	v58 =	vadd.f32 v63, v1;
	v63 =	vmax.f32 v11, $0.0e+00;
	v11 =	vadd.f32 v28, v10;
	v10 =	vld [tilespmem:$0x1FE50]  }
0x138: {  	v35 =	vadd.f32 v54, v1;
	v8 =	vmul.f32 v8, v53;
	v49 =	vadd.f32 v16, v6;
	v16 =	vld [tilespmem:s24+$0x20]  }
0x139: {  	v48 =	vmul.f32 v48, v42;
	v27 =	vadd.f32 v27, v1;
	v52 =	vld [tilespmem:s24+$0x30];
	v23 =	vadd.f32 v23, v1  }
0x13a: {  	v41 =	vld [tilespmem:s24+$0xFFFFFFA0];
	v8 =	vadd.f32 v8, v6;
	v12 =	vadd.f32 v12, v21;
	v21 =	vmul.f32 v36, v61  }
0x13b: {  	v36 =	vadd.f32 v40, v6;
	v61 =	vmul.f32 v60, v53;
	v15 =	vadd.f32 v15, v22;
	v28 =	vld [tilespmem:s24+$0xFFFFFFF0]  }
0x13c: {  	v23 =	vadd.f32 v23, v50;
	v62 =	vmax.f32 v12, $0.0e+00;
	v21 =	vadd.f32 v21, v6;
	(xrf2) =	vadd.scan.msk.f32 $0xffff, v10;
	v10 =	vld [tilespmem:$0x1FE60]  }
0x13d: {  	v50 =	vld [tilespmem:s24+$0xFFFFFF60];
	v54 =	vmul.f32 v63, v2;
	v22 =	vmul.f32 v62, v4;
	v16 =	vadd.f32 v58, v16  }
0x13e: {  	v14 =	vmax.f32 v15, $0.0e+00;
	v15 =	vadd.f32 v44, v52;
	v52 =	vld [tilespmem:s24+$0xFFFFFFB0];
	v44 =	vadd.f32 v61, v1  }
0x13f: {  	v61 =	vld [tilespmem:s24+$0xFFFFFF70];
	v35 =	vadd.f32 v35, v41;
	v11 =	vmax.f32 v11, $0.0e+00;
	v12 =	vadd.f32 v22, v54  }
0x140: {  	v41 =	vld [tilespmem:s24+$0xFFFFFF20];
	v22 =	vmul.f32 v14, v2;
	v58 =	vmul.f32 v11, v4;
	v15 =	vmax.f32 v15, $0.0e+00  }
0x141: {  	v16 =	vmax.f32 v16, $0.0e+00;
	v60 =	vmul.f32 v15, v4;
	v28 =	vadd.f32 v49, v28;
	(xrf2) =	vadd.scan.msk.f32 $0xffff, v10  }
0x142: {  	v50 =	vadd.f32 v27, v50;
	v54 =	vadd.f32 v58, v22;
	(xrf2) =	vadd.scan.msk.f32 $0xffff, v18;
	v18 =	vmul.f32 v9, v29;
	v29 =	vld [tilespmem:s24+$0xFFFFFF30]  }
0x143: {  	v22 =	vmax.f32 v23, $0.0e+00;
	v23 =	vmax.f32 v28, $0.0e+00;
	v28 =	vadd.f32 v36, v52;
	(xrf2) =	vadd.scan.msk.f32 $0xffff, v20  }
0x144: {  	v27 =	vmax.f32 v35, $0.0e+00;
	v58 =	vmul.f32 v16, v2;
	(xrf2) =	vadd.scan.msk.f32 $0xffff, v17;
	v17 =	vadd.f32 v21, v61  }
0x145: {  	v44 =	vadd.f32 v44, v41;
	v35 =	vmax.f32 v50, $0.0e+00;
	v28 =	vmax.f32 v28, $0.0e+00;
	v20 =	vld [tilespmem:s24+$0xFFFFFF00]  }
0x146: {  	v21 =	vmul.f32 v27, v2;
	v61 =	vmul.f32 v28, v4;
	(xrf2) =	vadd.scan.msk.f32 $0xffff, v25;
	v36 =	vmax.f32 v17, $0.0e+00  }
0x147: {  	v9 =	vmul.f32 v39, v9;
	v25 =	vld [tilespmem:s24+$0xFFFFFF10];
	(xrf2) =	vadd.scan.msk.f32 $0xffff, v51;
	v8 =	vadd.f32 v8, v29;
	v29 =	vmul.f32 v36, v4  }
0x148: {  	v18 =	vadd.f32 v18, v1;
	v17 =	vadd.f32 v61, v21;
	v21 =	vmul.f32 v35, v2;
	(xrf2) =	vadd.scan.msk.f32 $0xffff, v30  }
0x149: {  	v49 =	vadd.f32 v60, v58;
	v9 =	vadd.f32 v9, v6;
	v39 =	vmax.f32 v8, $0.0e+00  }
0x14a: {  	(xrf2) =	vadd.scan.msk.f32 $0xffff, v56;
	v18 =	vadd.f32 v18, v20;
	v56 =	vadd.f32 v29, v21;
	v21 =	vmul.f32 v39, v4  }
0x14b: {  	v52 =	vmul.f32 v22, v2;
	v58 =	vmul.f32 v23, v4;
	v40 =	vmax.f32 v44, $0.0e+00;
	(xrf2) =	vadd.scan.msk.f32 $0xffff, v57;
	v29, _, _ =	vpop (xrf2)  }
0x14c: {  	v8 =	vld [tilespmem:s24+$0xFFFFFF50];
	v57 =	vmul.f32 v40, v2;
	v9 =	vadd.f32 v9, v25;
	v51 =	vmax.f32 v18, $0.0e+00;
	(xrf2) =	vadd.scan.msk.f32 $0xffff, v12;
	v30, _, _ =	vpop (xrf2)  }
0x14d: {  	v53 =	vmul.f32 v59, v42;
	v60 =	vadd.f32 v58, v52;
	v20 =	vld [tilespmem:s24+$0xFFFFFF40];
	v18 =	vmul.f32 v51, v2;
	(xrf2) =	vadd.scan.msk.f32 $0xffff, v54;
	v25, _, _ =	vpop (xrf2)  }
0x14e: {  	v37 =	vmul.f32 v37, v38;
	v9 =	vmax.f32 v9, $0.0e+00;
	v12 =	vadd.f32 v21, v57;
	(xrf2) =	vadd.scan.msk.f32 $0xffff, v49;
	v21, _, _ =	vpop (xrf2)  }
0x14f: {  	v59 =	vmul.f32 v19, v46;
	v41 =	vadd.f32 v53, v6;
	(xrf2) =	vadd.scan.msk.f32 $0xffff, v60;
	v60 =	vmul.f32 v9, v4;
	v19, _, _ =	vpop (xrf2)  }
0x150: {  	v33 =	vmul.f32 v33, v38;
	v31 =	vmul.f32 v31, v34;
	v58 =	vadd.f32 v48, v1;
	v52 =	vld [tilespmem:s24+$0xFFFFFF90];
	v10, _, _ =	vpop (xrf2)  }
0x151: {  	v13 =	vmul.f32 v13, v46;
	v49 =	vld [tilespmem:s24+$0xFFFFFF80];
	v8 =	vadd.f32 v41, v8;
	v41 =	vadd.f32 v60, v18;
	v18, _, _ =	vpop (xrf2)  }
0x152: {  	v53 =	vadd.f32 v47, v1;
	(xrf2) =	vadd.scan.msk.f32 $0xffff, v17;
	v17 =	vadd.f32 v58, v20;
	[tilespmem:$0x1FEC0] =	vst v10;
	v10, _, _ =	vpop (xrf2)  }
0x153: {  	(xrf2) =	vadd.scan.msk.f32 $0xffff, v56;
	v44 =	vmax.f32 v8, $0.0e+00;
	v8 =	vadd.f32 v13, v6;
	v46 =	vld [tilespmem:s24+$0xFFFFFFC0];
	[tilespmem:$0x1FED0] =	vst v10  }
0x154: {  	v61 =	vadd.f32 v59, v1;
	v57 =	vadd.f32 v0, v6;
	(xrf2) =	vadd.scan.msk.f32 $0xffff, v12;
	v47 =	vmax.f32 v17, $0.0e+00;
	v0, _, _ =	vpop (xrf2);
	v60 =	vld [tilespmem:s24+$0xFFFFFFD0]  }
0x155: {  	v13 =	vmul.f32 v44, v4;
	v48 =	vmul.f32 v47, v2;
	v8 =	vadd.f32 v8, v52;
	[tilespmem:$0x1FF10] =	vst v0;
	v0, _, _ =	vpop (xrf2)  }
0x156: {  	v37 =	vadd.f32 v37, v1;
	(xrf2) =	vadd.scan.msk.f32 $0xffff, v41;
	v61 =	vadd.f32 v61, v49;
	v12 =	vld [tilespmem:s24+$0xE0];
	[tilespmem:$0x1FF30] =	vst v0  }
0x157: {  	v13 =	vadd.f32 v13, v48;
	v48 =	vmax.f32 v8, $0.0e+00;
	v8 =	vadd.f32 v33, v6;
	v34 =	vld [tilespmem:s24+$0xC0]  }
0x158: {  	v33 =	vld [tilespmem:s24+$0x0]  }
0x159: {  	v49 =	vmax.f32 v61, $0.0e+00;
	v10, _, _ =	vpop (xrf2);
	v52 =	vld [tilespmem:s24+$0x10];
	v37 =	vadd.f32 v37, v46;
	v8 =	vadd.f32 v8, v60  }
0x15a: {  	v41 =	vmul.f32 v49, v2;
	v58, _, _ =	vpop (xrf2);
	(xrf2) =	vadd.scan.msk.f32 $0xffff, v13;
	v54 =	vld [tilespmem:s24+$0x80]  }
0x15b: {  	v59 =	vmul.f32 v48, v4;
	v42, _, _ =	vpop (xrf2);
	v50 =	vmax.f32 v37, $0.0e+00;
	v46 =	vmax.f32 v8, $0.0e+00;
	v8 =	vld [tilespmem:s24+$0x40]  }
0x15c: {  	v45 =	vadd.f32 v45, v1;
	v60, _, _ =	vpop (xrf2);
	v7 =	vadd.f32 v7, v12;
	v12 =	vmul.f32 v50, v2  }
0x15d: {  	v31 =	vadd.f32 v31, v6;
	v41 =	vadd.f32 v59, v41;
	v61, _, _ =	vpop (xrf2)  }
0x15e: {  	v37, _, _ =	vpop (xrf2);
	v34 =	vadd.f32 v43, v34;
	v43 =	vld [tilespmem:s24+$0x50];
	v33 =	vadd.f32 v45, v33;
	v13 =	vmul.f32 v46, v4  }
0x15f: {  	(xrf2) =	vadd.scan.msk.f32 $0xffff, v41;
	v41 =	vmul.f32 v51, v3;
	v31 =	vadd.f32 v31, v52;
	v45 =	vadd.f32 v55, v54;
	v51, _, _ =	vpop (xrf2)  }
0x160: {  	v38 =	vadd.f32 v13, v12;
	v12, _, _ =	vpop (xrf2);
	v8 =	vadd.f32 v53, v8  }
0x161: {  	v56 =	vmax.f32 v33, $0.0e+00;
	v54 =	vmax.f32 v31, $0.0e+00;
	v52 =	vbroadcast v12, $0xF  }
0x162: {  	v31 =	vmul.f32 v56, v2;
	v13 =	vmul.f32 v54, v4;
	v53 =	vld [tilespmem:s24+$0x90]  }
0x163: {  	v12 =	vbroadcast v51, $0xF;
	(xrf2) =	vadd.scan.msk.f32 $0xffff, v38;
	v43 =	vadd.f32 v57, v43;
	v59 =	vnsel vm0, $0x0, v52  }
0x164: {  	v31 =	vadd.f32 v13, v31;
	v38 =	vadd.f32 $0.0e+00, v59;
	v51 =	vmax.f32 v8, $0.0e+00;
	v8, _, _ =	vpop (xrf2)  }
0x165: {  	v13 =	vnsel vm1, $0x0, v12;
	v52 =	vmax.f32 v43, $0.0e+00;
	v8 =	vbroadcast v8, $0xF  }
0x166: {  	v55 =	vmul.f32 v51, v2;
	v43 =	vmul.f32 v52, v4;
	v33 =	vadd.f32 v13, v38  }
0x167: {  	s20 =	simm.s32 $0xA00;
	v57 =	vld [tilespmem:s24+$0xD0];
	(xrf2) =	vadd.scan.msk.f32 $0xffff, v31;
	v31 =	vbroadcast v37, $0xF;
	v32 =	vadd.f32 v32, v53;
	v8 =	vnsel vm2, $0x0, v8  }
0x168: {  	v0 =	vld [tilespmem:s20+$0xE0];
	v8 =	vadd.f32 v8, v33;
	v33 =	vadd.f32 v43, v55;
	v55 =	vmax.f32 v45, $0.0e+00  }
0x169: {  	v59, _, _ =	vpop (xrf2);
	v12 =	vmul.f32 v55, v2  }
0x16a: {  	v31 =	vnsel vm3, $0x0, v31;
	v37 =	vbroadcast v59, $0xF;
	v59 =	vmax.f32 v32, $0.0e+00  }
0x16b: {  	v38 =	vld [tilespmem:s24+$0xF0];
	v13 =	vmul.f32 v59, v4;
	v8 =	vadd.f32 v31, v8  }
0x16c: {  	v61 =	vbroadcast v61, $0xF;
	v26 =	vadd.f32 v26, v57;
	v53 =	vnsel vm4, $0x0, v37  }
0x16d: {  	s21 =	simm.s32 $0x5A00;
	[tilespmem:$0x1FF00] =	vst v0;
	(xrf2) =	vadd.scan.msk.f32 $0xffff, v33;
	v43 =	vadd.f32 v13, v12;
	v8 =	vadd.f32 v53, v8;
	v12, _, _ =	vpop (xrf2)  }
0x16e: {  	v0 =	vmul.f32 v39, v5;
	v39 =	vld [tilespmem:s21+$0xD0];
	v37 =	vnsel vm5, $0x0, v61;
	v45 =	vbroadcast v12, $0xF  }
0x16f: {  	v60 =	vbroadcast v60, $0xF;
	v17 =	vld [tilespmem:s20+$0xA0];
	v57 =	vmax.f32 v26, $0.0e+00;
	v8 =	vadd.f32 v37, v8  }
0x170: {  	v32 =	vld [tilespmem:s21+$0xF0];
	v61 =	vadd.f32 v24, v38;
	v53 =	vmax.f32 v34, $0.0e+00;
	v45 =	vnsel vm6, $0x0, v45  }
0x171: {  	v38 =	vld [tilespmem:s20+$0xD0];
	v13 =	vmul.f32 v57, v4;
	v26 =	vmul.f32 v53, v2;
	v8 =	vadd.f32 v45, v8  }
0x172: {  	v31 =	vld [tilespmem:s21+$0xE0];
	v61 =	vmax.f32 v61, $0.0e+00;
	(xrf2) =	vadd.scan.msk.f32 $0xffff, v43;
	v12 =	vnsel vm7, $0x0, v60  }
0x173: {  	v33 =	vld [tilespmem:s20+$0xF0];
	v26 =	vadd.f32 v13, v26;
	v43 =	vadd.f32 v12, v8;
	v12 =	vmul.f32 v61, v4  }
0x174: {  	v9 =	vmul.f32 v9, v5;
	v34 =	vld [tilespmem:s21+$0xC0];
	v60 =	vmax.f32 v7, $0.0e+00;
	v45, _, _ =	vpop (xrf2)  }
0x175: {  	v37 =	vld [tilespmem:s20+$0xC0];
	[tilespmem:$0x1FE70] =	vst v2;
	(xrf2) =	vadd.scan.msk.f32 $0xffff, v26;
	v26 =	vmul.f32 v60, v2;
	v13 =	vbroadcast v45, $0xF  }
0x176: {  	v40 =	vmul.f32 v40, v3;
	v44 =	vmul.f32 v44, v5;
	v9 =	vadd.f32 v9, v41;
	[tilespmem:$0x1FE80] =	vst v4  }
0x177: {  	v41 =	vld [tilespmem:s21+$0xA0];
	v26 =	vadd.f32 v12, v26;
	v7 =	vnsel vm8, $0x0, v13;
	v13 =	vbroadcast v42, $0xF;
	v12, _, _ =	vpop (xrf2)  }
0x178: {  	v24 =	vld [tilespmem:s21+$0x60];
	v7 =	vadd.f32 v7, v43;
	v45 =	vbroadcast v12, $0xF;
	v12 =	vmul.f32 v35, v3  }
0x179: {  	v40 =	vadd.f32 v0, v40;
	v0 =	vmul.f32 v47, v3;
	v20 =	vld [tilespmem:s20+$0x70];
	v13 =	vnsel vm9, $0x0, v13  }
0x17a: {  	v36 =	vmul.f32 v36, v5;
	v42 =	vld [tilespmem:s20+$0xB0];
	v7 =	vadd.f32 v13, v7  }
0x17b: {  	v14 =	vmul.f32 v14, v3;
	v43 =	vld [tilespmem:s21+$0xB0];
	(xrf2) =	vadd.scan.msk.f32 $0xffff, v26;
	v26 =	vadd.f32 v44, v0;
	v0 =	vnsel vm10, $0x0, v45  }
0x17c: {  	v44 =	vld [tilespmem:s20+$0x90];
	v13 =	vbroadcast v58, $0xF;
	v0 =	vadd.f32 v0, v7;
	v7 =	vadd.f32 v36, v12;
	v12, _, _ =	vpop (xrf2)  }
0x17d: {  	v28 =	vmul.f32 v28, v5;
	v35 =	vld [tilespmem:s20+$0x80];
	v47 =	vbroadcast v12, $0xF  }
0x17e: {  	v48 =	vmul.f32 v48, v5;
	v58 =	vld [tilespmem:s21+$0x80];
	v36 =	vmul.f32 v49, v3;
	v13 =	vnsel vm11, $0x0, v13  }
0x17f: {  	v45 =	vld [tilespmem:s21+$0x90];
	v49 =	vadd.f32 v13, v0;
	v0 =	vmul.f32 v27, v3;
	v12 =	vnsel vm12, $0x0, v47  }
0x180: {  	v11 =	vmul.f32 v11, v5;
	(xrf2) =	vadd.scan.msk.f32 $0xffff, v9;
	v27 =	vld [tilespmem:s20+$0x60];
	v9 =	vadd.f32 v48, v36;
	v13 =	vbroadcast v10, $0xF  }
0x181: {  	v56 =	vmul.f32 v56, v3;
	v8 =	vadd.f32 v28, v0;
	v0 =	vld [tilespmem:$0x1FE90];
	v36 =	vadd.f32 v12, v49  }
0x182: {  	v48 =	vmul.f32 v50, v3;
	v13 =	vnsel vm13, $0x0, v13;
	v49 =	vmul.f32 v46, v5;
	v46 =	vld [tilespmem:s21+$0x70];
	v12, _, _ =	vpop (xrf2)  }
0x183: {  	v36 =	vadd.f32 v13, v36;
	v13 =	vmul.f32 v23, v5;
	v23 =	vld [tilespmem:s21+$0x40];
	v47 =	vbroadcast v12, $0xF  }
0x184: {  	(xrf2) =	vadd.scan.msk.f32 $0xffff, v40;
	v48 =	vadd.f32 v49, v48;
	v49 =	vbroadcast v29, $0xF;
	v29 =	vld [tilespmem:s20+$0x50];
	v12 =	vmul.f32 v22, v3  }
0x185: {  	v54 =	vmul.f32 v54, v5;
	v2 =	vadd.f32 v11, v14;
	v22 =	vld [tilespmem:s20+$0x40];
	v47 =	vnsel vm14, $0x0, v47  }
0x186: {  	v59 =	vmul.f32 v59, v5;
	(xrf2) =	vadd.scan.msk.f32 $0xffff, v26;
	v40 =	vadd.f32 v13, v12;
	v13 =	vld [tilespmem:s21+$0x30];
	v26 =	vadd.f32 v47, v36  }
0x187: {  	v36 =	vbroadcast v30, $0xF;
	v30 =	vld [tilespmem:s21+$0x50];
	v47 =	vadd.f32 v54, v56;
	v56, _, _ =	vpop (xrf2);
	(xrf2) =	vadd.scan.msk.f32 $0xffff, v7;
	v7 =	vnsel vm6, $0x0, v49  }
0x188: {  	v54 =	vld [tilespmem:s20+$0x20];
	v50 =	vsel vm15, $0x0, v56;
	v56 =	vadd.f32 v7, v0;
	v7 =	vmul.f32 v55, v3  }
0x189: {  	v49 =	vld [tilespmem:s20+$0x30];
	v4 =	vadd.f32 v50, v26;
	v50 =	vmul.f32 v51, v3;
	v51 =	vmul.f32 v52, v5  }
0x18a: {  	v52 =	vld [tilespmem:s21+$0x20]  }
0x18b: {  	v28 =	vadd.f32 v51, v50;
	v50 =	vld [tilespmem:s20+$0x0];
	[tilespmem:$0x1FF70] =	vst v2;
	v2 =	vadd.f32 v59, v7  }
0x18c: {  	v0, _, _ =	vpop (xrf2)  }
0x18d: {  	(xrf2) =	vadd.scan.msk.f32 $0xffff, v9;
	v0 =	vbroadcast v0, $0xF;
	[tilespmem:$0x1FF80] =	vst v2;
	v2 =	vld [tilespmem:$0x1FEC0]  }
0x18e: {  	v9 =	vbroadcast v25, $0xF;
	v11 =	vnsel vm7, $0x0, v36;
	v55, _, _ =	vpop (xrf2);
	(xrf2) =	vadd.scan.msk.f32 $0xffff, v8;
	v8 =	vmul.f32 v53, v3;
	v12 =	vld [tilespmem:s21+$0x0]  }
0x18f: {  	v53 =	vmul.f32 v57, v5;
	v25 =	vbroadcast v55, $0xF;
	v0 =	vnsel vm0, $0x0, v0;
	v36 =	vld [tilespmem:s20+$0x10]  }
0x190: {  	v55 =	vmul.f32 v62, v5;
	v51 =	vmul.f32 v63, v3;
	v0 =	vadd.f32 $0.0e+00, v0;
	v62 =	vld [tilespmem:s21+$0x10]  }
0x191: {  	v11 =	vadd.f32 v11, v56;
	v25 =	vnsel vm1, $0x0, v25;
	v59, _, _ =	vpop (xrf2);
	v14 =	vld [tilespmem:s20+$0xFFFFFFE0]  }
0x192: {  	v53 =	vadd.f32 v53, v8;
	v0 =	vadd.f32 v25, v0;
	v25 =	vbroadcast v59, $0xF;
	v56 =	vld [tilespmem:s21+$0xFFFFFFE0]  }
0x193: {  	v8 =	vnsel vm8, $0x0, v9;
	v9 =	vbroadcast v21, $0xF;
	v57 =	vadd.f32 v55, v51;
	v55 =	vld [tilespmem:s20+$0xFFFFFFF0]  }
0x194: {  	v8 =	vadd.f32 v8, v11;
	v21 =	vld [tilespmem:s21+$0xFFFFFFF0];
	[tilespmem:$0x1FEA0] =	vst v3;
	v11 =	vnsel vm2, $0x0, v25;
	v25 =	vmul.f32 v61, v5;
	v51, _, _ =	vpop (xrf2)  }
0x195: {  	s4 =	simm.s32 $0x20;
	[tilespmem:$0x1FEB0] =	vst v5;
	v0 =	vadd.f32 v11, v0;
	v11 =	vmul.f32 v60, v3;
	v60 =	vbroadcast v51, $0xF  }
0x196: {  	v19 =	vbroadcast v19, $0xF;
	v59 =	vld [tilespmem:s4+$0xA780]  }
0x197: {  	v9 =	vnsel vm9, $0x0, v9;
	v61 =	vld [tilespmem:s4+$0xA500];
	v51 =	vadd.f32 v25, v11;
	v11 =	vnsel vm3, $0x0, v60  }
0x198: {  	v8 =	vadd.f32 v9, v8  }
0x199: {  	v19 =	vnsel vm10, $0x0, v19;
	v9 =	vbroadcast v2, $0xF  }
0x19a: {  	v8 =	vadd.f32 v19, v8;
	v2 =	vld [tilespmem:$0x1FED0];
	v0 =	vadd.f32 v11, v0;
	v11, _, _ =	vpop (xrf2)  }
0x19b: {  	v15 =	vmul.f32 v15, v5;
	v7 =	vld [tilespmem:s21+$0xFFFFFFC0];
	v9 =	vnsel vm11, $0x0, v9;
	v11 =	vbroadcast v11, $0xF  }
0x19c: {  	v18 =	vbroadcast v18, $0xF;
	v19 =	vld [tilespmem:s20+$0xFFFFFFD0];
	v8 =	vadd.f32 v9, v8;
	v9 =	vadd.f32 v59, v61;
	v59, _, _ =	vpop (xrf2)  }
0x19d: {  	v16 =	vmul.f32 v16, v3;
	(xrf2) =	vadd.scan.msk.f32 $0xffff, v48;
	v48 =	vld [tilespmem:s21+$0xFFFFFFD0];
	v59 =	vbroadcast v59, $0xF;
	v11 =	vnsel vm4, $0x0, v11  }
0x19e: {  	v18 =	vnsel vm12, $0x0, v18;
	v25 =	vld [tilespmem:s20+$0xFFFFFFC0];
	v0 =	vadd.f32 v11, v0  }
0x19f: {  	v10 =	vadd.f32 v15, v16;
	(xrf2) =	vadd.scan.msk.f32 $0xffff, v40;
	v60 =	vld [tilespmem:s20+$0xFFFFFFA0];
	v40 =	vbroadcast v2, $0xF;
	v11 =	vnsel vm5, $0x0, v59  }
0x1a0: {  	v61 =	vld [tilespmem:s21+$0xFFFFFFA0];
	(xrf2) =	vadd.scan.msk.f32 $0xffff, v47;
	v8 =	vadd.f32 v18, v8;
	v0 =	vadd.f32 v11, v0  }
0x1a1: {  	v18 =	vld [tilespmem:s20+$0xFFFFFFB0];
	(xrf2) =	vadd.scan.msk.f32 $0xffff, v10;
	v10 =	vnsel vm13, $0x0, v40  }
0x1a2: {  	v40 =	vld [tilespmem:s21+$0xFFFFFFB0];
	v2 =	vadd.f32 v10, v8;
	[tilespmem:$0x1FEE0] =	vst v0  }
0x1a3: {  	v0 =	vld [tilespmem:s20+$0xFFFFFF80]  }
0x1a4: {  	[tilespmem:$0x1FEF0] =	vst v2;
	v2 =	vld [tilespmem:$0x1FF00];
	_ =	sdelay $0x4  }
0x1a5: {  	v31 =	vadd.f32 v31, v2;
	v2 =	vld [tilespmem:$0x1FF10];
	_ =	sdelay $0x4  }
0x1a6: {  	v8 =	vld [tilespmem:s21+$0xFFFFFF80];
	v10 =	vbroadcast v2, $0xF  }
0x1a7: {  	v32 =	vadd.f32 v32, v33;
	v33 =	vld [tilespmem:s20+$0xFFFFFF90]  }
0x1a8: {  	v37 =	vadd.f32 v34, v37;
	v34 =	vld [tilespmem:s21+$0xFFFFFF90];
	v2 =	vnsel vm14, $0x0, v10  }
0x1a9: {  	[tilespmem:$0x1FF20] =	vst v2;
	v2 =	vld [tilespmem:$0x1FF30];
	_ =	sdelay $0x2  }
0x1aa: {  	v9 =	vmax.f32 v9, $1.000000000e+00  }
0x1ab: {  	(erf) = vrcp.f32 v9  }
0x1ac: {  	v39 =	vadd.f32 v39, v38;
	v38 =	vadd.f32 v8, v0;
	v0 =	vld [tilespmem:$0x1FF70];
	v2 =	vsel vm15, $0x0, v2  }
0x1ad: {  	v17 =	vadd.f32 v41, v17;
	v41 =	vld [tilespmem:s20+$0xFFFFFF60];
	v10, _, _ =	vpop (xrf2);
	[tilespmem:$0x1FF40] =	vst v2  }
0x1ae: {  	v42 =	vadd.f32 v43, v42;
	v26 =	vadd.f32 v58, v35;
	v15 =	vbroadcast v10, $0xF;
	v10, _, _ =	vpop (xrf2);
	v35 =	vld [tilespmem:s21+$0xFFFFFF60]  }
0x1af: {  	v44 =	vadd.f32 v45, v44;
	v16 =	vbroadcast v10, $0xF;
	v10, _, _ =	vpop (xrf2);
	v2 =	vadd.f32 v62, v36;
	v43 =	vld [tilespmem:s20+$0xFFFFFF70]  }
0x1b0: {  	v46 =	vadd.f32 v46, v20;
	v54 =	vadd.f32 v52, v54;
	v52 =	vbroadcast v10, $0xF;
	v10, _, _ =	vpop (xrf2);
	v45 =	vld [tilespmem:s21+$0xFFFFFF70]  }
0x1b1: {  	v63 =	vadd.f32 v24, v27;
	(xrf2) =	vadd.scan.msk.f32 $0xffff, v28;
	v47 =	vld [tilespmem:s20+$0xFFFFFF40];
	[tilespmem:$0x1FF50] =	vst v2;
	v2 =	vbroadcast v10, $0xF  }
0x1b2: {  	v5 =	vadd.f32 v12, v50;
	v3 =	vadd.f32 v56, v14;
	(xrf2) =	vadd.scan.msk.f32 $0xffff, v0;
	v0 =	vld [tilespmem:$0x1FF80]  }
0x1b3: {  	v24 =	vadd.f32 v48, v19;
	v9 =	vadd.f32 v13, v49;
	v20 =	vld [tilespmem:s21+$0xFFFFFF40];
	[tilespmem:$0x1FF60] =	vst v2  }
0x1b4: {  	v59 =	vadd.f32 v30, v29;
	v29 =	vadd.f32 v21, v55;
	v21 =	vpop (erf);
	v49 =	vld [tilespmem:s20+$0xFFFFFF50]  }
0x1b5: {  	v27 =	vadd.f32 v7, v25;
	v50 =	vbroadcast v21, $0xE;
	v55 =	vbroadcast v21, $0xF;
	v56 =	vld [tilespmem:s21+$0xFFFFFF50]  }
0x1b6: {  	v30 =	vadd.f32 v61, v60;
	v19 =	vbroadcast v21, $0xC;
	v60 =	vbroadcast v21, $0xA;
	v7 =	vld [tilespmem:s20+$0xFFFFFF20]  }
0x1b7: {  	v61 =	vbroadcast v21, $0xB;
	v25 =	vbroadcast v21, $0x8;
	v36 =	vadd.f32 v40, v18;
	v18 =	vld [tilespmem:s21+$0xFFFFFF20]  }
0x1b8: {  	v28 =	vbroadcast v21, $0x6;
	v32 =	vmul.f32 v32, v55;
	v13 =	vld [tilespmem:s20+$0xFFFFFF30]  }
0x1b9: {  	v39 =	vmul.f32 v39, v50;
	v26 =	vmul.f32 v26, v19;
	(xrf2) =	vadd.scan.msk.f32 $0xffff, v0;
	v2 =	vnsel vm6, $0x0, v15;
	v12 =	vld [tilespmem:s21+$0xFFFFFF30]  }
0x1ba: {  	v34 =	vadd.f32 v34, v33;
	v33 =	vbroadcast v21, $0x9;
	(xrf2) =	vadd.scan.msk.f32 $0xffff, v57;
	v14 =	vld [tilespmem:s20+$0xFFFFFF00];
	[tilespmem:$0x1FF90] =	vst v2  }
0x1bb: {  	v8 =	vbroadcast v21, $0x7;
	v31 =	vmul.f32 v31, v55;
	(xrf2) =	vadd.scan.msk.f32 $0xffff, v53;
	v15 =	vld [tilespmem:s21+$0xFFFFFF00]  }
0x1bc: {  	v62 =	vbroadcast v21, $0xD;
	(xrf2) =	vadd.scan.msk.f32 $0xffff, v51;
	v2 =	vnsel vm7, $0x0, v16;
	v40 =	vadd.f32 v35, v41;
	v51 =	vld [tilespmem:s20+$0xFFFFFF10]  }
0x1bd: {  	v41 =	vadd.f32 v45, v43;
	v43 =	vadd.f32 v18, v7;
	v18 =	vld [tilespmem:s21+$0xFFFFFF10];
	[tilespmem:$0x1FFA0] =	vst v2;
	v2 =	vnsel vm8, $0x0, v52  }
0x1be: {  	v54 =	vmul.f32 v54, v33;
	v55 =	vmul.f32 v9, v33  }
0x1bf: {  	v22 =	vadd.f32 v23, v22;
	v58 =	vmul.f32 v17, v62;
	v57 =	vmul.f32 v42, v62  }
0x1c0: {  	v33 =	vadd.f32 v26, v1;
	v0 =	vbroadcast v21, $0x5;
	v42 =	vmul.f32 v59, v60;
	[tilespmem:$0x1FFB0] =	vst v2;
	v2, _, _ =	vpop (xrf2)  }
0x1c1: {  	v59 =	vadd.f32 v58, v1;
	v58 =	vadd.f32 v57, v6;
	v57 =	vmul.f32 v3, v8;
	[tilespmem:$0x1FFC0] =	vst v2;
	v2, _, _ =	vpop (xrf2)  }
0x1c2: {  	v35 =	vbroadcast v21, $0x4;
	v45 =	vbroadcast v21, $0x2;
	v48 =	vadd.f32 v20, v47;
	[tilespmem:$0x1FFD0] =	vst v2;
	v2 =	vld [tilespmem:$0x1FFE0]  }
0x1c3: {  	v47 =	vadd.f32 v56, v49;
	v56 =	vmul.f32 v37, v50;
	v7 =	vbroadcast v21, $0x3  }
0x1c4: {  	v31 =	vadd.f32 v31, v1;
	v50 =	vbroadcast v21, $0x0;
	v49 =	vbroadcast v21, $0x1  }
0x1c5: {  	v53 =	vadd.f32 v12, v13;
	v13 =	vmul.f32 v44, v19;
	v37 =	vmul.f32 v46, v61;
	v16, _, _ =	vpop (xrf2)  }
0x1c6: {  	s22 =	simm.s32 $0xAF00;
	v46 =	vmul.f32 v22, v60;
	v21 =	vadd.f32 v32, v6;
	v22 =	vadd.f32 v39, v6;
	v19, _, _ =	vpop (xrf2);
	[tilespmem:s19+$0xFCE0] =	vst v4  }
0x1c7: {  	v44 =	vmul.f32 v63, v61;
	v32 =	vadd.f32 v56, v1;
	v51 =	vadd.f32 v18, v51;
	v56 =	vld [tilespmem:s22+$0xA0];
	v18, _, _ =	vpop (xrf2);
	[tilespmem:s18+$0xFCE0] =	vst v2  }
0x1c8: {  	s23 =	simm.s32 $0xC0;
	v39 =	vmul.f32 v5, v25;
	v52 =	vadd.f32 v15, v14;
	v26 =	vadd.f32 v13, v6;
	v60 =	vld [tilespmem:s22+$0xB0];
	v63, _, _ =	vpop (xrf2);
	[tilespmem:$0x1FFF0] =	vst v1  }
.LBB2_2:
0x1c9: {  	v8 =	vmul.f32 v29, v8  }
0x1ca: {  	v30 =	vmul.f32 v30, v0;
	v0 =	vmul.f32 v36, v0  }
0x1cb: {  	v5 =	vld [tilespmem:$0x1FFF0];
	v40 =	vmul.f32 v40, v7;
	v7 =	vmul.f32 v41, v7  }
0x1cc: {  	v12 =	vld [tilespmem:s22+$0x60];
	v34 =	vmul.f32 v34, v35;
	v37 =	vadd.f32 v37, v6;
	v55 =	vadd.f32 v55, v6  }
0x1cd: {  	v61 =	vld [tilespmem:s22+$0x70];
	v24 =	vmul.f32 v24, v28;
	v42 =	vadd.f32 v42, v6;
	v8 =	vadd.f32 v8, v6  }
0x1ce: {  	v41 =	vld [tilespmem:s22+$0x30];
	v47 =	vmul.f32 v47, v45;
	v0 =	vadd.f32 v0, v6;
	v7 =	vadd.f32 v7, v6  }
0x1cf: {  	[tilespmem:$0x1FE10] =	vst v63;
	v63 =	vld [tilespmem:s22+$0xFFFFFFF0];
	v34 =	vadd.f32 v34, v6;
	v24 =	vadd.f32 v24, v6  }
0x1d0: {  	v1 =	vld [tilespmem:$0x1FE70];
	v62 =	vmul.f32 v48, v45;
	v47 =	vadd.f32 v47, v6;
	v56 =	vadd.f32 v59, v56  }
0x1d1: {  	v3 =	vld [tilespmem:$0x1FE80];
	v27 =	vmul.f32 v27, v28;
	v58 =	vadd.f32 v58, v60;
	v29 =	vadd.f32 v44, v5  }
0x1d2: {  	v36 =	vld [tilespmem:s22+$0x20];
	v43 =	vmul.f32 v43, v49;
	v54 =	vadd.f32 v54, v5;
	v57 =	vadd.f32 v57, v5  }
0x1d3: {  	v52 =	vmul.f32 v50, v52;
	v59 =	vadd.f32 v30, v5;
	v13 =	vadd.f32 v37, v61  }
0x1d4: {  	v60 =	vld [tilespmem:s22+$0xFFFFFFE0];
	v48 =	vadd.f32 v40, v5;
	v8 =	vadd.f32 v8, v63;
	v63 =	vmul.f32 v53, v49  }
0x1d5: {  	v30 =	vmax.f32 v56, $0.0e+00;
	v44 =	vadd.f32 v29, v12;
	v29 =	vmax.f32 v58, $0.0e+00  }
0x1d6: {  	v55 =	vadd.f32 v55, v41;
	v61 =	vld [tilespmem:s22+$0xFFFFFFB0];
	v14 =	vmul.f32 v30, v1;
	v12 =	vmul.f32 v29, v3  }
0x1d7: {  	v40 =	vadd.f32 v54, v36;
	v54 =	vld [tilespmem:s22+$0xFFFFFFA0];
	v36 =	vmax.f32 v13, $0.0e+00;
	v37 =	vmax.f32 v44, $0.0e+00  }
0x1d8: {  	v13 =	vadd.f32 v12, v14;
	v14 =	vmul.f32 v37, v1;
	v12 =	vmul.f32 v36, v3  }
0x1d9: {  	v57 =	vadd.f32 v57, v60;
	v60 =	vld [tilespmem:s22+$0xFFFFFF60];
	v41 =	vmax.f32 v40, $0.0e+00;
	v40 =	vmax.f32 v55, $0.0e+00  }
0x1da: {  	(xrf2) =	vadd.scan.msk.f32 $0xffff, v13;
	v44 =	vadd.f32 v12, v14;
	v13 =	vmul.f32 v41, v1;
	v14 =	vmul.f32 v40, v3  }
0x1db: {  	v58 =	vadd.f32 v43, v5;
	v43 =	vmax.f32 v8, $0.0e+00;
	v0 =	vadd.f32 v0, v61;
	v12 =	vld [tilespmem:s22+$0xFFFFFF70]  }
0x1dc: {  	v54 =	vadd.f32 v59, v54;
	v59 =	vld [tilespmem:s22+$0xFFFFFF20];
	(xrf2) =	vadd.scan.msk.f32 $0xffff, v44;
	v44 =	vmax.f32 v57, $0.0e+00;
	v8 =	vadd.f32 v14, v13  }
0x1dd: {  	v61 =	vld [tilespmem:s22+$0xFFFFFF30];
	v14 =	vmul.f32 v43, v3;
	v57 =	vadd.f32 v63, v6;
	v13 =	vmul.f32 v44, v1  }
0x1de: {  	v60 =	vadd.f32 v48, v60;
	v49 =	vmax.f32 v54, $0.0e+00;
	v48 =	vmax.f32 v0, $0.0e+00;
	(xrf2) =	vadd.scan.msk.f32 $0xffff, v8;
	v8 =	vld [tilespmem:s22+$0xFFFFFF00]  }
0x1df: {  	v2 =	vld [tilespmem:$0x1FF50];
	v53 =	vmul.f32 v49, v1;
	v54 =	vmul.f32 v48, v3;
	v0 =	vadd.f32 v14, v13  }
0x1e0: {  	v7 =	vadd.f32 v7, v12;
	v12 =	vadd.f32 v52, v5;
	v14 =	vld [tilespmem:s22+$0xFFFFFF10];
	v52 =	vmax.f32 v60, $0.0e+00  }
0x1e1: {  	v13 =	vmul.f32 v51, v50;
	v58 =	vadd.f32 v58, v59;
	v60 =	vmul.f32 v52, v1  }
0x1e2: {  	(xrf2) =	vadd.scan.msk.f32 $0xffff, v0;
	v51 =	vmax.f32 v7, $0.0e+00;
	v0 =	vadd.f32 v54, v53;
	v7 =	vadd.f32 v57, v61  }
0x1e3: {  	v56 =	vld [tilespmem:s22+$0xFFFFFF40];
	v61 =	vmul.f32 v51, v3;
	v8 =	vadd.f32 v12, v8;
	v12 =	vadd.f32 v13, v6  }
0x1e4: {  	v27 =	vadd.f32 v27, v5;
	v23 =	vmul.f32 v2, v25;
	v57 =	vmax.f32 v7, $0.0e+00;
	v7 =	vld [tilespmem:s22+$0xFFFFFF50]  }
0x1e5: {  	v4 =	vld [tilespmem:$0x1FEB0];
	v50, _, _ =	vpop (xrf2);
	(xrf2) =	vadd.scan.msk.f32 $0xffff, v0;
	v0 =	vmax.f32 v58, $0.0e+00;
	v53 =	vadd.f32 v61, v60;
	v54 =	vadd.f32 v12, v14  }
0x1e6: {  	v25 =	vld [tilespmem:s22+$0xC0];
	v39 =	vadd.f32 v39, v5;
	v13 =	vmul.f32 v0, v1;
	v14 =	vmul.f32 v57, v3  }
0x1e7: {  	v55 =	vld [tilespmem:s22+$0xFFFFFF80];
	v12 =	vadd.f32 v62, v5;
	v8 =	vmax.f32 v8, $0.0e+00;
	v45, _, _ =	vpop (xrf2);
	(xrf2) =	vadd.scan.msk.f32 $0xffff, v53;
	v53 =	vmax.f32 v54, $0.0e+00  }
0x1e8: {  	v62 =	vld [tilespmem:s22+$0xFFFFFF90];
	v54 =	vadd.f32 v14, v13;
	v13 =	vmul.f32 v8, v1;
	v14 =	vmul.f32 v53, v3  }
0x1e9: {  	v2 =	vld [tilespmem:$0x1FEA0];
	v60 =	vmul.f32 v38, v35;
	v12 =	vadd.f32 v12, v56;
	v47 =	vadd.f32 v47, v7  }
0x1ea: {  	v63 =	vadd.f32 v46, v5;
	v61 =	vld [tilespmem:s22+$0x10];
	v38, _, _ =	vpop (xrf2);
	(xrf2) =	vadd.scan.msk.f32 $0xffff, v54;
	v35 =	vadd.f32 v14, v13  }
0x1eb: {  	v56 =	vld [tilespmem:s22+$0xFFFFFFC0];
	v58 =	vmax.f32 v12, $0.0e+00;
	v13 =	vadd.f32 v60, v5;
	v46 =	vmax.f32 v47, $0.0e+00  }
0x1ec: {  	v23 =	vadd.f32 v23, v6;
	v12 =	vld [tilespmem:s22+$0xFFFFFFD0];
	v47 =	vmul.f32 v58, v1;
	v7, _, _ =	vpop (xrf2);
	v14 =	vmul.f32 v46, v3;
	(xrf2) =	vadd.scan.msk.f32 $0xffff, v35  }
0x1ed: {  	v34 =	vadd.f32 v34, v62;
	v13 =	vadd.f32 v13, v55  }
0x1ee: {  	v28 =	vld [tilespmem:s22+$0xE0];
	v32 =	vadd.f32 v32, v25;
	v14 =	vadd.f32 v14, v47  }
0x1ef: {  	v10 =	vmul.f32 v8, v2;
	v54 =	vmax.f32 v34, $0.0e+00;
	v34 =	vld [tilespmem:s22+$0x0];
	v47 =	vmax.f32 v13, $0.0e+00  }
0x1f0: {  	v8 =	vadd.f32 v27, v56;
	v27 =	vld [tilespmem:s22+$0x80];
	v59 =	vmul.f32 v54, v3;
	v9, _, _ =	vpop (xrf2);
	v35 =	vmul.f32 v47, v1;
	(xrf2) =	vadd.scan.msk.f32 $0xffff, v14  }
0x1f1: {  	v11 =	vmul.f32 v53, v4;
	v23 =	vadd.f32 v23, v61;
	v13 =	vadd.f32 v24, v12  }
0x1f2: {  	v15 =	vmul.f32 v46, v4;
	v56 =	vmax.f32 v8, $0.0e+00;
	v8 =	vld [tilespmem:s22+$0x40];
	v35 =	vadd.f32 v59, v35  }
0x1f3: {  	v12 =	vadd.f32 v31, v28;
	v14 =	vmul.f32 v56, v1;
	v62, _, _ =	vpop (xrf2);
	v53 =	vmax.f32 v13, $0.0e+00  }
0x1f4: {  	v55 =	vld [tilespmem:s22+$0x50];
	v13 =	vmul.f32 v0, v2;
	v31 =	vmul.f32 v53, v3;
	v0 =	vadd.f32 v39, v34;
	v24, _, _ =	vpop (xrf2);
	(xrf2) =	vadd.scan.msk.f32 $0xffff, v35  }
0x1f5: {  	v39 =	vmul.f32 v57, v4;
	v27 =	vadd.f32 v33, v27;
	v57 =	vmax.f32 v23, $0.0e+00;
	v34 =	vld [tilespmem:s22+$0xF0]  }
0x1f6: {  	v23 =	vmul.f32 v57, v3;
	v25 =	vadd.f32 v31, v14;
	v60 =	vmax.f32 v0, $0.0e+00;
	v28, _, _ =	vpop (xrf2)  }
0x1f7: {  	v35 =	vadd.f32 v63, v8;
	v0 =	vmul.f32 v60, v1;
	v28 =	vbroadcast v28, $0xF  }
0x1f8: {  	v31 =	vld [tilespmem:s22+$0x90];
	v63 =	vmax.f32 v32, $0.0e+00;
	v13 =	vadd.f32 v39, v13;
	v24 =	vbroadcast v24, $0xF;
	(xrf2) =	vadd.scan.msk.f32 $0xffff, v25  }
0x1f9: {  	v0 =	vadd.f32 v23, v0;
	v25 =	vnsel vm0, $0x0, v28;
	v28 =	vadd.f32 v42, v55  }
0x1fa: {  	s21 =	sadd.s32 $0x200, s21;
	v23 =	vnsel vm1, $0x0, v24;
	v34 =	vadd.f32 v21, v34;
	v8, _, _ =	vpop (xrf2);
	v25 =	vadd.f32 $0.0e+00, v25  }
0x1fb: {  	v46 =	vld [tilespmem:s21+$0x90];
	v55 =	vmax.f32 v35, $0.0e+00;
	v8 =	vbroadcast v8, $0xF;
	v59 =	vmax.f32 v28, $0.0e+00  }
0x1fc: {  	v42 =	vld [tilespmem:s22+$0xD0];
	(xrf2) =	vadd.scan.msk.f32 $0xffff, v0;
	v14 =	vmul.f32 v55, v1;
	v24 =	vadd.f32 v23, v25;
	v28 =	vmul.f32 v59, v3  }
0x1fd: {  	s20 =	sadd.s32 $0x200, s20;
	v32 =	vld [tilespmem:s21+$0xA0];
	v26 =	vadd.f32 v26, v31;
	v0 =	vnsel vm2, $0x0, v8;
	v8 =	vbroadcast v62, $0xF  }
0x1fe: {  	v61 =	vmax.f32 v27, $0.0e+00;
	v39 =	vld [tilespmem:s20+$0x90];
	v0 =	vadd.f32 v0, v24;
	v28 =	vadd.f32 v28, v14;
	v25, _, _ =	vpop (xrf2)  }
0x1ff: {  	v21 =	vld [tilespmem:s20+$0xA0];
	v62 =	vmax.f32 v26, $0.0e+00;
	v8 =	vnsel vm3, $0x0, v8;
	v27 =	vbroadcast v25, $0xF  }
0x200: {  	v23 =	vld [tilespmem:s20+$0xE0];
	v31 =	vmul.f32 v62, v3;
	v35 =	vadd.f32 v8, v0;
	v8 =	vmul.f32 v61, v1;
	(xrf2) =	vadd.scan.msk.f32 $0xffff, v28  }
0x201: {  	v9 =	vbroadcast v9, $0xF;
	v26 =	vld [tilespmem:s21+$0xF0];
	v28 =	vadd.f32 v22, v42;
	v27 =	vnsel vm4, $0x0, v27  }
0x202: {  	v24 =	vld [tilespmem:s21+$0xE0];
	v42 =	vadd.f32 v27, v35;
	v8 =	vadd.f32 v31, v8;
	v0, _, _ =	vpop (xrf2)  }
0x203: {  	v9 =	vnsel vm5, $0x0, v9;
	v25 =	vld [tilespmem:s20+$0xF0];
	v14 =	vbroadcast v0, $0xF;
	v0 =	vmax.f32 v28, $0.0e+00  }
0x204: {  	v33 =	vmul.f32 v63, v1;
	v22 =	vld [tilespmem:s20+$0xC0];
	v9 =	vadd.f32 v9, v42;
	v35 =	vmul.f32 v0, v3;
	(xrf2) =	vadd.scan.msk.f32 $0xffff, v8  }
0x205: {  	v27 =	vld [tilespmem:s21+$0xC0];
	v42 =	vbroadcast v7, $0xF;
	v14 =	vnsel vm6, $0x0, v14  }
0x206: {  	v31 =	vld [tilespmem:s21+$0xD0];
	v7 =	vmax.f32 v12, $0.0e+00;
	v9 =	vadd.f32 v14, v9;
	v35 =	vadd.f32 v35, v33;
	v8, _, _ =	vpop (xrf2)  }
0x207: {  	v28 =	vld [tilespmem:s20+$0xD0];
	v12 =	vnsel vm7, $0x0, v42;
	v42 =	vbroadcast v8, $0xF;
	v8 =	vmax.f32 v34, $0.0e+00  }
0x208: {  	v1 =	vmul.f32 v7, v1;
	v33 =	vld [tilespmem:s20+$0xB0];
	v9 =	vadd.f32 v12, v9;
	v14 =	vmul.f32 v8, v3;
	(xrf2) =	vadd.scan.msk.f32 $0xffff, v35  }
0x209: {  	v10 =	vadd.f32 v11, v10;
	v34 =	vld [tilespmem:s21+$0xB0];
	v11 =	vnsel vm8, $0x0, v42;
	v42 =	vbroadcast v38, $0xF  }
0x20a: {  	v58 =	vmul.f32 v58, v2;
	v35 =	vld [tilespmem:s20+$0x80];
	v9 =	vadd.f32 v11, v9;
	v11 =	vadd.f32 v14, v1;
	v12, _, _ =	vpop (xrf2)  }
0x20b: {  	v38 =	vld [tilespmem:s21+$0x80];
	v42 =	vnsel vm9, $0x0, v42;
	v3 =	vbroadcast v12, $0xF  }
0x20c: {  	v52 =	vmul.f32 v52, v2;
	v14 =	vbroadcast v45, $0xF;
	v45 =	vld [tilespmem:s21+$0x60];
	v9 =	vadd.f32 v42, v9;
	(xrf2) =	vadd.scan.msk.f32 $0xffff, v11  }
0x20d: {  	v15 =	vadd.f32 v15, v58;
	v11 =	vmul.f32 v51, v4;
	v42 =	vld [tilespmem:s20+$0x60];
	v1 =	vnsel vm10, $0x0, v3  }
0x20e: {  	v51 =	vmul.f32 v47, v2;
	v14 =	vnsel vm11, $0x0, v14;
	v47 =	vld [tilespmem:s20+$0x70];
	v9 =	vadd.f32 v1, v9;
	v58, _, _ =	vpop (xrf2)  }
0x20f: {  	v11 =	vadd.f32 v11, v52;
	(xrf2) =	vadd.scan.msk.f32 $0xffff, v10;
	v52 =	vmul.f32 v49, v2;
	v49 =	vld [tilespmem:s21+$0x70];
	v3 =	vbroadcast v58, $0xF  }
0x210: {  	v10 =	vmul.f32 v54, v4;
	v54 =	vbroadcast v50, $0xF;
	v50 =	vld [tilespmem:s21+$0x40];
	(xrf2) =	vadd.scan.msk.f32 $0xffff, v13;
	v9 =	vadd.f32 v14, v9  }
0x211: {  	v14 =	vmul.f32 v48, v4;
	v48 =	vld [tilespmem:s20+$0x40];
	v1 =	vnsel vm12, $0x0, v3  }
0x212: {  	v56 =	vmul.f32 v56, v2;
	v10 =	vadd.f32 v10, v51;
	v51 =	vld [tilespmem:s20+$0x50];
	v9 =	vadd.f32 v1, v9;
	v58, _, _ =	vpop (xrf2)  }
0x213: {  	v13 =	vadd.f32 v14, v52;
	v14 =	vnsel vm13, $0x0, v54;
	v52 =	vld [tilespmem:s21+$0x20];
	v3 =	vbroadcast v58, $0xF  }
0x214: {  	v58 =	vmul.f32 v53, v4;
	v53 =	vmul.f32 v44, v2;
	v44 =	vld [tilespmem:s21+$0x50];
	v9 =	vadd.f32 v14, v9  }
0x215: {  	v54 =	vmul.f32 v60, v2;
	v1 =	vnsel vm14, $0x0, v3;
	v3 =	vld [tilespmem:$0x1FF90]  }
0x216: {  	(xrf2) =	vadd.scan.msk.f32 $0xffff, v15;
	v14 =	vmul.f32 v43, v4;
	v15 =	vadd.f32 v58, v56;
	v9 =	vadd.f32 v1, v9;
	v60, _, _ =	vpop (xrf2);
	v1 =	vld [tilespmem:$0x1FEE0]  }
0x217: {  	v43 =	vld [tilespmem:s20+$0x20];
	v56 =	vmul.f32 v57, v4;
	v57 =	vmul.f32 v41, v2;
	v12 =	vsel vm15, $0x0, v60  }
0x218: {  	v41 =	vld [tilespmem:s20+$0x30];
	(xrf2) =	vadd.scan.msk.f32 $0xffff, v11;
	v11 =	vmul.f32 v55, v2;
	v60 =	vmul.f32 v59, v4;
	v9 =	vadd.f32 v12, v9  }
0x219: {  	v14 =	vadd.f32 v14, v53;
	v53 =	vld [tilespmem:s20+$0x0];
	v58 =	vadd.f32 v56, v54;
	v54 =	vmul.f32 v40, v4;
	v59, _, _ =	vpop (xrf2)  }
0x21a: {  	v40 =	vld [tilespmem:s21+$0x30];
	[tilespmem:s4+$0xFCE0] =	vst v9;
	v9 =	vadd.f32 v60, v11;
	v60 =	vmul.f32 v61, v2;
	v61 =	vmul.f32 v62, v4;
	v62, _, _ =	vpop (xrf2)  }
0x21b: {  	v20 =	vadd.f32 v3, v1;
	v1 =	vbroadcast v62, $0xF;
	_ =	sdelay $0x1  }
0x21c: {  	v12 =	vadd.f32 v61, v60;
	v61 =	vmul.f32 v63, v2;
	v63 =	vnsel vm1, $0x0, v1;
	v1 =	vld [tilespmem:$0x1FFA0];
	_ =	sdelay $0x4  }
0x21d: {  	v17 =	vadd.f32 v1, v20;
	v1 =	vld [tilespmem:$0x1FFB0];
	_ =	sdelay $0x4  }
0x21e: {  	v17 =	vadd.f32 v1, v17;
	v1 =	vld [tilespmem:$0x1FF60];
	_ =	sdelay $0x2  }
0x21f: {  	v56 =	vmul.f32 v30, v2;
	v60 =	vmul.f32 v29, v4;
	_ =	sdelay $0x1  }
0x220: {  	v56 =	vadd.f32 v60, v56;
	v60 =	vnsel vm9, $0x0, v1;
	v1 =	vld [tilespmem:$0x1FFC0]  }
0x221: {  	(xrf2) =	vadd.scan.msk.f32 $0xffff, v10;
	v55 =	vbroadcast v59, $0xF;
	_ =	sdelay $0x1  }
0x222: {  	(xrf2) =	vadd.scan.msk.f32 $0xffff, v13;
	v10 =	vnsel vm0, $0x0, v55  }
0x223: {  	v10 =	vadd.f32 $0.0e+00, v10;
	v62, _, _ =	vpop (xrf2);
	(xrf2) =	vadd.scan.msk.f32 $0xffff, v15  }
0x224: {  	v20, _, _ =	vpop (xrf2);
	(xrf2) =	vadd.scan.msk.f32 $0xffff, v14;
	v14 =	vadd.f32 v60, v17;
	v17 =	vbroadcast v1, $0xF;
	v1 =	vld [tilespmem:$0x1FFD0]  }
0x225: {  	v10 =	vadd.f32 v63, v10;
	v63 =	vbroadcast v62, $0xF  }
0x226: {  	v7 =	vmul.f32 v7, v2;
	v8 =	vmul.f32 v8, v4;
	v3 =	vld [tilespmem:$0x1FEF0]  }
0x227: {  	v57 =	vadd.f32 v54, v57;
	v54 =	vmul.f32 v37, v2;
	v2 =	vld [tilespmem:$0x1FF20];
	v13 =	vnsel vm2, $0x0, v63  }
0x228: {  	v18 =	vbroadcast v18, $0xF;
	v10 =	vadd.f32 v13, v10;
	v13 =	vbroadcast v20, $0xF  }
0x229: {  	v7 =	vadd.f32 v8, v7;
	v37 =	vld [tilespmem:s21+$0x0];
	v17 =	vnsel vm10, $0x0, v17;
	v20 =	vbroadcast v1, $0xF  }
0x22a: {  	s24 =	sshra.s32 s23, $0x2;
	v11 =	vmul.f32 v36, v4;
	v36 =	vld [tilespmem:s20+$0x10];
	v62, _, _ =	vpop (xrf2);
	v13 =	vnsel vm3, $0x0, v13;
	v14 =	vadd.f32 v17, v14  }
0x22b: {  	v8 =	vld [tilespmem:s24+$0xA500];
	v10 =	vadd.f32 v13, v10;
	v13 =	vbroadcast v62, $0xF;
	v17 =	vnsel vm11, $0x0, v20  }
0x22c: {  	v60 =	vld [tilespmem:s24+$0xA780];
	v14 =	vadd.f32 v17, v14;
	v17 =	vadd.f32 v2, v3;
	v2 =	vnsel vm14, $0x0, v18  }
0x22d: {  	[tilespmem:$0x1FF20] =	vst v2;
	v2 =	vld [tilespmem:$0x1FE10]  }
0x22e: {  	v16 =	vbroadcast v16, $0xF;
	v30 =	vld [tilespmem:s21+$0x10];
	v13 =	vnsel vm4, $0x0, v13;
	v20, _, _ =	vpop (xrf2)  }
0x22f: {  	v55 =	vld [tilespmem:s20+$0xFFFFFFF0];
	v10 =	vadd.f32 v13, v10;
	v13 =	vbroadcast v20, $0xF  }
0x230: {  	v19 =	vbroadcast v19, $0xF;
	v16 =	vnsel vm12, $0x0, v16;
	v0 =	vmul.f32 v0, v4;
	v59 =	vld [tilespmem:s21+$0xFFFFFFF0]  }
0x231: {  	v11 =	vadd.f32 v11, v54;
	v54 =	vld [tilespmem:s20+$0xFFFFFFE0];
	v8 =	vadd.f32 v60, v8;
	v13 =	vnsel vm5, $0x0, v13  }
0x232: {  	v29 =	vld [tilespmem:s21+$0xFFFFFFE0];
	v14 =	vadd.f32 v16, v14;
	v16 =	vsel vm15, $0x0, v2;
	v2 =	vadd.f32 v13, v10  }
0x233: {  	v19 =	vnsel vm13, $0x0, v19;
	v15 =	vld [tilespmem:s20+$0xFFFFFFC0]  }
0x234: {  	v0 =	vadd.f32 v0, v61;
	v61 =	vld [tilespmem:s21+$0xFFFFFFC0];
	v8 =	vmax.f32 v8, $1.000000000e+00;
	[tilespmem:$0x1FEE0] =	vst v2;
	v2 =	vadd.f32 v19, v14  }
0x235: {  	v63 =	vld [tilespmem:s20+$0xFFFFFFD0];
	(erf) = vrcp.f32 v8  }
0x236: {  	[tilespmem:$0x1FEF0] =	vst v2;
	v2 =	vld [tilespmem:$0x1FF40]  }
0x237: {  	(xrf2) =	vadd.scan.msk.f32 $0xffff, v58;
	v58 =	vld [tilespmem:s20+$0xFFFFFFA0]  }
0x238: {  	v62 =	vld [tilespmem:s21+$0xFFFFFFD0]  }
0x239: {  	v39 =	vadd.f32 v46, v39;
	v21 =	vadd.f32 v32, v21;
	v60 =	vld [tilespmem:s20+$0xFFFFFFB0];
	v20, _, _ =	vpop (xrf2)  }
0x23a: {  	v22 =	vadd.f32 v27, v22;
	v32 =	vadd.f32 v34, v33;
	v1 =	vld [tilespmem:s21+$0xFFFFFFA0];
	(xrf2) =	vadd.scan.msk.f32 $0xffff, v57;
	v3 =	vbroadcast v20, $0xF;
	v10, _, _ =	vpop (xrf2)  }
0x23b: {  	v33 =	vadd.f32 v38, v35;
	v18 =	vld [tilespmem:s21+$0xFFFFFFB0];
	v10 =	vbroadcast v10, $0xF;
	v8 =	vadd.f32 v2, v17;
	v2 =	vmovc v16  }
0x23c: {  	v42 =	vadd.f32 v45, v42;
	v46 =	vadd.f32 v49, v47;
	v57 =	vld [tilespmem:s20+$0xFFFFFF80];
	[tilespmem:$0x1FF40] =	vst v2;
	v2 =	vnsel vm6, $0x0, v3  }
0x23d: {  	v27 =	vadd.f32 v61, v15;
	(xrf2) =	vadd.scan.msk.f32 $0xffff, v9;
	v9 =	vld [tilespmem:s20+$0xFFFFFF90];
	[tilespmem:$0x1FF90] =	vst v2;
	v2 =	vnsel vm7, $0x0, v10  }
0x23e: {  	v20 =	vadd.f32 v44, v51;
	v13 =	vld [tilespmem:s21+$0xFFFFFF80];
	[tilespmem:$0x1FFA0] =	vst v2;
	v2 =	vadd.f32 v40, v41;
	v41 =	vpop (erf)  }
0x23f: {  	v14 =	vadd.f32 v24, v23;
	v19 =	vadd.f32 v26, v25;
	v16 =	vld [tilespmem:s21+$0xFFFFFF90];
	[tilespmem:s18+$0xFA60] =	vst v8;
	v15 =	vbroadcast v41, $0xE  }
0x240: {  	(xrf2) =	vadd.scan.msk.f32 $0xffff, v11;
	v26 =	vadd.f32 v31, v28;
	v31 =	vld [tilespmem:s20+$0xFFFFFF60];
	v51 =	vbroadcast v41, $0xF;
	v61 =	vbroadcast v41, $0xD  }
0x241: {  	v23 =	vadd.f32 v52, v43;
	v11 =	vld [tilespmem:s21+$0xFFFFFF60];
	v25 =	vbroadcast v41, $0x8;
	v28 =	vbroadcast v41, $0x6  }
0x242: {  	v24 =	vadd.f32 v62, v63;
	v43 =	vld [tilespmem:s21+$0xFFFFFF40];
	v35 =	vbroadcast v41, $0x4;
	v45 =	vbroadcast v41, $0x2  }
0x243: {  	v17 =	vadd.f32 v50, v48;
	v52 =	vld [tilespmem:s20+$0xFFFFFF20];
	v8, _, _ =	vpop (xrf2);
	(xrf2) =	vadd.scan.msk.f32 $0xffff, v12;
	v50 =	vbroadcast v41, $0x0;
	v49 =	vbroadcast v41, $0x1  }
0x244: {  	v38 =	vadd.f32 v13, v57;
	v62 =	vld [tilespmem:s21+$0xFFFFFF20];
	v4 =	vbroadcast v8, $0xF;
	v8, _, _ =	vpop (xrf2);
	(xrf2) =	vadd.scan.msk.f32 $0xffff, v56;
	v56 =	vbroadcast v41, $0xB  }
0x245: {  	v12 =	vld [tilespmem:s20+$0xFFFFFF40];
	v34 =	vadd.f32 v16, v9;
	v22 =	vmul.f32 v22, v15;
	v15 =	vmul.f32 v26, v15  }
0x246: {  	v13 =	vld [tilespmem:s20+$0xFFFFFF00];
	v3 =	vnsel vm8, $0x0, v4;
	v4 =	vadd.f32 v30, v36;
	v30 =	vadd.f32 v1, v58  }
0x247: {  	v9 =	vld [tilespmem:s21+$0xFFFFFF00];
	v26 =	vmul.f32 v21, v61;
	v36 =	vadd.f32 v18, v60;
	[tilespmem:$0x1FFB0] =	vst v3;
	v3 =	vadd.f32 v37, v53  }
0x248: {  	v10 =	vld [tilespmem:s20+$0xFFFFFF70];
	v57 =	vmul.f32 v32, v61;
	v40 =	vadd.f32 v11, v31;
	v32 =	vadd.f32 v22, v5  }
0x249: {  	v47 =	vld [tilespmem:s21+$0xFFFFFF70];
	v22 =	vadd.f32 v15, v6;
	[tilespmem:$0x1FF50] =	vst v4;
	v4 =	vbroadcast v8, $0xF;
	v8, _, _ =	vpop (xrf2);
	(xrf2) =	vadd.scan.msk.f32 $0xffff, v0  }
0x24a: {  	v44 =	vld [tilespmem:s21+$0xFFFFFF50];
	v1 =	vbroadcast v41, $0xA;
	v58 =	vadd.f32 v57, v6;
	v48 =	vadd.f32 v43, v12;
	v0, _, _ =	vpop (xrf2);
	(xrf2) =	vadd.scan.msk.f32 $0xffff, v7  }
0x24b: {  	v37 =	vld [tilespmem:s20+$0xFFFFFF50];
	v12 =	vmul.f32 v14, v51;
	v14 =	vmul.f32 v19, v51;
	v43 =	vadd.f32 v62, v52  }
0x24c: {  	v63 =	vld [tilespmem:s20+$0xFFFFFF30];
	[tilespmem:$0x1FFC0] =	vst v8;
	v8 =	vbroadcast v41, $0x7;
	v7 =	vbroadcast v41, $0x3;
	v52 =	vadd.f32 v9, v13  }
0x24d: {  	v18 =	vld [tilespmem:s21+$0xFFFFFF30];
	[tilespmem:$0x1FF60] =	vst v4;
	v4 =	vadd.f32 v29, v54;
	v29 =	vadd.f32 v59, v55;
	v54 =	vbroadcast v41, $0xC  }
0x24e: {  	v11 =	vld [tilespmem:s20+$0xFFFFFF10];
	v59 =	vbroadcast v41, $0x9;
	[tilespmem:$0x1FFD0] =	vst v0;
	v0 =	vbroadcast v41, $0x5;
	v41 =	vadd.f32 v47, v10  }
0x24f: {  	p1 =	sne.s32 s23, $0x9C0;
	v10 =	vld [tilespmem:s21+$0xFFFFFF10];
	v31 =	vadd.f32 v12, v5;
	v33 =	vmul.f32 v33, v54;
	v61 =	vmul.f32 v39, v54  }
.Ltmp0:
0x250: {  	v47 =	vadd.f32 v44, v37;
	v44 =	vmul.f32 v42, v56;
	v37 =	vmul.f32 v46, v56;
	(pc) =	sbr.rel @p1 .LBB2_2-.Ltmp0, $4  }
0x251: {  	v21 =	vadd.f32 v14, v6;
	v46 =	vmul.f32 v17, v1;
	v42 =	vmul.f32 v20, v1;
	v16, _, _ =	vpop (xrf2)  }
0x252: {  	s22 =	sadd.s32 $0x200, s22;
	v53 =	vadd.f32 v18, v63;
	v54 =	vmul.f32 v23, v59;
	v55 =	vmul.f32 v2, v59;
	v19, _, _ =	vpop (xrf2)  }
0x253: {  	s23 =	sadd.s32 $0x40, s23;
	v60 =	vld [tilespmem:s22+$0xB0];
	v39 =	vmul.f32 v3, v25;
	v59 =	vadd.f32 v26, v5;
	v33 =	vadd.f32 v33, v5;
	v18, _, _ =	vpop (xrf2)  }
0x254: {  	s18 =	smov.u32 s19;
	s19 =	smov.u32 s4;
	s4 =	smov.u32 s24;
	v56 =	vld [tilespmem:s22+$0xA0];
	v57 =	vmul.f32 v4, v8;
	v26 =	vadd.f32 v61, v6;
	v51 =	vadd.f32 v10, v11;
	v63, _, _ =	vpop (xrf2)  }
0x255: {  	v1 =	vld [tilespmem:s22+$0x60]  }
0x256: {  	v5 =	vld [tilespmem:$0x1FFF0];
	v8 =	vmul.f32 v29, v8  }
0x257: {  	v2 =	vld [tilespmem:s22+$0x70];
	v12 =	vmul.f32 v30, v0;
	v0 =	vmul.f32 v36, v0  }
0x258: {  	v9 =	vld [tilespmem:s22+$0x20];
	v10 =	vadd.f32 v37, v6;
	v14 =	vadd.f32 v55, v6  }
0x259: {  	v55 =	vld [tilespmem:$0x1FE80];
	v17 =	vmul.f32 v43, v49;
	v8 =	vadd.f32 v8, v6;
	v0 =	vadd.f32 v0, v6  }
0x25a: {  	v15 =	vld [tilespmem:s22+$0x30];
	v38 =	vmul.f32 v38, v35;
	v11 =	vadd.f32 v58, v60;
	v3 =	vadd.f32 v59, v56  }
0x25b: {  	v56 =	vmul.f32 v41, v7;
	v4 =	vadd.f32 v44, v5;
	v13 =	vadd.f32 v54, v5;
	v54 =	vld [tilespmem:$0x1FE70]  }
0x25c: {  	v29 =	vmax.f32 v11, $0.0e+00;
	v2 =	vadd.f32 v10, v2;
	v61 =	vadd.f32 v57, v5;
	v57 =	vld [tilespmem:s22+$0xFFFFFFB0]  }
0x25d: {  	v44 =	vmul.f32 v40, v7;
	v12 =	vadd.f32 v12, v5;
	v30 =	vmax.f32 v3, $0.0e+00;
	v3 =	vld [tilespmem:s22+$0xFFFFFFE0]  }
0x25e: {  	v62 =	vld [tilespmem:s22+$0xFFFFFFF0];
	v60 =	vmul.f32 v29, v55;
	v7 =	vadd.f32 v56, v6;
	v56 =	vmul.f32 v53, v49  }
0x25f: {  	v1 =	vadd.f32 v4, v1;
	v9 =	vadd.f32 v13, v9;
	v36 =	vmax.f32 v2, $0.0e+00  }
0x260: {  	v20 =	vld [tilespmem:s22+$0xFFFFFFA0];
	v13 =	vadd.f32 v17, v5;
	v17 =	vmul.f32 v48, v45;
	v23 =	vmul.f32 v36, v55  }
0x261: {  	v58 =	vld [tilespmem:s22+$0xFFFFFF60];
	v37 =	vmax.f32 v1, $0.0e+00;
	v1 =	vadd.f32 v14, v15;
	v59 =	vmul.f32 v30, v54  }
0x262: {  	v2 =	vmul.f32 v37, v54;
	v0 =	vadd.f32 v0, v57;
	v3 =	vadd.f32 v61, v3  }
0x263: {  	v40 =	vmax.f32 v1, $0.0e+00;
	v1 =	vadd.f32 v8, v62;
	v62 =	vadd.f32 v44, v5  }
0x264: {  	v41 =	vmax.f32 v9, $0.0e+00;
	v4 =	vadd.f32 v60, v59;
	v2 =	vadd.f32 v23, v2  }
0x265: {  	v57 =	vld [tilespmem:s22+$0xFFFFFF30];
	v59 =	vmul.f32 v41, v54;
	v60 =	vadd.f32 v12, v20;
	v61 =	vmul.f32 v40, v55  }
0x266: {  	v20 =	vld [tilespmem:s22+$0xFFFFFF70];
	v44 =	vmax.f32 v3, $0.0e+00;
	v43 =	vmax.f32 v1, $0.0e+00;
	v12 =	vadd.f32 v62, v58  }
0x267: {  	v1 =	vld [tilespmem:s22+$0xFFFFFF20];
	v58 =	vmul.f32 v50, v52;
	v52 =	vmax.f32 v0, $0.0e+00;
	v8 =	vadd.f32 v61, v59  }
0x268: {  	v0 =	vld [tilespmem:s22+$0xFFFFFF00];
	v3 =	vmul.f32 v44, v54;
	v23 =	vmul.f32 v43, v55;
	v49 =	vmax.f32 v60, $0.0e+00  }
0x269: {  	v62 =	vld [tilespmem:s22+$0xFFFFFF10];
	v59 =	vmul.f32 v52, v55;
	v60 =	vadd.f32 v56, v6;
	v61 =	vmul.f32 v51, v50;
	(xrf2) =	vadd.scan.msk.f32 $0xffff, v4  }
0x26a: {  	v9 =	vmul.f32 v49, v54;
	v15 =	vadd.f32 v58, v5;
	(xrf2) =	vadd.scan.msk.f32 $0xffff, v2;
	v2 =	vadd.f32 v17, v5  }
0x26b: {  	v51 =	vmax.f32 v12, $0.0e+00;
	v3 =	vadd.f32 v23, v3;
	v11 =	vadd.f32 v60, v57  }
0x26c: {  	v12 =	vmul.f32 v51, v54;
	v14 =	vadd.f32 v61, v6;
	v7 =	vadd.f32 v7, v20  }
0x26d: {  	v23 =	vld [tilespmem:s22+$0xFFFFFF40];
	v9 =	vadd.f32 v59, v9;
	v20 =	vmul.f32 v47, v45;
	v1 =	vadd.f32 v13, v1  }
0x26e: {  	v58 =	vld [tilespmem:s22+$0xFFFFFF50];
	v56 =	vadd.f32 v15, v0;
	v0 =	vmax.f32 v11, $0.0e+00;
	v59 =	vadd.f32 v14, v62  }
0x26f: {  	v50 =	vmax.f32 v7, $0.0e+00;
	v61 =	vmul.f32 v0, v55;
	v62 =	vadd.f32 v20, v6  }
0x270: {  	v20 =	vadd.f32 v46, v5;
	v57 =	vmul.f32 v50, v55;
	v7 =	vmax.f32 v1, $0.0e+00  }
0x271: {  	(xrf2) =	vadd.scan.msk.f32 $0xffff, v8;
	v13 =	vmax.f32 v56, $0.0e+00;
	v4 =	vmax.f32 v59, $0.0e+00;
	v60 =	vmul.f32 v7, v54  }
0x272: {  	v47 =	vld [tilespmem:s22+$0xFFFFFF80];
	(xrf2) =	vadd.scan.msk.f32 $0xffff, v3;
	v3 =	vmul.f32 v13, v54;
	v48 =	vmul.f32 v4, v55;
	v2 =	vadd.f32 v2, v23  }
0x273: {  	v53 =	vld [tilespmem:s22+$0xFFFFFF90];
	v56 =	vadd.f32 v62, v58;
	v58 =	vmul.f32 v27, v28;
	v1 =	vadd.f32 v57, v12  }
0x274: {  	(xrf2) =	vadd.scan.msk.f32 $0xffff, v9;
	v57 =	vmul.f32 v34, v35;
	v45 =	vadd.f32 v61, v60;
	v34 =	vmax.f32 v2, $0.0e+00  }
0x275: {  	v46 =	vld [tilespmem:$0x1FF50];
	v27 =	vmax.f32 v56, $0.0e+00;
	(xrf2) =	vadd.scan.msk.f32 $0xffff, v1;
	v1 =	vadd.f32 v48, v3;
	v3 =	vadd.f32 v38, v5  }
0x276: {  	v59 =	vld [tilespmem:s22+$0xFFFFFFC0];
	v2 =	vadd.f32 v57, v6;
	v60 =	vmul.f32 v34, v54;
	v61 =	vmul.f32 v27, v55;
	(xrf2) =	vadd.scan.msk.f32 $0xffff, v45  }
0x277: {  	v62 =	vld [tilespmem:s22+$0xFFFFFFD0];
	v12 =	vadd.f32 v58, v5;
	(xrf2) =	vadd.scan.msk.f32 $0xffff, v1;
	v1 =	vadd.f32 v3, v47;
	v3 =	vmul.f32 v24, v28  }
0x278: {  	v58 =	vld [tilespmem:s22+$0x10];
	v2 =	vadd.f32 v2, v53;
	v11 =	vadd.f32 v61, v60  }
0x279: {  	v48 =	vld [tilespmem:s22+$0xC0]  }
0x27a: {  	v8, _, _ =	vpop (xrf2);
	v45 =	vld [tilespmem:s22+$0xE0];
	v23 =	vmax.f32 v1, $0.0e+00;
	v24 =	vmax.f32 v2, $0.0e+00;
	v1 =	vadd.f32 v3, v6  }
0x27b: {  	v9 =	vadd.f32 v12, v59;
	v59 =	vld [tilespmem:s22+$0x80];
	v53 =	vmul.f32 v23, v54;
	v56 =	vmul.f32 v24, v55;
	v3, _, _ =	vpop (xrf2);
	(xrf2) =	vadd.scan.msk.f32 $0xffff, v11  }
0x27c: {  	v15 =	vadd.f32 v42, v6;
	v47 =	vmul.f32 v46, v25;
	v61 =	vld [tilespmem:s22+$0x40];
	v1 =	vadd.f32 v1, v62;
	v11, _, _ =	vpop (xrf2)  }
0x27d: {  	v57 =	vadd.f32 v39, v5;
	v2 =	vld [tilespmem:s22+$0x0];
	v28 =	vadd.f32 v56, v53;
	v14, _, _ =	vpop (xrf2)  }
0x27e: {  	v46 =	vld [tilespmem:s22+$0x50];
	v9 =	vmax.f32 v9, $0.0e+00;
	v60 =	vadd.f32 v47, v6;
	v1 =	vmax.f32 v1, $0.0e+00;
	v17, _, _ =	vpop (xrf2)  }
0x27f: {  	v10 =	vadd.f32 v31, v45;
	v62 =	vmul.f32 v9, v54;
	v45 =	vmul.f32 v1, v55;
	(xrf2) =	vadd.scan.msk.f32 $0xffff, v28;
	v31, _, _ =	vpop (xrf2)  }
0x280: {  	v25 =	vadd.f32 v32, v48;
	v6 =	vadd.f32 v60, v58;
	v47, _, _ =	vpop (xrf2)  }
0x281: {  	v12 =	vadd.f32 v33, v59;
	v32 =	vadd.f32 v45, v62;
	v48, _, _ =	vpop (xrf2)  }
0x282: {  	v20 =	vadd.f32 v20, v61;
	v2 =	vadd.f32 v57, v2;
	v33 =	vbroadcast v48, $0xF  }
0x283: {  	v15 =	vadd.f32 v15, v46;
	v6 =	vmax.f32 v6, $0.0e+00;
	v12 =	vmax.f32 v12, $0.0e+00;
	(xrf2) =	vadd.scan.msk.f32 $0xffff, v32  }
0x284: {  	v57 =	vld [tilespmem:s22+$0x90];
	v2 =	vmax.f32 v2, $0.0e+00;
	v59 =	vbroadcast v47, $0xF;
	v58 =	vnsel vm0, $0x0, v33  }
0x285: {  	v56 =	vmul.f32 v6, v55;
	v53 =	vmul.f32 v2, v54;
	v60 =	vadd.f32 $0.0e+00, v58;
	v62, _, _ =	vpop (xrf2)  }
0x286: {  	v20 =	vmax.f32 v20, $0.0e+00;
	v33 =	vnsel vm1, $0x0, v59;
	v38 =	vbroadcast v62, $0xF  }
0x287: {  	v15 =	vmax.f32 v15, $0.0e+00;
	v5 =	vmul.f32 v20, v54;
	v28 =	vadd.f32 v33, v60  }
0x288: {  	v31 =	vbroadcast v31, $0xF;
	v61 =	vadd.f32 v56, v53;
	v47 =	vnsel vm2, $0x0, v38  }
0x289: {  	v45 =	vmul.f32 v15, v55;
	v26 =	vadd.f32 v26, v57;
	v53, _, _ =	vpop (xrf2);
	v28 =	vadd.f32 v47, v28  }
0x28a: {  	v46 =	vld [tilespmem:s22+$0xD0];
	v17 =	vbroadcast v17, $0xF;
	v31 =	vnsel vm3, $0x0, v31;
	(xrf2) =	vadd.scan.msk.f32 $0xffff, v61;
	v33 =	vbroadcast v53, $0xF  }
0x28b: {  	v48 =	vadd.f32 v45, v5;
	v26 =	vmax.f32 v26, $0.0e+00;
	v28 =	vadd.f32 v31, v28  }
0x28c: {  	v56 =	vmul.f32 v12, v54;
	v57 =	vmul.f32 v26, v55;
	v33 =	vnsel vm4, $0x0, v33  }
0x28d: {  	v8 =	vbroadcast v8, $0xF;
	v58 =	vld [tilespmem:s22+$0xF0];
	v59, _, _ =	vpop (xrf2);
	v28 =	vadd.f32 v33, v28  }
0x28e: {  	v17 =	vnsel vm5, $0x0, v17;
	(xrf2) =	vadd.scan.msk.f32 $0xffff, v48;
	v31 =	vadd.f32 v57, v56;
	v32 =	vbroadcast v59, $0xF  }
0x28f: {  	v25 =	vmax.f32 v25, $0.0e+00;
	v22 =	vadd.f32 v22, v46;
	v5 =	vld [tilespmem:$0x1FEA0];
	v17 =	vadd.f32 v17, v28  }
0x290: {  	v3 =	vbroadcast v3, $0xF;
	v10 =	vmax.f32 v10, $0.0e+00;
	(xrf2) =	vadd.scan.msk.f32 $0xffff, v31;
	v32 =	vnsel vm6, $0x0, v32  }
0x291: {  	v11 =	vbroadcast v11, $0xF;
	v22 =	vmax.f32 v22, $0.0e+00;
	v17 =	vadd.f32 v32, v17;
	v32 =	vld [tilespmem:$0x1FEB0]  }
0x292: {  	v61 =	vmul.f32 v22, v55;
	v60 =	vmul.f32 v25, v54;
	v21 =	vadd.f32 v21, v58  }
0x293: {  	v14 =	vbroadcast v14, $0xF;
	v35 =	vmul.f32 v10, v54  }
0x294: {  	v13 =	vmul.f32 v13, v5;
	v21 =	vmax.f32 v21, $0.0e+00;
	v28 =	vadd.f32 v61, v60;
	v62, _, _ =	vpop (xrf2)  }
0x295: {  	v14 =	vnsel vm7, $0x0, v14;
	v38 =	vmul.f32 v21, v55;
	v33 =	vbroadcast v62, $0xF  }
0x296: {  	v7 =	vmul.f32 v7, v5;
	(xrf2) =	vadd.scan.msk.f32 $0xffff, v28;
	v14 =	vadd.f32 v14, v17;
	v4 =	vmul.f32 v4, v32  }
0x297: {  	v42 =	vadd.f32 v38, v35;
	v17 =	vnsel vm8, $0x0, v33;
	v0 =	vmul.f32 v0, v32  }
0x298: {  	v11 =	vnsel vm9, $0x0, v11;
	v45, _, _ =	vpop (xrf2);
	v39 =	vadd.f32 v17, v14;
	v4 =	vadd.f32 v4, v13  }
0x299: {  	v46 =	vmul.f32 v34, v5;
	(xrf2) =	vadd.scan.msk.f32 $0xffff, v42;
	v0 =	vadd.f32 v0, v7;
	v7 =	vbroadcast v45, $0xF  }
0x29a: {  	v48 =	vmul.f32 v51, v5;
	v47 =	vmul.f32 v27, v32;
	v11 =	vadd.f32 v11, v39;
	v51, _, _ =	vpop (xrf2);
	(xrf2) =	vadd.scan.msk.f32 $0xffff, v4  }
0x29b: {  	v7 =	vnsel vm10, $0x0, v7;
	(xrf2) =	vadd.scan.msk.f32 $0xffff, v0;
	v0 =	vnsel vm11, $0x0, v3;
	v3 =	vbroadcast v51, $0xF  }
0x29c: {  	v50 =	vmul.f32 v50, v32;
	v13 =	vadd.f32 v47, v46;
	v7 =	vadd.f32 v7, v11  }
0x29d: {  	v2 =	vmul.f32 v2, v5;
	v53 =	vmul.f32 v23, v5;
	v3 =	vnsel vm12, $0x0, v3  }
0x29e: {  	v58 =	vmul.f32 v9, v5;
	v4 =	vadd.f32 v50, v48;
	(xrf2) =	vadd.scan.msk.f32 $0xffff, v13;
	v0 =	vadd.f32 v0, v7  }
0x29f: {  	v55 =	vmul.f32 v49, v5;
	v59 =	vmul.f32 v44, v5  }
0x2a0: {  	v54 =	vmul.f32 v24, v32;
	v56 =	vmul.f32 v52, v32;
	(xrf2) =	vadd.scan.msk.f32 $0xffff, v4;
	v0 =	vadd.f32 v3, v0;
	v3, _, _ =	vpop (xrf2)  }
0x2a1: {  	v8 =	vnsel vm13, $0x0, v8;
	v1 =	vmul.f32 v1, v32;
	v3 =	vbroadcast v3, $0xF  }
0x2a2: {  	v60 =	vmul.f32 v43, v32;
	v7 =	vadd.f32 v54, v53;
	v0 =	vadd.f32 v8, v0  }
0x2a3: {  	v57 =	vadd.f32 v56, v55;
	v1 =	vadd.f32 v1, v58;
	v3 =	vnsel vm14, $0x0, v3  }
0x2a4: {  	v61 =	vmul.f32 v6, v32;
	(xrf2) =	vadd.scan.msk.f32 $0xffff, v7;
	v0 =	vadd.f32 v3, v0;
	v3 =	vadd.f32 v60, v59  }
0x2a5: {  	v62, _, _ =	vpop (xrf2)  }
0x2a6: {  	v2 =	vadd.f32 v61, v2;
	(xrf2) =	vadd.scan.msk.f32 $0xffff, v57;
	v23, _, _ =	vpop (xrf2)  }
0x2a7: {  	(xrf2) =	vadd.scan.msk.f32 $0xffff, v1;
	v8 =	vbroadcast v23, $0xF;
	v1, _, _ =	vpop (xrf2)  }
0x2a8: {  	(xrf2) =	vadd.scan.msk.f32 $0xffff, v3;
	v3, _, _ =	vpop (xrf2)  }
0x2a9: {  	v1 =	vbroadcast v1, $0xF;
	v34 =	vnsel vm0, $0x0, v8;
	v3 =	vbroadcast v3, $0xF  }
0x2aa: {  	v7 =	vadd.f32 $0.0e+00, v34;
	(xrf2) =	vadd.scan.msk.f32 $0xffff, v2;
	v2, _, _ =	vpop (xrf2)  }
0x2ab: {  	v1 =	vnsel vm1, $0x0, v1;
	v2 =	vbroadcast v2, $0xF;
	v3 =	vnsel vm2, $0x0, v3  }
0x2ac: {  	v1 =	vadd.f32 v1, v7  }
0x2ad: {  	v31 =	vmul.f32 v20, v5;
	v38 =	vmul.f32 v37, v5;
	v2 =	vnsel vm3, $0x0, v2  }
0x2ae: {  	v17 =	vmul.f32 v41, v5;
	v24 =	vmul.f32 v40, v32;
	v1 =	vadd.f32 v3, v1;
	v3, _, _ =	vpop (xrf2)  }
0x2af: {  	v33 =	vmul.f32 v15, v32;
	v3 =	vbroadcast v3, $0xF  }
0x2b0: {  	v43 =	vmul.f32 v30, v5;
	v4 =	vadd.f32 v24, v17;
	v1 =	vadd.f32 v2, v1;
	v2, _, _ =	vpop (xrf2)  }
0x2b1: {  	v39 =	vmul.f32 v36, v32;
	v2 =	vbroadcast v2, $0xF;
	v3 =	vnsel vm4, $0x0, v3  }
0x2b2: {  	v35 =	vadd.f32 v33, v31;
	(xrf2) =	vadd.scan.msk.f32 $0xffff, v4;
	v1 =	vadd.f32 v3, v1;
	v3 =	vmul.f32 v29, v32  }
0x2b3: {  	v12 =	vmul.f32 v12, v5;
	v40 =	vmul.f32 v26, v32;
	v2 =	vnsel vm5, $0x0, v2  }
0x2b4: {  	v7 =	vadd.f32 v39, v38;
	(xrf2) =	vadd.scan.msk.f32 $0xffff, v35;
	v3 =	vadd.f32 v3, v43  }
0x2b5: {  	v41 =	vadd.f32 v40, v12;
	v45, _, _ =	vpop (xrf2)  }
0x2b6: {  	(xrf2) =	vadd.scan.msk.f32 $0xffff, v7;
	v1 =	vadd.f32 v2, v1;
	v2, _, _ =	vpop (xrf2)  }
0x2b7: {  	(xrf2) =	vadd.scan.msk.f32 $0xffff, v41;
	v7 =	vbroadcast v45, $0xF;
	v2 =	vbroadcast v2, $0xF  }
0x2b8: {  	v28 =	vld [tilespmem:$0x1FF90];
	(xrf2) =	vadd.scan.msk.f32 $0xffff, v3;
	v3, _, _ =	vpop (xrf2)  }
0x2b9: {  	v27 =	vld [tilespmem:$0x1FEE0];
	v7 =	vnsel vm6, $0x0, v7;
	v2 =	vnsel vm7, $0x0, v2;
	v3 =	vbroadcast v3, $0xF  }
0x2ba: {  	v1 =	vadd.f32 v7, v1  }
0x2bb: {  	v44 =	vmul.f32 v25, v5;
	v42 =	vld [tilespmem:$0x1FFA0];
	v46 =	vmul.f32 v22, v32;
	v3 =	vnsel vm8, $0x0, v3  }
0x2bc: {  	v52 =	vld [tilespmem:$0x1FFC0];
	v1 =	vadd.f32 v2, v1;
	v2, _, _ =	vpop (xrf2)  }
0x2bd: {  	v47 =	vadd.f32 v46, v44;
	v50 =	vld [tilespmem:$0x1FFB0];
	v2 =	vbroadcast v2, $0xF  }
0x2be: {  	v9 =	vadd.f32 v28, v27;
	v51 =	vld [tilespmem:$0x1FF60];
	v1 =	vadd.f32 v3, v1;
	v3, _, _ =	vpop (xrf2)  }
0x2bf: {  	v2 =	vnsel vm9, $0x0, v2;
	v3 =	vbroadcast v3, $0xF  }
0x2c0: {  	v9 =	vadd.f32 v42, v9;
	v53 =	vld [tilespmem:$0x1FFD0];
	(xrf2) =	vadd.scan.msk.f32 $0xffff, v47  }
0x2c1: {  	v49 =	vmul.f32 v21, v32;
	v48 =	vmul.f32 v10, v5;
	v3 =	vnsel vm10, $0x0, v3  }
0x2c2: {  	v8 =	vbroadcast v52, $0xF;
	v7 =	vadd.f32 v50, v9;
	v1 =	vadd.f32 v2, v1;
	v2, _, _ =	vpop (xrf2)  }
0x2c3: {  	v5 =	vadd.f32 v49, v48;
	v4 =	vnsel vm9, $0x0, v51;
	v2 =	vbroadcast v2, $0xF  }
0x2c4: {  	v8 =	vnsel vm10, $0x0, v8;
	v4 =	vadd.f32 v4, v7;
	v1 =	vadd.f32 v3, v1;
	v3, _, _ =	vpop (xrf2)  }
0x2c5: {  	v7 =	vbroadcast v53, $0xF;
	v2 =	vnsel vm11, $0x0, v2;
	v3 =	vbroadcast v3, $0xF  }
0x2c6: {  	v4 =	vadd.f32 v8, v4;
	(xrf2) =	vadd.scan.msk.f32 $0xffff, v5  }
0x2c7: {  	v55 =	vbroadcast v16, $0xF;
	v54 =	vnsel vm11, $0x0, v7;
	v3 =	vnsel vm12, $0x0, v3  }
0x2c8: {  	v58 =	vbroadcast v19, $0xF;
	v4 =	vadd.f32 v54, v4;
	v1 =	vadd.f32 v2, v1;
	v2, _, _ =	vpop (xrf2)  }
0x2c9: {  	v56 =	vld [tilespmem:$0x1FF20];
	v5 =	vnsel vm12, $0x0, v55;
	v2 =	vbroadcast v2, $0xF  }
0x2ca: {  	v57 =	vld [tilespmem:$0x1FEF0];
	v59 =	vnsel vm13, $0x0, v58;
	v4 =	vadd.f32 v5, v4;
	v1 =	vadd.f32 v3, v1;
	v3, _, _ =	vpop (xrf2)  }
0x2cb: {  	v60 =	vbroadcast v18, $0xF;
	v2 =	vnsel vm13, $0x0, v2;
	v3 =	vbroadcast v3, $0xF  }
0x2cc: {  	v4 =	vadd.f32 v59, v4;
	v1 =	vadd.f32 v2, v1;
	v2 =	vsel vm15, $0x0, v62;
	v62 =	vld [tilespmem:$0x1FF40]  }
0x2cd: {  	v61 =	vnsel vm14, $0x0, v60;
	v3 =	vnsel vm14, $0x0, v3  }
0x2ce: {  	v0 =	vadd.f32 v2, v0;
	v2 =	vadd.f32 v61, v4  }
0x2cf: {  	v63 =	vsel vm15, $0x0, v63;
	v7 =	vadd.f32 v56, v57  }
0x2d0: {  	v1 =	vadd.f32 v3, v1;
	[tilespmem:s4+$0xFCE0] =	vst v0;
	v0 =	vadd.f32 v63, v2;
	v3, _, _ =	vpop (xrf2)  }
0x2d1: {  	v4 =	vadd.f32 v62, v7;
	v2 =	vsel vm15, $0x0, v3  }
0x2d2: {  	[tilespmem:s19+$0xFA60] =	vst v0;
	v1 =	vadd.f32 v2, v1  }
0x2d3: {  	[tilespmem:s18+$0xFA60] =	vst v4  }
0x2d4: {  	[tilespmem:s4+$0xFA60] =	vst v1  }
0x2d5: {  	s24 =	simm.s32 $0xFA60;
	s4 =	rddreg [dreg:$0xc]  }
0x2d6: {  	[spmem:s4] =	stream.linear.scatter [tilespmem:s24], [sflag:$0xB], $0x280, $0x38;
	[tilespmem:$0x17800] =	vst v63  }
0x2d7: {  	_ =	swait.ge [sflag:s30], $0x280  }
0x2d8: {  	[sflag:s30] =	ssyncset.done $0x0  }
0x2d9: {  	s19 =	simm.s32 $0x17580;
	[sflag:s30] =	ssyncadd.s32 $0xFFFFFD80  }
0x2da: {  	[spmem:s14] =	stream.linear.scatter [tilespmem:s19], [sflag:$0xB], $0x280, $0x38;
	[tilespmem:$0x17800] =	vst v63  }
0x2db: {  	_ =	swait.ge [sflag:s30], $0x280  }
0x2dc: {  	s18 =	simm.s32 @!p0 $0xFCE0;
	[sflag:s30] =	ssyncset.done $0x0  }
0x2dd: {  	s4 =	simm.s32 @!p0 $0x0;
	s19 =	rddreg [dreg:$0xd];
	[sflag:s30] =	ssyncadd.s32 $0xFFFFFD80  }
0x2de: {  	[hbm4b:s19+s4] =	stream.linear.scatter @!p0 [tilespmem:s18], [sflag:$0xB], $0x280, $0x38;
	[tilespmem:$0x17800] =	vst v63  }
0x2df: {  	s4 =	simm.s32 @!p0 $0xB  }
0x2e0: {  	_ =	swait.ge @!p0 [sflag:s4], $0x280  }
0x2e1: {  	[sflag:s4] =	ssyncset.done @!p0 $0x0  }
0x2e2: {  	[sflag:s4] =	ssyncadd.s32 @!p0 $0xFFFFFD80  }
0x2e3: {  	[bflag:$0x0] =	sbarrier.arrive $0xFFFF  }
0x2e4: {  	s20 =	rddreg [dreg:$0x4]  }
0x2e5: {  	[tilespmem:s2], [sflag:$0xB] =	stream.linear.gather [spmem:s20], $0x2800, $0x38;
	[tilespmem:$0x17800] =	vst v63  }
0x2e6: {  	_ =	swait.ge [sflag:s30], $0x2800  }
0x2e7: {  	s4 =	simm.s32 $0x0;
	[sflag:s30] =	ssyncset.done $0x0  }
0x2e8: {  	s20 =	simm.s32 $0x12760;
	s21 =	rddreg [dreg:$0xe];
	[sflag:s30] =	ssyncadd.s32 $0xFFFFD800  }
0x2e9: {  	[tilespmem:s20], [sflag:$0x1] =	stream.linear.gather [hbm4b:s21+s4], $0x7D0, $0x38;
	[tilespmem:$0x17800] =	vst v63  }
0x2ea: {  	s22 =	rddreg [dreg:$0xf]  }
0x2eb: {  	[tilespmem:s29], [sflag:$0x5] =	stream.linear.gather [hbm4b:s22+s4], $0x7D0, $0x38;
	[tilespmem:$0x17800] =	vst v63  }
0x2ec: {  	s24 =	simm.s32 $0x12F30;
	s23 =	rddreg [dreg:$0x10]  }
0x2ed: {  	[tilespmem:s24], [sflag:$0x2] =	stream.linear.gather [hbm4b:s23+s4], $0x7D0, $0x38;
	[tilespmem:$0x17800] =	vst v63  }
0x2ee: {  	s19 =	rddreg [dreg:$0x11];
	s21 =	simm.s32 $0x14E70  }
0x2ef: {  	[tilespmem:s21], [sflag:$0x6] =	stream.linear.gather [hbm4b:s19+s4], $0x7D0, $0x38;
	[tilespmem:$0x17800] =	vst v63  }
0x2f0: {  	s22 =	rddreg [dreg:$0x12];
	s23 =	simm.s32 $0x13700  }
0x2f1: {  	[tilespmem:s23], [sflag:$0x3] =	stream.linear.gather [hbm4b:s22+s4], $0x7D0, $0x38;
	[tilespmem:$0x17800] =	vst v63  }
0x2f2: {  	s24 =	rddreg [dreg:$0x13];
	s22 =	simm.s32 $0x15640  }
0x2f3: {  	[tilespmem:s22], [sflag:$0x7] =	stream.linear.gather [hbm4b:s24+s4], $0x7D0, $0x38;
	[tilespmem:$0x17800] =	vst v63  }
0x2f4: {  	_ =	swait.ge [sflag:s1], $0x7D0  }
0x2f5: {  	[sflag:s1] =	ssyncset.done $0x0  }
0x2f6: {  	s4 =	simm.s32 $0x0;
	[sflag:s1] =	ssyncadd.s32 $0xFFFFF830  }
0x2f7: {  	v0 =	vld [tilespmem:s4+$0x12760];
	_ =	sdelay $0x7  }
0x2f8: {  	s18 =	simm.s32 $0x10;
	s19 =	simm.s32 $0x80;
	v0 =	vld.idx.msk [tilespmem:v0+s2+$0x0], $0xffff  }
.LBB2_4:
0x2f9: {  	p1 =	sne.s32 s19, $0x1F00;
	v1 =	vld [tilespmem:s18+$0x12760];
	_ =	sdelay $0x3  }
.Ltmp1:
0x2fa: {  	(pc) =	sbr.rel @p1 .LBB2_4-.Ltmp1, $2  }
0x2fb: {  	[tilespmem:s4+$0x165E0] =	vst v0;
	s4 =	smov.u32 s18;
	_ =	sdelay $0x2  }
0x2fc: {  	s18 =	sshra.s32 s19, $0x2;
	s19 =	sadd.s32 $0x40, s19;
	v0 =	vld.idx.msk [tilespmem:v1+s2+$0x0], $0xffff  }
0x2fd: {  	v1 =	vld [tilespmem:s18+$0x12760];
	_ =	sdelay $0x7  }
0x2fe: {  	v1 =	vld.idx.msk [tilespmem:v1+s2+$0x0], $0xffff;
	_ =	sdelay $0x3  }
0x2ff: {  	[tilespmem:s4+$0x165E0] =	vst v0  }
0x300: {  	[tilespmem:s18+$0x165E0] =	vst v1  }
0x301: {  	_ =	swait.ge [sflag:s5], $0x7D0  }
0x302: {  	[sflag:s5] =	ssyncset.done $0x0  }
0x303: {  	[sflag:s5] =	ssyncadd.s32 $0xFFFFF830  }
0x304: {  	[spmem:s6] =	stream.indirect.scatter.add.f32 [tilespmem:s3], [sflag:$0x9], $0x1, s29, s0, $0xb8;
	[tilespmem:$0x17800] =	vst v63  }
0x305: {  	s19 =	simm.s32 $0x13ED0;
	s4 =	simm.s32 $0x0;
	s23 =	rddreg [dreg:$0x14]  }
0x306: {  	[tilespmem:s19], [sflag:$0x4] =	stream.linear.gather [hbm4b:s23+s4], $0x7D0, $0x38;
	[tilespmem:$0x17800] =	vst v63  }
0x307: {  	s24 =	rddreg [dreg:$0x15];
	s23 =	simm.s32 $0x15E10  }
0x308: {  	[tilespmem:s23], [sflag:$0x8] =	stream.linear.gather [hbm4b:s24+s4], $0x7D0, $0x38;
	[tilespmem:$0x17800] =	vst v63  }
0x309: {  	_ =	swait.ge [sflag:s31], $0x7D0  }
0x30a: {  	[sflag:s31] =	ssyncset.done $0x0  }
0x30b: {  	s4 =	simm.s32 $0x0;
	[sflag:s31] =	ssyncadd.s32 $0xFFFFF830  }
0x30c: {  	v0 =	vld [tilespmem:s4+$0x12F30];
	_ =	sdelay $0x7  }
0x30d: {  	s18 =	simm.s32 $0x10;
	s19 =	simm.s32 $0x80;
	v0 =	vld.idx.msk [tilespmem:v0+s2+$0x0], $0xffff  }
.LBB2_6:
0x30e: {  	p1 =	sne.s32 s19, $0x1F00;
	v1 =	vld [tilespmem:s18+$0x12F30];
	_ =	sdelay $0x3  }
.Ltmp2:
0x30f: {  	(pc) =	sbr.rel @p1 .LBB2_6-.Ltmp2, $2  }
0x310: {  	[tilespmem:s4+$0x16DB0] =	vst v0;
	s4 =	smov.u32 s18;
	_ =	sdelay $0x2  }
0x311: {  	s18 =	sshra.s32 s19, $0x2;
	s19 =	sadd.s32 $0x40, s19;
	v0 =	vld.idx.msk [tilespmem:v1+s2+$0x0], $0xffff  }
0x312: {  	v1 =	vld [tilespmem:s18+$0x12F30];
	_ =	sdelay $0x7  }
0x313: {  	v1 =	vld.idx.msk [tilespmem:v1+s2+$0x0], $0xffff;
	_ =	sdelay $0x3  }
0x314: {  	[tilespmem:s4+$0x16DB0] =	vst v0  }
0x315: {  	[tilespmem:s18+$0x16DB0] =	vst v1  }
0x316: {  	_ =	swait.ge [sflag:s8], $0x7D0  }
0x317: {  	[sflag:s8] =	ssyncset.done $0x0  }
0x318: {  	[sflag:s8] =	ssyncadd.s32 $0xFFFFF830  }
0x319: {  	[spmem:s6] =	stream.indirect.scatter.add.f32 [tilespmem:s9], [sflag:$0xA], $0x1, s21, s0, $0xb8;
	[tilespmem:$0x17800] =	vst v63  }
0x31a: {  	_ =	swait.ge [sflag:s10], $0x7D0  }
0x31b: {  	[sflag:s10] =	ssyncset.done $0x0  }
0x31c: {  	s21 =	simm.s32 $0x0;
	s24 =	rddreg [dreg:$0x16];
	[sflag:s10] =	ssyncadd.s32 $0xFFFFF830  }
0x31d: {  	[tilespmem:s20], [sflag:$0x1] =	stream.linear.gather [hbm4b:s24+s21], $0x7D0, $0x38;
	[tilespmem:$0x17800] =	vst v63  }
0x31e: {  	_ = 	snop  }
0x31f: {  	[tilespmem:s29], [sflag:$0x5] =	stream.linear.gather [hbm4b:s25+s21], $0x7D0, $0x38;
	[tilespmem:$0x17800] =	vst v63  }
0x320: {  	_ =	swait.ge [sflag:s11], $0x7D0  }
0x321: {  	[sflag:s11] =	ssyncset.done $0x0  }
0x322: {  	s4 =	simm.s32 $0x0;
	[sflag:s11] =	ssyncadd.s32 $0xFFFFF830  }
0x323: {  	v0 =	vld [tilespmem:s4+$0x13700];
	_ =	sdelay $0x7  }
0x324: {  	s19 =	simm.s32 $0x80;
	s18 =	simm.s32 $0x10;
	v0 =	vld.idx.msk [tilespmem:v0+s2+$0x0], $0xffff  }
.LBB2_8:
0x325: {  	p1 =	sne.s32 s19, $0x1F00;
	v1 =	vld [tilespmem:s18+$0x13700];
	_ =	sdelay $0x3  }
.Ltmp3:
0x326: {  	(pc) =	sbr.rel @p1 .LBB2_8-.Ltmp3, $2  }
0x327: {  	[tilespmem:s4+$0x165E0] =	vst v0;
	s4 =	smov.u32 s18;
	_ =	sdelay $0x2  }
0x328: {  	s18 =	sshra.s32 s19, $0x2;
	s19 =	sadd.s32 $0x40, s19;
	v0 =	vld.idx.msk [tilespmem:v1+s2+$0x0], $0xffff  }
0x329: {  	v1 =	vld [tilespmem:s18+$0x13700];
	_ =	sdelay $0x7  }
0x32a: {  	v1 =	vld.idx.msk [tilespmem:v1+s2+$0x0], $0xffff;
	_ =	sdelay $0x3  }
0x32b: {  	[tilespmem:s4+$0x165E0] =	vst v0  }
0x32c: {  	[tilespmem:s18+$0x165E0] =	vst v1  }
0x32d: {  	_ =	swait.ge [sflag:s12], $0x7D0  }
0x32e: {  	[sflag:s12] =	ssyncset.done $0x0  }
0x32f: {  	[sflag:s12] =	ssyncadd.s32 $0xFFFFF830  }
0x330: {  	[spmem:s6] =	stream.indirect.scatter.add.f32 [tilespmem:s3], [sflag:$0x9], $0x1, s22, s0, $0xb8;
	[tilespmem:$0x17800] =	vst v63  }
0x331: {  	_ =	swait.ge [sflag:s13], $0x7D0  }
0x332: {  	[sflag:s13] =	ssyncset.done $0x0  }
0x333: {  	[sflag:s13] =	ssyncadd.s32 $0xFFFFF830  }
0x334: {  	_ =	swait.ge [sflag:s15], $0x7D0  }
0x335: {  	[sflag:s15] =	ssyncset.done $0x0  }
0x336: {  	s4 =	simm.s32 $0x0;
	[sflag:s15] =	ssyncadd.s32 $0xFFFFF830  }
0x337: {  	v0 =	vld [tilespmem:s4+$0x13ED0];
	_ =	sdelay $0x7  }
0x338: {  	s19 =	simm.s32 $0x80;
	s18 =	simm.s32 $0x10;
	v0 =	vld.idx.msk [tilespmem:v0+s2+$0x0], $0xffff  }
.LBB2_10:
0x339: {  	p1 =	sne.s32 s19, $0x1F00;
	v1 =	vld [tilespmem:s18+$0x13ED0];
	_ =	sdelay $0x3  }
.Ltmp4:
0x33a: {  	(pc) =	sbr.rel @p1 .LBB2_10-.Ltmp4, $2  }
0x33b: {  	[tilespmem:s4+$0x16DB0] =	vst v0;
	s4 =	smov.u32 s18;
	_ =	sdelay $0x2  }
0x33c: {  	s18 =	sshra.s32 s19, $0x2;
	s19 =	sadd.s32 $0x40, s19;
	v0 =	vld.idx.msk [tilespmem:v1+s2+$0x0], $0xffff  }
0x33d: {  	v1 =	vld [tilespmem:s18+$0x13ED0];
	_ =	sdelay $0x7  }
0x33e: {  	v1 =	vld.idx.msk [tilespmem:v1+s2+$0x0], $0xffff;
	_ =	sdelay $0x3  }
0x33f: {  	[tilespmem:s4+$0x16DB0] =	vst v0  }
0x340: {  	[tilespmem:s18+$0x16DB0] =	vst v1  }
0x341: {  	_ =	swait.ge [sflag:s16], $0x7D0  }
0x342: {  	[sflag:s16] =	ssyncset.done $0x0  }
0x343: {  	[sflag:s16] =	ssyncadd.s32 $0xFFFFF830  }
0x344: {  	[spmem:s6] =	stream.indirect.scatter.add.f32 [tilespmem:s9], [sflag:$0xA], $0x1, s23, s0, $0xb8;
	[tilespmem:$0x17800] =	vst v63  }
0x345: {  	_ =	swait.ge [sflag:s10], $0x7D0  }
0x346: {  	[sflag:s10] =	ssyncset.done $0x0  }
0x347: {  	[sflag:s10] =	ssyncadd.s32 $0xFFFFF830  }
0x348: {  	_ =	swait.ge [sflag:s1], $0x7D0  }
0x349: {  	[sflag:s1] =	ssyncset.done $0x0  }
0x34a: {  	s4 =	simm.s32 $0x0;
	[sflag:s1] =	ssyncadd.s32 $0xFFFFF830  }
0x34b: {  	v0 =	vld [tilespmem:s4+$0x12760];
	_ =	sdelay $0x7  }
0x34c: {  	s19 =	simm.s32 $0x80;
	s18 =	simm.s32 $0x10;
	v0 =	vld.idx.msk [tilespmem:v0+s2+$0x0], $0xffff  }
.LBB2_12:
0x34d: {  	p1 =	sne.s32 s19, $0x1F00;
	v1 =	vld [tilespmem:s18+$0x12760];
	_ =	sdelay $0x3  }
.Ltmp5:
0x34e: {  	(pc) =	sbr.rel @p1 .LBB2_12-.Ltmp5, $2  }
0x34f: {  	[tilespmem:s4+$0x165E0] =	vst v0;
	s4 =	smov.u32 s18;
	_ =	sdelay $0x2  }
0x350: {  	s18 =	sshra.s32 s19, $0x2;
	s19 =	sadd.s32 $0x40, s19;
	v0 =	vld.idx.msk [tilespmem:v1+s2+$0x0], $0xffff  }
0x351: {  	v1 =	vld [tilespmem:s18+$0x12760];
	_ =	sdelay $0x7  }
0x352: {  	v1 =	vld.idx.msk [tilespmem:v1+s2+$0x0], $0xffff;
	_ =	sdelay $0x3  }
0x353: {  	[tilespmem:s4+$0x165E0] =	vst v0  }
0x354: {  	[tilespmem:s18+$0x165E0] =	vst v1  }
0x355: {  	_ =	swait.ge [sflag:s5], $0x7D0  }
0x356: {  	[sflag:s5] =	ssyncset.done $0x0  }
0x357: {  	[sflag:s5] =	ssyncadd.s32 $0xFFFFF830  }
0x358: {  	[spmem:s6] =	stream.indirect.scatter.add.f32 [tilespmem:s3], [sflag:$0x9], $0x1, s29, s0, $0xb8;
	[tilespmem:$0x17800] =	vst v63  }
0x359: {  	_ =	swait.ge [sflag:s13], $0x7D0  }
0x35a: {  	[sflag:s13] =	ssyncset.done $0x0  }
0x35b: {  	[sflag:s13] =	ssyncadd.s32 $0xFFFFF830  }
0x35c: {  	s23 =	stileid.u32;
	_ =	swait.ge [sflag:s10], $0x7D0  }
0x35d: {  	s24 =	sshrl.u32 s14, $0x3;
	s17 =	sadd.s32 $0x1, s17;
	[sflag:s10] =	ssyncset.done $0x0  }
0x35e: {  	p1 =	sne.s32 s17, s28;
	s4 =	sshll.u32 s23, $0x6;
	[sflag:s10] =	ssyncadd.s32 $0xFFFFF830  }
.Ltmp6:
0x35f: {  	s4 =	sor.u32 $0x1C0B, s4;
	[bflag:$0x0] =	sbarrier.arrive $0xFFFF;
	(pc) =	sbr.rel @p1 .LBB2_1-.Ltmp6, $4  }
0x360: {  	[hbm:s26], [sflag:s4] =	dma.local [spmem:s24], $0x50  }
0x361: {  	_ =	swait.ge [sflag:s30], $0x50  }
0x362: {  	[sflag:s30] =	ssyncset.done $0x0  }
0x363: {  	[sflag:s30] =	ssyncadd.s32 $0xFFFFFFB0  }
0x364: {  	_ =	sfence.sel $0x180000  }
0x365: {  	[bflag:$0x0] =	sbarrier.arrive $0xFFFF  }
0x366: {  	_ =	strace $0x9000004A  }
0x367: {  	s0 =	stileid.u32;
	[bflag:$0x2] =	sbarrier.arrive $0xFFFF  }
0x368: {  	p0 =	sne.s32 s0, $0x0;
	s0 =	rddreg [dreg:$0x6]  }
0x369: {  	s0 =	sadd.s32 @!p0 $0x100000, s0  }
0x36a: {  	[sflag:s0] =	ssyncadd.tile.s32 @!p0 $0x1;
	_ =	shalt  }
.Lfunc_end2:
_tile_overlayer_lowered:
.L_overlay_start_2:
0x36b: {  	(tag) =	ssettag $0x2  }
0x36c: {  	s0 =	rddreg [dreg:$0x0];
	s2 =	stileid.u32  }
0x36d: {  	s1 =	rddreg [dreg:$0x1];
	p0 =	sne.s32 s2, $0x0  }
0x36e: {  	s3 =	rddreg [dreg:$0x2];
	[bflag:$0x3] =	sbarrier.arrive $0xFFFF;
	s2 =	simm.s32 @!p0 $0x1C0B  }
0x36f: {  	[timem:s3], [sflag:s2] =	dma.local @!p0 [hbm:s0], s1  }
0x370: {  	s0 =	simm.s32 @!p0 $0xB  }
0x371: {  	_ =	swait.ge @!p0 [sflag:s0], s1  }
0x372: {  	s1 =	ssub.s32 @!p0 $0x0, s1;
	[sflag:s0] =	ssyncset.done @!p0 $0x0  }
0x373: {  	[sflag:s0] =	ssyncadd.s32 @!p0 s1  }
0x374: {  	[bflag:$0x3] =	sbarrier.arrive $0xFFFF  }
0x375: {  	_ =	shalt  }

</sc_bundles>
